<compile_context>
chip_gen: v7x
topology: tpu7x:2x2x1
jax: 0.10.2.dev20260603
libtpu: 0.0.44.dev20260713+nightly
codegen_flags: <defaults>
</compile_context>

<pallas_src>
import functools

import jax
import jax.numpy as jnp
from jax import lax
from jax.experimental import pallas as pl
from jax.experimental.pallas import tpu as pltpu
from jax.experimental.pallas import tpu_sc as plsc

_NUM_SC = 2
_NUM_SUBCORES = 16
_NUM_WORKERS = _NUM_SC * _NUM_SUBCORES
_CHUNK = 128


def _mm_body(x_ref, wb_ref, bias_ref, o_ref):
    o_ref[...] = (
        jnp.dot(x_ref[...], wb_ref[...], preferred_element_type=jnp.float32)
        + bias_ref[...]
    )


def _linear_packed(x4, wb, bias4, block_rows=2048):
    rows = x4.shape[0]
    grid = rows // block_rows
    return pl.pallas_call(
        _mm_body,
        grid=(grid,),
        in_specs=[
            pl.BlockSpec((block_rows, 128), lambda i: (i, 0)),
            pl.BlockSpec((128, 128), lambda i: (0, 0)),
            pl.BlockSpec((1, 128), lambda i: (0, 0)),
        ],
        out_specs=pl.BlockSpec((block_rows, 128), lambda i: (i, 0)),
        out_shape=jax.ShapeDtypeStruct((rows, 128), jnp.float32),
    )(x4, wb, bias4)


def _sort_body(kt_ref, gidx_ref, kk_ref, ii_ref):
    n, l = kt_ref.shape
    nbits = n.bit_length() - 1
    c = min(128, n)
    cbits = c.bit_length() - 1
    nch = n // c
    kk_ref[...] = kt_ref[...]
    ii_ref[...] = lax.broadcasted_iota(jnp.int32, (n, l), 0)
    icol = lax.broadcasted_iota(jnp.int32, (c, 1), 0)

    def cex_roll(kk, ii, asc, j):
        bit = (icol & j) != 0
        kp = jnp.where(bit, jnp.roll(kk, j, axis=0), jnp.roll(kk, -j, axis=0))
        ip = jnp.where(bit, jnp.roll(ii, j, axis=0), jnp.roll(ii, -j, axis=0))
        gt = (kk > kp) | ((kk == kp) & (ii > ip))
        take = gt ^ (bit == asc)
        return jnp.where(take, kp, kk), jnp.where(take, ip, ii)

    def local_sort_body(ch, carry):
        base = ch * c
        kk = kk_ref[pl.ds(base, c), :]
        ii = ii_ref[pl.ds(base, c), :]
        icg = icol + base
        for kb in range(1, cbits + 1):
            asc = (icg & (1 << kb)) == 0
            for jb in range(kb - 1, -1, -1):
                kk, ii = cex_roll(kk, ii, asc, 1 << jb)
        kk_ref[pl.ds(base, c), :] = kk
        ii_ref[pl.ds(base, c), :] = ii
        return carry

    lax.fori_loop(0, nch, local_sort_body, 0)

    for kb in range(cbits + 1, nbits + 1):
        k = 1 << kb
        for jb in range(kb - 1, cbits - 1, -1):
            j = 1 << jb
            ppb = j // c

            def pair_body(q, carry, j=j, k=k, ppb=ppb):
                base = (q // ppb) * 2 * j + (q % ppb) * c
                asc = (base & k) == 0
                ka = kk_ref[pl.ds(base, c), :]
                kb2 = kk_ref[pl.ds(base + j, c), :]
                ia = ii_ref[pl.ds(base, c), :]
                ib = ii_ref[pl.ds(base + j, c), :]
                gt = (ka > kb2) | ((ka == kb2) & (ia > ib))
                swap = gt == asc
                kk_ref[pl.ds(base, c), :] = jnp.where(swap, kb2, ka)
                kk_ref[pl.ds(base + j, c), :] = jnp.where(swap, ka, kb2)
                ii_ref[pl.ds(base, c), :] = jnp.where(swap, ib, ia)
                ii_ref[pl.ds(base + j, c), :] = jnp.where(swap, ia, ib)
                return carry

            lax.fori_loop(0, nch // 2, pair_body, 0)

        def merge_body(ch, carry, k=k):
            base = ch * c
            kk = kk_ref[pl.ds(base, c), :]
            ii = ii_ref[pl.ds(base, c), :]
            asc = ((icol + base) & k) == 0
            for jb in range(cbits - 1, -1, -1):
                kk, ii = cex_roll(kk, ii, asc, 1 << jb)
            kk_ref[pl.ds(base, c), :] = kk
            ii_ref[pl.ds(base, c), :] = ii
            return carry

        lax.fori_loop(0, nch, merge_body, 0)

    tt = jnp.swapaxes(ii_ref[...], 0, 1)
    boff = lax.broadcasted_iota(jnp.int32, (l, n), 0) * n
    gidx_ref[...] = (tt + boff).reshape(n * l // 128, 128)


def _argsort_lanes(kt):
    n, l = kt.shape
    return pl.pallas_call(
        _sort_body,
        out_shape=jax.ShapeDtypeStruct((n * l // 128, 128), jnp.int32),
        scratch_shapes=[
            pltpu.VMEM((n, l), jnp.float32),
            pltpu.VMEM((n, l), jnp.int32),
        ],
        compiler_params=pltpu.CompilerParams(vmem_limit_bytes=100 * 1024 * 1024),
    )(kt)


def _make_gather(rows_total, d_out):
    rows_per_w = rows_total // _NUM_WORKERS
    n_chunks = rows_per_w // _CHUNK
    mesh = plsc.VectorSubcoreMesh(core_axis_name="c", subcore_axis_name="s")

    @functools.partial(
        pl.kernel,
        out_type=jax.ShapeDtypeStruct((rows_total, d_out), jnp.float32),
        mesh=mesh,
        scratch_types=[
            pltpu.VMEM((n_chunks, _CHUNK), jnp.int32),
            pltpu.VMEM((_CHUNK, d_out), jnp.float32),
            pltpu.VMEM((_CHUNK, d_out), jnp.float32),
            pltpu.SemaphoreType.DMA,
            pltpu.SemaphoreType.DMA,
            pltpu.SemaphoreType.DMA,
            pltpu.SemaphoreType.DMA,
        ],
        compiler_params=pltpu.CompilerParams(use_tc_tiling_on_sc=False),
    )
    def gather(table_hbm, idx_hbm, out_hbm, idx_v, rows0, rows1, g0, g1, s0, s1):
        wid = lax.axis_index("s") * _NUM_SC + lax.axis_index("c")
        pltpu.sync_copy(idx_hbm.at[wid], idx_v)
        base = wid * rows_per_w
        rows = (rows0, rows1)
        gs = (g0, g1)
        ss = (s0, s1)

        pltpu.async_copy(table_hbm.at[idx_v.at[0]], rows0, g0)

        def body(t, carry):
            for b in (0, 1):
                ch = 2 * t + b
                ob = 1 - b

                @pl.when(ch + 1 < n_chunks)
                def _():
                    @pl.when(ch >= 1)
                    def _():
                        pltpu.make_async_copy(
                            rows[ob],
                            out_hbm.at[pl.ds(base + (ch - 1) * _CHUNK, _CHUNK)],
                            ss[ob],
                        ).wait()

                    pltpu.async_copy(
                        table_hbm.at[idx_v.at[ch + 1]], rows[ob], gs[ob]
                    )

                pltpu.make_async_copy(
                    table_hbm.at[idx_v.at[ch]], rows[b], gs[b]
                ).wait()
                pltpu.async_copy(
                    rows[b], out_hbm.at[pl.ds(base + ch * _CHUNK, _CHUNK)], ss[b]
                )
            return carry

        lax.fori_loop(0, n_chunks // 2, body, 0)
        for b in (0, 1):
            pltpu.make_async_copy(
                rows[b],
                out_hbm.at[pl.ds(base + (n_chunks - 2 + b) * _CHUNK, _CHUNK)],
                ss[b],
            ).wait()

    return gather


def kernel(X, W, b):
    B, S, d_in = X.shape
    d_out = W.shape[0]
    pack = 128 // d_in
    rows_total = B * S

    wb = jnp.kron(jnp.eye(pack, dtype=W.dtype), W.T)
    bias4 = jnp.tile(b, pack)[None, :]
    x4 = X.reshape(rows_total // pack, 128)
    e4 = _linear_packed(x4, wb, bias4)
    table = e4.reshape(rows_total, d_out)

    kt = X[:, :, 0].T
    gidx = _argsort_lanes(kt)

    rows_per_w = rows_total // _NUM_WORKERS
    idx3 = gidx.reshape(_NUM_WORKERS, rows_per_w // _CHUNK, _CHUNK)

    out = _make_gather(rows_total, d_out)(table, idx3)
    return out.reshape(B, S, d_out)

# --- scband reference (transcript-rebuilt; emitter-appended) ---
"""Pipeline reference for scband-naive-sorter-49727131353426 (READ-ONLY COPY).

The authoritative reference and input builder live on the scoring server;
editing this copy changes nothing except your own understanding.
"""

import jax, jax.numpy as jnp
import numpy as np

B, S, D_IN, D_OUT = 128, 8192, 32, 32

def setup_inputs(seed: int = 0) -> dict:
    key = jax.random.key(seed)
    k1, k2, k3 = jax.random.split(key, 3)
    X = jax.random.normal(k1, (B, S, D_IN), dtype=jnp.float32)
    # Linear(in_dim=32, out_dim=32) parameters, torch-style W: [out, in]
    bound = 1.0 / np.sqrt(D_IN)
    W = jax.random.uniform(k2, (D_OUT, D_IN), dtype=jnp.float32, minval=-bound, maxval=bound)
    b = jax.random.uniform(k3, (D_OUT,), dtype=jnp.float32, minval=-bound, maxval=bound)
    return {"X": X, "W": W, "b": b}

def reference(X, W, b):
    # argsort along the set_length axis (dim=1), full [B, S, D] index tensor
    sorted_indices_all = jnp.argsort(X, axis=1)
    # take the zeroth feature's sort order: [B, S]
    sorted_indices_zeroth = sorted_indices_all[:, :, 0]
    # gather rows per batch: equivalent to stack([X[i, idx[i], :] for i in range(B)])
    sorted_input = jnp.take_along_axis(X, sorted_indices_zeroth[:, :, None], axis=1)
    # Linear: y = x @ W.T + b
    element_embedding = sorted_input @ W.T + b
    return element_embedding

if __name__ == "__main__":
    import jax
    _d = setup_inputs()
    print(jax.jit(kernel)(*tuple(_d.values())))

</pallas_src>

<mosaic_0001>
#map = affine_map<(d0, d1) -> (0, 0)>
#map1 = affine_map<(d0, d1) -> (0, 0, 0)>
module attributes {stable_mosaic.version = 14 : i64} {
  func.func @gather(%arg0: i32, %arg1: i32, %arg2: memref<1048576x32xf32, #tpu.memory_space<hbm>>, %arg3: memref<32x256x128xi32, #tpu.memory_space<hbm>>, %arg4: memref<1048576x32xf32, #tpu.memory_space<hbm>>, %arg5: memref<256x128xi32, #tpu.memory_space<vmem>>, %arg6: memref<128x32xf32, #tpu.memory_space<vmem>>, %arg7: memref<128x32xf32, #tpu.memory_space<vmem>>, %arg8: memref<!tpu.dma_semaphore, #tpu.memory_space<semaphore_mem>>, %arg9: memref<!tpu.dma_semaphore, #tpu.memory_space<semaphore_mem>>, %arg10: memref<!tpu.dma_semaphore, #tpu.memory_space<semaphore_mem>>, %arg11: memref<!tpu.dma_semaphore, #tpu.memory_space<semaphore_mem>>) attributes {dimension_semantics = [#tpu.dimension_semantics<core_parallel>, #tpu.dimension_semantics<subcore_parallel>], iteration_bounds = array<i64: 2, 16>, scalar_prefetch = 0 : i64, scratch_operands = 7 : i64, tpu.core_type = #tpu.core_type<sc_vector_subcore>, window_params = [{transform_indices = #map}, {transform_indices = #map1}, {transform_indices = #map}]} {
    %mul3A = arith.constant 2 : i32
    %mul3A_0 = arith.muli %arg1, %mul3A : i32
    %add3A = arith.addi %mul3A_0, %arg0 : i32
    "tpu.region"() ({
      %run_scoped3A = tpu.sem_alloc : memref<!tpu.dma_semaphore, #tpu.memory_space<semaphore_mem>>
      %dma_start3A_25 = arith.constant 0 : i32
      %dma_start3A_26 = arith.constant 0 : i32
      %dma_start3A_27 = tpu.memref_slice %arg3[%add3A, %dma_start3A_25, %dma_start3A_26] : memref<32x256x128xi32, #tpu.memory_space<hbm>> -> memref<1x256x128xi32, #tpu.memory_space<hbm>>
      %dma_start3A_28 = tpu.memref_squeeze %dma_start3A_27 : memref<1x256x128xi32, #tpu.memory_space<hbm>> -> memref<256x128xi32, #tpu.memory_space<hbm>>
      %dma_start3A_29 = arith.constant 0 : i32
      %dma_start3A_30 = arith.constant 0 : i32
      %dma_start3A_31 = tpu.memref_slice %arg3[%add3A, %dma_start3A_29, %dma_start3A_30] : memref<32x256x128xi32, #tpu.memory_space<hbm>> -> memref<1x256x128xi32, #tpu.memory_space<hbm>>
      %dma_start3A_32 = tpu.memref_squeeze %dma_start3A_31 : memref<1x256x128xi32, #tpu.memory_space<hbm>> -> memref<256x128xi32, #tpu.memory_space<hbm>>
      tpu.enqueue_dma source(%dma_start3A_32 : memref<256x128xi32, #tpu.memory_space<hbm>>) target(%arg5 : memref<256x128xi32, #tpu.memory_space<vmem>>) target_semaphore(%run_scoped3A : memref<!tpu.dma_semaphore, #tpu.memory_space<semaphore_mem>>)
      %dma_wait3A_33 = arith.constant 0 : i32
      %dma_wait3A_34 = arith.constant 0 : i32
      %dma_wait3A_35 = tpu.memref_slice %arg3[%add3A, %dma_wait3A_33, %dma_wait3A_34] : memref<32x256x128xi32, #tpu.memory_space<hbm>> -> memref<1x256x128xi32, #tpu.memory_space<hbm>>
      %dma_wait3A_36 = tpu.memref_squeeze %dma_wait3A_35 : memref<1x256x128xi32, #tpu.memory_space<hbm>> -> memref<256x128xi32, #tpu.memory_space<hbm>>
      %dma_wait3A_37 = arith.constant 0 : i32
      %dma_wait3A_38 = arith.constant 0 : i32
      %dma_wait3A_39 = tpu.memref_slice %arg3[%add3A, %dma_wait3A_37, %dma_wait3A_38] : memref<32x256x128xi32, #tpu.memory_space<hbm>> -> memref<1x256x128xi32, #tpu.memory_space<hbm>>
      %dma_wait3A_40 = tpu.memref_squeeze %dma_wait3A_39 : memref<1x256x128xi32, #tpu.memory_space<hbm>> -> memref<256x128xi32, #tpu.memory_space<hbm>>
      tpu.wait_dma2 semaphore(%run_scoped3A : memref<!tpu.dma_semaphore, #tpu.memory_space<semaphore_mem>>) src(%dma_wait3A_40 : memref<256x128xi32, #tpu.memory_space<hbm>>) dst(%arg5 : memref<256x128xi32, #tpu.memory_space<vmem>>)
      tpu.yield
    }) : () -> ()
    %mul3A_1 = arith.constant 32768 : i32
    %mul3A_2 = arith.muli %add3A, %mul3A_1 : i32
    %dma_start3A = arith.constant 0 : i32
    %dma_start3A_3 = arith.constant 0 : i32
    %dma_start3A_4 = tpu.memref_slice %arg5[%dma_start3A, %dma_start3A_3] : memref<256x128xi32, #tpu.memory_space<vmem>> -> memref<1x128xi32, #tpu.memory_space<vmem>>
    %dma_start3A_5 = tpu.memref_squeeze %dma_start3A_4 : memref<1x128xi32, #tpu.memory_space<vmem>> -> memref<128xi32, #tpu.memory_space<vmem>>
    %dma_start3A_6 = arith.constant 0 : i32
    %dma_start3A_7 = arith.constant 0 : i32
    %dma_start3A_8 = tpu.memref_slice %arg2[%dma_start3A_6, %dma_start3A_7] : memref<1048576x32xf32, #tpu.memory_space<hbm>> -> memref<1048576x32xf32, #tpu.memory_space<hbm>>
    tpu.enqueue_indirect_dma source(%dma_start3A_8 : memref<1048576x32xf32, #tpu.memory_space<hbm>>) target(%arg6 : memref<128x32xf32, #tpu.memory_space<vmem>>) offsets(%dma_start3A_5 : memref<128xi32, #tpu.memory_space<vmem>>) semaphore(%arg8 : memref<!tpu.dma_semaphore, #tpu.memory_space<semaphore_mem>>)
    %scan3A = arith.constant 0 : i32
    %scan3A_9 = arith.constant 0 : i32
    %scan3A_10 = arith.constant 128 : i32
    %scan3A_11 = arith.addi %scan3A_9, %scan3A_10 : i32
    %scan3A_12 = arith.constant 1 : i32
    scf.for %scan3A_25 = %scan3A_9 to %scan3A_11 step %scan3A_12  : i32 {
      %mul3A_26 = arith.constant 2 : i32
      %mul3A_27 = arith.muli %mul3A_26, %scan3A_25 : i32
      %add3A_28 = arith.constant 0 : i32
      %add3A_29 = arith.addi %mul3A_27, %add3A_28 : i32
      %add3A_30 = arith.constant 1 : i32
      %add3A_31 = arith.addi %add3A_29, %add3A_30 : i32
      %lt3A = arith.constant 256 : i32
      %lt3A_32 = arith.cmpi slt, %add3A_31, %lt3A : i32
      %convert_element_type3A = arith.extui %lt3A_32 : i1 to i32
      %cond3A = arith.constant 0 : i32
      %cond3A_33 = arith.cmpi ne, %convert_element_type3A, %cond3A : i32
      scf.if %cond3A_33 {
        %ge3A = arith.constant 1 : i32
        %ge3A_71 = arith.cmpi sge, %add3A_29, %ge3A : i32
        %convert_element_type3A_72 = arith.extui %ge3A_71 : i1 to i32
        %cond3A_73 = arith.constant 0 : i32
        %cond3A_74 = arith.cmpi ne, %convert_element_type3A_72, %cond3A_73 : i32
        scf.if %cond3A_74 {
          %sub3A = arith.constant 1 : i32
          %sub3A_83 = arith.subi %add3A_29, %sub3A : i32
          %mul3A_84 = arith.constant 128 : i32
          %mul3A_85 = arith.muli %sub3A_83, %mul3A_84 : i32
          %add3A_86 = arith.addi %mul3A_2, %mul3A_85 : i32
          %dma_wait3A_87 = arith.constant 0 : i32
          %dma_wait3A_88 = tpu.memref_slice %arg4[%add3A_86, %dma_wait3A_87] : memref<1048576x32xf32, #tpu.memory_space<hbm>> -> memref<128x32xf32, #tpu.memory_space<hbm>>
          %dma_wait3A_89 = arith.constant 0 : i32
          %dma_wait3A_90 = tpu.memref_slice %arg4[%add3A_86, %dma_wait3A_89] : memref<1048576x32xf32, #tpu.memory_space<hbm>> -> memref<128x32xf32, #tpu.memory_space<hbm>>
          tpu.wait_dma2 semaphore(%arg11 : memref<!tpu.dma_semaphore, #tpu.memory_space<semaphore_mem>>) src(%arg7 : memref<128x32xf32, #tpu.memory_space<vmem>>) dst(%dma_wait3A_90 : memref<128x32xf32, #tpu.memory_space<hbm>>)
        } else {
        }
        %add3A_75 = arith.constant 1 : i32
        %add3A_76 = arith.addi %add3A_29, %add3A_75 : i32
        %dma_start3A_77 = arith.constant 0 : i32
        %dma_start3A_78 = tpu.memref_slice %arg5[%add3A_76, %dma_start3A_77] : memref<256x128xi32, #tpu.memory_space<vmem>> -> memref<1x128xi32, #tpu.memory_space<vmem>>
        %dma_start3A_79 = tpu.memref_squeeze %dma_start3A_78 : memref<1x128xi32, #tpu.memory_space<vmem>> -> memref<128xi32, #tpu.memory_space<vmem>>
        %dma_start3A_80 = arith.constant 0 : i32
        %dma_start3A_81 = arith.constant 0 : i32
        %dma_start3A_82 = tpu.memref_slice %arg2[%dma_start3A_80, %dma_start3A_81] : memref<1048576x32xf32, #tpu.memory_space<hbm>> -> memref<1048576x32xf32, #tpu.memory_space<hbm>>
        tpu.enqueue_indirect_dma source(%dma_start3A_82 : memref<1048576x32xf32, #tpu.memory_space<hbm>>) target(%arg7 : memref<128x32xf32, #tpu.memory_space<vmem>>) offsets(%dma_start3A_79 : memref<128xi32, #tpu.memory_space<vmem>>) semaphore(%arg9 : memref<!tpu.dma_semaphore, #tpu.memory_space<semaphore_mem>>)
      } else {
      }
      %dma_wait3A_34 = arith.constant 0 : i32
      %dma_wait3A_35 = tpu.memref_slice %arg5[%add3A_29, %dma_wait3A_34] : memref<256x128xi32, #tpu.memory_space<vmem>> -> memref<1x128xi32, #tpu.memory_space<vmem>>
      %dma_wait3A_36 = tpu.memref_squeeze %dma_wait3A_35 : memref<1x128xi32, #tpu.memory_space<vmem>> -> memref<128xi32, #tpu.memory_space<vmem>>
      %dma_wait3A_37 = arith.constant 0 : i32
      %dma_wait3A_38 = arith.constant 0 : i32
      %dma_wait3A_39 = tpu.memref_slice %arg2[%dma_wait3A_37, %dma_wait3A_38] : memref<1048576x32xf32, #tpu.memory_space<hbm>> -> memref<1048576x32xf32, #tpu.memory_space<hbm>>
      tpu.wait_indirect_dma semaphore(%arg8 : memref<!tpu.dma_semaphore, #tpu.memory_space<semaphore_mem>>) src(%dma_wait3A_39 : memref<1048576x32xf32, #tpu.memory_space<hbm>>) dst(%arg6 : memref<128x32xf32, #tpu.memory_space<vmem>>)
      %mul3A_40 = arith.constant 128 : i32
      %mul3A_41 = arith.muli %add3A_29, %mul3A_40 : i32
      %add3A_42 = arith.addi %mul3A_2, %mul3A_41 : i32
      %dma_start3A_43 = arith.constant 0 : i32
      %dma_start3A_44 = tpu.memref_slice %arg4[%add3A_42, %dma_start3A_43] : memref<1048576x32xf32, #tpu.memory_space<hbm>> -> memref<128x32xf32, #tpu.memory_space<hbm>>
      %dma_start3A_45 = arith.constant 0 : i32
      %dma_start3A_46 = tpu.memref_slice %arg4[%add3A_42, %dma_start3A_45] : memref<1048576x32xf32, #tpu.memory_space<hbm>> -> memref<128x32xf32, #tpu.memory_space<hbm>>
      tpu.enqueue_dma source(%arg6 : memref<128x32xf32, #tpu.memory_space<vmem>>) target(%dma_start3A_46 : memref<128x32xf32, #tpu.memory_space<hbm>>) target_semaphore(%arg10 : memref<!tpu.dma_semaphore, #tpu.memory_space<semaphore_mem>>)
      %mul3A_47 = arith.constant 2 : i32
      %mul3A_48 = arith.muli %mul3A_47, %scan3A_25 : i32
      %add3A_49 = arith.constant 1 : i32
      %add3A_50 = arith.addi %mul3A_48, %add3A_49 : i32
      %add3A_51 = arith.constant 1 : i32
      %add3A_52 = arith.addi %add3A_50, %add3A_51 : i32
      %lt3A_53 = arith.constant 256 : i32
      %lt3A_54 = arith.cmpi slt, %add3A_52, %lt3A_53 : i32
      %convert_element_type3A_55 = arith.extui %lt3A_54 : i1 to i32
      %cond3A_56 = arith.constant 0 : i32
      %cond3A_57 = arith.cmpi ne, %convert_element_type3A_55, %cond3A_56 : i32
      scf.if %cond3A_57 {
        %ge3A = arith.constant 1 : i32
        %ge3A_71 = arith.cmpi sge, %add3A_50, %ge3A : i32
        %convert_element_type3A_72 = arith.extui %ge3A_71 : i1 to i32
        %cond3A_73 = arith.constant 0 : i32
        %cond3A_74 = arith.cmpi ne, %convert_element_type3A_72, %cond3A_73 : i32
        scf.if %cond3A_74 {
          %sub3A = arith.constant 1 : i32
          %sub3A_83 = arith.subi %add3A_50, %sub3A : i32
          %mul3A_84 = arith.constant 128 : i32
          %mul3A_85 = arith.muli %sub3A_83, %mul3A_84 : i32
          %add3A_86 = arith.addi %mul3A_2, %mul3A_85 : i32
          %dma_wait3A_87 = arith.constant 0 : i32
          %dma_wait3A_88 = tpu.memref_slice %arg4[%add3A_86, %dma_wait3A_87] : memref<1048576x32xf32, #tpu.memory_space<hbm>> -> memref<128x32xf32, #tpu.memory_space<hbm>>
          %dma_wait3A_89 = arith.constant 0 : i32
          %dma_wait3A_90 = tpu.memref_slice %arg4[%add3A_86, %dma_wait3A_89] : memref<1048576x32xf32, #tpu.memory_space<hbm>> -> memref<128x32xf32, #tpu.memory_space<hbm>>
          tpu.wait_dma2 semaphore(%arg10 : memref<!tpu.dma_semaphore, #tpu.memory_space<semaphore_mem>>) src(%arg6 : memref<128x32xf32, #tpu.memory_space<vmem>>) dst(%dma_wait3A_90 : memref<128x32xf32, #tpu.memory_space<hbm>>)
        } else {
        }
        %add3A_75 = arith.constant 1 : i32
        %add3A_76 = arith.addi %add3A_50, %add3A_75 : i32
        %dma_start3A_77 = arith.constant 0 : i32
        %dma_start3A_78 = tpu.memref_slice %arg5[%add3A_76, %dma_start3A_77] : memref<256x128xi32, #tpu.memory_space<vmem>> -> memref<1x128xi32, #tpu.memory_space<vmem>>
        %dma_start3A_79 = tpu.memref_squeeze %dma_start3A_78 : memref<1x128xi32, #tpu.memory_space<vmem>> -> memref<128xi32, #tpu.memory_space<vmem>>
        %dma_start3A_80 = arith.constant 0 : i32
        %dma_start3A_81 = arith.constant 0 : i32
        %dma_start3A_82 = tpu.memref_slice %arg2[%dma_start3A_80, %dma_start3A_81] : memref<1048576x32xf32, #tpu.memory_space<hbm>> -> memref<1048576x32xf32, #tpu.memory_space<hbm>>
        tpu.enqueue_indirect_dma source(%dma_start3A_82 : memref<1048576x32xf32, #tpu.memory_space<hbm>>) target(%arg6 : memref<128x32xf32, #tpu.memory_space<vmem>>) offsets(%dma_start3A_79 : memref<128xi32, #tpu.memory_space<vmem>>) semaphore(%arg8 : memref<!tpu.dma_semaphore, #tpu.memory_space<semaphore_mem>>)
      } else {
      }
      %dma_wait3A_58 = arith.constant 0 : i32
      %dma_wait3A_59 = tpu.memref_slice %arg5[%add3A_50, %dma_wait3A_58] : memref<256x128xi32, #tpu.memory_space<vmem>> -> memref<1x128xi32, #tpu.memory_space<vmem>>
      %dma_wait3A_60 = tpu.memref_squeeze %dma_wait3A_59 : memref<1x128xi32, #tpu.memory_space<vmem>> -> memref<128xi32, #tpu.memory_space<vmem>>
      %dma_wait3A_61 = arith.constant 0 : i32
      %dma_wait3A_62 = arith.constant 0 : i32
      %dma_wait3A_63 = tpu.memref_slice %arg2[%dma_wait3A_61, %dma_wait3A_62] : memref<1048576x32xf32, #tpu.memory_space<hbm>> -> memref<1048576x32xf32, #tpu.memory_space<hbm>>
      tpu.wait_indirect_dma semaphore(%arg9 : memref<!tpu.dma_semaphore, #tpu.memory_space<semaphore_mem>>) src(%dma_wait3A_63 : memref<1048576x32xf32, #tpu.memory_space<hbm>>) dst(%arg7 : memref<128x32xf32, #tpu.memory_space<vmem>>)
      %mul3A_64 = arith.constant 128 : i32
      %mul3A_65 = arith.muli %add3A_50, %mul3A_64 : i32
      %add3A_66 = arith.addi %mul3A_2, %mul3A_65 : i32
      %dma_start3A_67 = arith.constant 0 : i32
      %dma_start3A_68 = tpu.memref_slice %arg4[%add3A_66, %dma_start3A_67] : memref<1048576x32xf32, #tpu.memory_space<hbm>> -> memref<128x32xf32, #tpu.memory_space<hbm>>
      %dma_start3A_69 = arith.constant 0 : i32
      %dma_start3A_70 = tpu.memref_slice %arg4[%add3A_66, %dma_start3A_69] : memref<1048576x32xf32, #tpu.memory_space<hbm>> -> memref<128x32xf32, #tpu.memory_space<hbm>>
      tpu.enqueue_dma source(%arg7 : memref<128x32xf32, #tpu.memory_space<vmem>>) target(%dma_start3A_70 : memref<128x32xf32, #tpu.memory_space<hbm>>) target_semaphore(%arg11 : memref<!tpu.dma_semaphore, #tpu.memory_space<semaphore_mem>>)
    }
    %scan3A_13 = arith.constant 128 : i32
    %add3A_14 = arith.constant 32512 : i32
    %add3A_15 = arith.addi %mul3A_2, %add3A_14 : i32
    %dma_wait3A = arith.constant 0 : i32
    %dma_wait3A_16 = tpu.memref_slice %arg4[%add3A_15, %dma_wait3A] : memref<1048576x32xf32, #tpu.memory_space<hbm>> -> memref<128x32xf32, #tpu.memory_space<hbm>>
    %dma_wait3A_17 = arith.constant 0 : i32
    %dma_wait3A_18 = tpu.memref_slice %arg4[%add3A_15, %dma_wait3A_17] : memref<1048576x32xf32, #tpu.memory_space<hbm>> -> memref<128x32xf32, #tpu.memory_space<hbm>>
    tpu.wait_dma2 semaphore(%arg10 : memref<!tpu.dma_semaphore, #tpu.memory_space<semaphore_mem>>) src(%arg6 : memref<128x32xf32, #tpu.memory_space<vmem>>) dst(%dma_wait3A_18 : memref<128x32xf32, #tpu.memory_space<hbm>>)
    %add3A_19 = arith.constant 32640 : i32
    %add3A_20 = arith.addi %mul3A_2, %add3A_19 : i32
    %dma_wait3A_21 = arith.constant 0 : i32
    %dma_wait3A_22 = tpu.memref_slice %arg4[%add3A_20, %dma_wait3A_21] : memref<1048576x32xf32, #tpu.memory_space<hbm>> -> memref<128x32xf32, #tpu.memory_space<hbm>>
    %dma_wait3A_23 = arith.constant 0 : i32
    %dma_wait3A_24 = tpu.memref_slice %arg4[%add3A_20, %dma_wait3A_23] : memref<1048576x32xf32, #tpu.memory_space<hbm>> -> memref<128x32xf32, #tpu.memory_space<hbm>>
    tpu.wait_dma2 semaphore(%arg11 : memref<!tpu.dma_semaphore, #tpu.memory_space<semaphore_mem>>) src(%arg7 : memref<128x32xf32, #tpu.memory_space<vmem>>) dst(%dma_wait3A_24 : memref<128x32xf32, #tpu.memory_space<hbm>>)
    return
  }
}

module attributes {stable_mosaic.version = 14 : i64} {
  func.func @_sort_body(%arg0: memref<8192x128xf32, #tpu.memory_space<vmem>>, %arg1: memref<8192x128xi32, #tpu.memory_space<vmem>>, %arg2: memref<8192x128xf32, #tpu.memory_space<vmem>>, %arg3: memref<8192x128xi32, #tpu.memory_space<vmem>>) attributes {dimension_semantics = [], scalar_prefetch = 0 : i64, scratch_operands = 2 : i64, tpu.core_type = #tpu.core_type<tc>} {
    %get3A = arith.constant 0 : index
    %get3A_0 = arith.constant 0 : index
    %get3A_1 = vector.load %arg0[%get3A, %get3A_0] : memref<8192x128xf32, #tpu.memory_space<vmem>>, vector<8192x128xf32>
    %swap3A = arith.constant 0 : index
    %swap3A_2 = arith.constant 0 : index
    %swap3A_3 = vector.load %arg2[%swap3A, %swap3A_2] : memref<8192x128xf32, #tpu.memory_space<vmem>>, vector<8192x128xf32>
    tpu.vector_store %arg2[%swap3A, %swap3A_2], %get3A_1 {strides = array<i32>} : memref<8192x128xf32, #tpu.memory_space<vmem>>, vector<8192x128xf32>,
    %iota3A = tpu.iota {dimensions = array<i32: 0>} : vector<8192x128xi32>
    %swap3A_4 = arith.constant 0 : index
    %swap3A_5 = arith.constant 0 : index
    %swap3A_6 = vector.load %arg3[%swap3A_4, %swap3A_5] : memref<8192x128xi32, #tpu.memory_space<vmem>>, vector<8192x128xi32>
    tpu.vector_store %arg3[%swap3A_4, %swap3A_5], %iota3A {strides = array<i32>} : memref<8192x128xi32, #tpu.memory_space<vmem>>, vector<8192x128xi32>,
    %iota3A_7 = tpu.iota {dimensions = array<i32: 0>} : vector<128x1xi32>
    %scan3A = arith.constant 0 : i32
    %scan3A_8 = arith.constant 64 : i32
    %scan3A_9 = arith.addi %scan3A, %scan3A_8 : i32
    %scan3A_10 = arith.constant 1 : i32
    scf.for %scan3A_156 = %scan3A to %scan3A_9 step %scan3A_10  : i32 {
      %mul3A_157 = arith.constant 128 : i32
      %mul3A_158 = arith.muli %scan3A_156, %mul3A_157 : i32
      %get3A_159 = arith.index_cast %mul3A_158 : i32 to index
      %get3A_160 = arith.constant 0 : index
      %get3A_161 = vector.load %arg2[%get3A_159, %get3A_160] : memref<8192x128xf32, #tpu.memory_space<vmem>>, vector<128x128xf32>
      %get3A_162 = arith.index_cast %mul3A_158 : i32 to index
      %get3A_163 = arith.constant 0 : index
      %get3A_164 = vector.load %arg3[%get3A_162, %get3A_163] : memref<8192x128xi32, #tpu.memory_space<vmem>>, vector<128x128xi32>
      %add3A_165 = vector.broadcast %mul3A_158 : i32 to vector<128x1xi32>
      %add3A_166 = arith.addi %iota3A_7, %add3A_165 : vector<128x1xi32>
      %and3A = arith.constant 2 : i32
      %and3A_167 = vector.broadcast %and3A : i32 to vector<128x1xi32>
      %and3A_168 = arith.andi %add3A_166, %and3A_167 : vector<128x1xi32>
      %eq3A = arith.constant 0 : i32
      %eq3A_169 = vector.broadcast %eq3A : i32 to vector<128x1xi32>
      %eq3A_170 = arith.cmpi eq, %and3A_168, %eq3A_169 : vector<128x1xi32>
      %and3A_171 = arith.constant 1 : i32
      %and3A_172 = vector.broadcast %and3A_171 : i32 to vector<128x1xi32>
      %and3A_173 = arith.andi %iota3A_7, %and3A_172 : vector<128x1xi32>
      %ne3A = arith.constant 0 : i32
      %ne3A_174 = vector.broadcast %ne3A : i32 to vector<128x1xi32>
      %ne3A_175 = arith.cmpi ne, %and3A_173, %ne3A_174 : vector<128x1xi32>
      %slice3A = vector.extract_strided_slice %get3A_161 {offsets = [127, 0], sizes = [1, 128], strides = [1, 1]} : vector<128x128xf32> to vector<1x128xf32>
      %slice3A_176 = vector.extract_strided_slice %get3A_161 {offsets = [0, 0], sizes = [127, 128], strides = [1, 1]} : vector<128x128xf32> to vector<127x128xf32>
      %concatenate3A = tpu.concatenate %slice3A, %slice3A_176 in 0 : vector<1x128xf32>, vector<127x128xf32> -> vector<128x128xf32>
      %slice3A_177 = vector.extract_strided_slice %get3A_161 {offsets = [1, 0], sizes = [127, 128], strides = [1, 1]} : vector<128x128xf32> to vector<127x128xf32>
      %slice3A_178 = vector.extract_strided_slice %get3A_161 {offsets = [0, 0], sizes = [1, 128], strides = [1, 1]} : vector<128x128xf32> to vector<1x128xf32>
      %concatenate3A_179 = tpu.concatenate %slice3A_177, %slice3A_178 in 0 : vector<127x128xf32>, vector<1x128xf32> -> vector<128x128xf32>
      %broadcast_in_dim3A = vector.shape_cast %ne3A_175 : vector<128x1xi1> to vector<128x1xi1>
      %broadcast_in_dim3A_180 = vector.broadcast %broadcast_in_dim3A : vector<128x1xi1> to vector<128x128xi1>
      %select_n3A = arith.select %broadcast_in_dim3A_180, %concatenate3A, %concatenate3A_179 : vector<128x128xi1>, vector<128x128xf32>
      %slice3A_181 = vector.extract_strided_slice %get3A_164 {offsets = [127, 0], sizes = [1, 128], strides = [1, 1]} : vector<128x128xi32> to vector<1x128xi32>
      %slice3A_182 = vector.extract_strided_slice %get3A_164 {offsets = [0, 0], sizes = [127, 128], strides = [1, 1]} : vector<128x128xi32> to vector<127x128xi32>
      %concatenate3A_183 = tpu.concatenate %slice3A_181, %slice3A_182 in 0 : vector<1x128xi32>, vector<127x128xi32> -> vector<128x128xi32>
      %slice3A_184 = vector.extract_strided_slice %get3A_164 {offsets = [1, 0], sizes = [127, 128], strides = [1, 1]} : vector<128x128xi32> to vector<127x128xi32>
      %slice3A_185 = vector.extract_strided_slice %get3A_164 {offsets = [0, 0], sizes = [1, 128], strides = [1, 1]} : vector<128x128xi32> to vector<1x128xi32>
      %concatenate3A_186 = tpu.concatenate %slice3A_184, %slice3A_185 in 0 : vector<127x128xi32>, vector<1x128xi32> -> vector<128x128xi32>
      %broadcast_in_dim3A_187 = vector.shape_cast %ne3A_175 : vector<128x1xi1> to vector<128x1xi1>
      %broadcast_in_dim3A_188 = vector.broadcast %broadcast_in_dim3A_187 : vector<128x1xi1> to vector<128x128xi1>
      %select_n3A_189 = arith.select %broadcast_in_dim3A_188, %concatenate3A_183, %concatenate3A_186 : vector<128x128xi1>, vector<128x128xi32>
      %gt3A = arith.cmpf ogt, %get3A_161, %select_n3A : vector<128x128xf32>
      %eq3A_190 = arith.cmpf oeq, %get3A_161, %select_n3A : vector<128x128xf32>
      %gt3A_191 = arith.cmpi sgt, %get3A_164, %select_n3A_189 : vector<128x128xi32>
      %and3A_192 = arith.andi %eq3A_190, %gt3A_191 : vector<128x128xi1>
      %or3A = arith.ori %gt3A, %and3A_192 : vector<128x128xi1>
      %eq3A_193 = arith.xori %ne3A_175, %eq3A_170 : vector<128x1xi1>
      %eq3A_194 = arith.constant dense<true> : vector<128x1xi1>
      %eq3A_195 = arith.xori %eq3A_193, %eq3A_194 : vector<128x1xi1>
      %xor3A = vector.broadcast %eq3A_195 : vector<128x1xi1> to vector<128x128xi1>
      %xor3A_196 = arith.xori %or3A, %xor3A : vector<128x128xi1>
      %select_n3A_197 = arith.select %xor3A_196, %select_n3A, %get3A_161 : vector<128x128xi1>, vector<128x128xf32>
      %select_n3A_198 = arith.select %xor3A_196, %select_n3A_189, %get3A_164 : vector<128x128xi1>, vector<128x128xi32>
      %and3A_199 = arith.constant 4 : i32
      %and3A_200 = vector.broadcast %and3A_199 : i32 to vector<128x1xi32>
      %and3A_201 = arith.andi %add3A_166, %and3A_200 : vector<128x1xi32>
      %eq3A_202 = arith.constant 0 : i32
      %eq3A_203 = vector.broadcast %eq3A_202 : i32 to vector<128x1xi32>
      %eq3A_204 = arith.cmpi eq, %and3A_201, %eq3A_203 : vector<128x1xi32>
      %and3A_205 = arith.constant 2 : i32
      %and3A_206 = vector.broadcast %and3A_205 : i32 to vector<128x1xi32>
      %and3A_207 = arith.andi %iota3A_7, %and3A_206 : vector<128x1xi32>
      %ne3A_208 = arith.constant 0 : i32
      %ne3A_209 = vector.broadcast %ne3A_208 : i32 to vector<128x1xi32>
      %ne3A_210 = arith.cmpi ne, %and3A_207, %ne3A_209 : vector<128x1xi32>
      %slice3A_211 = vector.extract_strided_slice %select_n3A_197 {offsets = [126, 0], sizes = [2, 128], strides = [1, 1]} : vector<128x128xf32> to vector<2x128xf32>
      %slice3A_212 = vector.extract_strided_slice %select_n3A_197 {offsets = [0, 0], sizes = [126, 128], strides = [1, 1]} : vector<128x128xf32> to vector<126x128xf32>
      %concatenate3A_213 = tpu.concatenate %slice3A_211, %slice3A_212 in 0 : vector<2x128xf32>, vector<126x128xf32> -> vector<128x128xf32>
      %slice3A_214 = vector.extract_strided_slice %select_n3A_197 {offsets = [2, 0], sizes = [126, 128], strides = [1, 1]} : vector<128x128xf32> to vector<126x128xf32>
      %slice3A_215 = vector.extract_strided_slice %select_n3A_197 {offsets = [0, 0], sizes = [2, 128], strides = [1, 1]} : vector<128x128xf32> to vector<2x128xf32>
      %concatenate3A_216 = tpu.concatenate %slice3A_214, %slice3A_215 in 0 : vector<126x128xf32>, vector<2x128xf32> -> vector<128x128xf32>
      %broadcast_in_dim3A_217 = vector.shape_cast %ne3A_210 : vector<128x1xi1> to vector<128x1xi1>
      %broadcast_in_dim3A_218 = vector.broadcast %broadcast_in_dim3A_217 : vector<128x1xi1> to vector<128x128xi1>
      %select_n3A_219 = arith.select %broadcast_in_dim3A_218, %concatenate3A_213, %concatenate3A_216 : vector<128x128xi1>, vector<128x128xf32>
      %slice3A_220 = vector.extract_strided_slice %select_n3A_198 {offsets = [126, 0], sizes = [2, 128], strides = [1, 1]} : vector<128x128xi32> to vector<2x128xi32>
      %slice3A_221 = vector.extract_strided_slice %select_n3A_198 {offsets = [0, 0], sizes = [126, 128], strides = [1, 1]} : vector<128x128xi32> to vector<126x128xi32>
      %concatenate3A_222 = tpu.concatenate %slice3A_220, %slice3A_221 in 0 : vector<2x128xi32>, vector<126x128xi32> -> vector<128x128xi32>
      %slice3A_223 = vector.extract_strided_slice %select_n3A_198 {offsets = [2, 0], sizes = [126, 128], strides = [1, 1]} : vector<128x128xi32> to vector<126x128xi32>
      %slice3A_224 = vector.extract_strided_slice %select_n3A_198 {offsets = [0, 0], sizes = [2, 128], strides = [1, 1]} : vector<128x128xi32> to vector<2x128xi32>
      %concatenate3A_225 = tpu.concatenate %slice3A_223, %slice3A_224 in 0 : vector<126x128xi32>, vector<2x128xi32> -> vector<128x128xi32>
      %broadcast_in_dim3A_226 = vector.shape_cast %ne3A_210 : vector<128x1xi1> to vector<128x1xi1>
      %broadcast_in_dim3A_227 = vector.broadcast %broadcast_in_dim3A_226 : vector<128x1xi1> to vector<128x128xi1>
      %select_n3A_228 = arith.select %broadcast_in_dim3A_227, %concatenate3A_222, %concatenate3A_225 : vector<128x128xi1>, vector<128x128xi32>
      %gt3A_229 = arith.cmpf ogt, %select_n3A_197, %select_n3A_219 : vector<128x128xf32>
      %eq3A_230 = arith.cmpf oeq, %select_n3A_197, %select_n3A_219 : vector<128x128xf32>
      %gt3A_231 = arith.cmpi sgt, %select_n3A_198, %select_n3A_228 : vector<128x128xi32>
      %and3A_232 = arith.andi %eq3A_230, %gt3A_231 : vector<128x128xi1>
      %or3A_233 = arith.ori %gt3A_229, %and3A_232 : vector<128x128xi1>
      %eq3A_234 = arith.xori %ne3A_210, %eq3A_204 : vector<128x1xi1>
      %eq3A_235 = arith.constant dense<true> : vector<128x1xi1>
      %eq3A_236 = arith.xori %eq3A_234, %eq3A_235 : vector<128x1xi1>
      %xor3A_237 = vector.broadcast %eq3A_236 : vector<128x1xi1> to vector<128x128xi1>
      %xor3A_238 = arith.xori %or3A_233, %xor3A_237 : vector<128x128xi1>
      %select_n3A_239 = arith.select %xor3A_238, %select_n3A_219, %select_n3A_197 : vector<128x128xi1>, vector<128x128xf32>
      %select_n3A_240 = arith.select %xor3A_238, %select_n3A_228, %select_n3A_198 : vector<128x128xi1>, vector<128x128xi32>
      %and3A_241 = arith.constant 1 : i32
      %and3A_242 = vector.broadcast %and3A_241 : i32 to vector<128x1xi32>
      %and3A_243 = arith.andi %iota3A_7, %and3A_242 : vector<128x1xi32>
      %ne3A_244 = arith.constant 0 : i32
      %ne3A_245 = vector.broadcast %ne3A_244 : i32 to vector<128x1xi32>
      %ne3A_246 = arith.cmpi ne, %and3A_243, %ne3A_245 : vector<128x1xi32>
      %slice3A_247 = vector.extract_strided_slice %select_n3A_239 {offsets = [127, 0], sizes = [1, 128], strides = [1, 1]} : vector<128x128xf32> to vector<1x128xf32>
      %slice3A_248 = vector.extract_strided_slice %select_n3A_239 {offsets = [0, 0], sizes = [127, 128], strides = [1, 1]} : vector<128x128xf32> to vector<127x128xf32>
      %concatenate3A_249 = tpu.concatenate %slice3A_247, %slice3A_248 in 0 : vector<1x128xf32>, vector<127x128xf32> -> vector<128x128xf32>
      %slice3A_250 = vector.extract_strided_slice %select_n3A_239 {offsets = [1, 0], sizes = [127, 128], strides = [1, 1]} : vector<128x128xf32> to vector<127x128xf32>
      %slice3A_251 = vector.extract_strided_slice %select_n3A_239 {offsets = [0, 0], sizes = [1, 128], strides = [1, 1]} : vector<128x128xf32> to vector<1x128xf32>
      %concatenate3A_252 = tpu.concatenate %slice3A_250, %slice3A_251 in 0 : vector<127x128xf32>, vector<1x128xf32> -> vector<128x128xf32>
      %broadcast_in_dim3A_253 = vector.shape_cast %ne3A_246 : vector<128x1xi1> to vector<128x1xi1>
      %broadcast_in_dim3A_254 = vector.broadcast %broadcast_in_dim3A_253 : vector<128x1xi1> to vector<128x128xi1>
      %select_n3A_255 = arith.select %broadcast_in_dim3A_254, %concatenate3A_249, %concatenate3A_252 : vector<128x128xi1>, vector<128x128xf32>
      %slice3A_256 = vector.extract_strided_slice %select_n3A_240 {offsets = [127, 0], sizes = [1, 128], strides = [1, 1]} : vector<128x128xi32> to vector<1x128xi32>
      %slice3A_257 = vector.extract_strided_slice %select_n3A_240 {offsets = [0, 0], sizes = [127, 128], strides = [1, 1]} : vector<128x128xi32> to vector<127x128xi32>
      %concatenate3A_258 = tpu.concatenate %slice3A_256, %slice3A_257 in 0 : vector<1x128xi32>, vector<127x128xi32> -> vector<128x128xi32>
      %slice3A_259 = vector.extract_strided_slice %select_n3A_240 {offsets = [1, 0], sizes = [127, 128], strides = [1, 1]} : vector<128x128xi32> to vector<127x128xi32>
      %slice3A_260 = vector.extract_strided_slice %select_n3A_240 {offsets = [0, 0], sizes = [1, 128], strides = [1, 1]} : vector<128x128xi32> to vector<1x128xi32>
      %concatenate3A_261 = tpu.concatenate %slice3A_259, %slice3A_260 in 0 : vector<127x128xi32>, vector<1x128xi32> -> vector<128x128xi32>
      %broadcast_in_dim3A_262 = vector.shape_cast %ne3A_246 : vector<128x1xi1> to vector<128x1xi1>
      %broadcast_in_dim3A_263 = vector.broadcast %broadcast_in_dim3A_262 : vector<128x1xi1> to vector<128x128xi1>
      %select_n3A_264 = arith.select %broadcast_in_dim3A_263, %concatenate3A_258, %concatenate3A_261 : vector<128x128xi1>, vector<128x128xi32>
      %gt3A_265 = arith.cmpf ogt, %select_n3A_239, %select_n3A_255 : vector<128x128xf32>
      %eq3A_266 = arith.cmpf oeq, %select_n3A_239, %select_n3A_255 : vector<128x128xf32>
      %gt3A_267 = arith.cmpi sgt, %select_n3A_240, %select_n3A_264 : vector<128x128xi32>
      %and3A_268 = arith.andi %eq3A_266, %gt3A_267 : vector<128x128xi1>
      %or3A_269 = arith.ori %gt3A_265, %and3A_268 : vector<128x128xi1>
      %eq3A_270 = arith.xori %ne3A_246, %eq3A_204 : vector<128x1xi1>
      %eq3A_271 = arith.constant dense<true> : vector<128x1xi1>
      %eq3A_272 = arith.xori %eq3A_270, %eq3A_271 : vector<128x1xi1>
      %xor3A_273 = vector.broadcast %eq3A_272 : vector<128x1xi1> to vector<128x128xi1>
      %xor3A_274 = arith.xori %or3A_269, %xor3A_273 : vector<128x128xi1>
      %select_n3A_275 = arith.select %xor3A_274, %select_n3A_255, %select_n3A_239 : vector<128x128xi1>, vector<128x128xf32>
      %select_n3A_276 = arith.select %xor3A_274, %select_n3A_264, %select_n3A_240 : vector<128x128xi1>, vector<128x128xi32>
      %and3A_277 = arith.constant 8 : i32
      %and3A_278 = vector.broadcast %and3A_277 : i32 to vector<128x1xi32>
      %and3A_279 = arith.andi %add3A_166, %and3A_278 : vector<128x1xi32>
      %eq3A_280 = arith.constant 0 : i32
      %eq3A_281 = vector.broadcast %eq3A_280 : i32 to vector<128x1xi32>
      %eq3A_282 = arith.cmpi eq, %and3A_279, %eq3A_281 : vector<128x1xi32>
      %and3A_283 = arith.constant 4 : i32
      %and3A_284 = vector.broadcast %and3A_283 : i32 to vector<128x1xi32>
      %and3A_285 = arith.andi %iota3A_7, %and3A_284 : vector<128x1xi32>
      %ne3A_286 = arith.constant 0 : i32
      %ne3A_287 = vector.broadcast %ne3A_286 : i32 to vector<128x1xi32>
      %ne3A_288 = arith.cmpi ne, %and3A_285, %ne3A_287 : vector<128x1xi32>
      %slice3A_289 = vector.extract_strided_slice %select_n3A_275 {offsets = [124, 0], sizes = [4, 128], strides = [1, 1]} : vector<128x128xf32> to vector<4x128xf32>
      %slice3A_290 = vector.extract_strided_slice %select_n3A_275 {offsets = [0, 0], sizes = [124, 128], strides = [1, 1]} : vector<128x128xf32> to vector<124x128xf32>
      %concatenate3A_291 = tpu.concatenate %slice3A_289, %slice3A_290 in 0 : vector<4x128xf32>, vector<124x128xf32> -> vector<128x128xf32>
      %slice3A_292 = vector.extract_strided_slice %select_n3A_275 {offsets = [4, 0], sizes = [124, 128], strides = [1, 1]} : vector<128x128xf32> to vector<124x128xf32>
      %slice3A_293 = vector.extract_strided_slice %select_n3A_275 {offsets = [0, 0], sizes = [4, 128], strides = [1, 1]} : vector<128x128xf32> to vector<4x128xf32>
      %concatenate3A_294 = tpu.concatenate %slice3A_292, %slice3A_293 in 0 : vector<124x128xf32>, vector<4x128xf32> -> vector<128x128xf32>
      %broadcast_in_dim3A_295 = vector.shape_cast %ne3A_288 : vector<128x1xi1> to vector<128x1xi1>
      %broadcast_in_dim3A_296 = vector.broadcast %broadcast_in_dim3A_295 : vector<128x1xi1> to vector<128x128xi1>
      %select_n3A_297 = arith.select %broadcast_in_dim3A_296, %concatenate3A_291, %concatenate3A_294 : vector<128x128xi1>, vector<128x128xf32>
      %slice3A_298 = vector.extract_strided_slice %select_n3A_276 {offsets = [124, 0], sizes = [4, 128], strides = [1, 1]} : vector<128x128xi32> to vector<4x128xi32>
      %slice3A_299 = vector.extract_strided_slice %select_n3A_276 {offsets = [0, 0], sizes = [124, 128], strides = [1, 1]} : vector<128x128xi32> to vector<124x128xi32>
      %concatenate3A_300 = tpu.concatenate %slice3A_298, %slice3A_299 in 0 : vector<4x128xi32>, vector<124x128xi32> -> vector<128x128xi32>
      %slice3A_301 = vector.extract_strided_slice %select_n3A_276 {offsets = [4, 0], sizes = [124, 128], strides = [1, 1]} : vector<128x128xi32> to vector<124x128xi32>
      %slice3A_302 = vector.extract_strided_slice %select_n3A_276 {offsets = [0, 0], sizes = [4, 128], strides = [1, 1]} : vector<128x128xi32> to vector<4x128xi32>
      %concatenate3A_303 = tpu.concatenate %slice3A_301, %slice3A_302 in 0 : vector<124x128xi32>, vector<4x128xi32> -> vector<128x128xi32>
      %broadcast_in_dim3A_304 = vector.shape_cast %ne3A_288 : vector<128x1xi1> to vector<128x1xi1>
      %broadcast_in_dim3A_305 = vector.broadcast %broadcast_in_dim3A_304 : vector<128x1xi1> to vector<128x128xi1>
      %select_n3A_306 = arith.select %broadcast_in_dim3A_305, %concatenate3A_300, %concatenate3A_303 : vector<128x128xi1>, vector<128x128xi32>
      %gt3A_307 = arith.cmpf ogt, %select_n3A_275, %select_n3A_297 : vector<128x128xf32>
      %eq3A_308 = arith.cmpf oeq, %select_n3A_275, %select_n3A_297 : vector<128x128xf32>
      %gt3A_309 = arith.cmpi sgt, %select_n3A_276, %select_n3A_306 : vector<128x128xi32>
      %and3A_310 = arith.andi %eq3A_308, %gt3A_309 : vector<128x128xi1>
      %or3A_311 = arith.ori %gt3A_307, %and3A_310 : vector<128x128xi1>
      %eq3A_312 = arith.xori %ne3A_288, %eq3A_282 : vector<128x1xi1>
      %eq3A_313 = arith.constant dense<true> : vector<128x1xi1>
      %eq3A_314 = arith.xori %eq3A_312, %eq3A_313 : vector<128x1xi1>
      %xor3A_315 = vector.broadcast %eq3A_314 : vector<128x1xi1> to vector<128x128xi1>
      %xor3A_316 = arith.xori %or3A_311, %xor3A_315 : vector<128x128xi1>
      %select_n3A_317 = arith.select %xor3A_316, %select_n3A_297, %select_n3A_275 : vector<128x128xi1>, vector<128x128xf32>
      %select_n3A_318 = arith.select %xor3A_316, %select_n3A_306, %select_n3A_276 : vector<128x128xi1>, vector<128x128xi32>
      %and3A_319 = arith.constant 2 : i32
      %and3A_320 = vector.broadcast %and3A_319 : i32 to vector<128x1xi32>
      %and3A_321 = arith.andi %iota3A_7, %and3A_320 : vector<128x1xi32>
      %ne3A_322 = arith.constant 0 : i32
      %ne3A_323 = vector.broadcast %ne3A_322 : i32 to vector<128x1xi32>
      %ne3A_324 = arith.cmpi ne, %and3A_321, %ne3A_323 : vector<128x1xi32>
      %slice3A_325 = vector.extract_strided_slice %select_n3A_317 {offsets = [126, 0], sizes = [2, 128], strides = [1, 1]} : vector<128x128xf32> to vector<2x128xf32>
      %slice3A_326 = vector.extract_strided_slice %select_n3A_317 {offsets = [0, 0], sizes = [126, 128], strides = [1, 1]} : vector<128x128xf32> to vector<126x128xf32>
      %concatenate3A_327 = tpu.concatenate %slice3A_325, %slice3A_326 in 0 : vector<2x128xf32>, vector<126x128xf32> -> vector<128x128xf32>
      %slice3A_328 = vector.extract_strided_slice %select_n3A_317 {offsets = [2, 0], sizes = [126, 128], strides = [1, 1]} : vector<128x128xf32> to vector<126x128xf32>
      %slice3A_329 = vector.extract_strided_slice %select_n3A_317 {offsets = [0, 0], sizes = [2, 128], strides = [1, 1]} : vector<128x128xf32> to vector<2x128xf32>
      %concatenate3A_330 = tpu.concatenate %slice3A_328, %slice3A_329 in 0 : vector<126x128xf32>, vector<2x128xf32> -> vector<128x128xf32>
      %broadcast_in_dim3A_331 = vector.shape_cast %ne3A_324 : vector<128x1xi1> to vector<128x1xi1>
      %broadcast_in_dim3A_332 = vector.broadcast %broadcast_in_dim3A_331 : vector<128x1xi1> to vector<128x128xi1>
      %select_n3A_333 = arith.select %broadcast_in_dim3A_332, %concatenate3A_327, %concatenate3A_330 : vector<128x128xi1>, vector<128x128xf32>
      %slice3A_334 = vector.extract_strided_slice %select_n3A_318 {offsets = [126, 0], sizes = [2, 128], strides = [1, 1]} : vector<128x128xi32> to vector<2x128xi32>
      %slice3A_335 = vector.extract_strided_slice %select_n3A_318 {offsets = [0, 0], sizes = [126, 128], strides = [1, 1]} : vector<128x128xi32> to vector<126x128xi32>
      %concatenate3A_336 = tpu.concatenate %slice3A_334, %slice3A_335 in 0 : vector<2x128xi32>, vector<126x128xi32> -> vector<128x128xi32>
      %slice3A_337 = vector.extract_strided_slice %select_n3A_318 {offsets = [2, 0], sizes = [126, 128], strides = [1, 1]} : vector<128x128xi32> to vector<126x128xi32>
      %slice3A_338 = vector.extract_strided_slice %select_n3A_318 {offsets = [0, 0], sizes = [2, 128], strides = [1, 1]} : vector<128x128xi32> to vector<2x128xi32>
      %concatenate3A_339 = tpu.concatenate %slice3A_337, %slice3A_338 in 0 : vector<126x128xi32>, vector<2x128xi32> -> vector<128x128xi32>
      %broadcast_in_dim3A_340 = vector.shape_cast %ne3A_324 : vector<128x1xi1> to vector<128x1xi1>
      %broadcast_in_dim3A_341 = vector.broadcast %broadcast_in_dim3A_340 : vector<128x1xi1> to vector<128x128xi1>
      %select_n3A_342 = arith.select %broadcast_in_dim3A_341, %concatenate3A_336, %concatenate3A_339 : vector<128x128xi1>, vector<128x128xi32>
      %gt3A_343 = arith.cmpf ogt, %select_n3A_317, %select_n3A_333 : vector<128x128xf32>
      %eq3A_344 = arith.cmpf oeq, %select_n3A_317, %select_n3A_333 : vector<128x128xf32>
      %gt3A_345 = arith.cmpi sgt, %select_n3A_318, %select_n3A_342 : vector<128x128xi32>
      %and3A_346 = arith.andi %eq3A_344, %gt3A_345 : vector<128x128xi1>
      %or3A_347 = arith.ori %gt3A_343, %and3A_346 : vector<128x128xi1>
      %eq3A_348 = arith.xori %ne3A_324, %eq3A_282 : vector<128x1xi1>
      %eq3A_349 = arith.constant dense<true> : vector<128x1xi1>
      %eq3A_350 = arith.xori %eq3A_348, %eq3A_349 : vector<128x1xi1>
      %xor3A_351 = vector.broadcast %eq3A_350 : vector<128x1xi1> to vector<128x128xi1>
      %xor3A_352 = arith.xori %or3A_347, %xor3A_351 : vector<128x128xi1>
      %select_n3A_353 = arith.select %xor3A_352, %select_n3A_333, %select_n3A_317 : vector<128x128xi1>, vector<128x128xf32>
      %select_n3A_354 = arith.select %xor3A_352, %select_n3A_342, %select_n3A_318 : vector<128x128xi1>, vector<128x128xi32>
      %and3A_355 = arith.constant 1 : i32
      %and3A_356 = vector.broadcast %and3A_355 : i32 to vector<128x1xi32>
      %and3A_357 = arith.andi %iota3A_7, %and3A_356 : vector<128x1xi32>
      %ne3A_358 = arith.constant 0 : i32
      %ne3A_359 = vector.broadcast %ne3A_358 : i32 to vector<128x1xi32>
      %ne3A_360 = arith.cmpi ne, %and3A_357, %ne3A_359 : vector<128x1xi32>
      %slice3A_361 = vector.extract_strided_slice %select_n3A_353 {offsets = [127, 0], sizes = [1, 128], strides = [1, 1]} : vector<128x128xf32> to vector<1x128xf32>
      %slice3A_362 = vector.extract_strided_slice %select_n3A_353 {offsets = [0, 0], sizes = [127, 128], strides = [1, 1]} : vector<128x128xf32> to vector<127x128xf32>
      %concatenate3A_363 = tpu.concatenate %slice3A_361, %slice3A_362 in 0 : vector<1x128xf32>, vector<127x128xf32> -> vector<128x128xf32>
      %slice3A_364 = vector.extract_strided_slice %select_n3A_353 {offsets = [1, 0], sizes = [127, 128], strides = [1, 1]} : vector<128x128xf32> to vector<127x128xf32>
      %slice3A_365 = vector.extract_strided_slice %select_n3A_353 {offsets = [0, 0], sizes = [1, 128], strides = [1, 1]} : vector<128x128xf32> to vector<1x128xf32>
      %concatenate3A_366 = tpu.concatenate %slice3A_364, %slice3A_365 in 0 : vector<127x128xf32>, vector<1x128xf32> -> vector<128x128xf32>
      %broadcast_in_dim3A_367 = vector.shape_cast %ne3A_360 : vector<128x1xi1> to vector<128x1xi1>
      %broadcast_in_dim3A_368 = vector.broadcast %broadcast_in_dim3A_367 : vector<128x1xi1> to vector<128x128xi1>
      %select_n3A_369 = arith.select %broadcast_in_dim3A_368, %concatenate3A_363, %concatenate3A_366 : vector<128x128xi1>, vector<128x128xf32>
      %slice3A_370 = vector.extract_strided_slice %select_n3A_354 {offsets = [127, 0], sizes = [1, 128], strides = [1, 1]} : vector<128x128xi32> to vector<1x128xi32>
      %slice3A_371 = vector.extract_strided_slice %select_n3A_354 {offsets = [0, 0], sizes = [127, 128], strides = [1, 1]} : vector<128x128xi32> to vector<127x128xi32>
      %concatenate3A_372 = tpu.concatenate %slice3A_370, %slice3A_371 in 0 : vector<1x128xi32>, vector<127x128xi32> -> vector<128x128xi32>
      %slice3A_373 = vector.extract_strided_slice %select_n3A_354 {offsets = [1, 0], sizes = [127, 128], strides = [1, 1]} : vector<128x128xi32> to vector<127x128xi32>
      %slice3A_374 = vector.extract_strided_slice %select_n3A_354 {offsets = [0, 0], sizes = [1, 128], strides = [1, 1]} : vector<128x128xi32> to vector<1x128xi32>
      %concatenate3A_375 = tpu.concatenate %slice3A_373, %slice3A_374 in 0 : vector<127x128xi32>, vector<1x128xi32> -> vector<128x128xi32>
      %broadcast_in_dim3A_376 = vector.shape_cast %ne3A_360 : vector<128x1xi1> to vector<128x1xi1>
      %broadcast_in_dim3A_377 = vector.broadcast %broadcast_in_dim3A_376 : vector<128x1xi1> to vector<128x128xi1>
      %select_n3A_378 = arith.select %broadcast_in_dim3A_377, %concatenate3A_372, %concatenate3A_375 : vector<128x128xi1>, vector<128x128xi32>
      %gt3A_379 = arith.cmpf ogt, %select_n3A_353, %select_n3A_369 : vector<128x128xf32>
      %eq3A_380 = arith.cmpf oeq, %select_n3A_353, %select_n3A_369 : vector<128x128xf32>
      %gt3A_381 = arith.cmpi sgt, %select_n3A_354, %select_n3A_378 : vector<128x128xi32>
      %and3A_382 = arith.andi %eq3A_380, %gt3A_381 : vector<128x128xi1>
      %or3A_383 = arith.ori %gt3A_379, %and3A_382 : vector<128x128xi1>
      %eq3A_384 = arith.xori %ne3A_360, %eq3A_282 : vector<128x1xi1>
      %eq3A_385 = arith.constant dense<true> : vector<128x1xi1>
      %eq3A_386 = arith.xori %eq3A_384, %eq3A_385 : vector<128x1xi1>
      %xor3A_387 = vector.broadcast %eq3A_386 : vector<128x1xi1> to vector<128x128xi1>
      %xor3A_388 = arith.xori %or3A_383, %xor3A_387 : vector<128x128xi1>
      %select_n3A_389 = arith.select %xor3A_388, %select_n3A_369, %select_n3A_353 : vector<128x128xi1>, vector<128x128xf32>
      %select_n3A_390 = arith.select %xor3A_388, %select_n3A_378, %select_n3A_354 : vector<128x128xi1>, vector<128x128xi32>
      %and3A_391 = arith.constant 16 : i32
      %and3A_392 = vector.broadcast %and3A_391 : i32 to vector<128x1xi32>
      %and3A_393 = arith.andi %add3A_166, %and3A_392 : vector<128x1xi32>
      %eq3A_394 = arith.constant 0 : i32
      %eq3A_395 = vector.broadcast %eq3A_394 : i32 to vector<128x1xi32>
      %eq3A_396 = arith.cmpi eq, %and3A_393, %eq3A_395 : vector<128x1xi32>
      %and3A_397 = arith.constant 8 : i32
      %and3A_398 = vector.broadcast %and3A_397 : i32 to vector<128x1xi32>
      %and3A_399 = arith.andi %iota3A_7, %and3A_398 : vector<128x1xi32>
      %ne3A_400 = arith.constant 0 : i32
      %ne3A_401 = vector.broadcast %ne3A_400 : i32 to vector<128x1xi32>
      %ne3A_402 = arith.cmpi ne, %and3A_399, %ne3A_401 : vector<128x1xi32>
      %slice3A_403 = vector.extract_strided_slice %select_n3A_389 {offsets = [120, 0], sizes = [8, 128], strides = [1, 1]} : vector<128x128xf32> to vector<8x128xf32>
      %slice3A_404 = vector.extract_strided_slice %select_n3A_389 {offsets = [0, 0], sizes = [120, 128], strides = [1, 1]} : vector<128x128xf32> to vector<120x128xf32>
      %concatenate3A_405 = tpu.concatenate %slice3A_403, %slice3A_404 in 0 : vector<8x128xf32>, vector<120x128xf32> -> vector<128x128xf32>
      %slice3A_406 = vector.extract_strided_slice %select_n3A_389 {offsets = [8, 0], sizes = [120, 128], strides = [1, 1]} : vector<128x128xf32> to vector<120x128xf32>
      %slice3A_407 = vector.extract_strided_slice %select_n3A_389 {offsets = [0, 0], sizes = [8, 128], strides = [1, 1]} : vector<128x128xf32> to vector<8x128xf32>
      %concatenate3A_408 = tpu.concatenate %slice3A_406, %slice3A_407 in 0 : vector<120x128xf32>, vector<8x128xf32> -> vector<128x128xf32>
      %broadcast_in_dim3A_409 = vector.shape_cast %ne3A_402 : vector<128x1xi1> to vector<128x1xi1>
      %broadcast_in_dim3A_410 = vector.broadcast %broadcast_in_dim3A_409 : vector<128x1xi1> to vector<128x128xi1>
      %select_n3A_411 = arith.select %broadcast_in_dim3A_410, %concatenate3A_405, %concatenate3A_408 : vector<128x128xi1>, vector<128x128xf32>
      %slice3A_412 = vector.extract_strided_slice %select_n3A_390 {offsets = [120, 0], sizes = [8, 128], strides = [1, 1]} : vector<128x128xi32> to vector<8x128xi32>
      %slice3A_413 = vector.extract_strided_slice %select_n3A_390 {offsets = [0, 0], sizes = [120, 128], strides = [1, 1]} : vector<128x128xi32> to vector<120x128xi32>
      %concatenate3A_414 = tpu.concatenate %slice3A_412, %slice3A_413 in 0 : vector<8x128xi32>, vector<120x128xi32> -> vector<128x128xi32>
      %slice3A_415 = vector.extract_strided_slice %select_n3A_390 {offsets = [8, 0], sizes = [120, 128], strides = [1, 1]} : vector<128x128xi32> to vector<120x128xi32>
      %slice3A_416 = vector.extract_strided_slice %select_n3A_390 {offsets = [0, 0], sizes = [8, 128], strides = [1, 1]} : vector<128x128xi32> to vector<8x128xi32>
      %concatenate3A_417 = tpu.concatenate %slice3A_415, %slice3A_416 in 0 : vector<120x128xi32>, vector<8x128xi32> -> vector<128x128xi32>
      %broadcast_in_dim3A_418 = vector.shape_cast %ne3A_402 : vector<128x1xi1> to vector<128x1xi1>
      %broadcast_in_dim3A_419 = vector.broadcast %broadcast_in_dim3A_418 : vector<128x1xi1> to vector<128x128xi1>
      %select_n3A_420 = arith.select %broadcast_in_dim3A_419, %concatenate3A_414, %concatenate3A_417 : vector<128x128xi1>, vector<128x128xi32>
      %gt3A_421 = arith.cmpf ogt, %select_n3A_389, %select_n3A_411 : vector<128x128xf32>
      %eq3A_422 = arith.cmpf oeq, %select_n3A_389, %select_n3A_411 : vector<128x128xf32>
      %gt3A_423 = arith.cmpi sgt, %select_n3A_390, %select_n3A_420 : vector<128x128xi32>
      %and3A_424 = arith.andi %eq3A_422, %gt3A_423 : vector<128x128xi1>
      %or3A_425 = arith.ori %gt3A_421, %and3A_424 : vector<128x128xi1>
      %eq3A_426 = arith.xori %ne3A_402, %eq3A_396 : vector<128x1xi1>
      %eq3A_427 = arith.constant dense<true> : vector<128x1xi1>
      %eq3A_428 = arith.xori %eq3A_426, %eq3A_427 : vector<128x1xi1>
      %xor3A_429 = vector.broadcast %eq3A_428 : vector<128x1xi1> to vector<128x128xi1>
      %xor3A_430 = arith.xori %or3A_425, %xor3A_429 : vector<128x128xi1>
      %select_n3A_431 = arith.select %xor3A_430, %select_n3A_411, %select_n3A_389 : vector<128x128xi1>, vector<128x128xf32>
      %select_n3A_432 = arith.select %xor3A_430, %select_n3A_420, %select_n3A_390 : vector<128x128xi1>, vector<128x128xi32>
      %and3A_433 = arith.constant 4 : i32
      %and3A_434 = vector.broadcast %and3A_433 : i32 to vector<128x1xi32>
      %and3A_435 = arith.andi %iota3A_7, %and3A_434 : vector<128x1xi32>
      %ne3A_436 = arith.constant 0 : i32
      %ne3A_437 = vector.broadcast %ne3A_436 : i32 to vector<128x1xi32>
      %ne3A_438 = arith.cmpi ne, %and3A_435, %ne3A_437 : vector<128x1xi32>
      %slice3A_439 = vector.extract_strided_slice %select_n3A_431 {offsets = [124, 0], sizes = [4, 128], strides = [1, 1]} : vector<128x128xf32> to vector<4x128xf32>
      %slice3A_440 = vector.extract_strided_slice %select_n3A_431 {offsets = [0, 0], sizes = [124, 128], strides = [1, 1]} : vector<128x128xf32> to vector<124x128xf32>
      %concatenate3A_441 = tpu.concatenate %slice3A_439, %slice3A_440 in 0 : vector<4x128xf32>, vector<124x128xf32> -> vector<128x128xf32>
      %slice3A_442 = vector.extract_strided_slice %select_n3A_431 {offsets = [4, 0], sizes = [124, 128], strides = [1, 1]} : vector<128x128xf32> to vector<124x128xf32>
      %slice3A_443 = vector.extract_strided_slice %select_n3A_431 {offsets = [0, 0], sizes = [4, 128], strides = [1, 1]} : vector<128x128xf32> to vector<4x128xf32>
      %concatenate3A_444 = tpu.concatenate %slice3A_442, %slice3A_443 in 0 : vector<124x128xf32>, vector<4x128xf32> -> vector<128x128xf32>
      %broadcast_in_dim3A_445 = vector.shape_cast %ne3A_438 : vector<128x1xi1> to vector<128x1xi1>
      %broadcast_in_dim3A_446 = vector.broadcast %broadcast_in_dim3A_445 : vector<128x1xi1> to vector<128x128xi1>
      %select_n3A_447 = arith.select %broadcast_in_dim3A_446, %concatenate3A_441, %concatenate3A_444 : vector<128x128xi1>, vector<128x128xf32>
      %slice3A_448 = vector.extract_strided_slice %select_n3A_432 {offsets = [124, 0], sizes = [4, 128], strides = [1, 1]} : vector<128x128xi32> to vector<4x128xi32>
      %slice3A_449 = vector.extract_strided_slice %select_n3A_432 {offsets = [0, 0], sizes = [124, 128], strides = [1, 1]} : vector<128x128xi32> to vector<124x128xi32>
      %concatenate3A_450 = tpu.concatenate %slice3A_448, %slice3A_449 in 0 : vector<4x128xi32>, vector<124x128xi32> -> vector<128x128xi32>
      %slice3A_451 = vector.extract_strided_slice %select_n3A_432 {offsets = [4, 0], sizes = [124, 128], strides = [1, 1]} : vector<128x128xi32> to vector<124x128xi32>
      %slice3A_452 = vector.extract_strided_slice %select_n3A_432 {offsets = [0, 0], sizes = [4, 128], strides = [1, 1]} : vector<128x128xi32> to vector<4x128xi32>
      %concatenate3A_453 = tpu.concatenate %slice3A_451, %slice3A_452 in 0 : vector<124x128xi32>, vector<4x128xi32> -> vector<128x128xi32>
      %broadcast_in_dim3A_454 = vector.shape_cast %ne3A_438 : vector<128x1xi1> to vector<128x1xi1>
      %broadcast_in_dim3A_455 = vector.broadcast %broadcast_in_dim3A_454 : vector<128x1xi1> to vector<128x128xi1>
      %select_n3A_456 = arith.select %broadcast_in_dim3A_455, %concatenate3A_450, %concatenate3A_453 : vector<128x128xi1>, vector<128x128xi32>
      %gt3A_457 = arith.cmpf ogt, %select_n3A_431, %select_n3A_447 : vector<128x128xf32>
      %eq3A_458 = arith.cmpf oeq, %select_n3A_431, %select_n3A_447 : vector<128x128xf32>
      %gt3A_459 = arith.cmpi sgt, %select_n3A_432, %select_n3A_456 : vector<128x128xi32>
      %and3A_460 = arith.andi %eq3A_458, %gt3A_459 : vector<128x128xi1>
      %or3A_461 = arith.ori %gt3A_457, %and3A_460 : vector<128x128xi1>
      %eq3A_462 = arith.xori %ne3A_438, %eq3A_396 : vector<128x1xi1>
      %eq3A_463 = arith.constant dense<true> : vector<128x1xi1>
      %eq3A_464 = arith.xori %eq3A_462, %eq3A_463 : vector<128x1xi1>
      %xor3A_465 = vector.broadcast %eq3A_464 : vector<128x1xi1> to vector<128x128xi1>
      %xor3A_466 = arith.xori %or3A_461, %xor3A_465 : vector<128x128xi1>
      %select_n3A_467 = arith.select %xor3A_466, %select_n3A_447, %select_n3A_431 : vector<128x128xi1>, vector<128x128xf32>
      %select_n3A_468 = arith.select %xor3A_466, %select_n3A_456, %select_n3A_432 : vector<128x128xi1>, vector<128x128xi32>
      %and3A_469 = arith.constant 2 : i32
      %and3A_470 = vector.broadcast %and3A_469 : i32 to vector<128x1xi32>
      %and3A_471 = arith.andi %iota3A_7, %and3A_470 : vector<128x1xi32>
      %ne3A_472 = arith.constant 0 : i32
      %ne3A_473 = vector.broadcast %ne3A_472 : i32 to vector<128x1xi32>
      %ne3A_474 = arith.cmpi ne, %and3A_471, %ne3A_473 : vector<128x1xi32>
      %slice3A_475 = vector.extract_strided_slice %select_n3A_467 {offsets = [126, 0], sizes = [2, 128], strides = [1, 1]} : vector<128x128xf32> to vector<2x128xf32>
      %slice3A_476 = vector.extract_strided_slice %select_n3A_467 {offsets = [0, 0], sizes = [126, 128], strides = [1, 1]} : vector<128x128xf32> to vector<126x128xf32>
      %concatenate3A_477 = tpu.concatenate %slice3A_475, %slice3A_476 in 0 : vector<2x128xf32>, vector<126x128xf32> -> vector<128x128xf32>
      %slice3A_478 = vector.extract_strided_slice %select_n3A_467 {offsets = [2, 0], sizes = [126, 128], strides = [1, 1]} : vector<128x128xf32> to vector<126x128xf32>
      %slice3A_479 = vector.extract_strided_slice %select_n3A_467 {offsets = [0, 0], sizes = [2, 128], strides = [1, 1]} : vector<128x128xf32> to vector<2x128xf32>
      %concatenate3A_480 = tpu.concatenate %slice3A_478, %slice3A_479 in 0 : vector<126x128xf32>, vector<2x128xf32> -> vector<128x128xf32>
      %broadcast_in_dim3A_481 = vector.shape_cast %ne3A_474 : vector<128x1xi1> to vector<128x1xi1>
      %broadcast_in_dim3A_482 = vector.broadcast %broadcast_in_dim3A_481 : vector<128x1xi1> to vector<128x128xi1>
      %select_n3A_483 = arith.select %broadcast_in_dim3A_482, %concatenate3A_477, %concatenate3A_480 : vector<128x128xi1>, vector<128x128xf32>
      %slice3A_484 = vector.extract_strided_slice %select_n3A_468 {offsets = [126, 0], sizes = [2, 128], strides = [1, 1]} : vector<128x128xi32> to vector<2x128xi32>
      %slice3A_485 = vector.extract_strided_slice %select_n3A_468 {offsets = [0, 0], sizes = [126, 128], strides = [1, 1]} : vector<128x128xi32> to vector<126x128xi32>
      %concatenate3A_486 = tpu.concatenate %slice3A_484, %slice3A_485 in 0 : vector<2x128xi32>, vector<126x128xi32> -> vector<128x128xi32>
      %slice3A_487 = vector.extract_strided_slice %select_n3A_468 {offsets = [2, 0], sizes = [126, 128], strides = [1, 1]} : vector<128x128xi32> to vector<126x128xi32>
      %slice3A_488 = vector.extract_strided_slice %select_n3A_468 {offsets = [0, 0], sizes = [2, 128], strides = [1, 1]} : vector<128x128xi32> to vector<2x128xi32>
      %concatenate3A_489 = tpu.concatenate %slice3A_487, %slice3A_488 in 0 : vector<126x128xi32>, vector<2x128xi32> -> vector<128x128xi32>
      %broadcast_in_dim3A_490 = vector.shape_cast %ne3A_474 : vector<128x1xi1> to vector<128x1xi1>
      %broadcast_in_dim3A_491 = vector.broadcast %broadcast_in_dim3A_490 : vector<128x1xi1> to vector<128x128xi1>
      %select_n3A_492 = arith.select %broadcast_in_dim3A_491, %concatenate3A_486, %concatenate3A_489 : vector<128x128xi1>, vector<128x128xi32>
      %gt3A_493 = arith.cmpf ogt, %select_n3A_467, %select_n3A_483 : vector<128x128xf32>
      %eq3A_494 = arith.cmpf oeq, %select_n3A_467, %select_n3A_483 : vector<128x128xf32>
      %gt3A_495 = arith.cmpi sgt, %select_n3A_468, %select_n3A_492 : vector<128x128xi32>
      %and3A_496 = arith.andi %eq3A_494, %gt3A_495 : vector<128x128xi1>
      %or3A_497 = arith.ori %gt3A_493, %and3A_496 : vector<128x128xi1>
      %eq3A_498 = arith.xori %ne3A_474, %eq3A_396 : vector<128x1xi1>
      %eq3A_499 = arith.constant dense<true> : vector<128x1xi1>
      %eq3A_500 = arith.xori %eq3A_498, %eq3A_499 : vector<128x1xi1>
      %xor3A_501 = vector.broadcast %eq3A_500 : vector<128x1xi1> to vector<128x128xi1>
      %xor3A_502 = arith.xori %or3A_497, %xor3A_501 : vector<128x128xi1>
      %select_n3A_503 = arith.select %xor3A_502, %select_n3A_483, %select_n3A_467 : vector<128x128xi1>, vector<128x128xf32>
      %select_n3A_504 = arith.select %xor3A_502, %select_n3A_492, %select_n3A_468 : vector<128x128xi1>, vector<128x128xi32>
      %and3A_505 = arith.constant 1 : i32
      %and3A_506 = vector.broadcast %and3A_505 : i32 to vector<128x1xi32>
      %and3A_507 = arith.andi %iota3A_7, %and3A_506 : vector<128x1xi32>
      %ne3A_508 = arith.constant 0 : i32
      %ne3A_509 = vector.broadcast %ne3A_508 : i32 to vector<128x1xi32>
      %ne3A_510 = arith.cmpi ne, %and3A_507, %ne3A_509 : vector<128x1xi32>
      %slice3A_511 = vector.extract_strided_slice %select_n3A_503 {offsets = [127, 0], sizes = [1, 128], strides = [1, 1]} : vector<128x128xf32> to vector<1x128xf32>
      %slice3A_512 = vector.extract_strided_slice %select_n3A_503 {offsets = [0, 0], sizes = [127, 128], strides = [1, 1]} : vector<128x128xf32> to vector<127x128xf32>
      %concatenate3A_513 = tpu.concatenate %slice3A_511, %slice3A_512 in 0 : vector<1x128xf32>, vector<127x128xf32> -> vector<128x128xf32>
      %slice3A_514 = vector.extract_strided_slice %select_n3A_503 {offsets = [1, 0], sizes = [127, 128], strides = [1, 1]} : vector<128x128xf32> to vector<127x128xf32>
      %slice3A_515 = vector.extract_strided_slice %select_n3A_503 {offsets = [0, 0], sizes = [1, 128], strides = [1, 1]} : vector<128x128xf32> to vector<1x128xf32>
      %concatenate3A_516 = tpu.concatenate %slice3A_514, %slice3A_515 in 0 : vector<127x128xf32>, vector<1x128xf32> -> vector<128x128xf32>
      %broadcast_in_dim3A_517 = vector.shape_cast %ne3A_510 : vector<128x1xi1> to vector<128x1xi1>
      %broadcast_in_dim3A_518 = vector.broadcast %broadcast_in_dim3A_517 : vector<128x1xi1> to vector<128x128xi1>
      %select_n3A_519 = arith.select %broadcast_in_dim3A_518, %concatenate3A_513, %concatenate3A_516 : vector<128x128xi1>, vector<128x128xf32>
      %slice3A_520 = vector.extract_strided_slice %select_n3A_504 {offsets = [127, 0], sizes = [1, 128], strides = [1, 1]} : vector<128x128xi32> to vector<1x128xi32>
      %slice3A_521 = vector.extract_strided_slice %select_n3A_504 {offsets = [0, 0], sizes = [127, 128], strides = [1, 1]} : vector<128x128xi32> to vector<127x128xi32>
      %concatenate3A_522 = tpu.concatenate %slice3A_520, %slice3A_521 in 0 : vector<1x128xi32>, vector<127x128xi32> -> vector<128x128xi32>
      %slice3A_523 = vector.extract_strided_slice %select_n3A_504 {offsets = [1, 0], sizes = [127, 128], strides = [1, 1]} : vector<128x128xi32> to vector<127x128xi32>
      %slice3A_524 = vector.extract_strided_slice %select_n3A_504 {offsets = [0, 0], sizes = [1, 128], strides = [1, 1]} : vector<128x128xi32> to vector<1x128xi32>
      %concatenate3A_525 = tpu.concatenate %slice3A_523, %slice3A_524 in 0 : vector<127x128xi32>, vector<1x128xi32> -> vector<128x128xi32>
      %broadcast_in_dim3A_526 = vector.shape_cast %ne3A_510 : vector<128x1xi1> to vector<128x1xi1>
      %broadcast_in_dim3A_527 = vector.broadcast %broadcast_in_dim3A_526 : vector<128x1xi1> to vector<128x128xi1>
      %select_n3A_528 = arith.select %broadcast_in_dim3A_527, %concatenate3A_522, %concatenate3A_525 : vector<128x128xi1>, vector<128x128xi32>
      %gt3A_529 = arith.cmpf ogt, %select_n3A_503, %select_n3A_519 : vector<128x128xf32>
      %eq3A_530 = arith.cmpf oeq, %select_n3A_503, %select_n3A_519 : vector<128x128xf32>
      %gt3A_531 = arith.cmpi sgt, %select_n3A_504, %select_n3A_528 : vector<128x128xi32>
      %and3A_532 = arith.andi %eq3A_530, %gt3A_531 : vector<128x128xi1>
      %or3A_533 = arith.ori %gt3A_529, %and3A_532 : vector<128x128xi1>
      %eq3A_534 = arith.xori %ne3A_510, %eq3A_396 : vector<128x1xi1>
      %eq3A_535 = arith.constant dense<true> : vector<128x1xi1>
      %eq3A_536 = arith.xori %eq3A_534, %eq3A_535 : vector<128x1xi1>
      %xor3A_537 = vector.broadcast %eq3A_536 : vector<128x1xi1> to vector<128x128xi1>
      %xor3A_538 = arith.xori %or3A_533, %xor3A_537 : vector<128x128xi1>
      %select_n3A_539 = arith.select %xor3A_538, %select_n3A_519, %select_n3A_503 : vector<128x128xi1>, vector<128x128xf32>
      %select_n3A_540 = arith.select %xor3A_538, %select_n3A_528, %select_n3A_504 : vector<128x128xi1>, vector<128x128xi32>
      %and3A_541 = arith.constant 32 : i32
      %and3A_542 = vector.broadcast %and3A_541 : i32 to vector<128x1xi32>
      %and3A_543 = arith.andi %add3A_166, %and3A_542 : vector<128x1xi32>
      %eq3A_544 = arith.constant 0 : i32
      %eq3A_545 = vector.broadcast %eq3A_544 : i32 to vector<128x1xi32>
      %eq3A_546 = arith.cmpi eq, %and3A_543, %eq3A_545 : vector<128x1xi32>
      %and3A_547 = arith.constant 16 : i32
      %and3A_548 = vector.broadcast %and3A_547 : i32 to vector<128x1xi32>
      %and3A_549 = arith.andi %iota3A_7, %and3A_548 : vector<128x1xi32>
      %ne3A_550 = arith.constant 0 : i32
      %ne3A_551 = vector.broadcast %ne3A_550 : i32 to vector<128x1xi32>
      %ne3A_552 = arith.cmpi ne, %and3A_549, %ne3A_551 : vector<128x1xi32>
      %slice3A_553 = vector.extract_strided_slice %select_n3A_539 {offsets = [112, 0], sizes = [16, 128], strides = [1, 1]} : vector<128x128xf32> to vector<16x128xf32>
      %slice3A_554 = vector.extract_strided_slice %select_n3A_539 {offsets = [0, 0], sizes = [112, 128], strides = [1, 1]} : vector<128x128xf32> to vector<112x128xf32>
      %concatenate3A_555 = tpu.concatenate %slice3A_553, %slice3A_554 in 0 : vector<16x128xf32>, vector<112x128xf32> -> vector<128x128xf32>
      %slice3A_556 = vector.extract_strided_slice %select_n3A_539 {offsets = [16, 0], sizes = [112, 128], strides = [1, 1]} : vector<128x128xf32> to vector<112x128xf32>
      %slice3A_557 = vector.extract_strided_slice %select_n3A_539 {offsets = [0, 0], sizes = [16, 128], strides = [1, 1]} : vector<128x128xf32> to vector<16x128xf32>
      %concatenate3A_558 = tpu.concatenate %slice3A_556, %slice3A_557 in 0 : vector<112x128xf32>, vector<16x128xf32> -> vector<128x128xf32>
      %broadcast_in_dim3A_559 = vector.shape_cast %ne3A_552 : vector<128x1xi1> to vector<128x1xi1>
      %broadcast_in_dim3A_560 = vector.broadcast %broadcast_in_dim3A_559 : vector<128x1xi1> to vector<128x128xi1>
      %select_n3A_561 = arith.select %broadcast_in_dim3A_560, %concatenate3A_555, %concatenate3A_558 : vector<128x128xi1>, vector<128x128xf32>
      %slice3A_562 = vector.extract_strided_slice %select_n3A_540 {offsets = [112, 0], sizes = [16, 128], strides = [1, 1]} : vector<128x128xi32> to vector<16x128xi32>
      %slice3A_563 = vector.extract_strided_slice %select_n3A_540 {offsets = [0, 0], sizes = [112, 128], strides = [1, 1]} : vector<128x128xi32> to vector<112x128xi32>
      %concatenate3A_564 = tpu.concatenate %slice3A_562, %slice3A_563 in 0 : vector<16x128xi32>, vector<112x128xi32> -> vector<128x128xi32>
      %slice3A_565 = vector.extract_strided_slice %select_n3A_540 {offsets = [16, 0], sizes = [112, 128], strides = [1, 1]} : vector<128x128xi32> to vector<112x128xi32>
      %slice3A_566 = vector.extract_strided_slice %select_n3A_540 {offsets = [0, 0], sizes = [16, 128], strides = [1, 1]} : vector<128x128xi32> to vector<16x128xi32>
      %concatenate3A_567 = tpu.concatenate %slice3A_565, %slice3A_566 in 0 : vector<112x128xi32>, vector<16x128xi32> -> vector<128x128xi32>
      %broadcast_in_dim3A_568 = vector.shape_cast %ne3A_552 : vector<128x1xi1> to vector<128x1xi1>
      %broadcast_in_dim3A_569 = vector.broadcast %broadcast_in_dim3A_568 : vector<128x1xi1> to vector<128x128xi1>
      %select_n3A_570 = arith.select %broadcast_in_dim3A_569, %concatenate3A_564, %concatenate3A_567 : vector<128x128xi1>, vector<128x128xi32>
      %gt3A_571 = arith.cmpf ogt, %select_n3A_539, %select_n3A_561 : vector<128x128xf32>
      %eq3A_572 = arith.cmpf oeq, %select_n3A_539, %select_n3A_561 : vector<128x128xf32>
      %gt3A_573 = arith.cmpi sgt, %select_n3A_540, %select_n3A_570 : vector<128x128xi32>
      %and3A_574 = arith.andi %eq3A_572, %gt3A_573 : vector<128x128xi1>
      %or3A_575 = arith.ori %gt3A_571, %and3A_574 : vector<128x128xi1>
      %eq3A_576 = arith.xori %ne3A_552, %eq3A_546 : vector<128x1xi1>
      %eq3A_577 = arith.constant dense<true> : vector<128x1xi1>
      %eq3A_578 = arith.xori %eq3A_576, %eq3A_577 : vector<128x1xi1>
      %xor3A_579 = vector.broadcast %eq3A_578 : vector<128x1xi1> to vector<128x128xi1>
      %xor3A_580 = arith.xori %or3A_575, %xor3A_579 : vector<128x128xi1>
      %select_n3A_581 = arith.select %xor3A_580, %select_n3A_561, %select_n3A_539 : vector<128x128xi1>, vector<128x128xf32>
      %select_n3A_582 = arith.select %xor3A_580, %select_n3A_570, %select_n3A_540 : vector<128x128xi1>, vector<128x128xi32>
      %and3A_583 = arith.constant 8 : i32
      %and3A_584 = vector.broadcast %and3A_583 : i32 to vector<128x1xi32>
      %and3A_585 = arith.andi %iota3A_7, %and3A_584 : vector<128x1xi32>
      %ne3A_586 = arith.constant 0 : i32
      %ne3A_587 = vector.broadcast %ne3A_586 : i32 to vector<128x1xi32>
      %ne3A_588 = arith.cmpi ne, %and3A_585, %ne3A_587 : vector<128x1xi32>
      %slice3A_589 = vector.extract_strided_slice %select_n3A_581 {offsets = [120, 0], sizes = [8, 128], strides = [1, 1]} : vector<128x128xf32> to vector<8x128xf32>
      %slice3A_590 = vector.extract_strided_slice %select_n3A_581 {offsets = [0, 0], sizes = [120, 128], strides = [1, 1]} : vector<128x128xf32> to vector<120x128xf32>
      %concatenate3A_591 = tpu.concatenate %slice3A_589, %slice3A_590 in 0 : vector<8x128xf32>, vector<120x128xf32> -> vector<128x128xf32>
      %slice3A_592 = vector.extract_strided_slice %select_n3A_581 {offsets = [8, 0], sizes = [120, 128], strides = [1, 1]} : vector<128x128xf32> to vector<120x128xf32>
      %slice3A_593 = vector.extract_strided_slice %select_n3A_581 {offsets = [0, 0], sizes = [8, 128], strides = [1, 1]} : vector<128x128xf32> to vector<8x128xf32>
      %concatenate3A_594 = tpu.concatenate %slice3A_592, %slice3A_593 in 0 : vector<120x128xf32>, vector<8x128xf32> -> vector<128x128xf32>
      %broadcast_in_dim3A_595 = vector.shape_cast %ne3A_588 : vector<128x1xi1> to vector<128x1xi1>
      %broadcast_in_dim3A_596 = vector.broadcast %broadcast_in_dim3A_595 : vector<128x1xi1> to vector<128x128xi1>
      %select_n3A_597 = arith.select %broadcast_in_dim3A_596, %concatenate3A_591, %concatenate3A_594 : vector<128x128xi1>, vector<128x128xf32>
      %slice3A_598 = vector.extract_strided_slice %select_n3A_582 {offsets = [120, 0], sizes = [8, 128], strides = [1, 1]} : vector<128x128xi32> to vector<8x128xi32>
      %slice3A_599 = vector.extract_strided_slice %select_n3A_582 {offsets = [0, 0], sizes = [120, 128], strides = [1, 1]} : vector<128x128xi32> to vector<120x128xi32>
      %concatenate3A_600 = tpu.concatenate %slice3A_598, %slice3A_599 in 0 : vector<8x128xi32>, vector<120x128xi32> -> vector<128x128xi32>
      %slice3A_601 = vector.extract_strided_slice %select_n3A_582 {offsets = [8, 0], sizes = [120, 128], strides = [1, 1]} : vector<128x128xi32> to vector<120x128xi32>
      %slice3A_602 = vector.extract_strided_slice %select_n3A_582 {offsets = [0, 0], sizes = [8, 128], strides = [1, 1]} : vector<128x128xi32> to vector<8x128xi32>
      %concatenate3A_603 = tpu.concatenate %slice3A_601, %slice3A_602 in 0 : vector<120x128xi32>, vector<8x128xi32> -> vector<128x128xi32>
      %broadcast_in_dim3A_604 = vector.shape_cast %ne3A_588 : vector<128x1xi1> to vector<128x1xi1>
      %broadcast_in_dim3A_605 = vector.broadcast %broadcast_in_dim3A_604 : vector<128x1xi1> to vector<128x128xi1>
      %select_n3A_606 = arith.select %broadcast_in_dim3A_605, %concatenate3A_600, %concatenate3A_603 : vector<128x128xi1>, vector<128x128xi32>
      %gt3A_607 = arith.cmpf ogt, %select_n3A_581, %select_n3A_597 : vector<128x128xf32>
      %eq3A_608 = arith.cmpf oeq, %select_n3A_581, %select_n3A_597 : vector<128x128xf32>
      %gt3A_609 = arith.cmpi sgt, %select_n3A_582, %select_n3A_606 : vector<128x128xi32>
      %and3A_610 = arith.andi %eq3A_608, %gt3A_609 : vector<128x128xi1>
      %or3A_611 = arith.ori %gt3A_607, %and3A_610 : vector<128x128xi1>
      %eq3A_612 = arith.xori %ne3A_588, %eq3A_546 : vector<128x1xi1>
      %eq3A_613 = arith.constant dense<true> : vector<128x1xi1>
      %eq3A_614 = arith.xori %eq3A_612, %eq3A_613 : vector<128x1xi1>
      %xor3A_615 = vector.broadcast %eq3A_614 : vector<128x1xi1> to vector<128x128xi1>
      %xor3A_616 = arith.xori %or3A_611, %xor3A_615 : vector<128x128xi1>
      %select_n3A_617 = arith.select %xor3A_616, %select_n3A_597, %select_n3A_581 : vector<128x128xi1>, vector<128x128xf32>
      %select_n3A_618 = arith.select %xor3A_616, %select_n3A_606, %select_n3A_582 : vector<128x128xi1>, vector<128x128xi32>
      %and3A_619 = arith.constant 4 : i32
      %and3A_620 = vector.broadcast %and3A_619 : i32 to vector<128x1xi32>
      %and3A_621 = arith.andi %iota3A_7, %and3A_620 : vector<128x1xi32>
      %ne3A_622 = arith.constant 0 : i32
      %ne3A_623 = vector.broadcast %ne3A_622 : i32 to vector<128x1xi32>
      %ne3A_624 = arith.cmpi ne, %and3A_621, %ne3A_623 : vector<128x1xi32>
      %slice3A_625 = vector.extract_strided_slice %select_n3A_617 {offsets = [124, 0], sizes = [4, 128], strides = [1, 1]} : vector<128x128xf32> to vector<4x128xf32>
      %slice3A_626 = vector.extract_strided_slice %select_n3A_617 {offsets = [0, 0], sizes = [124, 128], strides = [1, 1]} : vector<128x128xf32> to vector<124x128xf32>
      %concatenate3A_627 = tpu.concatenate %slice3A_625, %slice3A_626 in 0 : vector<4x128xf32>, vector<124x128xf32> -> vector<128x128xf32>
      %slice3A_628 = vector.extract_strided_slice %select_n3A_617 {offsets = [4, 0], sizes = [124, 128], strides = [1, 1]} : vector<128x128xf32> to vector<124x128xf32>
      %slice3A_629 = vector.extract_strided_slice %select_n3A_617 {offsets = [0, 0], sizes = [4, 128], strides = [1, 1]} : vector<128x128xf32> to vector<4x128xf32>
      %concatenate3A_630 = tpu.concatenate %slice3A_628, %slice3A_629 in 0 : vector<124x128xf32>, vector<4x128xf32> -> vector<128x128xf32>
      %broadcast_in_dim3A_631 = vector.shape_cast %ne3A_624 : vector<128x1xi1> to vector<128x1xi1>
      %broadcast_in_dim3A_632 = vector.broadcast %broadcast_in_dim3A_631 : vector<128x1xi1> to vector<128x128xi1>
      %select_n3A_633 = arith.select %broadcast_in_dim3A_632, %concatenate3A_627, %concatenate3A_630 : vector<128x128xi1>, vector<128x128xf32>
      %slice3A_634 = vector.extract_strided_slice %select_n3A_618 {offsets = [124, 0], sizes = [4, 128], strides = [1, 1]} : vector<128x128xi32> to vector<4x128xi32>
      %slice3A_635 = vector.extract_strided_slice %select_n3A_618 {offsets = [0, 0], sizes = [124, 128], strides = [1, 1]} : vector<128x128xi32> to vector<124x128xi32>
      %concatenate3A_636 = tpu.concatenate %slice3A_634, %slice3A_635 in 0 : vector<4x128xi32>, vector<124x128xi32> -> vector<128x128xi32>
      %slice3A_637 = vector.extract_strided_slice %select_n3A_618 {offsets = [4, 0], sizes = [124, 128], strides = [1, 1]} : vector<128x128xi32> to vector<124x128xi32>
      %slice3A_638 = vector.extract_strided_slice %select_n3A_618 {offsets = [0, 0], sizes = [4, 128], strides = [1, 1]} : vector<128x128xi32> to vector<4x128xi32>
      %concatenate3A_639 = tpu.concatenate %slice3A_637, %slice3A_638 in 0 : vector<124x128xi32>, vector<4x128xi32> -> vector<128x128xi32>
      %broadcast_in_dim3A_640 = vector.shape_cast %ne3A_624 : vector<128x1xi1> to vector<128x1xi1>
      %broadcast_in_dim3A_641 = vector.broadcast %broadcast_in_dim3A_640 : vector<128x1xi1> to vector<128x128xi1>
      %select_n3A_642 = arith.select %broadcast_in_dim3A_641, %concatenate3A_636, %concatenate3A_639 : vector<128x128xi1>, vector<128x128xi32>
      %gt3A_643 = arith.cmpf ogt, %select_n3A_617, %select_n3A_633 : vector<128x128xf32>
      %eq3A_644 = arith.cmpf oeq, %select_n3A_617, %select_n3A_633 : vector<128x128xf32>
      %gt3A_645 = arith.cmpi sgt, %select_n3A_618, %select_n3A_642 : vector<128x128xi32>
      %and3A_646 = arith.andi %eq3A_644, %gt3A_645 : vector<128x128xi1>
      %or3A_647 = arith.ori %gt3A_643, %and3A_646 : vector<128x128xi1>
      %eq3A_648 = arith.xori %ne3A_624, %eq3A_546 : vector<128x1xi1>
      %eq3A_649 = arith.constant dense<true> : vector<128x1xi1>
      %eq3A_650 = arith.xori %eq3A_648, %eq3A_649 : vector<128x1xi1>
      %xor3A_651 = vector.broadcast %eq3A_650 : vector<128x1xi1> to vector<128x128xi1>
      %xor3A_652 = arith.xori %or3A_647, %xor3A_651 : vector<128x128xi1>
      %select_n3A_653 = arith.select %xor3A_652, %select_n3A_633, %select_n3A_617 : vector<128x128xi1>, vector<128x128xf32>
      %select_n3A_654 = arith.select %xor3A_652, %select_n3A_642, %select_n3A_618 : vector<128x128xi1>, vector<128x128xi32>
      %and3A_655 = arith.constant 2 : i32
      %and3A_656 = vector.broadcast %and3A_655 : i32 to vector<128x1xi32>
      %and3A_657 = arith.andi %iota3A_7, %and3A_656 : vector<128x1xi32>
      %ne3A_658 = arith.constant 0 : i32
      %ne3A_659 = vector.broadcast %ne3A_658 : i32 to vector<128x1xi32>
      %ne3A_660 = arith.cmpi ne, %and3A_657, %ne3A_659 : vector<128x1xi32>
      %slice3A_661 = vector.extract_strided_slice %select_n3A_653 {offsets = [126, 0], sizes = [2, 128], strides = [1, 1]} : vector<128x128xf32> to vector<2x128xf32>
      %slice3A_662 = vector.extract_strided_slice %select_n3A_653 {offsets = [0, 0], sizes = [126, 128], strides = [1, 1]} : vector<128x128xf32> to vector<126x128xf32>
      %concatenate3A_663 = tpu.concatenate %slice3A_661, %slice3A_662 in 0 : vector<2x128xf32>, vector<126x128xf32> -> vector<128x128xf32>
      %slice3A_664 = vector.extract_strided_slice %select_n3A_653 {offsets = [2, 0], sizes = [126, 128], strides = [1, 1]} : vector<128x128xf32> to vector<126x128xf32>
      %slice3A_665 = vector.extract_strided_slice %select_n3A_653 {offsets = [0, 0], sizes = [2, 128], strides = [1, 1]} : vector<128x128xf32> to vector<2x128xf32>
      %concatenate3A_666 = tpu.concatenate %slice3A_664, %slice3A_665 in 0 : vector<126x128xf32>, vector<2x128xf32> -> vector<128x128xf32>
      %broadcast_in_dim3A_667 = vector.shape_cast %ne3A_660 : vector<128x1xi1> to vector<128x1xi1>
      %broadcast_in_dim3A_668 = vector.broadcast %broadcast_in_dim3A_667 : vector<128x1xi1> to vector<128x128xi1>
      %select_n3A_669 = arith.select %broadcast_in_dim3A_668, %concatenate3A_663, %concatenate3A_666 : vector<128x128xi1>, vector<128x128xf32>
      %slice3A_670 = vector.extract_strided_slice %select_n3A_654 {offsets = [126, 0], sizes = [2, 128], strides = [1, 1]} : vector<128x128xi32> to vector<2x128xi32>
      %slice3A_671 = vector.extract_strided_slice %select_n3A_654 {offsets = [0, 0], sizes = [126, 128], strides = [1, 1]} : vector<128x128xi32> to vector<126x128xi32>
      %concatenate3A_672 = tpu.concatenate %slice3A_670, %slice3A_671 in 0 : vector<2x128xi32>, vector<126x128xi32> -> vector<128x128xi32>
      %slice3A_673 = vector.extract_strided_slice %select_n3A_654 {offsets = [2, 0], sizes = [126, 128], strides = [1, 1]} : vector<128x128xi32> to vector<126x128xi32>
      %slice3A_674 = vector.extract_strided_slice %select_n3A_654 {offsets = [0, 0], sizes = [2, 128], strides = [1, 1]} : vector<128x128xi32> to vector<2x128xi32>
      %concatenate3A_675 = tpu.concatenate %slice3A_673, %slice3A_674 in 0 : vector<126x128xi32>, vector<2x128xi32> -> vector<128x128xi32>
      %broadcast_in_dim3A_676 = vector.shape_cast %ne3A_660 : vector<128x1xi1> to vector<128x1xi1>
      %broadcast_in_dim3A_677 = vector.broadcast %broadcast_in_dim3A_676 : vector<128x1xi1> to vector<128x128xi1>
      %select_n3A_678 = arith.select %broadcast_in_dim3A_677, %concatenate3A_672, %concatenate3A_675 : vector<128x128xi1>, vector<128x128xi32>
      %gt3A_679 = arith.cmpf ogt, %select_n3A_653, %select_n3A_669 : vector<128x128xf32>
      %eq3A_680 = arith.cmpf oeq, %select_n3A_653, %select_n3A_669 : vector<128x128xf32>
      %gt3A_681 = arith.cmpi sgt, %select_n3A_654, %select_n3A_678 : vector<128x128xi32>
      %and3A_682 = arith.andi %eq3A_680, %gt3A_681 : vector<128x128xi1>
      %or3A_683 = arith.ori %gt3A_679, %and3A_682 : vector<128x128xi1>
      %eq3A_684 = arith.xori %ne3A_660, %eq3A_546 : vector<128x1xi1>
      %eq3A_685 = arith.constant dense<true> : vector<128x1xi1>
      %eq3A_686 = arith.xori %eq3A_684, %eq3A_685 : vector<128x1xi1>
      %xor3A_687 = vector.broadcast %eq3A_686 : vector<128x1xi1> to vector<128x128xi1>
      %xor3A_688 = arith.xori %or3A_683, %xor3A_687 : vector<128x128xi1>
      %select_n3A_689 = arith.select %xor3A_688, %select_n3A_669, %select_n3A_653 : vector<128x128xi1>, vector<128x128xf32>
      %select_n3A_690 = arith.select %xor3A_688, %select_n3A_678, %select_n3A_654 : vector<128x128xi1>, vector<128x128xi32>
      %and3A_691 = arith.constant 1 : i32
      %and3A_692 = vector.broadcast %and3A_691 : i32 to vector<128x1xi32>
      %and3A_693 = arith.andi %iota3A_7, %and3A_692 : vector<128x1xi32>
      %ne3A_694 = arith.constant 0 : i32
      %ne3A_695 = vector.broadcast %ne3A_694 : i32 to vector<128x1xi32>
      %ne3A_696 = arith.cmpi ne, %and3A_693, %ne3A_695 : vector<128x1xi32>
      %slice3A_697 = vector.extract_strided_slice %select_n3A_689 {offsets = [127, 0], sizes = [1, 128], strides = [1, 1]} : vector<128x128xf32> to vector<1x128xf32>
      %slice3A_698 = vector.extract_strided_slice %select_n3A_689 {offsets = [0, 0], sizes = [127, 128], strides = [1, 1]} : vector<128x128xf32> to vector<127x128xf32>
      %concatenate3A_699 = tpu.concatenate %slice3A_697, %slice3A_698 in 0 : vector<1x128xf32>, vector<127x128xf32> -> vector<128x128xf32>
      %slice3A_700 = vector.extract_strided_slice %select_n3A_689 {offsets = [1, 0], sizes = [127, 128], strides = [1, 1]} : vector<128x128xf32> to vector<127x128xf32>
      %slice3A_701 = vector.extract_strided_slice %select_n3A_689 {offsets = [0, 0], sizes = [1, 128], strides = [1, 1]} : vector<128x128xf32> to vector<1x128xf32>
      %concatenate3A_702 = tpu.concatenate %slice3A_700, %slice3A_701 in 0 : vector<127x128xf32>, vector<1x128xf32> -> vector<128x128xf32>
      %broadcast_in_dim3A_703 = vector.shape_cast %ne3A_696 : vector<128x1xi1> to vector<128x1xi1>
      %broadcast_in_dim3A_704 = vector.broadcast %broadcast_in_dim3A_703 : vector<128x1xi1> to vector<128x128xi1>
      %select_n3A_705 = arith.select %broadcast_in_dim3A_704, %concatenate3A_699, %concatenate3A_702 : vector<128x128xi1>, vector<128x128xf32>
      %slice3A_706 = vector.extract_strided_slice %select_n3A_690 {offsets = [127, 0], sizes = [1, 128], strides = [1, 1]} : vector<128x128xi32> to vector<1x128xi32>
      %slice3A_707 = vector.extract_strided_slice %select_n3A_690 {offsets = [0, 0], sizes = [127, 128], strides = [1, 1]} : vector<128x128xi32> to vector<127x128xi32>
      %concatenate3A_708 = tpu.concatenate %slice3A_706, %slice3A_707 in 0 : vector<1x128xi32>, vector<127x128xi32> -> vector<128x128xi32>
      %slice3A_709 = vector.extract_strided_slice %select_n3A_690 {offsets = [1, 0], sizes = [127, 128], strides = [1, 1]} : vector<128x128xi32> to vector<127x128xi32>
      %slice3A_710 = vector.extract_strided_slice %select_n3A_690 {offsets = [0, 0], sizes = [1, 128], strides = [1, 1]} : vector<128x128xi32> to vector<1x128xi32>
      %concatenate3A_711 = tpu.concatenate %slice3A_709, %slice3A_710 in 0 : vector<127x128xi32>, vector<1x128xi32> -> vector<128x128xi32>
      %broadcast_in_dim3A_712 = vector.shape_cast %ne3A_696 : vector<128x1xi1> to vector<128x1xi1>
      %broadcast_in_dim3A_713 = vector.broadcast %broadcast_in_dim3A_712 : vector<128x1xi1> to vector<128x128xi1>
      %select_n3A_714 = arith.select %broadcast_in_dim3A_713, %concatenate3A_708, %concatenate3A_711 : vector<128x128xi1>, vector<128x128xi32>
      %gt3A_715 = arith.cmpf ogt, %select_n3A_689, %select_n3A_705 : vector<128x128xf32>
      %eq3A_716 = arith.cmpf oeq, %select_n3A_689, %select_n3A_705 : vector<128x128xf32>
      %gt3A_717 = arith.cmpi sgt, %select_n3A_690, %select_n3A_714 : vector<128x128xi32>
      %and3A_718 = arith.andi %eq3A_716, %gt3A_717 : vector<128x128xi1>
      %or3A_719 = arith.ori %gt3A_715, %and3A_718 : vector<128x128xi1>
      %eq3A_720 = arith.xori %ne3A_696, %eq3A_546 : vector<128x1xi1>
      %eq3A_721 = arith.constant dense<true> : vector<128x1xi1>
      %eq3A_722 = arith.xori %eq3A_720, %eq3A_721 : vector<128x1xi1>
      %xor3A_723 = vector.broadcast %eq3A_722 : vector<128x1xi1> to vector<128x128xi1>
      %xor3A_724 = arith.xori %or3A_719, %xor3A_723 : vector<128x128xi1>
      %select_n3A_725 = arith.select %xor3A_724, %select_n3A_705, %select_n3A_689 : vector<128x128xi1>, vector<128x128xf32>
      %select_n3A_726 = arith.select %xor3A_724, %select_n3A_714, %select_n3A_690 : vector<128x128xi1>, vector<128x128xi32>
      %and3A_727 = arith.constant 64 : i32
      %and3A_728 = vector.broadcast %and3A_727 : i32 to vector<128x1xi32>
      %and3A_729 = arith.andi %add3A_166, %and3A_728 : vector<128x1xi32>
      %eq3A_730 = arith.constant 0 : i32
      %eq3A_731 = vector.broadcast %eq3A_730 : i32 to vector<128x1xi32>
      %eq3A_732 = arith.cmpi eq, %and3A_729, %eq3A_731 : vector<128x1xi32>
      %and3A_733 = arith.constant 32 : i32
      %and3A_734 = vector.broadcast %and3A_733 : i32 to vector<128x1xi32>
      %and3A_735 = arith.andi %iota3A_7, %and3A_734 : vector<128x1xi32>
      %ne3A_736 = arith.constant 0 : i32
      %ne3A_737 = vector.broadcast %ne3A_736 : i32 to vector<128x1xi32>
      %ne3A_738 = arith.cmpi ne, %and3A_735, %ne3A_737 : vector<128x1xi32>
      %slice3A_739 = vector.extract_strided_slice %select_n3A_725 {offsets = [96, 0], sizes = [32, 128], strides = [1, 1]} : vector<128x128xf32> to vector<32x128xf32>
      %slice3A_740 = vector.extract_strided_slice %select_n3A_725 {offsets = [0, 0], sizes = [96, 128], strides = [1, 1]} : vector<128x128xf32> to vector<96x128xf32>
      %concatenate3A_741 = tpu.concatenate %slice3A_739, %slice3A_740 in 0 : vector<32x128xf32>, vector<96x128xf32> -> vector<128x128xf32>
      %slice3A_742 = vector.extract_strided_slice %select_n3A_725 {offsets = [32, 0], sizes = [96, 128], strides = [1, 1]} : vector<128x128xf32> to vector<96x128xf32>
      %slice3A_743 = vector.extract_strided_slice %select_n3A_725 {offsets = [0, 0], sizes = [32, 128], strides = [1, 1]} : vector<128x128xf32> to vector<32x128xf32>
      %concatenate3A_744 = tpu.concatenate %slice3A_742, %slice3A_743 in 0 : vector<96x128xf32>, vector<32x128xf32> -> vector<128x128xf32>
      %broadcast_in_dim3A_745 = vector.shape_cast %ne3A_738 : vector<128x1xi1> to vector<128x1xi1>
      %broadcast_in_dim3A_746 = vector.broadcast %broadcast_in_dim3A_745 : vector<128x1xi1> to vector<128x128xi1>
      %select_n3A_747 = arith.select %broadcast_in_dim3A_746, %concatenate3A_741, %concatenate3A_744 : vector<128x128xi1>, vector<128x128xf32>
      %slice3A_748 = vector.extract_strided_slice %select_n3A_726 {offsets = [96, 0], sizes = [32, 128], strides = [1, 1]} : vector<128x128xi32> to vector<32x128xi32>
      %slice3A_749 = vector.extract_strided_slice %select_n3A_726 {offsets = [0, 0], sizes = [96, 128], strides = [1, 1]} : vector<128x128xi32> to vector<96x128xi32>
      %concatenate3A_750 = tpu.concatenate %slice3A_748, %slice3A_749 in 0 : vector<32x128xi32>, vector<96x128xi32> -> vector<128x128xi32>
      %slice3A_751 = vector.extract_strided_slice %select_n3A_726 {offsets = [32, 0], sizes = [96, 128], strides = [1, 1]} : vector<128x128xi32> to vector<96x128xi32>
      %slice3A_752 = vector.extract_strided_slice %select_n3A_726 {offsets = [0, 0], sizes = [32, 128], strides = [1, 1]} : vector<128x128xi32> to vector<32x128xi32>
      %concatenate3A_753 = tpu.concatenate %slice3A_751, %slice3A_752 in 0 : vector<96x128xi32>, vector<32x128xi32> -> vector<128x128xi32>
      %broadcast_in_dim3A_754 = vector.shape_cast %ne3A_738 : vector<128x1xi1> to vector<128x1xi1>
      %broadcast_in_dim3A_755 = vector.broadcast %broadcast_in_dim3A_754 : vector<128x1xi1> to vector<128x128xi1>
      %select_n3A_756 = arith.select %broadcast_in_dim3A_755, %concatenate3A_750, %concatenate3A_753 : vector<128x128xi1>, vector<128x128xi32>
      %gt3A_757 = arith.cmpf ogt, %select_n3A_725, %select_n3A_747 : vector<128x128xf32>
      %eq3A_758 = arith.cmpf oeq, %select_n3A_725, %select_n3A_747 : vector<128x128xf32>
      %gt3A_759 = arith.cmpi sgt, %select_n3A_726, %select_n3A_756 : vector<128x128xi32>
      %and3A_760 = arith.andi %eq3A_758, %gt3A_759 : vector<128x128xi1>
      %or3A_761 = arith.ori %gt3A_757, %and3A_760 : vector<128x128xi1>
      %eq3A_762 = arith.xori %ne3A_738, %eq3A_732 : vector<128x1xi1>
      %eq3A_763 = arith.constant dense<true> : vector<128x1xi1>
      %eq3A_764 = arith.xori %eq3A_762, %eq3A_763 : vector<128x1xi1>
      %xor3A_765 = vector.broadcast %eq3A_764 : vector<128x1xi1> to vector<128x128xi1>
      %xor3A_766 = arith.xori %or3A_761, %xor3A_765 : vector<128x128xi1>
      %select_n3A_767 = arith.select %xor3A_766, %select_n3A_747, %select_n3A_725 : vector<128x128xi1>, vector<128x128xf32>
      %select_n3A_768 = arith.select %xor3A_766, %select_n3A_756, %select_n3A_726 : vector<128x128xi1>, vector<128x128xi32>
      %and3A_769 = arith.constant 16 : i32
      %and3A_770 = vector.broadcast %and3A_769 : i32 to vector<128x1xi32>
      %and3A_771 = arith.andi %iota3A_7, %and3A_770 : vector<128x1xi32>
      %ne3A_772 = arith.constant 0 : i32
      %ne3A_773 = vector.broadcast %ne3A_772 : i32 to vector<128x1xi32>
      %ne3A_774 = arith.cmpi ne, %and3A_771, %ne3A_773 : vector<128x1xi32>
      %slice3A_775 = vector.extract_strided_slice %select_n3A_767 {offsets = [112, 0], sizes = [16, 128], strides = [1, 1]} : vector<128x128xf32> to vector<16x128xf32>
      %slice3A_776 = vector.extract_strided_slice %select_n3A_767 {offsets = [0, 0], sizes = [112, 128], strides = [1, 1]} : vector<128x128xf32> to vector<112x128xf32>
      %concatenate3A_777 = tpu.concatenate %slice3A_775, %slice3A_776 in 0 : vector<16x128xf32>, vector<112x128xf32> -> vector<128x128xf32>
      %slice3A_778 = vector.extract_strided_slice %select_n3A_767 {offsets = [16, 0], sizes = [112, 128], strides = [1, 1]} : vector<128x128xf32> to vector<112x128xf32>
      %slice3A_779 = vector.extract_strided_slice %select_n3A_767 {offsets = [0, 0], sizes = [16, 128], strides = [1, 1]} : vector<128x128xf32> to vector<16x128xf32>
      %concatenate3A_780 = tpu.concatenate %slice3A_778, %slice3A_779 in 0 : vector<112x128xf32>, vector<16x128xf32> -> vector<128x128xf32>
      %broadcast_in_dim3A_781 = vector.shape_cast %ne3A_774 : vector<128x1xi1> to vector<128x1xi1>
      %broadcast_in_dim3A_782 = vector.broadcast %broadcast_in_dim3A_781 : vector<128x1xi1> to vector<128x128xi1>
      %select_n3A_783 = arith.select %broadcast_in_dim3A_782, %concatenate3A_777, %concatenate3A_780 : vector<128x128xi1>, vector<128x128xf32>
      %slice3A_784 = vector.extract_strided_slice %select_n3A_768 {offsets = [112, 0], sizes = [16, 128], strides = [1, 1]} : vector<128x128xi32> to vector<16x128xi32>
      %slice3A_785 = vector.extract_strided_slice %select_n3A_768 {offsets = [0, 0], sizes = [112, 128], strides = [1, 1]} : vector<128x128xi32> to vector<112x128xi32>
      %concatenate3A_786 = tpu.concatenate %slice3A_784, %slice3A_785 in 0 : vector<16x128xi32>, vector<112x128xi32> -> vector<128x128xi32>
      %slice3A_787 = vector.extract_strided_slice %select_n3A_768 {offsets = [16, 0], sizes = [112, 128], strides = [1, 1]} : vector<128x128xi32> to vector<112x128xi32>
      %slice3A_788 = vector.extract_strided_slice %select_n3A_768 {offsets = [0, 0], sizes = [16, 128], strides = [1, 1]} : vector<128x128xi32> to vector<16x128xi32>
      %concatenate3A_789 = tpu.concatenate %slice3A_787, %slice3A_788 in 0 : vector<112x128xi32>, vector<16x128xi32> -> vector<128x128xi32>
      %broadcast_in_dim3A_790 = vector.shape_cast %ne3A_774 : vector<128x1xi1> to vector<128x1xi1>
      %broadcast_in_dim3A_791 = vector.broadcast %broadcast_in_dim3A_790 : vector<128x1xi1> to vector<128x128xi1>
      %select_n3A_792 = arith.select %broadcast_in_dim3A_791, %concatenate3A_786, %concatenate3A_789 : vector<128x128xi1>, vector<128x128xi32>
      %gt3A_793 = arith.cmpf ogt, %select_n3A_767, %select_n3A_783 : vector<128x128xf32>
      %eq3A_794 = arith.cmpf oeq, %select_n3A_767, %select_n3A_783 : vector<128x128xf32>
      %gt3A_795 = arith.cmpi sgt, %select_n3A_768, %select_n3A_792 : vector<128x128xi32>
      %and3A_796 = arith.andi %eq3A_794, %gt3A_795 : vector<128x128xi1>
      %or3A_797 = arith.ori %gt3A_793, %and3A_796 : vector<128x128xi1>
      %eq3A_798 = arith.xori %ne3A_774, %eq3A_732 : vector<128x1xi1>
      %eq3A_799 = arith.constant dense<true> : vector<128x1xi1>
      %eq3A_800 = arith.xori %eq3A_798, %eq3A_799 : vector<128x1xi1>
      %xor3A_801 = vector.broadcast %eq3A_800 : vector<128x1xi1> to vector<128x128xi1>
      %xor3A_802 = arith.xori %or3A_797, %xor3A_801 : vector<128x128xi1>
      %select_n3A_803 = arith.select %xor3A_802, %select_n3A_783, %select_n3A_767 : vector<128x128xi1>, vector<128x128xf32>
      %select_n3A_804 = arith.select %xor3A_802, %select_n3A_792, %select_n3A_768 : vector<128x128xi1>, vector<128x128xi32>
      %and3A_805 = arith.constant 8 : i32
      %and3A_806 = vector.broadcast %and3A_805 : i32 to vector<128x1xi32>
      %and3A_807 = arith.andi %iota3A_7, %and3A_806 : vector<128x1xi32>
      %ne3A_808 = arith.constant 0 : i32
      %ne3A_809 = vector.broadcast %ne3A_808 : i32 to vector<128x1xi32>
      %ne3A_810 = arith.cmpi ne, %and3A_807, %ne3A_809 : vector<128x1xi32>
      %slice3A_811 = vector.extract_strided_slice %select_n3A_803 {offsets = [120, 0], sizes = [8, 128], strides = [1, 1]} : vector<128x128xf32> to vector<8x128xf32>
      %slice3A_812 = vector.extract_strided_slice %select_n3A_803 {offsets = [0, 0], sizes = [120, 128], strides = [1, 1]} : vector<128x128xf32> to vector<120x128xf32>
      %concatenate3A_813 = tpu.concatenate %slice3A_811, %slice3A_812 in 0 : vector<8x128xf32>, vector<120x128xf32> -> vector<128x128xf32>
      %slice3A_814 = vector.extract_strided_slice %select_n3A_803 {offsets = [8, 0], sizes = [120, 128], strides = [1, 1]} : vector<128x128xf32> to vector<120x128xf32>
      %slice3A_815 = vector.extract_strided_slice %select_n3A_803 {offsets = [0, 0], sizes = [8, 128], strides = [1, 1]} : vector<128x128xf32> to vector<8x128xf32>
      %concatenate3A_816 = tpu.concatenate %slice3A_814, %slice3A_815 in 0 : vector<120x128xf32>, vector<8x128xf32> -> vector<128x128xf32>
      %broadcast_in_dim3A_817 = vector.shape_cast %ne3A_810 : vector<128x1xi1> to vector<128x1xi1>
      %broadcast_in_dim3A_818 = vector.broadcast %broadcast_in_dim3A_817 : vector<128x1xi1> to vector<128x128xi1>
      %select_n3A_819 = arith.select %broadcast_in_dim3A_818, %concatenate3A_813, %concatenate3A_816 : vector<128x128xi1>, vector<128x128xf32>
      %slice3A_820 = vector.extract_strided_slice %select_n3A_804 {offsets = [120, 0], sizes = [8, 128], strides = [1, 1]} : vector<128x128xi32> to vector<8x128xi32>
      %slice3A_821 = vector.extract_strided_slice %select_n3A_804 {offsets = [0, 0], sizes = [120, 128], strides = [1, 1]} : vector<128x128xi32> to vector<120x128xi32>
      %concatenate3A_822 = tpu.concatenate %slice3A_820, %slice3A_821 in 0 : vector<8x128xi32>, vector<120x128xi32> -> vector<128x128xi32>
      %slice3A_823 = vector.extract_strided_slice %select_n3A_804 {offsets = [8, 0], sizes = [120, 128], strides = [1, 1]} : vector<128x128xi32> to vector<120x128xi32>
      %slice3A_824 = vector.extract_strided_slice %select_n3A_804 {offsets = [0, 0], sizes = [8, 128], strides = [1, 1]} : vector<128x128xi32> to vector<8x128xi32>
      %concatenate3A_825 = tpu.concatenate %slice3A_823, %slice3A_824 in 0 : vector<120x128xi32>, vector<8x128xi32> -> vector<128x128xi32>
      %broadcast_in_dim3A_826 = vector.shape_cast %ne3A_810 : vector<128x1xi1> to vector<128x1xi1>
      %broadcast_in_dim3A_827 = vector.broadcast %broadcast_in_dim3A_826 : vector<128x1xi1> to vector<128x128xi1>
      %select_n3A_828 = arith.select %broadcast_in_dim3A_827, %concatenate3A_822, %concatenate3A_825 : vector<128x128xi1>, vector<128x128xi32>
      %gt3A_829 = arith.cmpf ogt, %select_n3A_803, %select_n3A_819 : vector<128x128xf32>
      %eq3A_830 = arith.cmpf oeq, %select_n3A_803, %select_n3A_819 : vector<128x128xf32>
      %gt3A_831 = arith.cmpi sgt, %select_n3A_804, %select_n3A_828 : vector<128x128xi32>
      %and3A_832 = arith.andi %eq3A_830, %gt3A_831 : vector<128x128xi1>
      %or3A_833 = arith.ori %gt3A_829, %and3A_832 : vector<128x128xi1>
      %eq3A_834 = arith.xori %ne3A_810, %eq3A_732 : vector<128x1xi1>
      %eq3A_835 = arith.constant dense<true> : vector<128x1xi1>
      %eq3A_836 = arith.xori %eq3A_834, %eq3A_835 : vector<128x1xi1>
      %xor3A_837 = vector.broadcast %eq3A_836 : vector<128x1xi1> to vector<128x128xi1>
      %xor3A_838 = arith.xori %or3A_833, %xor3A_837 : vector<128x128xi1>
      %select_n3A_839 = arith.select %xor3A_838, %select_n3A_819, %select_n3A_803 : vector<128x128xi1>, vector<128x128xf32>
      %select_n3A_840 = arith.select %xor3A_838, %select_n3A_828, %select_n3A_804 : vector<128x128xi1>, vector<128x128xi32>
      %and3A_841 = arith.constant 4 : i32
      %and3A_842 = vector.broadcast %and3A_841 : i32 to vector<128x1xi32>
      %and3A_843 = arith.andi %iota3A_7, %and3A_842 : vector<128x1xi32>
      %ne3A_844 = arith.constant 0 : i32
      %ne3A_845 = vector.broadcast %ne3A_844 : i32 to vector<128x1xi32>
      %ne3A_846 = arith.cmpi ne, %and3A_843, %ne3A_845 : vector<128x1xi32>
      %slice3A_847 = vector.extract_strided_slice %select_n3A_839 {offsets = [124, 0], sizes = [4, 128], strides = [1, 1]} : vector<128x128xf32> to vector<4x128xf32>
      %slice3A_848 = vector.extract_strided_slice %select_n3A_839 {offsets = [0, 0], sizes = [124, 128], strides = [1, 1]} : vector<128x128xf32> to vector<124x128xf32>
      %concatenate3A_849 = tpu.concatenate %slice3A_847, %slice3A_848 in 0 : vector<4x128xf32>, vector<124x128xf32> -> vector<128x128xf32>
      %slice3A_850 = vector.extract_strided_slice %select_n3A_839 {offsets = [4, 0], sizes = [124, 128], strides = [1, 1]} : vector<128x128xf32> to vector<124x128xf32>
      %slice3A_851 = vector.extract_strided_slice %select_n3A_839 {offsets = [0, 0], sizes = [4, 128], strides = [1, 1]} : vector<128x128xf32> to vector<4x128xf32>
      %concatenate3A_852 = tpu.concatenate %slice3A_850, %slice3A_851 in 0 : vector<124x128xf32>, vector<4x128xf32> -> vector<128x128xf32>
      %broadcast_in_dim3A_853 = vector.shape_cast %ne3A_846 : vector<128x1xi1> to vector<128x1xi1>
      %broadcast_in_dim3A_854 = vector.broadcast %broadcast_in_dim3A_853 : vector<128x1xi1> to vector<128x128xi1>
      %select_n3A_855 = arith.select %broadcast_in_dim3A_854, %concatenate3A_849, %concatenate3A_852 : vector<128x128xi1>, vector<128x128xf32>
      %slice3A_856 = vector.extract_strided_slice %select_n3A_840 {offsets = [124, 0], sizes = [4, 128], strides = [1, 1]} : vector<128x128xi32> to vector<4x128xi32>
      %slice3A_857 = vector.extract_strided_slice %select_n3A_840 {offsets = [0, 0], sizes = [124, 128], strides = [1, 1]} : vector<128x128xi32> to vector<124x128xi32>
      %concatenate3A_858 = tpu.concatenate %slice3A_856, %slice3A_857 in 0 : vector<4x128xi32>, vector<124x128xi32> -> vector<128x128xi32>
      %slice3A_859 = vector.extract_strided_slice %select_n3A_840 {offsets = [4, 0], sizes = [124, 128], strides = [1, 1]} : vector<128x128xi32> to vector<124x128xi32>
      %slice3A_860 = vector.extract_strided_slice %select_n3A_840 {offsets = [0, 0], sizes = [4, 128], strides = [1, 1]} : vector<128x128xi32> to vector<4x128xi32>
      %concatenate3A_861 = tpu.concatenate %slice3A_859, %slice3A_860 in 0 : vector<124x128xi32>, vector<4x128xi32> -> vector<128x128xi32>
      %broadcast_in_dim3A_862 = vector.shape_cast %ne3A_846 : vector<128x1xi1> to vector<128x1xi1>
      %broadcast_in_dim3A_863 = vector.broadcast %broadcast_in_dim3A_862 : vector<128x1xi1> to vector<128x128xi1>
      %select_n3A_864 = arith.select %broadcast_in_dim3A_863, %concatenate3A_858, %concatenate3A_861 : vector<128x128xi1>, vector<128x128xi32>
      %gt3A_865 = arith.cmpf ogt, %select_n3A_839, %select_n3A_855 : vector<128x128xf32>
      %eq3A_866 = arith.cmpf oeq, %select_n3A_839, %select_n3A_855 : vector<128x128xf32>
      %gt3A_867 = arith.cmpi sgt, %select_n3A_840, %select_n3A_864 : vector<128x128xi32>
      %and3A_868 = arith.andi %eq3A_866, %gt3A_867 : vector<128x128xi1>
      %or3A_869 = arith.ori %gt3A_865, %and3A_868 : vector<128x128xi1>
      %eq3A_870 = arith.xori %ne3A_846, %eq3A_732 : vector<128x1xi1>
      %eq3A_871 = arith.constant dense<true> : vector<128x1xi1>
      %eq3A_872 = arith.xori %eq3A_870, %eq3A_871 : vector<128x1xi1>
      %xor3A_873 = vector.broadcast %eq3A_872 : vector<128x1xi1> to vector<128x128xi1>
      %xor3A_874 = arith.xori %or3A_869, %xor3A_873 : vector<128x128xi1>
      %select_n3A_875 = arith.select %xor3A_874, %select_n3A_855, %select_n3A_839 : vector<128x128xi1>, vector<128x128xf32>
      %select_n3A_876 = arith.select %xor3A_874, %select_n3A_864, %select_n3A_840 : vector<128x128xi1>, vector<128x128xi32>
      %and3A_877 = arith.constant 2 : i32
      %and3A_878 = vector.broadcast %and3A_877 : i32 to vector<128x1xi32>
      %and3A_879 = arith.andi %iota3A_7, %and3A_878 : vector<128x1xi32>
      %ne3A_880 = arith.constant 0 : i32
      %ne3A_881 = vector.broadcast %ne3A_880 : i32 to vector<128x1xi32>
      %ne3A_882 = arith.cmpi ne, %and3A_879, %ne3A_881 : vector<128x1xi32>
      %slice3A_883 = vector.extract_strided_slice %select_n3A_875 {offsets = [126, 0], sizes = [2, 128], strides = [1, 1]} : vector<128x128xf32> to vector<2x128xf32>
      %slice3A_884 = vector.extract_strided_slice %select_n3A_875 {offsets = [0, 0], sizes = [126, 128], strides = [1, 1]} : vector<128x128xf32> to vector<126x128xf32>
      %concatenate3A_885 = tpu.concatenate %slice3A_883, %slice3A_884 in 0 : vector<2x128xf32>, vector<126x128xf32> -> vector<128x128xf32>
      %slice3A_886 = vector.extract_strided_slice %select_n3A_875 {offsets = [2, 0], sizes = [126, 128], strides = [1, 1]} : vector<128x128xf32> to vector<126x128xf32>
      %slice3A_887 = vector.extract_strided_slice %select_n3A_875 {offsets = [0, 0], sizes = [2, 128], strides = [1, 1]} : vector<128x128xf32> to vector<2x128xf32>
      %concatenate3A_888 = tpu.concatenate %slice3A_886, %slice3A_887 in 0 : vector<126x128xf32>, vector<2x128xf32> -> vector<128x128xf32>
      %broadcast_in_dim3A_889 = vector.shape_cast %ne3A_882 : vector<128x1xi1> to vector<128x1xi1>
      %broadcast_in_dim3A_890 = vector.broadcast %broadcast_in_dim3A_889 : vector<128x1xi1> to vector<128x128xi1>
      %select_n3A_891 = arith.select %broadcast_in_dim3A_890, %concatenate3A_885, %concatenate3A_888 : vector<128x128xi1>, vector<128x128xf32>
      %slice3A_892 = vector.extract_strided_slice %select_n3A_876 {offsets = [126, 0], sizes = [2, 128], strides = [1, 1]} : vector<128x128xi32> to vector<2x128xi32>
      %slice3A_893 = vector.extract_strided_slice %select_n3A_876 {offsets = [0, 0], sizes = [126, 128], strides = [1, 1]} : vector<128x128xi32> to vector<126x128xi32>
      %concatenate3A_894 = tpu.concatenate %slice3A_892, %slice3A_893 in 0 : vector<2x128xi32>, vector<126x128xi32> -> vector<128x128xi32>
      %slice3A_895 = vector.extract_strided_slice %select_n3A_876 {offsets = [2, 0], sizes = [126, 128], strides = [1, 1]} : vector<128x128xi32> to vector<126x128xi32>
      %slice3A_896 = vector.extract_strided_slice %select_n3A_876 {offsets = [0, 0], sizes = [2, 128], strides = [1, 1]} : vector<128x128xi32> to vector<2x128xi32>
      %concatenate3A_897 = tpu.concatenate %slice3A_895, %slice3A_896 in 0 : vector<126x128xi32>, vector<2x128xi32> -> vector<128x128xi32>
      %broadcast_in_dim3A_898 = vector.shape_cast %ne3A_882 : vector<128x1xi1> to vector<128x1xi1>
      %broadcast_in_dim3A_899 = vector.broadcast %broadcast_in_dim3A_898 : vector<128x1xi1> to vector<128x128xi1>
      %select_n3A_900 = arith.select %broadcast_in_dim3A_899, %concatenate3A_894, %concatenate3A_897 : vector<128x128xi1>, vector<128x128xi32>
      %gt3A_901 = arith.cmpf ogt, %select_n3A_875, %select_n3A_891 : vector<128x128xf32>
      %eq3A_902 = arith.cmpf oeq, %select_n3A_875, %select_n3A_891 : vector<128x128xf32>
      %gt3A_903 = arith.cmpi sgt, %select_n3A_876, %select_n3A_900 : vector<128x128xi32>
      %and3A_904 = arith.andi %eq3A_902, %gt3A_903 : vector<128x128xi1>
      %or3A_905 = arith.ori %gt3A_901, %and3A_904 : vector<128x128xi1>
      %eq3A_906 = arith.xori %ne3A_882, %eq3A_732 : vector<128x1xi1>
      %eq3A_907 = arith.constant dense<true> : vector<128x1xi1>
      %eq3A_908 = arith.xori %eq3A_906, %eq3A_907 : vector<128x1xi1>
      %xor3A_909 = vector.broadcast %eq3A_908 : vector<128x1xi1> to vector<128x128xi1>
      %xor3A_910 = arith.xori %or3A_905, %xor3A_909 : vector<128x128xi1>
      %select_n3A_911 = arith.select %xor3A_910, %select_n3A_891, %select_n3A_875 : vector<128x128xi1>, vector<128x128xf32>
      %select_n3A_912 = arith.select %xor3A_910, %select_n3A_900, %select_n3A_876 : vector<128x128xi1>, vector<128x128xi32>
      %and3A_913 = arith.constant 1 : i32
      %and3A_914 = vector.broadcast %and3A_913 : i32 to vector<128x1xi32>
      %and3A_915 = arith.andi %iota3A_7, %and3A_914 : vector<128x1xi32>
      %ne3A_916 = arith.constant 0 : i32
      %ne3A_917 = vector.broadcast %ne3A_916 : i32 to vector<128x1xi32>
      %ne3A_918 = arith.cmpi ne, %and3A_915, %ne3A_917 : vector<128x1xi32>
      %slice3A_919 = vector.extract_strided_slice %select_n3A_911 {offsets = [127, 0], sizes = [1, 128], strides = [1, 1]} : vector<128x128xf32> to vector<1x128xf32>
      %slice3A_920 = vector.extract_strided_slice %select_n3A_911 {offsets = [0, 0], sizes = [127, 128], strides = [1, 1]} : vector<128x128xf32> to vector<127x128xf32>
      %concatenate3A_921 = tpu.concatenate %slice3A_919, %slice3A_920 in 0 : vector<1x128xf32>, vector<127x128xf32> -> vector<128x128xf32>
      %slice3A_922 = vector.extract_strided_slice %select_n3A_911 {offsets = [1, 0], sizes = [127, 128], strides = [1, 1]} : vector<128x128xf32> to vector<127x128xf32>
      %slice3A_923 = vector.extract_strided_slice %select_n3A_911 {offsets = [0, 0], sizes = [1, 128], strides = [1, 1]} : vector<128x128xf32> to vector<1x128xf32>
      %concatenate3A_924 = tpu.concatenate %slice3A_922, %slice3A_923 in 0 : vector<127x128xf32>, vector<1x128xf32> -> vector<128x128xf32>
      %broadcast_in_dim3A_925 = vector.shape_cast %ne3A_918 : vector<128x1xi1> to vector<128x1xi1>
      %broadcast_in_dim3A_926 = vector.broadcast %broadcast_in_dim3A_925 : vector<128x1xi1> to vector<128x128xi1>
      %select_n3A_927 = arith.select %broadcast_in_dim3A_926, %concatenate3A_921, %concatenate3A_924 : vector<128x128xi1>, vector<128x128xf32>
      %slice3A_928 = vector.extract_strided_slice %select_n3A_912 {offsets = [127, 0], sizes = [1, 128], strides = [1, 1]} : vector<128x128xi32> to vector<1x128xi32>
      %slice3A_929 = vector.extract_strided_slice %select_n3A_912 {offsets = [0, 0], sizes = [127, 128], strides = [1, 1]} : vector<128x128xi32> to vector<127x128xi32>
      %concatenate3A_930 = tpu.concatenate %slice3A_928, %slice3A_929 in 0 : vector<1x128xi32>, vector<127x128xi32> -> vector<128x128xi32>
      %slice3A_931 = vector.extract_strided_slice %select_n3A_912 {offsets = [1, 0], sizes = [127, 128], strides = [1, 1]} : vector<128x128xi32> to vector<127x128xi32>
      %slice3A_932 = vector.extract_strided_slice %select_n3A_912 {offsets = [0, 0], sizes = [1, 128], strides = [1, 1]} : vector<128x128xi32> to vector<1x128xi32>
      %concatenate3A_933 = tpu.concatenate %slice3A_931, %slice3A_932 in 0 : vector<127x128xi32>, vector<1x128xi32> -> vector<128x128xi32>
      %broadcast_in_dim3A_934 = vector.shape_cast %ne3A_918 : vector<128x1xi1> to vector<128x1xi1>
      %broadcast_in_dim3A_935 = vector.broadcast %broadcast_in_dim3A_934 : vector<128x1xi1> to vector<128x128xi1>
      %select_n3A_936 = arith.select %broadcast_in_dim3A_935, %concatenate3A_930, %concatenate3A_933 : vector<128x128xi1>, vector<128x128xi32>
      %gt3A_937 = arith.cmpf ogt, %select_n3A_911, %select_n3A_927 : vector<128x128xf32>
      %eq3A_938 = arith.cmpf oeq, %select_n3A_911, %select_n3A_927 : vector<128x128xf32>
      %gt3A_939 = arith.cmpi sgt, %select_n3A_912, %select_n3A_936 : vector<128x128xi32>
      %and3A_940 = arith.andi %eq3A_938, %gt3A_939 : vector<128x128xi1>
      %or3A_941 = arith.ori %gt3A_937, %and3A_940 : vector<128x128xi1>
      %eq3A_942 = arith.xori %ne3A_918, %eq3A_732 : vector<128x1xi1>
      %eq3A_943 = arith.constant dense<true> : vector<128x1xi1>
      %eq3A_944 = arith.xori %eq3A_942, %eq3A_943 : vector<128x1xi1>
      %xor3A_945 = vector.broadcast %eq3A_944 : vector<128x1xi1> to vector<128x128xi1>
      %xor3A_946 = arith.xori %or3A_941, %xor3A_945 : vector<128x128xi1>
      %select_n3A_947 = arith.select %xor3A_946, %select_n3A_927, %select_n3A_911 : vector<128x128xi1>, vector<128x128xf32>
      %select_n3A_948 = arith.select %xor3A_946, %select_n3A_936, %select_n3A_912 : vector<128x128xi1>, vector<128x128xi32>
      %and3A_949 = arith.constant 128 : i32
      %and3A_950 = vector.broadcast %and3A_949 : i32 to vector<128x1xi32>
      %and3A_951 = arith.andi %add3A_166, %and3A_950 : vector<128x1xi32>
      %eq3A_952 = arith.constant 0 : i32
      %eq3A_953 = vector.broadcast %eq3A_952 : i32 to vector<128x1xi32>
      %eq3A_954 = arith.cmpi eq, %and3A_951, %eq3A_953 : vector<128x1xi32>
      %and3A_955 = arith.constant 64 : i32
      %and3A_956 = vector.broadcast %and3A_955 : i32 to vector<128x1xi32>
      %and3A_957 = arith.andi %iota3A_7, %and3A_956 : vector<128x1xi32>
      %ne3A_958 = arith.constant 0 : i32
      %ne3A_959 = vector.broadcast %ne3A_958 : i32 to vector<128x1xi32>
      %ne3A_960 = arith.cmpi ne, %and3A_957, %ne3A_959 : vector<128x1xi32>
      %slice3A_961 = vector.extract_strided_slice %select_n3A_947 {offsets = [64, 0], sizes = [64, 128], strides = [1, 1]} : vector<128x128xf32> to vector<64x128xf32>
      %slice3A_962 = vector.extract_strided_slice %select_n3A_947 {offsets = [0, 0], sizes = [64, 128], strides = [1, 1]} : vector<128x128xf32> to vector<64x128xf32>
      %concatenate3A_963 = tpu.concatenate %slice3A_961, %slice3A_962 in 0 : vector<64x128xf32>, vector<64x128xf32> -> vector<128x128xf32>
      %slice3A_964 = vector.extract_strided_slice %select_n3A_947 {offsets = [64, 0], sizes = [64, 128], strides = [1, 1]} : vector<128x128xf32> to vector<64x128xf32>
      %slice3A_965 = vector.extract_strided_slice %select_n3A_947 {offsets = [0, 0], sizes = [64, 128], strides = [1, 1]} : vector<128x128xf32> to vector<64x128xf32>
      %concatenate3A_966 = tpu.concatenate %slice3A_964, %slice3A_965 in 0 : vector<64x128xf32>, vector<64x128xf32> -> vector<128x128xf32>
      %broadcast_in_dim3A_967 = vector.shape_cast %ne3A_960 : vector<128x1xi1> to vector<128x1xi1>
      %broadcast_in_dim3A_968 = vector.broadcast %broadcast_in_dim3A_967 : vector<128x1xi1> to vector<128x128xi1>
      %select_n3A_969 = arith.select %broadcast_in_dim3A_968, %concatenate3A_963, %concatenate3A_966 : vector<128x128xi1>, vector<128x128xf32>
      %slice3A_970 = vector.extract_strided_slice %select_n3A_948 {offsets = [64, 0], sizes = [64, 128], strides = [1, 1]} : vector<128x128xi32> to vector<64x128xi32>
      %slice3A_971 = vector.extract_strided_slice %select_n3A_948 {offsets = [0, 0], sizes = [64, 128], strides = [1, 1]} : vector<128x128xi32> to vector<64x128xi32>
      %concatenate3A_972 = tpu.concatenate %slice3A_970, %slice3A_971 in 0 : vector<64x128xi32>, vector<64x128xi32> -> vector<128x128xi32>
      %slice3A_973 = vector.extract_strided_slice %select_n3A_948 {offsets = [64, 0], sizes = [64, 128], strides = [1, 1]} : vector<128x128xi32> to vector<64x128xi32>
      %slice3A_974 = vector.extract_strided_slice %select_n3A_948 {offsets = [0, 0], sizes = [64, 128], strides = [1, 1]} : vector<128x128xi32> to vector<64x128xi32>
      %concatenate3A_975 = tpu.concatenate %slice3A_973, %slice3A_974 in 0 : vector<64x128xi32>, vector<64x128xi32> -> vector<128x128xi32>
      %broadcast_in_dim3A_976 = vector.shape_cast %ne3A_960 : vector<128x1xi1> to vector<128x1xi1>
      %broadcast_in_dim3A_977 = vector.broadcast %broadcast_in_dim3A_976 : vector<128x1xi1> to vector<128x128xi1>
      %select_n3A_978 = arith.select %broadcast_in_dim3A_977, %concatenate3A_972, %concatenate3A_975 : vector<128x128xi1>, vector<128x128xi32>
      %gt3A_979 = arith.cmpf ogt, %select_n3A_947, %select_n3A_969 : vector<128x128xf32>
      %eq3A_980 = arith.cmpf oeq, %select_n3A_947, %select_n3A_969 : vector<128x128xf32>
      %gt3A_981 = arith.cmpi sgt, %select_n3A_948, %select_n3A_978 : vector<128x128xi32>
      %and3A_982 = arith.andi %eq3A_980, %gt3A_981 : vector<128x128xi1>
      %or3A_983 = arith.ori %gt3A_979, %and3A_982 : vector<128x128xi1>
      %eq3A_984 = arith.xori %ne3A_960, %eq3A_954 : vector<128x1xi1>
      %eq3A_985 = arith.constant dense<true> : vector<128x1xi1>
      %eq3A_986 = arith.xori %eq3A_984, %eq3A_985 : vector<128x1xi1>
      %xor3A_987 = vector.broadcast %eq3A_986 : vector<128x1xi1> to vector<128x128xi1>
      %xor3A_988 = arith.xori %or3A_983, %xor3A_987 : vector<128x128xi1>
      %select_n3A_989 = arith.select %xor3A_988, %select_n3A_969, %select_n3A_947 : vector<128x128xi1>, vector<128x128xf32>
      %select_n3A_990 = arith.select %xor3A_988, %select_n3A_978, %select_n3A_948 : vector<128x128xi1>, vector<128x128xi32>
      %and3A_991 = arith.constant 32 : i32
      %and3A_992 = vector.broadcast %and3A_991 : i32 to vector<128x1xi32>
      %and3A_993 = arith.andi %iota3A_7, %and3A_992 : vector<128x1xi32>
      %ne3A_994 = arith.constant 0 : i32
      %ne3A_995 = vector.broadcast %ne3A_994 : i32 to vector<128x1xi32>
      %ne3A_996 = arith.cmpi ne, %and3A_993, %ne3A_995 : vector<128x1xi32>
      %slice3A_997 = vector.extract_strided_slice %select_n3A_989 {offsets = [96, 0], sizes = [32, 128], strides = [1, 1]} : vector<128x128xf32> to vector<32x128xf32>
      %slice3A_998 = vector.extract_strided_slice %select_n3A_989 {offsets = [0, 0], sizes = [96, 128], strides = [1, 1]} : vector<128x128xf32> to vector<96x128xf32>
      %concatenate3A_999 = tpu.concatenate %slice3A_997, %slice3A_998 in 0 : vector<32x128xf32>, vector<96x128xf32> -> vector<128x128xf32>
      %slice3A_1000 = vector.extract_strided_slice %select_n3A_989 {offsets = [32, 0], sizes = [96, 128], strides = [1, 1]} : vector<128x128xf32> to vector<96x128xf32>
      %slice3A_1001 = vector.extract_strided_slice %select_n3A_989 {offsets = [0, 0], sizes = [32, 128], strides = [1, 1]} : vector<128x128xf32> to vector<32x128xf32>
      %concatenate3A_1002 = tpu.concatenate %slice3A_1000, %slice3A_1001 in 0 : vector<96x128xf32>, vector<32x128xf32> -> vector<128x128xf32>
      %broadcast_in_dim3A_1003 = vector.shape_cast %ne3A_996 : vector<128x1xi1> to vector<128x1xi1>
      %broadcast_in_dim3A_1004 = vector.broadcast %broadcast_in_dim3A_1003 : vector<128x1xi1> to vector<128x128xi1>
      %select_n3A_1005 = arith.select %broadcast_in_dim3A_1004, %concatenate3A_999, %concatenate3A_1002 : vector<128x128xi1>, vector<128x128xf32>
      %slice3A_1006 = vector.extract_strided_slice %select_n3A_990 {offsets = [96, 0], sizes = [32, 128], strides = [1, 1]} : vector<128x128xi32> to vector<32x128xi32>
      %slice3A_1007 = vector.extract_strided_slice %select_n3A_990 {offsets = [0, 0], sizes = [96, 128], strides = [1, 1]} : vector<128x128xi32> to vector<96x128xi32>
      %concatenate3A_1008 = tpu.concatenate %slice3A_1006, %slice3A_1007 in 0 : vector<32x128xi32>, vector<96x128xi32> -> vector<128x128xi32>
      %slice3A_1009 = vector.extract_strided_slice %select_n3A_990 {offsets = [32, 0], sizes = [96, 128], strides = [1, 1]} : vector<128x128xi32> to vector<96x128xi32>
      %slice3A_1010 = vector.extract_strided_slice %select_n3A_990 {offsets = [0, 0], sizes = [32, 128], strides = [1, 1]} : vector<128x128xi32> to vector<32x128xi32>
      %concatenate3A_1011 = tpu.concatenate %slice3A_1009, %slice3A_1010 in 0 : vector<96x128xi32>, vector<32x128xi32> -> vector<128x128xi32>
      %broadcast_in_dim3A_1012 = vector.shape_cast %ne3A_996 : vector<128x1xi1> to vector<128x1xi1>
      %broadcast_in_dim3A_1013 = vector.broadcast %broadcast_in_dim3A_1012 : vector<128x1xi1> to vector<128x128xi1>
      %select_n3A_1014 = arith.select %broadcast_in_dim3A_1013, %concatenate3A_1008, %concatenate3A_1011 : vector<128x128xi1>, vector<128x128xi32>
      %gt3A_1015 = arith.cmpf ogt, %select_n3A_989, %select_n3A_1005 : vector<128x128xf32>
      %eq3A_1016 = arith.cmpf oeq, %select_n3A_989, %select_n3A_1005 : vector<128x128xf32>
      %gt3A_1017 = arith.cmpi sgt, %select_n3A_990, %select_n3A_1014 : vector<128x128xi32>
      %and3A_1018 = arith.andi %eq3A_1016, %gt3A_1017 : vector<128x128xi1>
      %or3A_1019 = arith.ori %gt3A_1015, %and3A_1018 : vector<128x128xi1>
      %eq3A_1020 = arith.xori %ne3A_996, %eq3A_954 : vector<128x1xi1>
      %eq3A_1021 = arith.constant dense<true> : vector<128x1xi1>
      %eq3A_1022 = arith.xori %eq3A_1020, %eq3A_1021 : vector<128x1xi1>
      %xor3A_1023 = vector.broadcast %eq3A_1022 : vector<128x1xi1> to vector<128x128xi1>
      %xor3A_1024 = arith.xori %or3A_1019, %xor3A_1023 : vector<128x128xi1>
      %select_n3A_1025 = arith.select %xor3A_1024, %select_n3A_1005, %select_n3A_989 : vector<128x128xi1>, vector<128x128xf32>
      %select_n3A_1026 = arith.select %xor3A_1024, %select_n3A_1014, %select_n3A_990 : vector<128x128xi1>, vector<128x128xi32>
      %and3A_1027 = arith.constant 16 : i32
      %and3A_1028 = vector.broadcast %and3A_1027 : i32 to vector<128x1xi32>
      %and3A_1029 = arith.andi %iota3A_7, %and3A_1028 : vector<128x1xi32>
      %ne3A_1030 = arith.constant 0 : i32
      %ne3A_1031 = vector.broadcast %ne3A_1030 : i32 to vector<128x1xi32>
      %ne3A_1032 = arith.cmpi ne, %and3A_1029, %ne3A_1031 : vector<128x1xi32>
      %slice3A_1033 = vector.extract_strided_slice %select_n3A_1025 {offsets = [112, 0], sizes = [16, 128], strides = [1, 1]} : vector<128x128xf32> to vector<16x128xf32>
      %slice3A_1034 = vector.extract_strided_slice %select_n3A_1025 {offsets = [0, 0], sizes = [112, 128], strides = [1, 1]} : vector<128x128xf32> to vector<112x128xf32>
      %concatenate3A_1035 = tpu.concatenate %slice3A_1033, %slice3A_1034 in 0 : vector<16x128xf32>, vector<112x128xf32> -> vector<128x128xf32>
      %slice3A_1036 = vector.extract_strided_slice %select_n3A_1025 {offsets = [16, 0], sizes = [112, 128], strides = [1, 1]} : vector<128x128xf32> to vector<112x128xf32>
      %slice3A_1037 = vector.extract_strided_slice %select_n3A_1025 {offsets = [0, 0], sizes = [16, 128], strides = [1, 1]} : vector<128x128xf32> to vector<16x128xf32>
      %concatenate3A_1038 = tpu.concatenate %slice3A_1036, %slice3A_1037 in 0 : vector<112x128xf32>, vector<16x128xf32> -> vector<128x128xf32>
      %broadcast_in_dim3A_1039 = vector.shape_cast %ne3A_1032 : vector<128x1xi1> to vector<128x1xi1>
      %broadcast_in_dim3A_1040 = vector.broadcast %broadcast_in_dim3A_1039 : vector<128x1xi1> to vector<128x128xi1>
      %select_n3A_1041 = arith.select %broadcast_in_dim3A_1040, %concatenate3A_1035, %concatenate3A_1038 : vector<128x128xi1>, vector<128x128xf32>
      %slice3A_1042 = vector.extract_strided_slice %select_n3A_1026 {offsets = [112, 0], sizes = [16, 128], strides = [1, 1]} : vector<128x128xi32> to vector<16x128xi32>
      %slice3A_1043 = vector.extract_strided_slice %select_n3A_1026 {offsets = [0, 0], sizes = [112, 128], strides = [1, 1]} : vector<128x128xi32> to vector<112x128xi32>
      %concatenate3A_1044 = tpu.concatenate %slice3A_1042, %slice3A_1043 in 0 : vector<16x128xi32>, vector<112x128xi32> -> vector<128x128xi32>
      %slice3A_1045 = vector.extract_strided_slice %select_n3A_1026 {offsets = [16, 0], sizes = [112, 128], strides = [1, 1]} : vector<128x128xi32> to vector<112x128xi32>
      %slice3A_1046 = vector.extract_strided_slice %select_n3A_1026 {offsets = [0, 0], sizes = [16, 128], strides = [1, 1]} : vector<128x128xi32> to vector<16x128xi32>
      %concatenate3A_1047 = tpu.concatenate %slice3A_1045, %slice3A_1046 in 0 : vector<112x128xi32>, vector<16x128xi32> -> vector<128x128xi32>
      %broadcast_in_dim3A_1048 = vector.shape_cast %ne3A_1032 : vector<128x1xi1> to vector<128x1xi1>
      %broadcast_in_dim3A_1049 = vector.broadcast %broadcast_in_dim3A_1048 : vector<128x1xi1> to vector<128x128xi1>
      %select_n3A_1050 = arith.select %broadcast_in_dim3A_1049, %concatenate3A_1044, %concatenate3A_1047 : vector<128x128xi1>, vector<128x128xi32>
      %gt3A_1051 = arith.cmpf ogt, %select_n3A_1025, %select_n3A_1041 : vector<128x128xf32>
      %eq3A_1052 = arith.cmpf oeq, %select_n3A_1025, %select_n3A_1041 : vector<128x128xf32>
      %gt3A_1053 = arith.cmpi sgt, %select_n3A_1026, %select_n3A_1050 : vector<128x128xi32>
      %and3A_1054 = arith.andi %eq3A_1052, %gt3A_1053 : vector<128x128xi1>
      %or3A_1055 = arith.ori %gt3A_1051, %and3A_1054 : vector<128x128xi1>
      %eq3A_1056 = arith.xori %ne3A_1032, %eq3A_954 : vector<128x1xi1>
      %eq3A_1057 = arith.constant dense<true> : vector<128x1xi1>
      %eq3A_1058 = arith.xori %eq3A_1056, %eq3A_1057 : vector<128x1xi1>
      %xor3A_1059 = vector.broadcast %eq3A_1058 : vector<128x1xi1> to vector<128x128xi1>
      %xor3A_1060 = arith.xori %or3A_1055, %xor3A_1059 : vector<128x128xi1>
      %select_n3A_1061 = arith.select %xor3A_1060, %select_n3A_1041, %select_n3A_1025 : vector<128x128xi1>, vector<128x128xf32>
      %select_n3A_1062 = arith.select %xor3A_1060, %select_n3A_1050, %select_n3A_1026 : vector<128x128xi1>, vector<128x128xi32>
      %and3A_1063 = arith.constant 8 : i32
      %and3A_1064 = vector.broadcast %and3A_1063 : i32 to vector<128x1xi32>
      %and3A_1065 = arith.andi %iota3A_7, %and3A_1064 : vector<128x1xi32>
      %ne3A_1066 = arith.constant 0 : i32
      %ne3A_1067 = vector.broadcast %ne3A_1066 : i32 to vector<128x1xi32>
      %ne3A_1068 = arith.cmpi ne, %and3A_1065, %ne3A_1067 : vector<128x1xi32>
      %slice3A_1069 = vector.extract_strided_slice %select_n3A_1061 {offsets = [120, 0], sizes = [8, 128], strides = [1, 1]} : vector<128x128xf32> to vector<8x128xf32>
      %slice3A_1070 = vector.extract_strided_slice %select_n3A_1061 {offsets = [0, 0], sizes = [120, 128], strides = [1, 1]} : vector<128x128xf32> to vector<120x128xf32>
      %concatenate3A_1071 = tpu.concatenate %slice3A_1069, %slice3A_1070 in 0 : vector<8x128xf32>, vector<120x128xf32> -> vector<128x128xf32>
      %slice3A_1072 = vector.extract_strided_slice %select_n3A_1061 {offsets = [8, 0], sizes = [120, 128], strides = [1, 1]} : vector<128x128xf32> to vector<120x128xf32>
      %slice3A_1073 = vector.extract_strided_slice %select_n3A_1061 {offsets = [0, 0], sizes = [8, 128], strides = [1, 1]} : vector<128x128xf32> to vector<8x128xf32>
      %concatenate3A_1074 = tpu.concatenate %slice3A_1072, %slice3A_1073 in 0 : vector<120x128xf32>, vector<8x128xf32> -> vector<128x128xf32>
      %broadcast_in_dim3A_1075 = vector.shape_cast %ne3A_1068 : vector<128x1xi1> to vector<128x1xi1>
      %broadcast_in_dim3A_1076 = vector.broadcast %broadcast_in_dim3A_1075 : vector<128x1xi1> to vector<128x128xi1>
      %select_n3A_1077 = arith.select %broadcast_in_dim3A_1076, %concatenate3A_1071, %concatenate3A_1074 : vector<128x128xi1>, vector<128x128xf32>
      %slice3A_1078 = vector.extract_strided_slice %select_n3A_1062 {offsets = [120, 0], sizes = [8, 128], strides = [1, 1]} : vector<128x128xi32> to vector<8x128xi32>
      %slice3A_1079 = vector.extract_strided_slice %select_n3A_1062 {offsets = [0, 0], sizes = [120, 128], strides = [1, 1]} : vector<128x128xi32> to vector<120x128xi32>
      %concatenate3A_1080 = tpu.concatenate %slice3A_1078, %slice3A_1079 in 0 : vector<8x128xi32>, vector<120x128xi32> -> vector<128x128xi32>
      %slice3A_1081 = vector.extract_strided_slice %select_n3A_1062 {offsets = [8, 0], sizes = [120, 128], strides = [1, 1]} : vector<128x128xi32> to vector<120x128xi32>
      %slice3A_1082 = vector.extract_strided_slice %select_n3A_1062 {offsets = [0, 0], sizes = [8, 128], strides = [1, 1]} : vector<128x128xi32> to vector<8x128xi32>
      %concatenate3A_1083 = tpu.concatenate %slice3A_1081, %slice3A_1082 in 0 : vector<120x128xi32>, vector<8x128xi32> -> vector<128x128xi32>
      %broadcast_in_dim3A_1084 = vector.shape_cast %ne3A_1068 : vector<128x1xi1> to vector<128x1xi1>
      %broadcast_in_dim3A_1085 = vector.broadcast %broadcast_in_dim3A_1084 : vector<128x1xi1> to vector<128x128xi1>
      %select_n3A_1086 = arith.select %broadcast_in_dim3A_1085, %concatenate3A_1080, %concatenate3A_1083 : vector<128x128xi1>, vector<128x128xi32>
      %gt3A_1087 = arith.cmpf ogt, %select_n3A_1061, %select_n3A_1077 : vector<128x128xf32>
      %eq3A_1088 = arith.cmpf oeq, %select_n3A_1061, %select_n3A_1077 : vector<128x128xf32>
      %gt3A_1089 = arith.cmpi sgt, %select_n3A_1062, %select_n3A_1086 : vector<128x128xi32>
      %and3A_1090 = arith.andi %eq3A_1088, %gt3A_1089 : vector<128x128xi1>
      %or3A_1091 = arith.ori %gt3A_1087, %and3A_1090 : vector<128x128xi1>
      %eq3A_1092 = arith.xori %ne3A_1068, %eq3A_954 : vector<128x1xi1>
      %eq3A_1093 = arith.constant dense<true> : vector<128x1xi1>
      %eq3A_1094 = arith.xori %eq3A_1092, %eq3A_1093 : vector<128x1xi1>
      %xor3A_1095 = vector.broadcast %eq3A_1094 : vector<128x1xi1> to vector<128x128xi1>
      %xor3A_1096 = arith.xori %or3A_1091, %xor3A_1095 : vector<128x128xi1>
      %select_n3A_1097 = arith.select %xor3A_1096, %select_n3A_1077, %select_n3A_1061 : vector<128x128xi1>, vector<128x128xf32>
      %select_n3A_1098 = arith.select %xor3A_1096, %select_n3A_1086, %select_n3A_1062 : vector<128x128xi1>, vector<128x128xi32>
      %and3A_1099 = arith.constant 4 : i32
      %and3A_1100 = vector.broadcast %and3A_1099 : i32 to vector<128x1xi32>
      %and3A_1101 = arith.andi %iota3A_7, %and3A_1100 : vector<128x1xi32>
      %ne3A_1102 = arith.constant 0 : i32
      %ne3A_1103 = vector.broadcast %ne3A_1102 : i32 to vector<128x1xi32>
      %ne3A_1104 = arith.cmpi ne, %and3A_1101, %ne3A_1103 : vector<128x1xi32>
      %slice3A_1105 = vector.extract_strided_slice %select_n3A_1097 {offsets = [124, 0], sizes = [4, 128], strides = [1, 1]} : vector<128x128xf32> to vector<4x128xf32>
      %slice3A_1106 = vector.extract_strided_slice %select_n3A_1097 {offsets = [0, 0], sizes = [124, 128], strides = [1, 1]} : vector<128x128xf32> to vector<124x128xf32>
      %concatenate3A_1107 = tpu.concatenate %slice3A_1105, %slice3A_1106 in 0 : vector<4x128xf32>, vector<124x128xf32> -> vector<128x128xf32>
      %slice3A_1108 = vector.extract_strided_slice %select_n3A_1097 {offsets = [4, 0], sizes = [124, 128], strides = [1, 1]} : vector<128x128xf32> to vector<124x128xf32>
      %slice3A_1109 = vector.extract_strided_slice %select_n3A_1097 {offsets = [0, 0], sizes = [4, 128], strides = [1, 1]} : vector<128x128xf32> to vector<4x128xf32>
      %concatenate3A_1110 = tpu.concatenate %slice3A_1108, %slice3A_1109 in 0 : vector<124x128xf32>, vector<4x128xf32> -> vector<128x128xf32>
      %broadcast_in_dim3A_1111 = vector.shape_cast %ne3A_1104 : vector<128x1xi1> to vector<128x1xi1>
      %broadcast_in_dim3A_1112 = vector.broadcast %broadcast_in_dim3A_1111 : vector<128x1xi1> to vector<128x128xi1>
      %select_n3A_1113 = arith.select %broadcast_in_dim3A_1112, %concatenate3A_1107, %concatenate3A_1110 : vector<128x128xi1>, vector<128x128xf32>
      %slice3A_1114 = vector.extract_strided_slice %select_n3A_1098 {offsets = [124, 0], sizes = [4, 128], strides = [1, 1]} : vector<128x128xi32> to vector<4x128xi32>
      %slice3A_1115 = vector.extract_strided_slice %select_n3A_1098 {offsets = [0, 0], sizes = [124, 128], strides = [1, 1]} : vector<128x128xi32> to vector<124x128xi32>
      %concatenate3A_1116 = tpu.concatenate %slice3A_1114, %slice3A_1115 in 0 : vector<4x128xi32>, vector<124x128xi32> -> vector<128x128xi32>
      %slice3A_1117 = vector.extract_strided_slice %select_n3A_1098 {offsets = [4, 0], sizes = [124, 128], strides = [1, 1]} : vector<128x128xi32> to vector<124x128xi32>
      %slice3A_1118 = vector.extract_strided_slice %select_n3A_1098 {offsets = [0, 0], sizes = [4, 128], strides = [1, 1]} : vector<128x128xi32> to vector<4x128xi32>
      %concatenate3A_1119 = tpu.concatenate %slice3A_1117, %slice3A_1118 in 0 : vector<124x128xi32>, vector<4x128xi32> -> vector<128x128xi32>
      %broadcast_in_dim3A_1120 = vector.shape_cast %ne3A_1104 : vector<128x1xi1> to vector<128x1xi1>
      %broadcast_in_dim3A_1121 = vector.broadcast %broadcast_in_dim3A_1120 : vector<128x1xi1> to vector<128x128xi1>
      %select_n3A_1122 = arith.select %broadcast_in_dim3A_1121, %concatenate3A_1116, %concatenate3A_1119 : vector<128x128xi1>, vector<128x128xi32>
      %gt3A_1123 = arith.cmpf ogt, %select_n3A_1097, %select_n3A_1113 : vector<128x128xf32>
      %eq3A_1124 = arith.cmpf oeq, %select_n3A_1097, %select_n3A_1113 : vector<128x128xf32>
      %gt3A_1125 = arith.cmpi sgt, %select_n3A_1098, %select_n3A_1122 : vector<128x128xi32>
      %and3A_1126 = arith.andi %eq3A_1124, %gt3A_1125 : vector<128x128xi1>
      %or3A_1127 = arith.ori %gt3A_1123, %and3A_1126 : vector<128x128xi1>
      %eq3A_1128 = arith.xori %ne3A_1104, %eq3A_954 : vector<128x1xi1>
      %eq3A_1129 = arith.constant dense<true> : vector<128x1xi1>
      %eq3A_1130 = arith.xori %eq3A_1128, %eq3A_1129 : vector<128x1xi1>
      %xor3A_1131 = vector.broadcast %eq3A_1130 : vector<128x1xi1> to vector<128x128xi1>
      %xor3A_1132 = arith.xori %or3A_1127, %xor3A_1131 : vector<128x128xi1>
      %select_n3A_1133 = arith.select %xor3A_1132, %select_n3A_1113, %select_n3A_1097 : vector<128x128xi1>, vector<128x128xf32>
      %select_n3A_1134 = arith.select %xor3A_1132, %select_n3A_1122, %select_n3A_1098 : vector<128x128xi1>, vector<128x128xi32>
      %and3A_1135 = arith.constant 2 : i32
      %and3A_1136 = vector.broadcast %and3A_1135 : i32 to vector<128x1xi32>
      %and3A_1137 = arith.andi %iota3A_7, %and3A_1136 : vector<128x1xi32>
      %ne3A_1138 = arith.constant 0 : i32
      %ne3A_1139 = vector.broadcast %ne3A_1138 : i32 to vector<128x1xi32>
      %ne3A_1140 = arith.cmpi ne, %and3A_1137, %ne3A_1139 : vector<128x1xi32>
      %slice3A_1141 = vector.extract_strided_slice %select_n3A_1133 {offsets = [126, 0], sizes = [2, 128], strides = [1, 1]} : vector<128x128xf32> to vector<2x128xf32>
      %slice3A_1142 = vector.extract_strided_slice %select_n3A_1133 {offsets = [0, 0], sizes = [126, 128], strides = [1, 1]} : vector<128x128xf32> to vector<126x128xf32>
      %concatenate3A_1143 = tpu.concatenate %slice3A_1141, %slice3A_1142 in 0 : vector<2x128xf32>, vector<126x128xf32> -> vector<128x128xf32>
      %slice3A_1144 = vector.extract_strided_slice %select_n3A_1133 {offsets = [2, 0], sizes = [126, 128], strides = [1, 1]} : vector<128x128xf32> to vector<126x128xf32>
      %slice3A_1145 = vector.extract_strided_slice %select_n3A_1133 {offsets = [0, 0], sizes = [2, 128], strides = [1, 1]} : vector<128x128xf32> to vector<2x128xf32>
      %concatenate3A_1146 = tpu.concatenate %slice3A_1144, %slice3A_1145 in 0 : vector<126x128xf32>, vector<2x128xf32> -> vector<128x128xf32>
      %broadcast_in_dim3A_1147 = vector.shape_cast %ne3A_1140 : vector<128x1xi1> to vector<128x1xi1>
      %broadcast_in_dim3A_1148 = vector.broadcast %broadcast_in_dim3A_1147 : vector<128x1xi1> to vector<128x128xi1>
      %select_n3A_1149 = arith.select %broadcast_in_dim3A_1148, %concatenate3A_1143, %concatenate3A_1146 : vector<128x128xi1>, vector<128x128xf32>
      %slice3A_1150 = vector.extract_strided_slice %select_n3A_1134 {offsets = [126, 0], sizes = [2, 128], strides = [1, 1]} : vector<128x128xi32> to vector<2x128xi32>
      %slice3A_1151 = vector.extract_strided_slice %select_n3A_1134 {offsets = [0, 0], sizes = [126, 128], strides = [1, 1]} : vector<128x128xi32> to vector<126x128xi32>
      %concatenate3A_1152 = tpu.concatenate %slice3A_1150, %slice3A_1151 in 0 : vector<2x128xi32>, vector<126x128xi32> -> vector<128x128xi32>
      %slice3A_1153 = vector.extract_strided_slice %select_n3A_1134 {offsets = [2, 0], sizes = [126, 128], strides = [1, 1]} : vector<128x128xi32> to vector<126x128xi32>
      %slice3A_1154 = vector.extract_strided_slice %select_n3A_1134 {offsets = [0, 0], sizes = [2, 128], strides = [1, 1]} : vector<128x128xi32> to vector<2x128xi32>
      %concatenate3A_1155 = tpu.concatenate %slice3A_1153, %slice3A_1154 in 0 : vector<126x128xi32>, vector<2x128xi32> -> vector<128x128xi32>
      %broadcast_in_dim3A_1156 = vector.shape_cast %ne3A_1140 : vector<128x1xi1> to vector<128x1xi1>
      %broadcast_in_dim3A_1157 = vector.broadcast %broadcast_in_dim3A_1156 : vector<128x1xi1> to vector<128x128xi1>
      %select_n3A_1158 = arith.select %broadcast_in_dim3A_1157, %concatenate3A_1152, %concatenate3A_1155 : vector<128x128xi1>, vector<128x128xi32>
      %gt3A_1159 = arith.cmpf ogt, %select_n3A_1133, %select_n3A_1149 : vector<128x128xf32>
      %eq3A_1160 = arith.cmpf oeq, %select_n3A_1133, %select_n3A_1149 : vector<128x128xf32>
      %gt3A_1161 = arith.cmpi sgt, %select_n3A_1134, %select_n3A_1158 : vector<128x128xi32>
      %and3A_1162 = arith.andi %eq3A_1160, %gt3A_1161 : vector<128x128xi1>
      %or3A_1163 = arith.ori %gt3A_1159, %and3A_1162 : vector<128x128xi1>
      %eq3A_1164 = arith.xori %ne3A_1140, %eq3A_954 : vector<128x1xi1>
      %eq3A_1165 = arith.constant dense<true> : vector<128x1xi1>
      %eq3A_1166 = arith.xori %eq3A_1164, %eq3A_1165 : vector<128x1xi1>
      %xor3A_1167 = vector.broadcast %eq3A_1166 : vector<128x1xi1> to vector<128x128xi1>
      %xor3A_1168 = arith.xori %or3A_1163, %xor3A_1167 : vector<128x128xi1>
      %select_n3A_1169 = arith.select %xor3A_1168, %select_n3A_1149, %select_n3A_1133 : vector<128x128xi1>, vector<128x128xf32>
      %select_n3A_1170 = arith.select %xor3A_1168, %select_n3A_1158, %select_n3A_1134 : vector<128x128xi1>, vector<128x128xi32>
      %and3A_1171 = arith.constant 1 : i32
      %and3A_1172 = vector.broadcast %and3A_1171 : i32 to vector<128x1xi32>
      %and3A_1173 = arith.andi %iota3A_7, %and3A_1172 : vector<128x1xi32>
      %ne3A_1174 = arith.constant 0 : i32
      %ne3A_1175 = vector.broadcast %ne3A_1174 : i32 to vector<128x1xi32>
      %ne3A_1176 = arith.cmpi ne, %and3A_1173, %ne3A_1175 : vector<128x1xi32>
      %slice3A_1177 = vector.extract_strided_slice %select_n3A_1169 {offsets = [127, 0], sizes = [1, 128], strides = [1, 1]} : vector<128x128xf32> to vector<1x128xf32>
      %slice3A_1178 = vector.extract_strided_slice %select_n3A_1169 {offsets = [0, 0], sizes = [127, 128], strides = [1, 1]} : vector<128x128xf32> to vector<127x128xf32>
      %concatenate3A_1179 = tpu.concatenate %slice3A_1177, %slice3A_1178 in 0 : vector<1x128xf32>, vector<127x128xf32> -> vector<128x128xf32>
      %slice3A_1180 = vector.extract_strided_slice %select_n3A_1169 {offsets = [1, 0], sizes = [127, 128], strides = [1, 1]} : vector<128x128xf32> to vector<127x128xf32>
      %slice3A_1181 = vector.extract_strided_slice %select_n3A_1169 {offsets = [0, 0], sizes = [1, 128], strides = [1, 1]} : vector<128x128xf32> to vector<1x128xf32>
      %concatenate3A_1182 = tpu.concatenate %slice3A_1180, %slice3A_1181 in 0 : vector<127x128xf32>, vector<1x128xf32> -> vector<128x128xf32>
      %broadcast_in_dim3A_1183 = vector.shape_cast %ne3A_1176 : vector<128x1xi1> to vector<128x1xi1>
      %broadcast_in_dim3A_1184 = vector.broadcast %broadcast_in_dim3A_1183 : vector<128x1xi1> to vector<128x128xi1>
      %select_n3A_1185 = arith.select %broadcast_in_dim3A_1184, %concatenate3A_1179, %concatenate3A_1182 : vector<128x128xi1>, vector<128x128xf32>
      %slice3A_1186 = vector.extract_strided_slice %select_n3A_1170 {offsets = [127, 0], sizes = [1, 128], strides = [1, 1]} : vector<128x128xi32> to vector<1x128xi32>
      %slice3A_1187 = vector.extract_strided_slice %select_n3A_1170 {offsets = [0, 0], sizes = [127, 128], strides = [1, 1]} : vector<128x128xi32> to vector<127x128xi32>
      %concatenate3A_1188 = tpu.concatenate %slice3A_1186, %slice3A_1187 in 0 : vector<1x128xi32>, vector<127x128xi32> -> vector<128x128xi32>
      %slice3A_1189 = vector.extract_strided_slice %select_n3A_1170 {offsets = [1, 0], sizes = [127, 128], strides = [1, 1]} : vector<128x128xi32> to vector<127x128xi32>
      %slice3A_1190 = vector.extract_strided_slice %select_n3A_1170 {offsets = [0, 0], sizes = [1, 128], strides = [1, 1]} : vector<128x128xi32> to vector<1x128xi32>
      %concatenate3A_1191 = tpu.concatenate %slice3A_1189, %slice3A_1190 in 0 : vector<127x128xi32>, vector<1x128xi32> -> vector<128x128xi32>
      %broadcast_in_dim3A_1192 = vector.shape_cast %ne3A_1176 : vector<128x1xi1> to vector<128x1xi1>
      %broadcast_in_dim3A_1193 = vector.broadcast %broadcast_in_dim3A_1192 : vector<128x1xi1> to vector<128x128xi1>
      %select_n3A_1194 = arith.select %broadcast_in_dim3A_1193, %concatenate3A_1188, %concatenate3A_1191 : vector<128x128xi1>, vector<128x128xi32>
      %gt3A_1195 = arith.cmpf ogt, %select_n3A_1169, %select_n3A_1185 : vector<128x128xf32>
      %eq3A_1196 = arith.cmpf oeq, %select_n3A_1169, %select_n3A_1185 : vector<128x128xf32>
      %gt3A_1197 = arith.cmpi sgt, %select_n3A_1170, %select_n3A_1194 : vector<128x128xi32>
      %and3A_1198 = arith.andi %eq3A_1196, %gt3A_1197 : vector<128x128xi1>
      %or3A_1199 = arith.ori %gt3A_1195, %and3A_1198 : vector<128x128xi1>
      %eq3A_1200 = arith.xori %ne3A_1176, %eq3A_954 : vector<128x1xi1>
      %eq3A_1201 = arith.constant dense<true> : vector<128x1xi1>
      %eq3A_1202 = arith.xori %eq3A_1200, %eq3A_1201 : vector<128x1xi1>
      %xor3A_1203 = vector.broadcast %eq3A_1202 : vector<128x1xi1> to vector<128x128xi1>
      %xor3A_1204 = arith.xori %or3A_1199, %xor3A_1203 : vector<128x128xi1>
      %select_n3A_1205 = arith.select %xor3A_1204, %select_n3A_1185, %select_n3A_1169 : vector<128x128xi1>, vector<128x128xf32>
      %select_n3A_1206 = arith.select %xor3A_1204, %select_n3A_1194, %select_n3A_1170 : vector<128x128xi1>, vector<128x128xi32>
      %swap3A_1207 = arith.index_cast %mul3A_158 : i32 to index
      %swap3A_1208 = arith.constant 0 : index
      %swap3A_1209 = vector.load %arg2[%swap3A_1207, %swap3A_1208] : memref<8192x128xf32, #tpu.memory_space<vmem>>, vector<128x128xf32>
      tpu.vector_store %arg2[%swap3A_1207, %swap3A_1208], %select_n3A_1205 {strides = array<i32>} : memref<8192x128xf32, #tpu.memory_space<vmem>>, vector<128x128xf32>,
      %swap3A_1210 = arith.index_cast %mul3A_158 : i32 to index
      %swap3A_1211 = arith.constant 0 : index
      %swap3A_1212 = vector.load %arg3[%swap3A_1210, %swap3A_1211] : memref<8192x128xi32, #tpu.memory_space<vmem>>, vector<128x128xi32>
      tpu.vector_store %arg3[%swap3A_1210, %swap3A_1211], %select_n3A_1206 {strides = array<i32>} : memref<8192x128xi32, #tpu.memory_space<vmem>>, vector<128x128xi32>,
    }
    %scan3A_11 = arith.constant 64 : i32
    %scan3A_12 = arith.constant 0 : i32
    %scan3A_13 = arith.constant 32 : i32
    %scan3A_14 = arith.addi %scan3A_12, %scan3A_13 : i32
    %scan3A_15 = arith.constant 1 : i32
    scf.for %scan3A_156 = %scan3A_12 to %scan3A_14 step %scan3A_15  : i32 {
      %jit3A = arith.constant 1 : i32
      %div3A = arith.divsi %scan3A_156, %jit3A : i32
      %sign3A = arith.constant 0 : i32
      %sign3A_157 = arith.cmpi sgt, %scan3A_156, %sign3A : i32
      %sign3A_158 = arith.extui %sign3A_157 : i1 to i32
      %sign3A_159 = arith.constant 0 : i32
      %sign3A_160 = arith.cmpi slt, %scan3A_156, %sign3A_159 : i32
      %sign3A_161 = arith.extui %sign3A_160 : i1 to i32
      %sign3A_162 = arith.subi %sign3A_158, %sign3A_161 : i32
      %sign3A_163 = arith.constant 0 : i32
      %sign3A_164 = arith.cmpi sgt, %jit3A, %sign3A_163 : i32
      %sign3A_165 = arith.extui %sign3A_164 : i1 to i32
      %sign3A_166 = arith.constant 0 : i32
      %sign3A_167 = arith.cmpi slt, %jit3A, %sign3A_166 : i32
      %sign3A_168 = arith.extui %sign3A_167 : i1 to i32
      %sign3A_169 = arith.subi %sign3A_165, %sign3A_168 : i32
      %ne3A = arith.cmpi ne, %sign3A_162, %sign3A_169 : i32
      %rem3A = arith.remsi %scan3A_156, %jit3A : i32
      %ne3A_170 = arith.constant 0 : i32
      %ne3A_171 = arith.cmpi ne, %rem3A, %ne3A_170 : i32
      %and3A = arith.andi %ne3A, %ne3A_171 : i1
      %sub3A = arith.constant 1 : i32
      %sub3A_172 = arith.subi %div3A, %sub3A : i32
      %select_n3A = arith.select %and3A, %sub3A_172, %div3A : i32
      %mul3A_173 = arith.constant 2 : i32
      %mul3A_174 = arith.muli %select_n3A, %mul3A_173 : i32
      %mul3A_175 = arith.constant 128 : i32
      %mul3A_176 = arith.muli %mul3A_174, %mul3A_175 : i32
      %jit3A_177 = arith.constant 1 : i32
      %eq3A = arith.constant 0 : i32
      %eq3A_178 = arith.cmpi eq, %jit3A_177, %eq3A : i32
      %jit3A_179 = arith.constant 1 : i32
      %select_n3A_180 = arith.select %eq3A_178, %jit3A_179, %jit3A_177 : i32
      %rem3A_181 = arith.remsi %scan3A_156, %select_n3A_180 : i32
      %ne3A_182 = arith.constant 0 : i32
      %ne3A_183 = arith.cmpi ne, %rem3A_181, %ne3A_182 : i32
      %lt3A = arith.constant 0 : i32
      %lt3A_184 = arith.cmpi slt, %rem3A_181, %lt3A : i32
      %lt3A_185 = arith.constant 0 : i32
      %lt3A_186 = arith.cmpi slt, %select_n3A_180, %lt3A_185 : i32
      %ne3A_187 = arith.xori %lt3A_184, %lt3A_186 : i1
      %and3A_188 = arith.andi %ne3A_187, %ne3A_183 : i1
      %add3A_189 = arith.addi %rem3A_181, %select_n3A_180 : i32
      %select_n3A_190 = arith.select %and3A_188, %add3A_189, %rem3A_181 : i32
      %mul3A_191 = arith.constant 128 : i32
      %mul3A_192 = arith.muli %select_n3A_190, %mul3A_191 : i32
      %add3A_193 = arith.addi %mul3A_176, %mul3A_192 : i32
      %and3A_194 = arith.constant 256 : i32
      %and3A_195 = arith.andi %add3A_193, %and3A_194 : i32
      %eq3A_196 = arith.constant 0 : i32
      %eq3A_197 = arith.cmpi eq, %and3A_195, %eq3A_196 : i32
      %get3A_198 = arith.index_cast %add3A_193 : i32 to index
      %get3A_199 = arith.constant 0 : index
      %get3A_200 = vector.load %arg2[%get3A_198, %get3A_199] : memref<8192x128xf32, #tpu.memory_space<vmem>>, vector<128x128xf32>
      %add3A_201 = arith.constant 128 : i32
      %add3A_202 = arith.addi %add3A_193, %add3A_201 : i32
      %get3A_203 = arith.index_cast %add3A_202 : i32 to index
      %get3A_204 = arith.constant 0 : index
      %get3A_205 = vector.load %arg2[%get3A_203, %get3A_204] : memref<8192x128xf32, #tpu.memory_space<vmem>>, vector<128x128xf32>
      %get3A_206 = arith.index_cast %add3A_193 : i32 to index
      %get3A_207 = arith.constant 0 : index
      %get3A_208 = vector.load %arg3[%get3A_206, %get3A_207] : memref<8192x128xi32, #tpu.memory_space<vmem>>, vector<128x128xi32>
      %add3A_209 = arith.constant 128 : i32
      %add3A_210 = arith.addi %add3A_193, %add3A_209 : i32
      %get3A_211 = arith.index_cast %add3A_210 : i32 to index
      %get3A_212 = arith.constant 0 : index
      %get3A_213 = vector.load %arg3[%get3A_211, %get3A_212] : memref<8192x128xi32, #tpu.memory_space<vmem>>, vector<128x128xi32>
      %gt3A = arith.cmpf ogt, %get3A_200, %get3A_205 : vector<128x128xf32>
      %eq3A_214 = arith.cmpf oeq, %get3A_200, %get3A_205 : vector<128x128xf32>
      %gt3A_215 = arith.cmpi sgt, %get3A_208, %get3A_213 : vector<128x128xi32>
      %and3A_216 = arith.andi %eq3A_214, %gt3A_215 : vector<128x128xi1>
      %or3A = arith.ori %gt3A, %and3A_216 : vector<128x128xi1>
      %eq3A_217 = vector.broadcast %eq3A_197 : i1 to vector<128x128xi1>
      %eq3A_218 = vector.broadcast %eq3A_217 : vector<128x128xi1> to vector<128x128xi1>
      %eq3A_219 = arith.xori %or3A, %eq3A_218 : vector<128x128xi1>
      %eq3A_220 = arith.constant dense<true> : vector<128x128xi1>
      %eq3A_221 = arith.xori %eq3A_219, %eq3A_220 : vector<128x128xi1>
      %select_n3A_222 = arith.select %eq3A_221, %get3A_205, %get3A_200 : vector<128x128xi1>, vector<128x128xf32>
      %swap3A_223 = arith.index_cast %add3A_193 : i32 to index
      %swap3A_224 = arith.constant 0 : index
      %swap3A_225 = vector.load %arg2[%swap3A_223, %swap3A_224] : memref<8192x128xf32, #tpu.memory_space<vmem>>, vector<128x128xf32>
      tpu.vector_store %arg2[%swap3A_223, %swap3A_224], %select_n3A_222 {strides = array<i32>} : memref<8192x128xf32, #tpu.memory_space<vmem>>, vector<128x128xf32>,
      %select_n3A_226 = arith.select %eq3A_221, %get3A_200, %get3A_205 : vector<128x128xi1>, vector<128x128xf32>
      %add3A_227 = arith.constant 128 : i32
      %add3A_228 = arith.addi %add3A_193, %add3A_227 : i32
      %swap3A_229 = arith.index_cast %add3A_228 : i32 to index
      %swap3A_230 = arith.constant 0 : index
      %swap3A_231 = vector.load %arg2[%swap3A_229, %swap3A_230] : memref<8192x128xf32, #tpu.memory_space<vmem>>, vector<128x128xf32>
      tpu.vector_store %arg2[%swap3A_229, %swap3A_230], %select_n3A_226 {strides = array<i32>} : memref<8192x128xf32, #tpu.memory_space<vmem>>, vector<128x128xf32>,
      %select_n3A_232 = arith.select %eq3A_221, %get3A_213, %get3A_208 : vector<128x128xi1>, vector<128x128xi32>
      %swap3A_233 = arith.index_cast %add3A_193 : i32 to index
      %swap3A_234 = arith.constant 0 : index
      %swap3A_235 = vector.load %arg3[%swap3A_233, %swap3A_234] : memref<8192x128xi32, #tpu.memory_space<vmem>>, vector<128x128xi32>
      tpu.vector_store %arg3[%swap3A_233, %swap3A_234], %select_n3A_232 {strides = array<i32>} : memref<8192x128xi32, #tpu.memory_space<vmem>>, vector<128x128xi32>,
      %select_n3A_236 = arith.select %eq3A_221, %get3A_208, %get3A_213 : vector<128x128xi1>, vector<128x128xi32>
      %add3A_237 = arith.constant 128 : i32
      %add3A_238 = arith.addi %add3A_193, %add3A_237 : i32
      %swap3A_239 = arith.index_cast %add3A_238 : i32 to index
      %swap3A_240 = arith.constant 0 : index
      %swap3A_241 = vector.load %arg3[%swap3A_239, %swap3A_240] : memref<8192x128xi32, #tpu.memory_space<vmem>>, vector<128x128xi32>
      tpu.vector_store %arg3[%swap3A_239, %swap3A_240], %select_n3A_236 {strides = array<i32>} : memref<8192x128xi32, #tpu.memory_space<vmem>>, vector<128x128xi32>,
    }
    %scan3A_16 = arith.constant 32 : i32
    %scan3A_17 = arith.constant 0 : i32
    %scan3A_18 = arith.constant 64 : i32
    %scan3A_19 = arith.addi %scan3A_17, %scan3A_18 : i32
    %scan3A_20 = arith.constant 1 : i32
    scf.for %scan3A_156 = %scan3A_17 to %scan3A_19 step %scan3A_20  : i32 {
      %mul3A_157 = arith.constant 128 : i32
      %mul3A_158 = arith.muli %scan3A_156, %mul3A_157 : i32
      %get3A_159 = arith.index_cast %mul3A_158 : i32 to index
      %get3A_160 = arith.constant 0 : index
      %get3A_161 = vector.load %arg2[%get3A_159, %get3A_160] : memref<8192x128xf32, #tpu.memory_space<vmem>>, vector<128x128xf32>
      %get3A_162 = arith.index_cast %mul3A_158 : i32 to index
      %get3A_163 = arith.constant 0 : index
      %get3A_164 = vector.load %arg3[%get3A_162, %get3A_163] : memref<8192x128xi32, #tpu.memory_space<vmem>>, vector<128x128xi32>
      %add3A_165 = vector.broadcast %mul3A_158 : i32 to vector<128x1xi32>
      %add3A_166 = arith.addi %iota3A_7, %add3A_165 : vector<128x1xi32>
      %and3A = arith.constant 256 : i32
      %and3A_167 = vector.broadcast %and3A : i32 to vector<128x1xi32>
      %and3A_168 = arith.andi %add3A_166, %and3A_167 : vector<128x1xi32>
      %eq3A = arith.constant 0 : i32
      %eq3A_169 = vector.broadcast %eq3A : i32 to vector<128x1xi32>
      %eq3A_170 = arith.cmpi eq, %and3A_168, %eq3A_169 : vector<128x1xi32>
      %and3A_171 = arith.constant 64 : i32
      %and3A_172 = vector.broadcast %and3A_171 : i32 to vector<128x1xi32>
      %and3A_173 = arith.andi %iota3A_7, %and3A_172 : vector<128x1xi32>
      %ne3A = arith.constant 0 : i32
      %ne3A_174 = vector.broadcast %ne3A : i32 to vector<128x1xi32>
      %ne3A_175 = arith.cmpi ne, %and3A_173, %ne3A_174 : vector<128x1xi32>
      %slice3A = vector.extract_strided_slice %get3A_161 {offsets = [64, 0], sizes = [64, 128], strides = [1, 1]} : vector<128x128xf32> to vector<64x128xf32>
      %slice3A_176 = vector.extract_strided_slice %get3A_161 {offsets = [0, 0], sizes = [64, 128], strides = [1, 1]} : vector<128x128xf32> to vector<64x128xf32>
      %concatenate3A = tpu.concatenate %slice3A, %slice3A_176 in 0 : vector<64x128xf32>, vector<64x128xf32> -> vector<128x128xf32>
      %slice3A_177 = vector.extract_strided_slice %get3A_161 {offsets = [64, 0], sizes = [64, 128], strides = [1, 1]} : vector<128x128xf32> to vector<64x128xf32>
      %slice3A_178 = vector.extract_strided_slice %get3A_161 {offsets = [0, 0], sizes = [64, 128], strides = [1, 1]} : vector<128x128xf32> to vector<64x128xf32>
      %concatenate3A_179 = tpu.concatenate %slice3A_177, %slice3A_178 in 0 : vector<64x128xf32>, vector<64x128xf32> -> vector<128x128xf32>
      %broadcast_in_dim3A = vector.shape_cast %ne3A_175 : vector<128x1xi1> to vector<128x1xi1>
      %broadcast_in_dim3A_180 = vector.broadcast %broadcast_in_dim3A : vector<128x1xi1> to vector<128x128xi1>
      %select_n3A = arith.select %broadcast_in_dim3A_180, %concatenate3A, %concatenate3A_179 : vector<128x128xi1>, vector<128x128xf32>
      %slice3A_181 = vector.extract_strided_slice %get3A_164 {offsets = [64, 0], sizes = [64, 128], strides = [1, 1]} : vector<128x128xi32> to vector<64x128xi32>
      %slice3A_182 = vector.extract_strided_slice %get3A_164 {offsets = [0, 0], sizes = [64, 128], strides = [1, 1]} : vector<128x128xi32> to vector<64x128xi32>
      %concatenate3A_183 = tpu.concatenate %slice3A_181, %slice3A_182 in 0 : vector<64x128xi32>, vector<64x128xi32> -> vector<128x128xi32>
      %slice3A_184 = vector.extract_strided_slice %get3A_164 {offsets = [64, 0], sizes = [64, 128], strides = [1, 1]} : vector<128x128xi32> to vector<64x128xi32>
      %slice3A_185 = vector.extract_strided_slice %get3A_164 {offsets = [0, 0], sizes = [64, 128], strides = [1, 1]} : vector<128x128xi32> to vector<64x128xi32>
      %concatenate3A_186 = tpu.concatenate %slice3A_184, %slice3A_185 in 0 : vector<64x128xi32>, vector<64x128xi32> -> vector<128x128xi32>
      %broadcast_in_dim3A_187 = vector.shape_cast %ne3A_175 : vector<128x1xi1> to vector<128x1xi1>
      %broadcast_in_dim3A_188 = vector.broadcast %broadcast_in_dim3A_187 : vector<128x1xi1> to vector<128x128xi1>
      %select_n3A_189 = arith.select %broadcast_in_dim3A_188, %concatenate3A_183, %concatenate3A_186 : vector<128x128xi1>, vector<128x128xi32>
      %gt3A = arith.cmpf ogt, %get3A_161, %select_n3A : vector<128x128xf32>
      %eq3A_190 = arith.cmpf oeq, %get3A_161, %select_n3A : vector<128x128xf32>
      %gt3A_191 = arith.cmpi sgt, %get3A_164, %select_n3A_189 : vector<128x128xi32>
      %and3A_192 = arith.andi %eq3A_190, %gt3A_191 : vector<128x128xi1>
      %or3A = arith.ori %gt3A, %and3A_192 : vector<128x128xi1>
      %eq3A_193 = arith.xori %ne3A_175, %eq3A_170 : vector<128x1xi1>
      %eq3A_194 = arith.constant dense<true> : vector<128x1xi1>
      %eq3A_195 = arith.xori %eq3A_193, %eq3A_194 : vector<128x1xi1>
      %xor3A = vector.broadcast %eq3A_195 : vector<128x1xi1> to vector<128x128xi1>
      %xor3A_196 = arith.xori %or3A, %xor3A : vector<128x128xi1>
      %select_n3A_197 = arith.select %xor3A_196, %select_n3A, %get3A_161 : vector<128x128xi1>, vector<128x128xf32>
      %select_n3A_198 = arith.select %xor3A_196, %select_n3A_189, %get3A_164 : vector<128x128xi1>, vector<128x128xi32>
      %and3A_199 = arith.constant 32 : i32
      %and3A_200 = vector.broadcast %and3A_199 : i32 to vector<128x1xi32>
      %and3A_201 = arith.andi %iota3A_7, %and3A_200 : vector<128x1xi32>
      %ne3A_202 = arith.constant 0 : i32
      %ne3A_203 = vector.broadcast %ne3A_202 : i32 to vector<128x1xi32>
      %ne3A_204 = arith.cmpi ne, %and3A_201, %ne3A_203 : vector<128x1xi32>
      %slice3A_205 = vector.extract_strided_slice %select_n3A_197 {offsets = [96, 0], sizes = [32, 128], strides = [1, 1]} : vector<128x128xf32> to vector<32x128xf32>
      %slice3A_206 = vector.extract_strided_slice %select_n3A_197 {offsets = [0, 0], sizes = [96, 128], strides = [1, 1]} : vector<128x128xf32> to vector<96x128xf32>
      %concatenate3A_207 = tpu.concatenate %slice3A_205, %slice3A_206 in 0 : vector<32x128xf32>, vector<96x128xf32> -> vector<128x128xf32>
      %slice3A_208 = vector.extract_strided_slice %select_n3A_197 {offsets = [32, 0], sizes = [96, 128], strides = [1, 1]} : vector<128x128xf32> to vector<96x128xf32>
      %slice3A_209 = vector.extract_strided_slice %select_n3A_197 {offsets = [0, 0], sizes = [32, 128], strides = [1, 1]} : vector<128x128xf32> to vector<32x128xf32>
      %concatenate3A_210 = tpu.concatenate %slice3A_208, %slice3A_209 in 0 : vector<96x128xf32>, vector<32x128xf32> -> vector<128x128xf32>
      %broadcast_in_dim3A_211 = vector.shape_cast %ne3A_204 : vector<128x1xi1> to vector<128x1xi1>
      %broadcast_in_dim3A_212 = vector.broadcast %broadcast_in_dim3A_211 : vector<128x1xi1> to vector<128x128xi1>
      %select_n3A_213 = arith.select %broadcast_in_dim3A_212, %concatenate3A_207, %concatenate3A_210 : vector<128x128xi1>, vector<128x128xf32>
      %slice3A_214 = vector.extract_strided_slice %select_n3A_198 {offsets = [96, 0], sizes = [32, 128], strides = [1, 1]} : vector<128x128xi32> to vector<32x128xi32>
      %slice3A_215 = vector.extract_strided_slice %select_n3A_198 {offsets = [0, 0], sizes = [96, 128], strides = [1, 1]} : vector<128x128xi32> to vector<96x128xi32>
      %concatenate3A_216 = tpu.concatenate %slice3A_214, %slice3A_215 in 0 : vector<32x128xi32>, vector<96x128xi32> -> vector<128x128xi32>
      %slice3A_217 = vector.extract_strided_slice %select_n3A_198 {offsets = [32, 0], sizes = [96, 128], strides = [1, 1]} : vector<128x128xi32> to vector<96x128xi32>
      %slice3A_218 = vector.extract_strided_slice %select_n3A_198 {offsets = [0, 0], sizes = [32, 128], strides = [1, 1]} : vector<128x128xi32> to vector<32x128xi32>
      %concatenate3A_219 = tpu.concatenate %slice3A_217, %slice3A_218 in 0 : vector<96x128xi32>, vector<32x128xi32> -> vector<128x128xi32>
      %broadcast_in_dim3A_220 = vector.shape_cast %ne3A_204 : vector<128x1xi1> to vector<128x1xi1>
      %broadcast_in_dim3A_221 = vector.broadcast %broadcast_in_dim3A_220 : vector<128x1xi1> to vector<128x128xi1>
      %select_n3A_222 = arith.select %broadcast_in_dim3A_221, %concatenate3A_216, %concatenate3A_219 : vector<128x128xi1>, vector<128x128xi32>
      %gt3A_223 = arith.cmpf ogt, %select_n3A_197, %select_n3A_213 : vector<128x128xf32>
      %eq3A_224 = arith.cmpf oeq, %select_n3A_197, %select_n3A_213 : vector<128x128xf32>
      %gt3A_225 = arith.cmpi sgt, %select_n3A_198, %select_n3A_222 : vector<128x128xi32>
      %and3A_226 = arith.andi %eq3A_224, %gt3A_225 : vector<128x128xi1>
      %or3A_227 = arith.ori %gt3A_223, %and3A_226 : vector<128x128xi1>
      %eq3A_228 = arith.xori %ne3A_204, %eq3A_170 : vector<128x1xi1>
      %eq3A_229 = arith.constant dense<true> : vector<128x1xi1>
      %eq3A_230 = arith.xori %eq3A_228, %eq3A_229 : vector<128x1xi1>
      %xor3A_231 = vector.broadcast %eq3A_230 : vector<128x1xi1> to vector<128x128xi1>
      %xor3A_232 = arith.xori %or3A_227, %xor3A_231 : vector<128x128xi1>
      %select_n3A_233 = arith.select %xor3A_232, %select_n3A_213, %select_n3A_197 : vector<128x128xi1>, vector<128x128xf32>
      %select_n3A_234 = arith.select %xor3A_232, %select_n3A_222, %select_n3A_198 : vector<128x128xi1>, vector<128x128xi32>
      %and3A_235 = arith.constant 16 : i32
      %and3A_236 = vector.broadcast %and3A_235 : i32 to vector<128x1xi32>
      %and3A_237 = arith.andi %iota3A_7, %and3A_236 : vector<128x1xi32>
      %ne3A_238 = arith.constant 0 : i32
      %ne3A_239 = vector.broadcast %ne3A_238 : i32 to vector<128x1xi32>
      %ne3A_240 = arith.cmpi ne, %and3A_237, %ne3A_239 : vector<128x1xi32>
      %slice3A_241 = vector.extract_strided_slice %select_n3A_233 {offsets = [112, 0], sizes = [16, 128], strides = [1, 1]} : vector<128x128xf32> to vector<16x128xf32>
      %slice3A_242 = vector.extract_strided_slice %select_n3A_233 {offsets = [0, 0], sizes = [112, 128], strides = [1, 1]} : vector<128x128xf32> to vector<112x128xf32>
      %concatenate3A_243 = tpu.concatenate %slice3A_241, %slice3A_242 in 0 : vector<16x128xf32>, vector<112x128xf32> -> vector<128x128xf32>
      %slice3A_244 = vector.extract_strided_slice %select_n3A_233 {offsets = [16, 0], sizes = [112, 128], strides = [1, 1]} : vector<128x128xf32> to vector<112x128xf32>
      %slice3A_245 = vector.extract_strided_slice %select_n3A_233 {offsets = [0, 0], sizes = [16, 128], strides = [1, 1]} : vector<128x128xf32> to vector<16x128xf32>
      %concatenate3A_246 = tpu.concatenate %slice3A_244, %slice3A_245 in 0 : vector<112x128xf32>, vector<16x128xf32> -> vector<128x128xf32>
      %broadcast_in_dim3A_247 = vector.shape_cast %ne3A_240 : vector<128x1xi1> to vector<128x1xi1>
      %broadcast_in_dim3A_248 = vector.broadcast %broadcast_in_dim3A_247 : vector<128x1xi1> to vector<128x128xi1>
      %select_n3A_249 = arith.select %broadcast_in_dim3A_248, %concatenate3A_243, %concatenate3A_246 : vector<128x128xi1>, vector<128x128xf32>
      %slice3A_250 = vector.extract_strided_slice %select_n3A_234 {offsets = [112, 0], sizes = [16, 128], strides = [1, 1]} : vector<128x128xi32> to vector<16x128xi32>
      %slice3A_251 = vector.extract_strided_slice %select_n3A_234 {offsets = [0, 0], sizes = [112, 128], strides = [1, 1]} : vector<128x128xi32> to vector<112x128xi32>
      %concatenate3A_252 = tpu.concatenate %slice3A_250, %slice3A_251 in 0 : vector<16x128xi32>, vector<112x128xi32> -> vector<128x128xi32>
      %slice3A_253 = vector.extract_strided_slice %select_n3A_234 {offsets = [16, 0], sizes = [112, 128], strides = [1, 1]} : vector<128x128xi32> to vector<112x128xi32>
      %slice3A_254 = vector.extract_strided_slice %select_n3A_234 {offsets = [0, 0], sizes = [16, 128], strides = [1, 1]} : vector<128x128xi32> to vector<16x128xi32>
      %concatenate3A_255 = tpu.concatenate %slice3A_253, %slice3A_254 in 0 : vector<112x128xi32>, vector<16x128xi32> -> vector<128x128xi32>
      %broadcast_in_dim3A_256 = vector.shape_cast %ne3A_240 : vector<128x1xi1> to vector<128x1xi1>
      %broadcast_in_dim3A_257 = vector.broadcast %broadcast_in_dim3A_256 : vector<128x1xi1> to vector<128x128xi1>
      %select_n3A_258 = arith.select %broadcast_in_dim3A_257, %concatenate3A_252, %concatenate3A_255 : vector<128x128xi1>, vector<128x128xi32>
      %gt3A_259 = arith.cmpf ogt, %select_n3A_233, %select_n3A_249 : vector<128x128xf32>
      %eq3A_260 = arith.cmpf oeq, %select_n3A_233, %select_n3A_249 : vector<128x128xf32>
      %gt3A_261 = arith.cmpi sgt, %select_n3A_234, %select_n3A_258 : vector<128x128xi32>
      %and3A_262 = arith.andi %eq3A_260, %gt3A_261 : vector<128x128xi1>
      %or3A_263 = arith.ori %gt3A_259, %and3A_262 : vector<128x128xi1>
      %eq3A_264 = arith.xori %ne3A_240, %eq3A_170 : vector<128x1xi1>
      %eq3A_265 = arith.constant dense<true> : vector<128x1xi1>
      %eq3A_266 = arith.xori %eq3A_264, %eq3A_265 : vector<128x1xi1>
      %xor3A_267 = vector.broadcast %eq3A_266 : vector<128x1xi1> to vector<128x128xi1>
      %xor3A_268 = arith.xori %or3A_263, %xor3A_267 : vector<128x128xi1>
      %select_n3A_269 = arith.select %xor3A_268, %select_n3A_249, %select_n3A_233 : vector<128x128xi1>, vector<128x128xf32>
      %select_n3A_270 = arith.select %xor3A_268, %select_n3A_258, %select_n3A_234 : vector<128x128xi1>, vector<128x128xi32>
      %and3A_271 = arith.constant 8 : i32
      %and3A_272 = vector.broadcast %and3A_271 : i32 to vector<128x1xi32>
      %and3A_273 = arith.andi %iota3A_7, %and3A_272 : vector<128x1xi32>
      %ne3A_274 = arith.constant 0 : i32
      %ne3A_275 = vector.broadcast %ne3A_274 : i32 to vector<128x1xi32>
      %ne3A_276 = arith.cmpi ne, %and3A_273, %ne3A_275 : vector<128x1xi32>
      %slice3A_277 = vector.extract_strided_slice %select_n3A_269 {offsets = [120, 0], sizes = [8, 128], strides = [1, 1]} : vector<128x128xf32> to vector<8x128xf32>
      %slice3A_278 = vector.extract_strided_slice %select_n3A_269 {offsets = [0, 0], sizes = [120, 128], strides = [1, 1]} : vector<128x128xf32> to vector<120x128xf32>
      %concatenate3A_279 = tpu.concatenate %slice3A_277, %slice3A_278 in 0 : vector<8x128xf32>, vector<120x128xf32> -> vector<128x128xf32>
      %slice3A_280 = vector.extract_strided_slice %select_n3A_269 {offsets = [8, 0], sizes = [120, 128], strides = [1, 1]} : vector<128x128xf32> to vector<120x128xf32>
      %slice3A_281 = vector.extract_strided_slice %select_n3A_269 {offsets = [0, 0], sizes = [8, 128], strides = [1, 1]} : vector<128x128xf32> to vector<8x128xf32>
      %concatenate3A_282 = tpu.concatenate %slice3A_280, %slice3A_281 in 0 : vector<120x128xf32>, vector<8x128xf32> -> vector<128x128xf32>
      %broadcast_in_dim3A_283 = vector.shape_cast %ne3A_276 : vector<128x1xi1> to vector<128x1xi1>
      %broadcast_in_dim3A_284 = vector.broadcast %broadcast_in_dim3A_283 : vector<128x1xi1> to vector<128x128xi1>
      %select_n3A_285 = arith.select %broadcast_in_dim3A_284, %concatenate3A_279, %concatenate3A_282 : vector<128x128xi1>, vector<128x128xf32>
      %slice3A_286 = vector.extract_strided_slice %select_n3A_270 {offsets = [120, 0], sizes = [8, 128], strides = [1, 1]} : vector<128x128xi32> to vector<8x128xi32>
      %slice3A_287 = vector.extract_strided_slice %select_n3A_270 {offsets = [0, 0], sizes = [120, 128], strides = [1, 1]} : vector<128x128xi32> to vector<120x128xi32>
      %concatenate3A_288 = tpu.concatenate %slice3A_286, %slice3A_287 in 0 : vector<8x128xi32>, vector<120x128xi32> -> vector<128x128xi32>
      %slice3A_289 = vector.extract_strided_slice %select_n3A_270 {offsets = [8, 0], sizes = [120, 128], strides = [1, 1]} : vector<128x128xi32> to vector<120x128xi32>
      %slice3A_290 = vector.extract_strided_slice %select_n3A_270 {offsets = [0, 0], sizes = [8, 128], strides = [1, 1]} : vector<128x128xi32> to vector<8x128xi32>
      %concatenate3A_291 = tpu.concatenate %slice3A_289, %slice3A_290 in 0 : vector<120x128xi32>, vector<8x128xi32> -> vector<128x128xi32>
      %broadcast_in_dim3A_292 = vector.shape_cast %ne3A_276 : vector<128x1xi1> to vector<128x1xi1>
      %broadcast_in_dim3A_293 = vector.broadcast %broadcast_in_dim3A_292 : vector<128x1xi1> to vector<128x128xi1>
      %select_n3A_294 = arith.select %broadcast_in_dim3A_293, %concatenate3A_288, %concatenate3A_291 : vector<128x128xi1>, vector<128x128xi32>
      %gt3A_295 = arith.cmpf ogt, %select_n3A_269, %select_n3A_285 : vector<128x128xf32>
      %eq3A_296 = arith.cmpf oeq, %select_n3A_269, %select_n3A_285 : vector<128x128xf32>
      %gt3A_297 = arith.cmpi sgt, %select_n3A_270, %select_n3A_294 : vector<128x128xi32>
      %and3A_298 = arith.andi %eq3A_296, %gt3A_297 : vector<128x128xi1>
      %or3A_299 = arith.ori %gt3A_295, %and3A_298 : vector<128x128xi1>
      %eq3A_300 = arith.xori %ne3A_276, %eq3A_170 : vector<128x1xi1>
      %eq3A_301 = arith.constant dense<true> : vector<128x1xi1>
      %eq3A_302 = arith.xori %eq3A_300, %eq3A_301 : vector<128x1xi1>
      %xor3A_303 = vector.broadcast %eq3A_302 : vector<128x1xi1> to vector<128x128xi1>
      %xor3A_304 = arith.xori %or3A_299, %xor3A_303 : vector<128x128xi1>
      %select_n3A_305 = arith.select %xor3A_304, %select_n3A_285, %select_n3A_269 : vector<128x128xi1>, vector<128x128xf32>
      %select_n3A_306 = arith.select %xor3A_304, %select_n3A_294, %select_n3A_270 : vector<128x128xi1>, vector<128x128xi32>
      %and3A_307 = arith.constant 4 : i32
      %and3A_308 = vector.broadcast %and3A_307 : i32 to vector<128x1xi32>
      %and3A_309 = arith.andi %iota3A_7, %and3A_308 : vector<128x1xi32>
      %ne3A_310 = arith.constant 0 : i32
      %ne3A_311 = vector.broadcast %ne3A_310 : i32 to vector<128x1xi32>
      %ne3A_312 = arith.cmpi ne, %and3A_309, %ne3A_311 : vector<128x1xi32>
      %slice3A_313 = vector.extract_strided_slice %select_n3A_305 {offsets = [124, 0], sizes = [4, 128], strides = [1, 1]} : vector<128x128xf32> to vector<4x128xf32>
      %slice3A_314 = vector.extract_strided_slice %select_n3A_305 {offsets = [0, 0], sizes = [124, 128], strides = [1, 1]} : vector<128x128xf32> to vector<124x128xf32>
      %concatenate3A_315 = tpu.concatenate %slice3A_313, %slice3A_314 in 0 : vector<4x128xf32>, vector<124x128xf32> -> vector<128x128xf32>
      %slice3A_316 = vector.extract_strided_slice %select_n3A_305 {offsets = [4, 0], sizes = [124, 128], strides = [1, 1]} : vector<128x128xf32> to vector<124x128xf32>
      %slice3A_317 = vector.extract_strided_slice %select_n3A_305 {offsets = [0, 0], sizes = [4, 128], strides = [1, 1]} : vector<128x128xf32> to vector<4x128xf32>
      %concatenate3A_318 = tpu.concatenate %slice3A_316, %slice3A_317 in 0 : vector<124x128xf32>, vector<4x128xf32> -> vector<128x128xf32>
      %broadcast_in_dim3A_319 = vector.shape_cast %ne3A_312 : vector<128x1xi1> to vector<128x1xi1>
      %broadcast_in_dim3A_320 = vector.broadcast %broadcast_in_dim3A_319 : vector<128x1xi1> to vector<128x128xi1>
      %select_n3A_321 = arith.select %broadcast_in_dim3A_320, %concatenate3A_315, %concatenate3A_318 : vector<128x128xi1>, vector<128x128xf32>
      %slice3A_322 = vector.extract_strided_slice %select_n3A_306 {offsets = [124, 0], sizes = [4, 128], strides = [1, 1]} : vector<128x128xi32> to vector<4x128xi32>
      %slice3A_323 = vector.extract_strided_slice %select_n3A_306 {offsets = [0, 0], sizes = [124, 128], strides = [1, 1]} : vector<128x128xi32> to vector<124x128xi32>
      %concatenate3A_324 = tpu.concatenate %slice3A_322, %slice3A_323 in 0 : vector<4x128xi32>, vector<124x128xi32> -> vector<128x128xi32>
      %slice3A_325 = vector.extract_strided_slice %select_n3A_306 {offsets = [4, 0], sizes = [124, 128], strides = [1, 1]} : vector<128x128xi32> to vector<124x128xi32>
      %slice3A_326 = vector.extract_strided_slice %select_n3A_306 {offsets = [0, 0], sizes = [4, 128], strides = [1, 1]} : vector<128x128xi32> to vector<4x128xi32>
      %concatenate3A_327 = tpu.concatenate %slice3A_325, %slice3A_326 in 0 : vector<124x128xi32>, vector<4x128xi32> -> vector<128x128xi32>
      %broadcast_in_dim3A_328 = vector.shape_cast %ne3A_312 : vector<128x1xi1> to vector<128x1xi1>
      %broadcast_in_dim3A_329 = vector.broadcast %broadcast_in_dim3A_328 : vector<128x1xi1> to vector<128x128xi1>
      %select_n3A_330 = arith.select %broadcast_in_dim3A_329, %concatenate3A_324, %concatenate3A_327 : vector<128x128xi1>, vector<128x128xi32>
      %gt3A_331 = arith.cmpf ogt, %select_n3A_305, %select_n3A_321 : vector<128x128xf32>
      %eq3A_332 = arith.cmpf oeq, %select_n3A_305, %select_n3A_321 : vector<128x128xf32>
      %gt3A_333 = arith.cmpi sgt, %select_n3A_306, %select_n3A_330 : vector<128x128xi32>
      %and3A_334 = arith.andi %eq3A_332, %gt3A_333 : vector<128x128xi1>
      %or3A_335 = arith.ori %gt3A_331, %and3A_334 : vector<128x128xi1>
      %eq3A_336 = arith.xori %ne3A_312, %eq3A_170 : vector<128x1xi1>
      %eq3A_337 = arith.constant dense<true> : vector<128x1xi1>
      %eq3A_338 = arith.xori %eq3A_336, %eq3A_337 : vector<128x1xi1>
      %xor3A_339 = vector.broadcast %eq3A_338 : vector<128x1xi1> to vector<128x128xi1>
      %xor3A_340 = arith.xori %or3A_335, %xor3A_339 : vector<128x128xi1>
      %select_n3A_341 = arith.select %xor3A_340, %select_n3A_321, %select_n3A_305 : vector<128x128xi1>, vector<128x128xf32>
      %select_n3A_342 = arith.select %xor3A_340, %select_n3A_330, %select_n3A_306 : vector<128x128xi1>, vector<128x128xi32>
      %and3A_343 = arith.constant 2 : i32
      %and3A_344 = vector.broadcast %and3A_343 : i32 to vector<128x1xi32>
      %and3A_345 = arith.andi %iota3A_7, %and3A_344 : vector<128x1xi32>
      %ne3A_346 = arith.constant 0 : i32
      %ne3A_347 = vector.broadcast %ne3A_346 : i32 to vector<128x1xi32>
      %ne3A_348 = arith.cmpi ne, %and3A_345, %ne3A_347 : vector<128x1xi32>
      %slice3A_349 = vector.extract_strided_slice %select_n3A_341 {offsets = [126, 0], sizes = [2, 128], strides = [1, 1]} : vector<128x128xf32> to vector<2x128xf32>
      %slice3A_350 = vector.extract_strided_slice %select_n3A_341 {offsets = [0, 0], sizes = [126, 128], strides = [1, 1]} : vector<128x128xf32> to vector<126x128xf32>
      %concatenate3A_351 = tpu.concatenate %slice3A_349, %slice3A_350 in 0 : vector<2x128xf32>, vector<126x128xf32> -> vector<128x128xf32>
      %slice3A_352 = vector.extract_strided_slice %select_n3A_341 {offsets = [2, 0], sizes = [126, 128], strides = [1, 1]} : vector<128x128xf32> to vector<126x128xf32>
      %slice3A_353 = vector.extract_strided_slice %select_n3A_341 {offsets = [0, 0], sizes = [2, 128], strides = [1, 1]} : vector<128x128xf32> to vector<2x128xf32>
      %concatenate3A_354 = tpu.concatenate %slice3A_352, %slice3A_353 in 0 : vector<126x128xf32>, vector<2x128xf32> -> vector<128x128xf32>
      %broadcast_in_dim3A_355 = vector.shape_cast %ne3A_348 : vector<128x1xi1> to vector<128x1xi1>
      %broadcast_in_dim3A_356 = vector.broadcast %broadcast_in_dim3A_355 : vector<128x1xi1> to vector<128x128xi1>
      %select_n3A_357 = arith.select %broadcast_in_dim3A_356, %concatenate3A_351, %concatenate3A_354 : vector<128x128xi1>, vector<128x128xf32>
      %slice3A_358 = vector.extract_strided_slice %select_n3A_342 {offsets = [126, 0], sizes = [2, 128], strides = [1, 1]} : vector<128x128xi32> to vector<2x128xi32>
      %slice3A_359 = vector.extract_strided_slice %select_n3A_342 {offsets = [0, 0], sizes = [126, 128], strides = [1, 1]} : vector<128x128xi32> to vector<126x128xi32>
      %concatenate3A_360 = tpu.concatenate %slice3A_358, %slice3A_359 in 0 : vector<2x128xi32>, vector<126x128xi32> -> vector<128x128xi32>
      %slice3A_361 = vector.extract_strided_slice %select_n3A_342 {offsets = [2, 0], sizes = [126, 128], strides = [1, 1]} : vector<128x128xi32> to vector<126x128xi32>
      %slice3A_362 = vector.extract_strided_slice %select_n3A_342 {offsets = [0, 0], sizes = [2, 128], strides = [1, 1]} : vector<128x128xi32> to vector<2x128xi32>
      %concatenate3A_363 = tpu.concatenate %slice3A_361, %slice3A_362 in 0 : vector<126x128xi32>, vector<2x128xi32> -> vector<128x128xi32>
      %broadcast_in_dim3A_364 = vector.shape_cast %ne3A_348 : vector<128x1xi1> to vector<128x1xi1>
      %broadcast_in_dim3A_365 = vector.broadcast %broadcast_in_dim3A_364 : vector<128x1xi1> to vector<128x128xi1>
      %select_n3A_366 = arith.select %broadcast_in_dim3A_365, %concatenate3A_360, %concatenate3A_363 : vector<128x128xi1>, vector<128x128xi32>
      %gt3A_367 = arith.cmpf ogt, %select_n3A_341, %select_n3A_357 : vector<128x128xf32>
      %eq3A_368 = arith.cmpf oeq, %select_n3A_341, %select_n3A_357 : vector<128x128xf32>
      %gt3A_369 = arith.cmpi sgt, %select_n3A_342, %select_n3A_366 : vector<128x128xi32>
      %and3A_370 = arith.andi %eq3A_368, %gt3A_369 : vector<128x128xi1>
      %or3A_371 = arith.ori %gt3A_367, %and3A_370 : vector<128x128xi1>
      %eq3A_372 = arith.xori %ne3A_348, %eq3A_170 : vector<128x1xi1>
      %eq3A_373 = arith.constant dense<true> : vector<128x1xi1>
      %eq3A_374 = arith.xori %eq3A_372, %eq3A_373 : vector<128x1xi1>
      %xor3A_375 = vector.broadcast %eq3A_374 : vector<128x1xi1> to vector<128x128xi1>
      %xor3A_376 = arith.xori %or3A_371, %xor3A_375 : vector<128x128xi1>
      %select_n3A_377 = arith.select %xor3A_376, %select_n3A_357, %select_n3A_341 : vector<128x128xi1>, vector<128x128xf32>
      %select_n3A_378 = arith.select %xor3A_376, %select_n3A_366, %select_n3A_342 : vector<128x128xi1>, vector<128x128xi32>
      %and3A_379 = arith.constant 1 : i32
      %and3A_380 = vector.broadcast %and3A_379 : i32 to vector<128x1xi32>
      %and3A_381 = arith.andi %iota3A_7, %and3A_380 : vector<128x1xi32>
      %ne3A_382 = arith.constant 0 : i32
      %ne3A_383 = vector.broadcast %ne3A_382 : i32 to vector<128x1xi32>
      %ne3A_384 = arith.cmpi ne, %and3A_381, %ne3A_383 : vector<128x1xi32>
      %slice3A_385 = vector.extract_strided_slice %select_n3A_377 {offsets = [127, 0], sizes = [1, 128], strides = [1, 1]} : vector<128x128xf32> to vector<1x128xf32>
      %slice3A_386 = vector.extract_strided_slice %select_n3A_377 {offsets = [0, 0], sizes = [127, 128], strides = [1, 1]} : vector<128x128xf32> to vector<127x128xf32>
      %concatenate3A_387 = tpu.concatenate %slice3A_385, %slice3A_386 in 0 : vector<1x128xf32>, vector<127x128xf32> -> vector<128x128xf32>
      %slice3A_388 = vector.extract_strided_slice %select_n3A_377 {offsets = [1, 0], sizes = [127, 128], strides = [1, 1]} : vector<128x128xf32> to vector<127x128xf32>
      %slice3A_389 = vector.extract_strided_slice %select_n3A_377 {offsets = [0, 0], sizes = [1, 128], strides = [1, 1]} : vector<128x128xf32> to vector<1x128xf32>
      %concatenate3A_390 = tpu.concatenate %slice3A_388, %slice3A_389 in 0 : vector<127x128xf32>, vector<1x128xf32> -> vector<128x128xf32>
      %broadcast_in_dim3A_391 = vector.shape_cast %ne3A_384 : vector<128x1xi1> to vector<128x1xi1>
      %broadcast_in_dim3A_392 = vector.broadcast %broadcast_in_dim3A_391 : vector<128x1xi1> to vector<128x128xi1>
      %select_n3A_393 = arith.select %broadcast_in_dim3A_392, %concatenate3A_387, %concatenate3A_390 : vector<128x128xi1>, vector<128x128xf32>
      %slice3A_394 = vector.extract_strided_slice %select_n3A_378 {offsets = [127, 0], sizes = [1, 128], strides = [1, 1]} : vector<128x128xi32> to vector<1x128xi32>
      %slice3A_395 = vector.extract_strided_slice %select_n3A_378 {offsets = [0, 0], sizes = [127, 128], strides = [1, 1]} : vector<128x128xi32> to vector<127x128xi32>
      %concatenate3A_396 = tpu.concatenate %slice3A_394, %slice3A_395 in 0 : vector<1x128xi32>, vector<127x128xi32> -> vector<128x128xi32>
      %slice3A_397 = vector.extract_strided_slice %select_n3A_378 {offsets = [1, 0], sizes = [127, 128], strides = [1, 1]} : vector<128x128xi32> to vector<127x128xi32>
      %slice3A_398 = vector.extract_strided_slice %select_n3A_378 {offsets = [0, 0], sizes = [1, 128], strides = [1, 1]} : vector<128x128xi32> to vector<1x128xi32>
      %concatenate3A_399 = tpu.concatenate %slice3A_397, %slice3A_398 in 0 : vector<127x128xi32>, vector<1x128xi32> -> vector<128x128xi32>
      %broadcast_in_dim3A_400 = vector.shape_cast %ne3A_384 : vector<128x1xi1> to vector<128x1xi1>
      %broadcast_in_dim3A_401 = vector.broadcast %broadcast_in_dim3A_400 : vector<128x1xi1> to vector<128x128xi1>
      %select_n3A_402 = arith.select %broadcast_in_dim3A_401, %concatenate3A_396, %concatenate3A_399 : vector<128x128xi1>, vector<128x128xi32>
      %gt3A_403 = arith.cmpf ogt, %select_n3A_377, %select_n3A_393 : vector<128x128xf32>
      %eq3A_404 = arith.cmpf oeq, %select_n3A_377, %select_n3A_393 : vector<128x128xf32>
      %gt3A_405 = arith.cmpi sgt, %select_n3A_378, %select_n3A_402 : vector<128x128xi32>
      %and3A_406 = arith.andi %eq3A_404, %gt3A_405 : vector<128x128xi1>
      %or3A_407 = arith.ori %gt3A_403, %and3A_406 : vector<128x128xi1>
      %eq3A_408 = arith.xori %ne3A_384, %eq3A_170 : vector<128x1xi1>
      %eq3A_409 = arith.constant dense<true> : vector<128x1xi1>
      %eq3A_410 = arith.xori %eq3A_408, %eq3A_409 : vector<128x1xi1>
      %xor3A_411 = vector.broadcast %eq3A_410 : vector<128x1xi1> to vector<128x128xi1>
      %xor3A_412 = arith.xori %or3A_407, %xor3A_411 : vector<128x128xi1>
      %select_n3A_413 = arith.select %xor3A_412, %select_n3A_393, %select_n3A_377 : vector<128x128xi1>, vector<128x128xf32>
      %select_n3A_414 = arith.select %xor3A_412, %select_n3A_402, %select_n3A_378 : vector<128x128xi1>, vector<128x128xi32>
      %swap3A_415 = arith.index_cast %mul3A_158 : i32 to index
      %swap3A_416 = arith.constant 0 : index
      %swap3A_417 = vector.load %arg2[%swap3A_415, %swap3A_416] : memref<8192x128xf32, #tpu.memory_space<vmem>>, vector<128x128xf32>
      tpu.vector_store %arg2[%swap3A_415, %swap3A_416], %select_n3A_413 {strides = array<i32>} : memref<8192x128xf32, #tpu.memory_space<vmem>>, vector<128x128xf32>,
      %swap3A_418 = arith.index_cast %mul3A_158 : i32 to index
      %swap3A_419 = arith.constant 0 : index
      %swap3A_420 = vector.load %arg3[%swap3A_418, %swap3A_419] : memref<8192x128xi32, #tpu.memory_space<vmem>>, vector<128x128xi32>
      tpu.vector_store %arg3[%swap3A_418, %swap3A_419], %select_n3A_414 {strides = array<i32>} : memref<8192x128xi32, #tpu.memory_space<vmem>>, vector<128x128xi32>,
    }
    %scan3A_21 = arith.constant 64 : i32
    %scan3A_22 = arith.constant 0 : i32
    %scan3A_23 = arith.constant 32 : i32
    %scan3A_24 = arith.addi %scan3A_22, %scan3A_23 : i32
    %scan3A_25 = arith.constant 1 : i32
    scf.for %scan3A_156 = %scan3A_22 to %scan3A_24 step %scan3A_25  : i32 {
      %jit3A = arith.constant 2 : i32
      %div3A = arith.divsi %scan3A_156, %jit3A : i32
      %sign3A = arith.constant 0 : i32
      %sign3A_157 = arith.cmpi sgt, %scan3A_156, %sign3A : i32
      %sign3A_158 = arith.extui %sign3A_157 : i1 to i32
      %sign3A_159 = arith.constant 0 : i32
      %sign3A_160 = arith.cmpi slt, %scan3A_156, %sign3A_159 : i32
      %sign3A_161 = arith.extui %sign3A_160 : i1 to i32
      %sign3A_162 = arith.subi %sign3A_158, %sign3A_161 : i32
      %sign3A_163 = arith.constant 0 : i32
      %sign3A_164 = arith.cmpi sgt, %jit3A, %sign3A_163 : i32
      %sign3A_165 = arith.extui %sign3A_164 : i1 to i32
      %sign3A_166 = arith.constant 0 : i32
      %sign3A_167 = arith.cmpi slt, %jit3A, %sign3A_166 : i32
      %sign3A_168 = arith.extui %sign3A_167 : i1 to i32
      %sign3A_169 = arith.subi %sign3A_165, %sign3A_168 : i32
      %ne3A = arith.cmpi ne, %sign3A_162, %sign3A_169 : i32
      %rem3A = arith.remsi %scan3A_156, %jit3A : i32
      %ne3A_170 = arith.constant 0 : i32
      %ne3A_171 = arith.cmpi ne, %rem3A, %ne3A_170 : i32
      %and3A = arith.andi %ne3A, %ne3A_171 : i1
      %sub3A = arith.constant 1 : i32
      %sub3A_172 = arith.subi %div3A, %sub3A : i32
      %select_n3A = arith.select %and3A, %sub3A_172, %div3A : i32
      %mul3A_173 = arith.constant 2 : i32
      %mul3A_174 = arith.muli %select_n3A, %mul3A_173 : i32
      %mul3A_175 = arith.constant 256 : i32
      %mul3A_176 = arith.muli %mul3A_174, %mul3A_175 : i32
      %jit3A_177 = arith.constant 2 : i32
      %eq3A = arith.constant 0 : i32
      %eq3A_178 = arith.cmpi eq, %jit3A_177, %eq3A : i32
      %jit3A_179 = arith.constant 1 : i32
      %select_n3A_180 = arith.select %eq3A_178, %jit3A_179, %jit3A_177 : i32
      %rem3A_181 = arith.remsi %scan3A_156, %select_n3A_180 : i32
      %ne3A_182 = arith.constant 0 : i32
      %ne3A_183 = arith.cmpi ne, %rem3A_181, %ne3A_182 : i32
      %lt3A = arith.constant 0 : i32
      %lt3A_184 = arith.cmpi slt, %rem3A_181, %lt3A : i32
      %lt3A_185 = arith.constant 0 : i32
      %lt3A_186 = arith.cmpi slt, %select_n3A_180, %lt3A_185 : i32
      %ne3A_187 = arith.xori %lt3A_184, %lt3A_186 : i1
      %and3A_188 = arith.andi %ne3A_187, %ne3A_183 : i1
      %add3A_189 = arith.addi %rem3A_181, %select_n3A_180 : i32
      %select_n3A_190 = arith.select %and3A_188, %add3A_189, %rem3A_181 : i32
      %mul3A_191 = arith.constant 128 : i32
      %mul3A_192 = arith.muli %select_n3A_190, %mul3A_191 : i32
      %add3A_193 = arith.addi %mul3A_176, %mul3A_192 : i32
      %and3A_194 = arith.constant 512 : i32
      %and3A_195 = arith.andi %add3A_193, %and3A_194 : i32
      %eq3A_196 = arith.constant 0 : i32
      %eq3A_197 = arith.cmpi eq, %and3A_195, %eq3A_196 : i32
      %get3A_198 = arith.index_cast %add3A_193 : i32 to index
      %get3A_199 = arith.constant 0 : index
      %get3A_200 = vector.load %arg2[%get3A_198, %get3A_199] : memref<8192x128xf32, #tpu.memory_space<vmem>>, vector<128x128xf32>
      %add3A_201 = arith.constant 256 : i32
      %add3A_202 = arith.addi %add3A_193, %add3A_201 : i32
      %get3A_203 = arith.index_cast %add3A_202 : i32 to index
      %get3A_204 = arith.constant 0 : index
      %get3A_205 = vector.load %arg2[%get3A_203, %get3A_204] : memref<8192x128xf32, #tpu.memory_space<vmem>>, vector<128x128xf32>
      %get3A_206 = arith.index_cast %add3A_193 : i32 to index
      %get3A_207 = arith.constant 0 : index
      %get3A_208 = vector.load %arg3[%get3A_206, %get3A_207] : memref<8192x128xi32, #tpu.memory_space<vmem>>, vector<128x128xi32>
      %add3A_209 = arith.constant 256 : i32
      %add3A_210 = arith.addi %add3A_193, %add3A_209 : i32
      %get3A_211 = arith.index_cast %add3A_210 : i32 to index
      %get3A_212 = arith.constant 0 : index
      %get3A_213 = vector.load %arg3[%get3A_211, %get3A_212] : memref<8192x128xi32, #tpu.memory_space<vmem>>, vector<128x128xi32>
      %gt3A = arith.cmpf ogt, %get3A_200, %get3A_205 : vector<128x128xf32>
      %eq3A_214 = arith.cmpf oeq, %get3A_200, %get3A_205 : vector<128x128xf32>
      %gt3A_215 = arith.cmpi sgt, %get3A_208, %get3A_213 : vector<128x128xi32>
      %and3A_216 = arith.andi %eq3A_214, %gt3A_215 : vector<128x128xi1>
      %or3A = arith.ori %gt3A, %and3A_216 : vector<128x128xi1>
      %eq3A_217 = vector.broadcast %eq3A_197 : i1 to vector<128x128xi1>
      %eq3A_218 = vector.broadcast %eq3A_217 : vector<128x128xi1> to vector<128x128xi1>
      %eq3A_219 = arith.xori %or3A, %eq3A_218 : vector<128x128xi1>
      %eq3A_220 = arith.constant dense<true> : vector<128x128xi1>
      %eq3A_221 = arith.xori %eq3A_219, %eq3A_220 : vector<128x128xi1>
      %select_n3A_222 = arith.select %eq3A_221, %get3A_205, %get3A_200 : vector<128x128xi1>, vector<128x128xf32>
      %swap3A_223 = arith.index_cast %add3A_193 : i32 to index
      %swap3A_224 = arith.constant 0 : index
      %swap3A_225 = vector.load %arg2[%swap3A_223, %swap3A_224] : memref<8192x128xf32, #tpu.memory_space<vmem>>, vector<128x128xf32>
      tpu.vector_store %arg2[%swap3A_223, %swap3A_224], %select_n3A_222 {strides = array<i32>} : memref<8192x128xf32, #tpu.memory_space<vmem>>, vector<128x128xf32>,
      %select_n3A_226 = arith.select %eq3A_221, %get3A_200, %get3A_205 : vector<128x128xi1>, vector<128x128xf32>
      %add3A_227 = arith.constant 256 : i32
      %add3A_228 = arith.addi %add3A_193, %add3A_227 : i32
      %swap3A_229 = arith.index_cast %add3A_228 : i32 to index
      %swap3A_230 = arith.constant 0 : index
      %swap3A_231 = vector.load %arg2[%swap3A_229, %swap3A_230] : memref<8192x128xf32, #tpu.memory_space<vmem>>, vector<128x128xf32>
      tpu.vector_store %arg2[%swap3A_229, %swap3A_230], %select_n3A_226 {strides = array<i32>} : memref<8192x128xf32, #tpu.memory_space<vmem>>, vector<128x128xf32>,
      %select_n3A_232 = arith.select %eq3A_221, %get3A_213, %get3A_208 : vector<128x128xi1>, vector<128x128xi32>
      %swap3A_233 = arith.index_cast %add3A_193 : i32 to index
      %swap3A_234 = arith.constant 0 : index
      %swap3A_235 = vector.load %arg3[%swap3A_233, %swap3A_234] : memref<8192x128xi32, #tpu.memory_space<vmem>>, vector<128x128xi32>
      tpu.vector_store %arg3[%swap3A_233, %swap3A_234], %select_n3A_232 {strides = array<i32>} : memref<8192x128xi32, #tpu.memory_space<vmem>>, vector<128x128xi32>,
      %select_n3A_236 = arith.select %eq3A_221, %get3A_208, %get3A_213 : vector<128x128xi1>, vector<128x128xi32>
      %add3A_237 = arith.constant 256 : i32
      %add3A_238 = arith.addi %add3A_193, %add3A_237 : i32
      %swap3A_239 = arith.index_cast %add3A_238 : i32 to index
      %swap3A_240 = arith.constant 0 : index
      %swap3A_241 = vector.load %arg3[%swap3A_239, %swap3A_240] : memref<8192x128xi32, #tpu.memory_space<vmem>>, vector<128x128xi32>
      tpu.vector_store %arg3[%swap3A_239, %swap3A_240], %select_n3A_236 {strides = array<i32>} : memref<8192x128xi32, #tpu.memory_space<vmem>>, vector<128x128xi32>,
    }
    %scan3A_26 = arith.constant 32 : i32
    %scan3A_27 = arith.constant 0 : i32
    %scan3A_28 = arith.constant 32 : i32
    %scan3A_29 = arith.addi %scan3A_27, %scan3A_28 : i32
    %scan3A_30 = arith.constant 1 : i32
    scf.for %scan3A_156 = %scan3A_27 to %scan3A_29 step %scan3A_30  : i32 {
      %jit3A = arith.constant 1 : i32
      %div3A = arith.divsi %scan3A_156, %jit3A : i32
      %sign3A = arith.constant 0 : i32
      %sign3A_157 = arith.cmpi sgt, %scan3A_156, %sign3A : i32
      %sign3A_158 = arith.extui %sign3A_157 : i1 to i32
      %sign3A_159 = arith.constant 0 : i32
      %sign3A_160 = arith.cmpi slt, %scan3A_156, %sign3A_159 : i32
      %sign3A_161 = arith.extui %sign3A_160 : i1 to i32
      %sign3A_162 = arith.subi %sign3A_158, %sign3A_161 : i32
      %sign3A_163 = arith.constant 0 : i32
      %sign3A_164 = arith.cmpi sgt, %jit3A, %sign3A_163 : i32
      %sign3A_165 = arith.extui %sign3A_164 : i1 to i32
      %sign3A_166 = arith.constant 0 : i32
      %sign3A_167 = arith.cmpi slt, %jit3A, %sign3A_166 : i32
      %sign3A_168 = arith.extui %sign3A_167 : i1 to i32
      %sign3A_169 = arith.subi %sign3A_165, %sign3A_168 : i32
      %ne3A = arith.cmpi ne, %sign3A_162, %sign3A_169 : i32
      %rem3A = arith.remsi %scan3A_156, %jit3A : i32
      %ne3A_170 = arith.constant 0 : i32
      %ne3A_171 = arith.cmpi ne, %rem3A, %ne3A_170 : i32
      %and3A = arith.andi %ne3A, %ne3A_171 : i1
      %sub3A = arith.constant 1 : i32
      %sub3A_172 = arith.subi %div3A, %sub3A : i32
      %select_n3A = arith.select %and3A, %sub3A_172, %div3A : i32
      %mul3A_173 = arith.constant 2 : i32
      %mul3A_174 = arith.muli %select_n3A, %mul3A_173 : i32
      %mul3A_175 = arith.constant 128 : i32
      %mul3A_176 = arith.muli %mul3A_174, %mul3A_175 : i32
      %jit3A_177 = arith.constant 1 : i32
      %eq3A = arith.constant 0 : i32
      %eq3A_178 = arith.cmpi eq, %jit3A_177, %eq3A : i32
      %jit3A_179 = arith.constant 1 : i32
      %select_n3A_180 = arith.select %eq3A_178, %jit3A_179, %jit3A_177 : i32
      %rem3A_181 = arith.remsi %scan3A_156, %select_n3A_180 : i32
      %ne3A_182 = arith.constant 0 : i32
      %ne3A_183 = arith.cmpi ne, %rem3A_181, %ne3A_182 : i32
      %lt3A = arith.constant 0 : i32
      %lt3A_184 = arith.cmpi slt, %rem3A_181, %lt3A : i32
      %lt3A_185 = arith.constant 0 : i32
      %lt3A_186 = arith.cmpi slt, %select_n3A_180, %lt3A_185 : i32
      %ne3A_187 = arith.xori %lt3A_184, %lt3A_186 : i1
      %and3A_188 = arith.andi %ne3A_187, %ne3A_183 : i1
      %add3A_189 = arith.addi %rem3A_181, %select_n3A_180 : i32
      %select_n3A_190 = arith.select %and3A_188, %add3A_189, %rem3A_181 : i32
      %mul3A_191 = arith.constant 128 : i32
      %mul3A_192 = arith.muli %select_n3A_190, %mul3A_191 : i32
      %add3A_193 = arith.addi %mul3A_176, %mul3A_192 : i32
      %and3A_194 = arith.constant 512 : i32
      %and3A_195 = arith.andi %add3A_193, %and3A_194 : i32
      %eq3A_196 = arith.constant 0 : i32
      %eq3A_197 = arith.cmpi eq, %and3A_195, %eq3A_196 : i32
      %get3A_198 = arith.index_cast %add3A_193 : i32 to index
      %get3A_199 = arith.constant 0 : index
      %get3A_200 = vector.load %arg2[%get3A_198, %get3A_199] : memref<8192x128xf32, #tpu.memory_space<vmem>>, vector<128x128xf32>
      %add3A_201 = arith.constant 128 : i32
      %add3A_202 = arith.addi %add3A_193, %add3A_201 : i32
      %get3A_203 = arith.index_cast %add3A_202 : i32 to index
      %get3A_204 = arith.constant 0 : index
      %get3A_205 = vector.load %arg2[%get3A_203, %get3A_204] : memref<8192x128xf32, #tpu.memory_space<vmem>>, vector<128x128xf32>
      %get3A_206 = arith.index_cast %add3A_193 : i32 to index
      %get3A_207 = arith.constant 0 : index
      %get3A_208 = vector.load %arg3[%get3A_206, %get3A_207] : memref<8192x128xi32, #tpu.memory_space<vmem>>, vector<128x128xi32>
      %add3A_209 = arith.constant 128 : i32
      %add3A_210 = arith.addi %add3A_193, %add3A_209 : i32
      %get3A_211 = arith.index_cast %add3A_210 : i32 to index
      %get3A_212 = arith.constant 0 : index
      %get3A_213 = vector.load %arg3[%get3A_211, %get3A_212] : memref<8192x128xi32, #tpu.memory_space<vmem>>, vector<128x128xi32>
      %gt3A = arith.cmpf ogt, %get3A_200, %get3A_205 : vector<128x128xf32>
      %eq3A_214 = arith.cmpf oeq, %get3A_200, %get3A_205 : vector<128x128xf32>
      %gt3A_215 = arith.cmpi sgt, %get3A_208, %get3A_213 : vector<128x128xi32>
      %and3A_216 = arith.andi %eq3A_214, %gt3A_215 : vector<128x128xi1>
      %or3A = arith.ori %gt3A, %and3A_216 : vector<128x128xi1>
      %eq3A_217 = vector.broadcast %eq3A_197 : i1 to vector<128x128xi1>
      %eq3A_218 = vector.broadcast %eq3A_217 : vector<128x128xi1> to vector<128x128xi1>
      %eq3A_219 = arith.xori %or3A, %eq3A_218 : vector<128x128xi1>
      %eq3A_220 = arith.constant dense<true> : vector<128x128xi1>
      %eq3A_221 = arith.xori %eq3A_219, %eq3A_220 : vector<128x128xi1>
      %select_n3A_222 = arith.select %eq3A_221, %get3A_205, %get3A_200 : vector<128x128xi1>, vector<128x128xf32>
      %swap3A_223 = arith.index_cast %add3A_193 : i32 to index
      %swap3A_224 = arith.constant 0 : index
      %swap3A_225 = vector.load %arg2[%swap3A_223, %swap3A_224] : memref<8192x128xf32, #tpu.memory_space<vmem>>, vector<128x128xf32>
      tpu.vector_store %arg2[%swap3A_223, %swap3A_224], %select_n3A_222 {strides = array<i32>} : memref<8192x128xf32, #tpu.memory_space<vmem>>, vector<128x128xf32>,
      %select_n3A_226 = arith.select %eq3A_221, %get3A_200, %get3A_205 : vector<128x128xi1>, vector<128x128xf32>
      %add3A_227 = arith.constant 128 : i32
      %add3A_228 = arith.addi %add3A_193, %add3A_227 : i32
      %swap3A_229 = arith.index_cast %add3A_228 : i32 to index
      %swap3A_230 = arith.constant 0 : index
      %swap3A_231 = vector.load %arg2[%swap3A_229, %swap3A_230] : memref<8192x128xf32, #tpu.memory_space<vmem>>, vector<128x128xf32>
      tpu.vector_store %arg2[%swap3A_229, %swap3A_230], %select_n3A_226 {strides = array<i32>} : memref<8192x128xf32, #tpu.memory_space<vmem>>, vector<128x128xf32>,
      %select_n3A_232 = arith.select %eq3A_221, %get3A_213, %get3A_208 : vector<128x128xi1>, vector<128x128xi32>
      %swap3A_233 = arith.index_cast %add3A_193 : i32 to index
      %swap3A_234 = arith.constant 0 : index
      %swap3A_235 = vector.load %arg3[%swap3A_233, %swap3A_234] : memref<8192x128xi32, #tpu.memory_space<vmem>>, vector<128x128xi32>
      tpu.vector_store %arg3[%swap3A_233, %swap3A_234], %select_n3A_232 {strides = array<i32>} : memref<8192x128xi32, #tpu.memory_space<vmem>>, vector<128x128xi32>,
      %select_n3A_236 = arith.select %eq3A_221, %get3A_208, %get3A_213 : vector<128x128xi1>, vector<128x128xi32>
      %add3A_237 = arith.constant 128 : i32
      %add3A_238 = arith.addi %add3A_193, %add3A_237 : i32
      %swap3A_239 = arith.index_cast %add3A_238 : i32 to index
      %swap3A_240 = arith.constant 0 : index
      %swap3A_241 = vector.load %arg3[%swap3A_239, %swap3A_240] : memref<8192x128xi32, #tpu.memory_space<vmem>>, vector<128x128xi32>
      tpu.vector_store %arg3[%swap3A_239, %swap3A_240], %select_n3A_236 {strides = array<i32>} : memref<8192x128xi32, #tpu.memory_space<vmem>>, vector<128x128xi32>,
    }
    %scan3A_31 = arith.constant 32 : i32
    %scan3A_32 = arith.constant 0 : i32
    %scan3A_33 = arith.constant 64 : i32
    %scan3A_34 = arith.addi %scan3A_32, %scan3A_33 : i32
    %scan3A_35 = arith.constant 1 : i32
    scf.for %scan3A_156 = %scan3A_32 to %scan3A_34 step %scan3A_35  : i32 {
      %mul3A_157 = arith.constant 128 : i32
      %mul3A_158 = arith.muli %scan3A_156, %mul3A_157 : i32
      %get3A_159 = arith.index_cast %mul3A_158 : i32 to index
      %get3A_160 = arith.constant 0 : index
      %get3A_161 = vector.load %arg2[%get3A_159, %get3A_160] : memref<8192x128xf32, #tpu.memory_space<vmem>>, vector<128x128xf32>
      %get3A_162 = arith.index_cast %mul3A_158 : i32 to index
      %get3A_163 = arith.constant 0 : index
      %get3A_164 = vector.load %arg3[%get3A_162, %get3A_163] : memref<8192x128xi32, #tpu.memory_space<vmem>>, vector<128x128xi32>
      %add3A_165 = vector.broadcast %mul3A_158 : i32 to vector<128x1xi32>
      %add3A_166 = arith.addi %iota3A_7, %add3A_165 : vector<128x1xi32>
      %and3A = arith.constant 512 : i32
      %and3A_167 = vector.broadcast %and3A : i32 to vector<128x1xi32>
      %and3A_168 = arith.andi %add3A_166, %and3A_167 : vector<128x1xi32>
      %eq3A = arith.constant 0 : i32
      %eq3A_169 = vector.broadcast %eq3A : i32 to vector<128x1xi32>
      %eq3A_170 = arith.cmpi eq, %and3A_168, %eq3A_169 : vector<128x1xi32>
      %and3A_171 = arith.constant 64 : i32
      %and3A_172 = vector.broadcast %and3A_171 : i32 to vector<128x1xi32>
      %and3A_173 = arith.andi %iota3A_7, %and3A_172 : vector<128x1xi32>
      %ne3A = arith.constant 0 : i32
      %ne3A_174 = vector.broadcast %ne3A : i32 to vector<128x1xi32>
      %ne3A_175 = arith.cmpi ne, %and3A_173, %ne3A_174 : vector<128x1xi32>
      %slice3A = vector.extract_strided_slice %get3A_161 {offsets = [64, 0], sizes = [64, 128], strides = [1, 1]} : vector<128x128xf32> to vector<64x128xf32>
      %slice3A_176 = vector.extract_strided_slice %get3A_161 {offsets = [0, 0], sizes = [64, 128], strides = [1, 1]} : vector<128x128xf32> to vector<64x128xf32>
      %concatenate3A = tpu.concatenate %slice3A, %slice3A_176 in 0 : vector<64x128xf32>, vector<64x128xf32> -> vector<128x128xf32>
      %slice3A_177 = vector.extract_strided_slice %get3A_161 {offsets = [64, 0], sizes = [64, 128], strides = [1, 1]} : vector<128x128xf32> to vector<64x128xf32>
      %slice3A_178 = vector.extract_strided_slice %get3A_161 {offsets = [0, 0], sizes = [64, 128], strides = [1, 1]} : vector<128x128xf32> to vector<64x128xf32>
      %concatenate3A_179 = tpu.concatenate %slice3A_177, %slice3A_178 in 0 : vector<64x128xf32>, vector<64x128xf32> -> vector<128x128xf32>
      %broadcast_in_dim3A = vector.shape_cast %ne3A_175 : vector<128x1xi1> to vector<128x1xi1>
      %broadcast_in_dim3A_180 = vector.broadcast %broadcast_in_dim3A : vector<128x1xi1> to vector<128x128xi1>
      %select_n3A = arith.select %broadcast_in_dim3A_180, %concatenate3A, %concatenate3A_179 : vector<128x128xi1>, vector<128x128xf32>
      %slice3A_181 = vector.extract_strided_slice %get3A_164 {offsets = [64, 0], sizes = [64, 128], strides = [1, 1]} : vector<128x128xi32> to vector<64x128xi32>
      %slice3A_182 = vector.extract_strided_slice %get3A_164 {offsets = [0, 0], sizes = [64, 128], strides = [1, 1]} : vector<128x128xi32> to vector<64x128xi32>
      %concatenate3A_183 = tpu.concatenate %slice3A_181, %slice3A_182 in 0 : vector<64x128xi32>, vector<64x128xi32> -> vector<128x128xi32>
      %slice3A_184 = vector.extract_strided_slice %get3A_164 {offsets = [64, 0], sizes = [64, 128], strides = [1, 1]} : vector<128x128xi32> to vector<64x128xi32>
      %slice3A_185 = vector.extract_strided_slice %get3A_164 {offsets = [0, 0], sizes = [64, 128], strides = [1, 1]} : vector<128x128xi32> to vector<64x128xi32>
      %concatenate3A_186 = tpu.concatenate %slice3A_184, %slice3A_185 in 0 : vector<64x128xi32>, vector<64x128xi32> -> vector<128x128xi32>
      %broadcast_in_dim3A_187 = vector.shape_cast %ne3A_175 : vector<128x1xi1> to vector<128x1xi1>
      %broadcast_in_dim3A_188 = vector.broadcast %broadcast_in_dim3A_187 : vector<128x1xi1> to vector<128x128xi1>
      %select_n3A_189 = arith.select %broadcast_in_dim3A_188, %concatenate3A_183, %concatenate3A_186 : vector<128x128xi1>, vector<128x128xi32>
      %gt3A = arith.cmpf ogt, %get3A_161, %select_n3A : vector<128x128xf32>
      %eq3A_190 = arith.cmpf oeq, %get3A_161, %select_n3A : vector<128x128xf32>
      %gt3A_191 = arith.cmpi sgt, %get3A_164, %select_n3A_189 : vector<128x128xi32>
      %and3A_192 = arith.andi %eq3A_190, %gt3A_191 : vector<128x128xi1>
      %or3A = arith.ori %gt3A, %and3A_192 : vector<128x128xi1>
      %eq3A_193 = arith.xori %ne3A_175, %eq3A_170 : vector<128x1xi1>
      %eq3A_194 = arith.constant dense<true> : vector<128x1xi1>
      %eq3A_195 = arith.xori %eq3A_193, %eq3A_194 : vector<128x1xi1>
      %xor3A = vector.broadcast %eq3A_195 : vector<128x1xi1> to vector<128x128xi1>
      %xor3A_196 = arith.xori %or3A, %xor3A : vector<128x128xi1>
      %select_n3A_197 = arith.select %xor3A_196, %select_n3A, %get3A_161 : vector<128x128xi1>, vector<128x128xf32>
      %select_n3A_198 = arith.select %xor3A_196, %select_n3A_189, %get3A_164 : vector<128x128xi1>, vector<128x128xi32>
      %and3A_199 = arith.constant 32 : i32
      %and3A_200 = vector.broadcast %and3A_199 : i32 to vector<128x1xi32>
      %and3A_201 = arith.andi %iota3A_7, %and3A_200 : vector<128x1xi32>
      %ne3A_202 = arith.constant 0 : i32
      %ne3A_203 = vector.broadcast %ne3A_202 : i32 to vector<128x1xi32>
      %ne3A_204 = arith.cmpi ne, %and3A_201, %ne3A_203 : vector<128x1xi32>
      %slice3A_205 = vector.extract_strided_slice %select_n3A_197 {offsets = [96, 0], sizes = [32, 128], strides = [1, 1]} : vector<128x128xf32> to vector<32x128xf32>
      %slice3A_206 = vector.extract_strided_slice %select_n3A_197 {offsets = [0, 0], sizes = [96, 128], strides = [1, 1]} : vector<128x128xf32> to vector<96x128xf32>
      %concatenate3A_207 = tpu.concatenate %slice3A_205, %slice3A_206 in 0 : vector<32x128xf32>, vector<96x128xf32> -> vector<128x128xf32>
      %slice3A_208 = vector.extract_strided_slice %select_n3A_197 {offsets = [32, 0], sizes = [96, 128], strides = [1, 1]} : vector<128x128xf32> to vector<96x128xf32>
      %slice3A_209 = vector.extract_strided_slice %select_n3A_197 {offsets = [0, 0], sizes = [32, 128], strides = [1, 1]} : vector<128x128xf32> to vector<32x128xf32>
      %concatenate3A_210 = tpu.concatenate %slice3A_208, %slice3A_209 in 0 : vector<96x128xf32>, vector<32x128xf32> -> vector<128x128xf32>
      %broadcast_in_dim3A_211 = vector.shape_cast %ne3A_204 : vector<128x1xi1> to vector<128x1xi1>
      %broadcast_in_dim3A_212 = vector.broadcast %broadcast_in_dim3A_211 : vector<128x1xi1> to vector<128x128xi1>
      %select_n3A_213 = arith.select %broadcast_in_dim3A_212, %concatenate3A_207, %concatenate3A_210 : vector<128x128xi1>, vector<128x128xf32>
      %slice3A_214 = vector.extract_strided_slice %select_n3A_198 {offsets = [96, 0], sizes = [32, 128], strides = [1, 1]} : vector<128x128xi32> to vector<32x128xi32>
      %slice3A_215 = vector.extract_strided_slice %select_n3A_198 {offsets = [0, 0], sizes = [96, 128], strides = [1, 1]} : vector<128x128xi32> to vector<96x128xi32>
      %concatenate3A_216 = tpu.concatenate %slice3A_214, %slice3A_215 in 0 : vector<32x128xi32>, vector<96x128xi32> -> vector<128x128xi32>
      %slice3A_217 = vector.extract_strided_slice %select_n3A_198 {offsets = [32, 0], sizes = [96, 128], strides = [1, 1]} : vector<128x128xi32> to vector<96x128xi32>
      %slice3A_218 = vector.extract_strided_slice %select_n3A_198 {offsets = [0, 0], sizes = [32, 128], strides = [1, 1]} : vector<128x128xi32> to vector<32x128xi32>
      %concatenate3A_219 = tpu.concatenate %slice3A_217, %slice3A_218 in 0 : vector<96x128xi32>, vector<32x128xi32> -> vector<128x128xi32>
      %broadcast_in_dim3A_220 = vector.shape_cast %ne3A_204 : vector<128x1xi1> to vector<128x1xi1>
      %broadcast_in_dim3A_221 = vector.broadcast %broadcast_in_dim3A_220 : vector<128x1xi1> to vector<128x128xi1>
      %select_n3A_222 = arith.select %broadcast_in_dim3A_221, %concatenate3A_216, %concatenate3A_219 : vector<128x128xi1>, vector<128x128xi32>
      %gt3A_223 = arith.cmpf ogt, %select_n3A_197, %select_n3A_213 : vector<128x128xf32>
      %eq3A_224 = arith.cmpf oeq, %select_n3A_197, %select_n3A_213 : vector<128x128xf32>
      %gt3A_225 = arith.cmpi sgt, %select_n3A_198, %select_n3A_222 : vector<128x128xi32>
      %and3A_226 = arith.andi %eq3A_224, %gt3A_225 : vector<128x128xi1>
      %or3A_227 = arith.ori %gt3A_223, %and3A_226 : vector<128x128xi1>
      %eq3A_228 = arith.xori %ne3A_204, %eq3A_170 : vector<128x1xi1>
      %eq3A_229 = arith.constant dense<true> : vector<128x1xi1>
      %eq3A_230 = arith.xori %eq3A_228, %eq3A_229 : vector<128x1xi1>
      %xor3A_231 = vector.broadcast %eq3A_230 : vector<128x1xi1> to vector<128x128xi1>
      %xor3A_232 = arith.xori %or3A_227, %xor3A_231 : vector<128x128xi1>
      %select_n3A_233 = arith.select %xor3A_232, %select_n3A_213, %select_n3A_197 : vector<128x128xi1>, vector<128x128xf32>
      %select_n3A_234 = arith.select %xor3A_232, %select_n3A_222, %select_n3A_198 : vector<128x128xi1>, vector<128x128xi32>
      %and3A_235 = arith.constant 16 : i32
      %and3A_236 = vector.broadcast %and3A_235 : i32 to vector<128x1xi32>
      %and3A_237 = arith.andi %iota3A_7, %and3A_236 : vector<128x1xi32>
      %ne3A_238 = arith.constant 0 : i32
      %ne3A_239 = vector.broadcast %ne3A_238 : i32 to vector<128x1xi32>
      %ne3A_240 = arith.cmpi ne, %and3A_237, %ne3A_239 : vector<128x1xi32>
      %slice3A_241 = vector.extract_strided_slice %select_n3A_233 {offsets = [112, 0], sizes = [16, 128], strides = [1, 1]} : vector<128x128xf32> to vector<16x128xf32>
      %slice3A_242 = vector.extract_strided_slice %select_n3A_233 {offsets = [0, 0], sizes = [112, 128], strides = [1, 1]} : vector<128x128xf32> to vector<112x128xf32>
      %concatenate3A_243 = tpu.concatenate %slice3A_241, %slice3A_242 in 0 : vector<16x128xf32>, vector<112x128xf32> -> vector<128x128xf32>
      %slice3A_244 = vector.extract_strided_slice %select_n3A_233 {offsets = [16, 0], sizes = [112, 128], strides = [1, 1]} : vector<128x128xf32> to vector<112x128xf32>
      %slice3A_245 = vector.extract_strided_slice %select_n3A_233 {offsets = [0, 0], sizes = [16, 128], strides = [1, 1]} : vector<128x128xf32> to vector<16x128xf32>
      %concatenate3A_246 = tpu.concatenate %slice3A_244, %slice3A_245 in 0 : vector<112x128xf32>, vector<16x128xf32> -> vector<128x128xf32>
      %broadcast_in_dim3A_247 = vector.shape_cast %ne3A_240 : vector<128x1xi1> to vector<128x1xi1>
      %broadcast_in_dim3A_248 = vector.broadcast %broadcast_in_dim3A_247 : vector<128x1xi1> to vector<128x128xi1>
      %select_n3A_249 = arith.select %broadcast_in_dim3A_248, %concatenate3A_243, %concatenate3A_246 : vector<128x128xi1>, vector<128x128xf32>
      %slice3A_250 = vector.extract_strided_slice %select_n3A_234 {offsets = [112, 0], sizes = [16, 128], strides = [1, 1]} : vector<128x128xi32> to vector<16x128xi32>
      %slice3A_251 = vector.extract_strided_slice %select_n3A_234 {offsets = [0, 0], sizes = [112, 128], strides = [1, 1]} : vector<128x128xi32> to vector<112x128xi32>
      %concatenate3A_252 = tpu.concatenate %slice3A_250, %slice3A_251 in 0 : vector<16x128xi32>, vector<112x128xi32> -> vector<128x128xi32>
      %slice3A_253 = vector.extract_strided_slice %select_n3A_234 {offsets = [16, 0], sizes = [112, 128], strides = [1, 1]} : vector<128x128xi32> to vector<112x128xi32>
      %slice3A_254 = vector.extract_strided_slice %select_n3A_234 {offsets = [0, 0], sizes = [16, 128], strides = [1, 1]} : vector<128x128xi32> to vector<16x128xi32>
      %concatenate3A_255 = tpu.concatenate %slice3A_253, %slice3A_254 in 0 : vector<112x128xi32>, vector<16x128xi32> -> vector<128x128xi32>
      %broadcast_in_dim3A_256 = vector.shape_cast %ne3A_240 : vector<128x1xi1> to vector<128x1xi1>
      %broadcast_in_dim3A_257 = vector.broadcast %broadcast_in_dim3A_256 : vector<128x1xi1> to vector<128x128xi1>
      %select_n3A_258 = arith.select %broadcast_in_dim3A_257, %concatenate3A_252, %concatenate3A_255 : vector<128x128xi1>, vector<128x128xi32>
      %gt3A_259 = arith.cmpf ogt, %select_n3A_233, %select_n3A_249 : vector<128x128xf32>
      %eq3A_260 = arith.cmpf oeq, %select_n3A_233, %select_n3A_249 : vector<128x128xf32>
      %gt3A_261 = arith.cmpi sgt, %select_n3A_234, %select_n3A_258 : vector<128x128xi32>
      %and3A_262 = arith.andi %eq3A_260, %gt3A_261 : vector<128x128xi1>
      %or3A_263 = arith.ori %gt3A_259, %and3A_262 : vector<128x128xi1>
      %eq3A_264 = arith.xori %ne3A_240, %eq3A_170 : vector<128x1xi1>
      %eq3A_265 = arith.constant dense<true> : vector<128x1xi1>
      %eq3A_266 = arith.xori %eq3A_264, %eq3A_265 : vector<128x1xi1>
      %xor3A_267 = vector.broadcast %eq3A_266 : vector<128x1xi1> to vector<128x128xi1>
      %xor3A_268 = arith.xori %or3A_263, %xor3A_267 : vector<128x128xi1>
      %select_n3A_269 = arith.select %xor3A_268, %select_n3A_249, %select_n3A_233 : vector<128x128xi1>, vector<128x128xf32>
      %select_n3A_270 = arith.select %xor3A_268, %select_n3A_258, %select_n3A_234 : vector<128x128xi1>, vector<128x128xi32>
      %and3A_271 = arith.constant 8 : i32
      %and3A_272 = vector.broadcast %and3A_271 : i32 to vector<128x1xi32>
      %and3A_273 = arith.andi %iota3A_7, %and3A_272 : vector<128x1xi32>
      %ne3A_274 = arith.constant 0 : i32
      %ne3A_275 = vector.broadcast %ne3A_274 : i32 to vector<128x1xi32>
      %ne3A_276 = arith.cmpi ne, %and3A_273, %ne3A_275 : vector<128x1xi32>
      %slice3A_277 = vector.extract_strided_slice %select_n3A_269 {offsets = [120, 0], sizes = [8, 128], strides = [1, 1]} : vector<128x128xf32> to vector<8x128xf32>
      %slice3A_278 = vector.extract_strided_slice %select_n3A_269 {offsets = [0, 0], sizes = [120, 128], strides = [1, 1]} : vector<128x128xf32> to vector<120x128xf32>
      %concatenate3A_279 = tpu.concatenate %slice3A_277, %slice3A_278 in 0 : vector<8x128xf32>, vector<120x128xf32> -> vector<128x128xf32>
      %slice3A_280 = vector.extract_strided_slice %select_n3A_269 {offsets = [8, 0], sizes = [120, 128], strides = [1, 1]} : vector<128x128xf32> to vector<120x128xf32>
      %slice3A_281 = vector.extract_strided_slice %select_n3A_269 {offsets = [0, 0], sizes = [8, 128], strides = [1, 1]} : vector<128x128xf32> to vector<8x128xf32>
      %concatenate3A_282 = tpu.concatenate %slice3A_280, %slice3A_281 in 0 : vector<120x128xf32>, vector<8x128xf32> -> vector<128x128xf32>
      %broadcast_in_dim3A_283 = vector.shape_cast %ne3A_276 : vector<128x1xi1> to vector<128x1xi1>
      %broadcast_in_dim3A_284 = vector.broadcast %broadcast_in_dim3A_283 : vector<128x1xi1> to vector<128x128xi1>
      %select_n3A_285 = arith.select %broadcast_in_dim3A_284, %concatenate3A_279, %concatenate3A_282 : vector<128x128xi1>, vector<128x128xf32>
      %slice3A_286 = vector.extract_strided_slice %select_n3A_270 {offsets = [120, 0], sizes = [8, 128], strides = [1, 1]} : vector<128x128xi32> to vector<8x128xi32>
      %slice3A_287 = vector.extract_strided_slice %select_n3A_270 {offsets = [0, 0], sizes = [120, 128], strides = [1, 1]} : vector<128x128xi32> to vector<120x128xi32>
      %concatenate3A_288 = tpu.concatenate %slice3A_286, %slice3A_287 in 0 : vector<8x128xi32>, vector<120x128xi32> -> vector<128x128xi32>
      %slice3A_289 = vector.extract_strided_slice %select_n3A_270 {offsets = [8, 0], sizes = [120, 128], strides = [1, 1]} : vector<128x128xi32> to vector<120x128xi32>
      %slice3A_290 = vector.extract_strided_slice %select_n3A_270 {offsets = [0, 0], sizes = [8, 128], strides = [1, 1]} : vector<128x128xi32> to vector<8x128xi32>
      %concatenate3A_291 = tpu.concatenate %slice3A_289, %slice3A_290 in 0 : vector<120x128xi32>, vector<8x128xi32> -> vector<128x128xi32>
      %broadcast_in_dim3A_292 = vector.shape_cast %ne3A_276 : vector<128x1xi1> to vector<128x1xi1>
      %broadcast_in_dim3A_293 = vector.broadcast %broadcast_in_dim3A_292 : vector<128x1xi1> to vector<128x128xi1>
      %select_n3A_294 = arith.select %broadcast_in_dim3A_293, %concatenate3A_288, %concatenate3A_291 : vector<128x128xi1>, vector<128x128xi32>
      %gt3A_295 = arith.cmpf ogt, %select_n3A_269, %select_n3A_285 : vector<128x128xf32>
      %eq3A_296 = arith.cmpf oeq, %select_n3A_269, %select_n3A_285 : vector<128x128xf32>
      %gt3A_297 = arith.cmpi sgt, %select_n3A_270, %select_n3A_294 : vector<128x128xi32>
      %and3A_298 = arith.andi %eq3A_296, %gt3A_297 : vector<128x128xi1>
      %or3A_299 = arith.ori %gt3A_295, %and3A_298 : vector<128x128xi1>
      %eq3A_300 = arith.xori %ne3A_276, %eq3A_170 : vector<128x1xi1>
      %eq3A_301 = arith.constant dense<true> : vector<128x1xi1>
      %eq3A_302 = arith.xori %eq3A_300, %eq3A_301 : vector<128x1xi1>
      %xor3A_303 = vector.broadcast %eq3A_302 : vector<128x1xi1> to vector<128x128xi1>
      %xor3A_304 = arith.xori %or3A_299, %xor3A_303 : vector<128x128xi1>
      %select_n3A_305 = arith.select %xor3A_304, %select_n3A_285, %select_n3A_269 : vector<128x128xi1>, vector<128x128xf32>
      %select_n3A_306 = arith.select %xor3A_304, %select_n3A_294, %select_n3A_270 : vector<128x128xi1>, vector<128x128xi32>
      %and3A_307 = arith.constant 4 : i32
      %and3A_308 = vector.broadcast %and3A_307 : i32 to vector<128x1xi32>
      %and3A_309 = arith.andi %iota3A_7, %and3A_308 : vector<128x1xi32>
      %ne3A_310 = arith.constant 0 : i32
      %ne3A_311 = vector.broadcast %ne3A_310 : i32 to vector<128x1xi32>
      %ne3A_312 = arith.cmpi ne, %and3A_309, %ne3A_311 : vector<128x1xi32>
      %slice3A_313 = vector.extract_strided_slice %select_n3A_305 {offsets = [124, 0], sizes = [4, 128], strides = [1, 1]} : vector<128x128xf32> to vector<4x128xf32>
      %slice3A_314 = vector.extract_strided_slice %select_n3A_305 {offsets = [0, 0], sizes = [124, 128], strides = [1, 1]} : vector<128x128xf32> to vector<124x128xf32>
      %concatenate3A_315 = tpu.concatenate %slice3A_313, %slice3A_314 in 0 : vector<4x128xf32>, vector<124x128xf32> -> vector<128x128xf32>
      %slice3A_316 = vector.extract_strided_slice %select_n3A_305 {offsets = [4, 0], sizes = [124, 128], strides = [1, 1]} : vector<128x128xf32> to vector<124x128xf32>
      %slice3A_317 = vector.extract_strided_slice %select_n3A_305 {offsets = [0, 0], sizes = [4, 128], strides = [1, 1]} : vector<128x128xf32> to vector<4x128xf32>
      %concatenate3A_318 = tpu.concatenate %slice3A_316, %slice3A_317 in 0 : vector<124x128xf32>, vector<4x128xf32> -> vector<128x128xf32>
      %broadcast_in_dim3A_319 = vector.shape_cast %ne3A_312 : vector<128x1xi1> to vector<128x1xi1>
      %broadcast_in_dim3A_320 = vector.broadcast %broadcast_in_dim3A_319 : vector<128x1xi1> to vector<128x128xi1>
      %select_n3A_321 = arith.select %broadcast_in_dim3A_320, %concatenate3A_315, %concatenate3A_318 : vector<128x128xi1>, vector<128x128xf32>
      %slice3A_322 = vector.extract_strided_slice %select_n3A_306 {offsets = [124, 0], sizes = [4, 128], strides = [1, 1]} : vector<128x128xi32> to vector<4x128xi32>
      %slice3A_323 = vector.extract_strided_slice %select_n3A_306 {offsets = [0, 0], sizes = [124, 128], strides = [1, 1]} : vector<128x128xi32> to vector<124x128xi32>
      %concatenate3A_324 = tpu.concatenate %slice3A_322, %slice3A_323 in 0 : vector<4x128xi32>, vector<124x128xi32> -> vector<128x128xi32>
      %slice3A_325 = vector.extract_strided_slice %select_n3A_306 {offsets = [4, 0], sizes = [124, 128], strides = [1, 1]} : vector<128x128xi32> to vector<124x128xi32>
      %slice3A_326 = vector.extract_strided_slice %select_n3A_306 {offsets = [0, 0], sizes = [4, 128], strides = [1, 1]} : vector<128x128xi32> to vector<4x128xi32>
      %concatenate3A_327 = tpu.concatenate %slice3A_325, %slice3A_326 in 0 : vector<124x128xi32>, vector<4x128xi32> -> vector<128x128xi32>
      %broadcast_in_dim3A_328 = vector.shape_cast %ne3A_312 : vector<128x1xi1> to vector<128x1xi1>
      %broadcast_in_dim3A_329 = vector.broadcast %broadcast_in_dim3A_328 : vector<128x1xi1> to vector<128x128xi1>
      %select_n3A_330 = arith.select %broadcast_in_dim3A_329, %concatenate3A_324, %concatenate3A_327 : vector<128x128xi1>, vector<128x128xi32>
      %gt3A_331 = arith.cmpf ogt, %select_n3A_305, %select_n3A_321 : vector<128x128xf32>
      %eq3A_332 = arith.cmpf oeq, %select_n3A_305, %select_n3A_321 : vector<128x128xf32>
      %gt3A_333 = arith.cmpi sgt, %select_n3A_306, %select_n3A_330 : vector<128x128xi32>
      %and3A_334 = arith.andi %eq3A_332, %gt3A_333 : vector<128x128xi1>
      %or3A_335 = arith.ori %gt3A_331, %and3A_334 : vector<128x128xi1>
      %eq3A_336 = arith.xori %ne3A_312, %eq3A_170 : vector<128x1xi1>
      %eq3A_337 = arith.constant dense<true> : vector<128x1xi1>
      %eq3A_338 = arith.xori %eq3A_336, %eq3A_337 : vector<128x1xi1>
      %xor3A_339 = vector.broadcast %eq3A_338 : vector<128x1xi1> to vector<128x128xi1>
      %xor3A_340 = arith.xori %or3A_335, %xor3A_339 : vector<128x128xi1>
      %select_n3A_341 = arith.select %xor3A_340, %select_n3A_321, %select_n3A_305 : vector<128x128xi1>, vector<128x128xf32>
      %select_n3A_342 = arith.select %xor3A_340, %select_n3A_330, %select_n3A_306 : vector<128x128xi1>, vector<128x128xi32>
      %and3A_343 = arith.constant 2 : i32
      %and3A_344 = vector.broadcast %and3A_343 : i32 to vector<128x1xi32>
      %and3A_345 = arith.andi %iota3A_7, %and3A_344 : vector<128x1xi32>
      %ne3A_346 = arith.constant 0 : i32
      %ne3A_347 = vector.broadcast %ne3A_346 : i32 to vector<128x1xi32>
      %ne3A_348 = arith.cmpi ne, %and3A_345, %ne3A_347 : vector<128x1xi32>
      %slice3A_349 = vector.extract_strided_slice %select_n3A_341 {offsets = [126, 0], sizes = [2, 128], strides = [1, 1]} : vector<128x128xf32> to vector<2x128xf32>
      %slice3A_350 = vector.extract_strided_slice %select_n3A_341 {offsets = [0, 0], sizes = [126, 128], strides = [1, 1]} : vector<128x128xf32> to vector<126x128xf32>
      %concatenate3A_351 = tpu.concatenate %slice3A_349, %slice3A_350 in 0 : vector<2x128xf32>, vector<126x128xf32> -> vector<128x128xf32>
      %slice3A_352 = vector.extract_strided_slice %select_n3A_341 {offsets = [2, 0], sizes = [126, 128], strides = [1, 1]} : vector<128x128xf32> to vector<126x128xf32>
      %slice3A_353 = vector.extract_strided_slice %select_n3A_341 {offsets = [0, 0], sizes = [2, 128], strides = [1, 1]} : vector<128x128xf32> to vector<2x128xf32>
      %concatenate3A_354 = tpu.concatenate %slice3A_352, %slice3A_353 in 0 : vector<126x128xf32>, vector<2x128xf32> -> vector<128x128xf32>
      %broadcast_in_dim3A_355 = vector.shape_cast %ne3A_348 : vector<128x1xi1> to vector<128x1xi1>
      %broadcast_in_dim3A_356 = vector.broadcast %broadcast_in_dim3A_355 : vector<128x1xi1> to vector<128x128xi1>
      %select_n3A_357 = arith.select %broadcast_in_dim3A_356, %concatenate3A_351, %concatenate3A_354 : vector<128x128xi1>, vector<128x128xf32>
      %slice3A_358 = vector.extract_strided_slice %select_n3A_342 {offsets = [126, 0], sizes = [2, 128], strides = [1, 1]} : vector<128x128xi32> to vector<2x128xi32>
      %slice3A_359 = vector.extract_strided_slice %select_n3A_342 {offsets = [0, 0], sizes = [126, 128], strides = [1, 1]} : vector<128x128xi32> to vector<126x128xi32>
      %concatenate3A_360 = tpu.concatenate %slice3A_358, %slice3A_359 in 0 : vector<2x128xi32>, vector<126x128xi32> -> vector<128x128xi32>
      %slice3A_361 = vector.extract_strided_slice %select_n3A_342 {offsets = [2, 0], sizes = [126, 128], strides = [1, 1]} : vector<128x128xi32> to vector<126x128xi32>
      %slice3A_362 = vector.extract_strided_slice %select_n3A_342 {offsets = [0, 0], sizes = [2, 128], strides = [1, 1]} : vector<128x128xi32> to vector<2x128xi32>
      %concatenate3A_363 = tpu.concatenate %slice3A_361, %slice3A_362 in 0 : vector<126x128xi32>, vector<2x128xi32> -> vector<128x128xi32>
      %broadcast_in_dim3A_364 = vector.shape_cast %ne3A_348 : vector<128x1xi1> to vector<128x1xi1>
      %broadcast_in_dim3A_365 = vector.broadcast %broadcast_in_dim3A_364 : vector<128x1xi1> to vector<128x128xi1>
      %select_n3A_366 = arith.select %broadcast_in_dim3A_365, %concatenate3A_360, %concatenate3A_363 : vector<128x128xi1>, vector<128x128xi32>
      %gt3A_367 = arith.cmpf ogt, %select_n3A_341, %select_n3A_357 : vector<128x128xf32>
      %eq3A_368 = arith.cmpf oeq, %select_n3A_341, %select_n3A_357 : vector<128x128xf32>
      %gt3A_369 = arith.cmpi sgt, %select_n3A_342, %select_n3A_366 : vector<128x128xi32>
      %and3A_370 = arith.andi %eq3A_368, %gt3A_369 : vector<128x128xi1>
      %or3A_371 = arith.ori %gt3A_367, %and3A_370 : vector<128x128xi1>
      %eq3A_372 = arith.xori %ne3A_348, %eq3A_170 : vector<128x1xi1>
      %eq3A_373 = arith.constant dense<true> : vector<128x1xi1>
      %eq3A_374 = arith.xori %eq3A_372, %eq3A_373 : vector<128x1xi1>
      %xor3A_375 = vector.broadcast %eq3A_374 : vector<128x1xi1> to vector<128x128xi1>
      %xor3A_376 = arith.xori %or3A_371, %xor3A_375 : vector<128x128xi1>
      %select_n3A_377 = arith.select %xor3A_376, %select_n3A_357, %select_n3A_341 : vector<128x128xi1>, vector<128x128xf32>
      %select_n3A_378 = arith.select %xor3A_376, %select_n3A_366, %select_n3A_342 : vector<128x128xi1>, vector<128x128xi32>
      %and3A_379 = arith.constant 1 : i32
      %and3A_380 = vector.broadcast %and3A_379 : i32 to vector<128x1xi32>
      %and3A_381 = arith.andi %iota3A_7, %and3A_380 : vector<128x1xi32>
      %ne3A_382 = arith.constant 0 : i32
      %ne3A_383 = vector.broadcast %ne3A_382 : i32 to vector<128x1xi32>
      %ne3A_384 = arith.cmpi ne, %and3A_381, %ne3A_383 : vector<128x1xi32>
      %slice3A_385 = vector.extract_strided_slice %select_n3A_377 {offsets = [127, 0], sizes = [1, 128], strides = [1, 1]} : vector<128x128xf32> to vector<1x128xf32>
      %slice3A_386 = vector.extract_strided_slice %select_n3A_377 {offsets = [0, 0], sizes = [127, 128], strides = [1, 1]} : vector<128x128xf32> to vector<127x128xf32>
      %concatenate3A_387 = tpu.concatenate %slice3A_385, %slice3A_386 in 0 : vector<1x128xf32>, vector<127x128xf32> -> vector<128x128xf32>
      %slice3A_388 = vector.extract_strided_slice %select_n3A_377 {offsets = [1, 0], sizes = [127, 128], strides = [1, 1]} : vector<128x128xf32> to vector<127x128xf32>
      %slice3A_389 = vector.extract_strided_slice %select_n3A_377 {offsets = [0, 0], sizes = [1, 128], strides = [1, 1]} : vector<128x128xf32> to vector<1x128xf32>
      %concatenate3A_390 = tpu.concatenate %slice3A_388, %slice3A_389 in 0 : vector<127x128xf32>, vector<1x128xf32> -> vector<128x128xf32>
      %broadcast_in_dim3A_391 = vector.shape_cast %ne3A_384 : vector<128x1xi1> to vector<128x1xi1>
      %broadcast_in_dim3A_392 = vector.broadcast %broadcast_in_dim3A_391 : vector<128x1xi1> to vector<128x128xi1>
      %select_n3A_393 = arith.select %broadcast_in_dim3A_392, %concatenate3A_387, %concatenate3A_390 : vector<128x128xi1>, vector<128x128xf32>
      %slice3A_394 = vector.extract_strided_slice %select_n3A_378 {offsets = [127, 0], sizes = [1, 128], strides = [1, 1]} : vector<128x128xi32> to vector<1x128xi32>
      %slice3A_395 = vector.extract_strided_slice %select_n3A_378 {offsets = [0, 0], sizes = [127, 128], strides = [1, 1]} : vector<128x128xi32> to vector<127x128xi32>
      %concatenate3A_396 = tpu.concatenate %slice3A_394, %slice3A_395 in 0 : vector<1x128xi32>, vector<127x128xi32> -> vector<128x128xi32>
      %slice3A_397 = vector.extract_strided_slice %select_n3A_378 {offsets = [1, 0], sizes = [127, 128], strides = [1, 1]} : vector<128x128xi32> to vector<127x128xi32>
      %slice3A_398 = vector.extract_strided_slice %select_n3A_378 {offsets = [0, 0], sizes = [1, 128], strides = [1, 1]} : vector<128x128xi32> to vector<1x128xi32>
      %concatenate3A_399 = tpu.concatenate %slice3A_397, %slice3A_398 in 0 : vector<127x128xi32>, vector<1x128xi32> -> vector<128x128xi32>
      %broadcast_in_dim3A_400 = vector.shape_cast %ne3A_384 : vector<128x1xi1> to vector<128x1xi1>
      %broadcast_in_dim3A_401 = vector.broadcast %broadcast_in_dim3A_400 : vector<128x1xi1> to vector<128x128xi1>
      %select_n3A_402 = arith.select %broadcast_in_dim3A_401, %concatenate3A_396, %concatenate3A_399 : vector<128x128xi1>, vector<128x128xi32>
      %gt3A_403 = arith.cmpf ogt, %select_n3A_377, %select_n3A_393 : vector<128x128xf32>
      %eq3A_404 = arith.cmpf oeq, %select_n3A_377, %select_n3A_393 : vector<128x128xf32>
      %gt3A_405 = arith.cmpi sgt, %select_n3A_378, %select_n3A_402 : vector<128x128xi32>
      %and3A_406 = arith.andi %eq3A_404, %gt3A_405 : vector<128x128xi1>
      %or3A_407 = arith.ori %gt3A_403, %and3A_406 : vector<128x128xi1>
      %eq3A_408 = arith.xori %ne3A_384, %eq3A_170 : vector<128x1xi1>
      %eq3A_409 = arith.constant dense<true> : vector<128x1xi1>
      %eq3A_410 = arith.xori %eq3A_408, %eq3A_409 : vector<128x1xi1>
      %xor3A_411 = vector.broadcast %eq3A_410 : vector<128x1xi1> to vector<128x128xi1>
      %xor3A_412 = arith.xori %or3A_407, %xor3A_411 : vector<128x128xi1>
      %select_n3A_413 = arith.select %xor3A_412, %select_n3A_393, %select_n3A_377 : vector<128x128xi1>, vector<128x128xf32>
      %select_n3A_414 = arith.select %xor3A_412, %select_n3A_402, %select_n3A_378 : vector<128x128xi1>, vector<128x128xi32>
      %swap3A_415 = arith.index_cast %mul3A_158 : i32 to index
      %swap3A_416 = arith.constant 0 : index
      %swap3A_417 = vector.load %arg2[%swap3A_415, %swap3A_416] : memref<8192x128xf32, #tpu.memory_space<vmem>>, vector<128x128xf32>
      tpu.vector_store %arg2[%swap3A_415, %swap3A_416], %select_n3A_413 {strides = array<i32>} : memref<8192x128xf32, #tpu.memory_space<vmem>>, vector<128x128xf32>,
      %swap3A_418 = arith.index_cast %mul3A_158 : i32 to index
      %swap3A_419 = arith.constant 0 : index
      %swap3A_420 = vector.load %arg3[%swap3A_418, %swap3A_419] : memref<8192x128xi32, #tpu.memory_space<vmem>>, vector<128x128xi32>
      tpu.vector_store %arg3[%swap3A_418, %swap3A_419], %select_n3A_414 {strides = array<i32>} : memref<8192x128xi32, #tpu.memory_space<vmem>>, vector<128x128xi32>,
    }
    %scan3A_36 = arith.constant 64 : i32
    %scan3A_37 = arith.constant 0 : i32
    %scan3A_38 = arith.constant 32 : i32
    %scan3A_39 = arith.addi %scan3A_37, %scan3A_38 : i32
    %scan3A_40 = arith.constant 1 : i32
    scf.for %scan3A_156 = %scan3A_37 to %scan3A_39 step %scan3A_40  : i32 {
      %jit3A = arith.constant 4 : i32
      %div3A = arith.divsi %scan3A_156, %jit3A : i32
      %sign3A = arith.constant 0 : i32
      %sign3A_157 = arith.cmpi sgt, %scan3A_156, %sign3A : i32
      %sign3A_158 = arith.extui %sign3A_157 : i1 to i32
      %sign3A_159 = arith.constant 0 : i32
      %sign3A_160 = arith.cmpi slt, %scan3A_156, %sign3A_159 : i32
      %sign3A_161 = arith.extui %sign3A_160 : i1 to i32
      %sign3A_162 = arith.subi %sign3A_158, %sign3A_161 : i32
      %sign3A_163 = arith.constant 0 : i32
      %sign3A_164 = arith.cmpi sgt, %jit3A, %sign3A_163 : i32
      %sign3A_165 = arith.extui %sign3A_164 : i1 to i32
      %sign3A_166 = arith.constant 0 : i32
      %sign3A_167 = arith.cmpi slt, %jit3A, %sign3A_166 : i32
      %sign3A_168 = arith.extui %sign3A_167 : i1 to i32
      %sign3A_169 = arith.subi %sign3A_165, %sign3A_168 : i32
      %ne3A = arith.cmpi ne, %sign3A_162, %sign3A_169 : i32
      %rem3A = arith.remsi %scan3A_156, %jit3A : i32
      %ne3A_170 = arith.constant 0 : i32
      %ne3A_171 = arith.cmpi ne, %rem3A, %ne3A_170 : i32
      %and3A = arith.andi %ne3A, %ne3A_171 : i1
      %sub3A = arith.constant 1 : i32
      %sub3A_172 = arith.subi %div3A, %sub3A : i32
      %select_n3A = arith.select %and3A, %sub3A_172, %div3A : i32
      %mul3A_173 = arith.constant 2 : i32
      %mul3A_174 = arith.muli %select_n3A, %mul3A_173 : i32
      %mul3A_175 = arith.constant 512 : i32
      %mul3A_176 = arith.muli %mul3A_174, %mul3A_175 : i32
      %jit3A_177 = arith.constant 4 : i32
      %eq3A = arith.constant 0 : i32
      %eq3A_178 = arith.cmpi eq, %jit3A_177, %eq3A : i32
      %jit3A_179 = arith.constant 1 : i32
      %select_n3A_180 = arith.select %eq3A_178, %jit3A_179, %jit3A_177 : i32
      %rem3A_181 = arith.remsi %scan3A_156, %select_n3A_180 : i32
      %ne3A_182 = arith.constant 0 : i32
      %ne3A_183 = arith.cmpi ne, %rem3A_181, %ne3A_182 : i32
      %lt3A = arith.constant 0 : i32
      %lt3A_184 = arith.cmpi slt, %rem3A_181, %lt3A : i32
      %lt3A_185 = arith.constant 0 : i32
      %lt3A_186 = arith.cmpi slt, %select_n3A_180, %lt3A_185 : i32
      %ne3A_187 = arith.xori %lt3A_184, %lt3A_186 : i1
      %and3A_188 = arith.andi %ne3A_187, %ne3A_183 : i1
      %add3A_189 = arith.addi %rem3A_181, %select_n3A_180 : i32
      %select_n3A_190 = arith.select %and3A_188, %add3A_189, %rem3A_181 : i32
      %mul3A_191 = arith.constant 128 : i32
      %mul3A_192 = arith.muli %select_n3A_190, %mul3A_191 : i32
      %add3A_193 = arith.addi %mul3A_176, %mul3A_192 : i32
      %and3A_194 = arith.constant 1024 : i32
      %and3A_195 = arith.andi %add3A_193, %and3A_194 : i32
      %eq3A_196 = arith.constant 0 : i32
      %eq3A_197 = arith.cmpi eq, %and3A_195, %eq3A_196 : i32
      %get3A_198 = arith.index_cast %add3A_193 : i32 to index
      %get3A_199 = arith.constant 0 : index
      %get3A_200 = vector.load %arg2[%get3A_198, %get3A_199] : memref<8192x128xf32, #tpu.memory_space<vmem>>, vector<128x128xf32>
      %add3A_201 = arith.constant 512 : i32
      %add3A_202 = arith.addi %add3A_193, %add3A_201 : i32
      %get3A_203 = arith.index_cast %add3A_202 : i32 to index
      %get3A_204 = arith.constant 0 : index
      %get3A_205 = vector.load %arg2[%get3A_203, %get3A_204] : memref<8192x128xf32, #tpu.memory_space<vmem>>, vector<128x128xf32>
      %get3A_206 = arith.index_cast %add3A_193 : i32 to index
      %get3A_207 = arith.constant 0 : index
      %get3A_208 = vector.load %arg3[%get3A_206, %get3A_207] : memref<8192x128xi32, #tpu.memory_space<vmem>>, vector<128x128xi32>
      %add3A_209 = arith.constant 512 : i32
      %add3A_210 = arith.addi %add3A_193, %add3A_209 : i32
      %get3A_211 = arith.index_cast %add3A_210 : i32 to index
      %get3A_212 = arith.constant 0 : index
      %get3A_213 = vector.load %arg3[%get3A_211, %get3A_212] : memref<8192x128xi32, #tpu.memory_space<vmem>>, vector<128x128xi32>
      %gt3A = arith.cmpf ogt, %get3A_200, %get3A_205 : vector<128x128xf32>
      %eq3A_214 = arith.cmpf oeq, %get3A_200, %get3A_205 : vector<128x128xf32>
      %gt3A_215 = arith.cmpi sgt, %get3A_208, %get3A_213 : vector<128x128xi32>
      %and3A_216 = arith.andi %eq3A_214, %gt3A_215 : vector<128x128xi1>
      %or3A = arith.ori %gt3A, %and3A_216 : vector<128x128xi1>
      %eq3A_217 = vector.broadcast %eq3A_197 : i1 to vector<128x128xi1>
      %eq3A_218 = vector.broadcast %eq3A_217 : vector<128x128xi1> to vector<128x128xi1>
      %eq3A_219 = arith.xori %or3A, %eq3A_218 : vector<128x128xi1>
      %eq3A_220 = arith.constant dense<true> : vector<128x128xi1>
      %eq3A_221 = arith.xori %eq3A_219, %eq3A_220 : vector<128x128xi1>
      %select_n3A_222 = arith.select %eq3A_221, %get3A_205, %get3A_200 : vector<128x128xi1>, vector<128x128xf32>
      %swap3A_223 = arith.index_cast %add3A_193 : i32 to index
      %swap3A_224 = arith.constant 0 : index
      %swap3A_225 = vector.load %arg2[%swap3A_223, %swap3A_224] : memref<8192x128xf32, #tpu.memory_space<vmem>>, vector<128x128xf32>
      tpu.vector_store %arg2[%swap3A_223, %swap3A_224], %select_n3A_222 {strides = array<i32>} : memref<8192x128xf32, #tpu.memory_space<vmem>>, vector<128x128xf32>,
      %select_n3A_226 = arith.select %eq3A_221, %get3A_200, %get3A_205 : vector<128x128xi1>, vector<128x128xf32>
      %add3A_227 = arith.constant 512 : i32
      %add3A_228 = arith.addi %add3A_193, %add3A_227 : i32
      %swap3A_229 = arith.index_cast %add3A_228 : i32 to index
      %swap3A_230 = arith.constant 0 : index
      %swap3A_231 = vector.load %arg2[%swap3A_229, %swap3A_230] : memref<8192x128xf32, #tpu.memory_space<vmem>>, vector<128x128xf32>
      tpu.vector_store %arg2[%swap3A_229, %swap3A_230], %select_n3A_226 {strides = array<i32>} : memref<8192x128xf32, #tpu.memory_space<vmem>>, vector<128x128xf32>,
      %select_n3A_232 = arith.select %eq3A_221, %get3A_213, %get3A_208 : vector<128x128xi1>, vector<128x128xi32>
      %swap3A_233 = arith.index_cast %add3A_193 : i32 to index
      %swap3A_234 = arith.constant 0 : index
      %swap3A_235 = vector.load %arg3[%swap3A_233, %swap3A_234] : memref<8192x128xi32, #tpu.memory_space<vmem>>, vector<128x128xi32>
      tpu.vector_store %arg3[%swap3A_233, %swap3A_234], %select_n3A_232 {strides = array<i32>} : memref<8192x128xi32, #tpu.memory_space<vmem>>, vector<128x128xi32>,
      %select_n3A_236 = arith.select %eq3A_221, %get3A_208, %get3A_213 : vector<128x128xi1>, vector<128x128xi32>
      %add3A_237 = arith.constant 512 : i32
      %add3A_238 = arith.addi %add3A_193, %add3A_237 : i32
      %swap3A_239 = arith.index_cast %add3A_238 : i32 to index
      %swap3A_240 = arith.constant 0 : index
      %swap3A_241 = vector.load %arg3[%swap3A_239, %swap3A_240] : memref<8192x128xi32, #tpu.memory_space<vmem>>, vector<128x128xi32>
      tpu.vector_store %arg3[%swap3A_239, %swap3A_240], %select_n3A_236 {strides = array<i32>} : memref<8192x128xi32, #tpu.memory_space<vmem>>, vector<128x128xi32>,
    }
    %scan3A_41 = arith.constant 32 : i32
    %scan3A_42 = arith.constant 0 : i32
    %scan3A_43 = arith.constant 32 : i32
    %scan3A_44 = arith.addi %scan3A_42, %scan3A_43 : i32
    %scan3A_45 = arith.constant 1 : i32
    scf.for %scan3A_156 = %scan3A_42 to %scan3A_44 step %scan3A_45  : i32 {
      %jit3A = arith.constant 2 : i32
      %div3A = arith.divsi %scan3A_156, %jit3A : i32
      %sign3A = arith.constant 0 : i32
      %sign3A_157 = arith.cmpi sgt, %scan3A_156, %sign3A : i32
      %sign3A_158 = arith.extui %sign3A_157 : i1 to i32
      %sign3A_159 = arith.constant 0 : i32
      %sign3A_160 = arith.cmpi slt, %scan3A_156, %sign3A_159 : i32
      %sign3A_161 = arith.extui %sign3A_160 : i1 to i32
      %sign3A_162 = arith.subi %sign3A_158, %sign3A_161 : i32
      %sign3A_163 = arith.constant 0 : i32
      %sign3A_164 = arith.cmpi sgt, %jit3A, %sign3A_163 : i32
      %sign3A_165 = arith.extui %sign3A_164 : i1 to i32
      %sign3A_166 = arith.constant 0 : i32
      %sign3A_167 = arith.cmpi slt, %jit3A, %sign3A_166 : i32
      %sign3A_168 = arith.extui %sign3A_167 : i1 to i32
      %sign3A_169 = arith.subi %sign3A_165, %sign3A_168 : i32
      %ne3A = arith.cmpi ne, %sign3A_162, %sign3A_169 : i32
      %rem3A = arith.remsi %scan3A_156, %jit3A : i32
      %ne3A_170 = arith.constant 0 : i32
      %ne3A_171 = arith.cmpi ne, %rem3A, %ne3A_170 : i32
      %and3A = arith.andi %ne3A, %ne3A_171 : i1
      %sub3A = arith.constant 1 : i32
      %sub3A_172 = arith.subi %div3A, %sub3A : i32
      %select_n3A = arith.select %and3A, %sub3A_172, %div3A : i32
      %mul3A_173 = arith.constant 2 : i32
      %mul3A_174 = arith.muli %select_n3A, %mul3A_173 : i32
      %mul3A_175 = arith.constant 256 : i32
      %mul3A_176 = arith.muli %mul3A_174, %mul3A_175 : i32
      %jit3A_177 = arith.constant 2 : i32
      %eq3A = arith.constant 0 : i32
      %eq3A_178 = arith.cmpi eq, %jit3A_177, %eq3A : i32
      %jit3A_179 = arith.constant 1 : i32
      %select_n3A_180 = arith.select %eq3A_178, %jit3A_179, %jit3A_177 : i32
      %rem3A_181 = arith.remsi %scan3A_156, %select_n3A_180 : i32
      %ne3A_182 = arith.constant 0 : i32
      %ne3A_183 = arith.cmpi ne, %rem3A_181, %ne3A_182 : i32
      %lt3A = arith.constant 0 : i32
      %lt3A_184 = arith.cmpi slt, %rem3A_181, %lt3A : i32
      %lt3A_185 = arith.constant 0 : i32
      %lt3A_186 = arith.cmpi slt, %select_n3A_180, %lt3A_185 : i32
      %ne3A_187 = arith.xori %lt3A_184, %lt3A_186 : i1
      %and3A_188 = arith.andi %ne3A_187, %ne3A_183 : i1
      %add3A_189 = arith.addi %rem3A_181, %select_n3A_180 : i32
      %select_n3A_190 = arith.select %and3A_188, %add3A_189, %rem3A_181 : i32
      %mul3A_191 = arith.constant 128 : i32
      %mul3A_192 = arith.muli %select_n3A_190, %mul3A_191 : i32
      %add3A_193 = arith.addi %mul3A_176, %mul3A_192 : i32
      %and3A_194 = arith.constant 1024 : i32
      %and3A_195 = arith.andi %add3A_193, %and3A_194 : i32
      %eq3A_196 = arith.constant 0 : i32
      %eq3A_197 = arith.cmpi eq, %and3A_195, %eq3A_196 : i32
      %get3A_198 = arith.index_cast %add3A_193 : i32 to index
      %get3A_199 = arith.constant 0 : index
      %get3A_200 = vector.load %arg2[%get3A_198, %get3A_199] : memref<8192x128xf32, #tpu.memory_space<vmem>>, vector<128x128xf32>
      %add3A_201 = arith.constant 256 : i32
      %add3A_202 = arith.addi %add3A_193, %add3A_201 : i32
      %get3A_203 = arith.index_cast %add3A_202 : i32 to index
      %get3A_204 = arith.constant 0 : index
      %get3A_205 = vector.load %arg2[%get3A_203, %get3A_204] : memref<8192x128xf32, #tpu.memory_space<vmem>>, vector<128x128xf32>
      %get3A_206 = arith.index_cast %add3A_193 : i32 to index
      %get3A_207 = arith.constant 0 : index
      %get3A_208 = vector.load %arg3[%get3A_206, %get3A_207] : memref<8192x128xi32, #tpu.memory_space<vmem>>, vector<128x128xi32>
      %add3A_209 = arith.constant 256 : i32
      %add3A_210 = arith.addi %add3A_193, %add3A_209 : i32
      %get3A_211 = arith.index_cast %add3A_210 : i32 to index
      %get3A_212 = arith.constant 0 : index
      %get3A_213 = vector.load %arg3[%get3A_211, %get3A_212] : memref<8192x128xi32, #tpu.memory_space<vmem>>, vector<128x128xi32>
      %gt3A = arith.cmpf ogt, %get3A_200, %get3A_205 : vector<128x128xf32>
      %eq3A_214 = arith.cmpf oeq, %get3A_200, %get3A_205 : vector<128x128xf32>
      %gt3A_215 = arith.cmpi sgt, %get3A_208, %get3A_213 : vector<128x128xi32>
      %and3A_216 = arith.andi %eq3A_214, %gt3A_215 : vector<128x128xi1>
      %or3A = arith.ori %gt3A, %and3A_216 : vector<128x128xi1>
      %eq3A_217 = vector.broadcast %eq3A_197 : i1 to vector<128x128xi1>
      %eq3A_218 = vector.broadcast %eq3A_217 : vector<128x128xi1> to vector<128x128xi1>
      %eq3A_219 = arith.xori %or3A, %eq3A_218 : vector<128x128xi1>
      %eq3A_220 = arith.constant dense<true> : vector<128x128xi1>
      %eq3A_221 = arith.xori %eq3A_219, %eq3A_220 : vector<128x128xi1>
      %select_n3A_222 = arith.select %eq3A_221, %get3A_205, %get3A_200 : vector<128x128xi1>, vector<128x128xf32>
      %swap3A_223 = arith.index_cast %add3A_193 : i32 to index
      %swap3A_224 = arith.constant 0 : index
      %swap3A_225 = vector.load %arg2[%swap3A_223, %swap3A_224] : memref<8192x128xf32, #tpu.memory_space<vmem>>, vector<128x128xf32>
      tpu.vector_store %arg2[%swap3A_223, %swap3A_224], %select_n3A_222 {strides = array<i32>} : memref<8192x128xf32, #tpu.memory_space<vmem>>, vector<128x128xf32>,
      %select_n3A_226 = arith.select %eq3A_221, %get3A_200, %get3A_205 : vector<128x128xi1>, vector<128x128xf32>
      %add3A_227 = arith.constant 256 : i32
      %add3A_228 = arith.addi %add3A_193, %add3A_227 : i32
      %swap3A_229 = arith.index_cast %add3A_228 : i32 to index
      %swap3A_230 = arith.constant 0 : index
      %swap3A_231 = vector.load %arg2[%swap3A_229, %swap3A_230] : memref<8192x128xf32, #tpu.memory_space<vmem>>, vector<128x128xf32>
      tpu.vector_store %arg2[%swap3A_229, %swap3A_230], %select_n3A_226 {strides = array<i32>} : memref<8192x128xf32, #tpu.memory_space<vmem>>, vector<128x128xf32>,
      %select_n3A_232 = arith.select %eq3A_221, %get3A_213, %get3A_208 : vector<128x128xi1>, vector<128x128xi32>
      %swap3A_233 = arith.index_cast %add3A_193 : i32 to index
      %swap3A_234 = arith.constant 0 : index
      %swap3A_235 = vector.load %arg3[%swap3A_233, %swap3A_234] : memref<8192x128xi32, #tpu.memory_space<vmem>>, vector<128x128xi32>
      tpu.vector_store %arg3[%swap3A_233, %swap3A_234], %select_n3A_232 {strides = array<i32>} : memref<8192x128xi32, #tpu.memory_space<vmem>>, vector<128x128xi32>,
      %select_n3A_236 = arith.select %eq3A_221, %get3A_208, %get3A_213 : vector<128x128xi1>, vector<128x128xi32>
      %add3A_237 = arith.constant 256 : i32
      %add3A_238 = arith.addi %add3A_193, %add3A_237 : i32
      %swap3A_239 = arith.index_cast %add3A_238 : i32 to index
      %swap3A_240 = arith.constant 0 : index
      %swap3A_241 = vector.load %arg3[%swap3A_239, %swap3A_240] : memref<8192x128xi32, #tpu.memory_space<vmem>>, vector<128x128xi32>
      tpu.vector_store %arg3[%swap3A_239, %swap3A_240], %select_n3A_236 {strides = array<i32>} : memref<8192x128xi32, #tpu.memory_space<vmem>>, vector<128x128xi32>,
    }
    %scan3A_46 = arith.constant 32 : i32
    %scan3A_47 = arith.constant 0 : i32
    %scan3A_48 = arith.constant 32 : i32
    %scan3A_49 = arith.addi %scan3A_47, %scan3A_48 : i32
    %scan3A_50 = arith.constant 1 : i32
    scf.for %scan3A_156 = %scan3A_47 to %scan3A_49 step %scan3A_50  : i32 {
      %jit3A = arith.constant 1 : i32
      %div3A = arith.divsi %scan3A_156, %jit3A : i32
      %sign3A = arith.constant 0 : i32
      %sign3A_157 = arith.cmpi sgt, %scan3A_156, %sign3A : i32
      %sign3A_158 = arith.extui %sign3A_157 : i1 to i32
      %sign3A_159 = arith.constant 0 : i32
      %sign3A_160 = arith.cmpi slt, %scan3A_156, %sign3A_159 : i32
      %sign3A_161 = arith.extui %sign3A_160 : i1 to i32
      %sign3A_162 = arith.subi %sign3A_158, %sign3A_161 : i32
      %sign3A_163 = arith.constant 0 : i32
      %sign3A_164 = arith.cmpi sgt, %jit3A, %sign3A_163 : i32
      %sign3A_165 = arith.extui %sign3A_164 : i1 to i32
      %sign3A_166 = arith.constant 0 : i32
      %sign3A_167 = arith.cmpi slt, %jit3A, %sign3A_166 : i32
      %sign3A_168 = arith.extui %sign3A_167 : i1 to i32
      %sign3A_169 = arith.subi %sign3A_165, %sign3A_168 : i32
      %ne3A = arith.cmpi ne, %sign3A_162, %sign3A_169 : i32
      %rem3A = arith.remsi %scan3A_156, %jit3A : i32
      %ne3A_170 = arith.constant 0 : i32
      %ne3A_171 = arith.cmpi ne, %rem3A, %ne3A_170 : i32
      %and3A = arith.andi %ne3A, %ne3A_171 : i1
      %sub3A = arith.constant 1 : i32
      %sub3A_172 = arith.subi %div3A, %sub3A : i32
      %select_n3A = arith.select %and3A, %sub3A_172, %div3A : i32
      %mul3A_173 = arith.constant 2 : i32
      %mul3A_174 = arith.muli %select_n3A, %mul3A_173 : i32
      %mul3A_175 = arith.constant 128 : i32
      %mul3A_176 = arith.muli %mul3A_174, %mul3A_175 : i32
      %jit3A_177 = arith.constant 1 : i32
      %eq3A = arith.constant 0 : i32
      %eq3A_178 = arith.cmpi eq, %jit3A_177, %eq3A : i32
      %jit3A_179 = arith.constant 1 : i32
      %select_n3A_180 = arith.select %eq3A_178, %jit3A_179, %jit3A_177 : i32
      %rem3A_181 = arith.remsi %scan3A_156, %select_n3A_180 : i32
      %ne3A_182 = arith.constant 0 : i32
      %ne3A_183 = arith.cmpi ne, %rem3A_181, %ne3A_182 : i32
      %lt3A = arith.constant 0 : i32
      %lt3A_184 = arith.cmpi slt, %rem3A_181, %lt3A : i32
      %lt3A_185 = arith.constant 0 : i32
      %lt3A_186 = arith.cmpi slt, %select_n3A_180, %lt3A_185 : i32
      %ne3A_187 = arith.xori %lt3A_184, %lt3A_186 : i1
      %and3A_188 = arith.andi %ne3A_187, %ne3A_183 : i1
      %add3A_189 = arith.addi %rem3A_181, %select_n3A_180 : i32
      %select_n3A_190 = arith.select %and3A_188, %add3A_189, %rem3A_181 : i32
      %mul3A_191 = arith.constant 128 : i32
      %mul3A_192 = arith.muli %select_n3A_190, %mul3A_191 : i32
      %add3A_193 = arith.addi %mul3A_176, %mul3A_192 : i32
      %and3A_194 = arith.constant 1024 : i32
      %and3A_195 = arith.andi %add3A_193, %and3A_194 : i32
      %eq3A_196 = arith.constant 0 : i32
      %eq3A_197 = arith.cmpi eq, %and3A_195, %eq3A_196 : i32
      %get3A_198 = arith.index_cast %add3A_193 : i32 to index
      %get3A_199 = arith.constant 0 : index
      %get3A_200 = vector.load %arg2[%get3A_198, %get3A_199] : memref<8192x128xf32, #tpu.memory_space<vmem>>, vector<128x128xf32>
      %add3A_201 = arith.constant 128 : i32
      %add3A_202 = arith.addi %add3A_193, %add3A_201 : i32
      %get3A_203 = arith.index_cast %add3A_202 : i32 to index
      %get3A_204 = arith.constant 0 : index
      %get3A_205 = vector.load %arg2[%get3A_203, %get3A_204] : memref<8192x128xf32, #tpu.memory_space<vmem>>, vector<128x128xf32>
      %get3A_206 = arith.index_cast %add3A_193 : i32 to index
      %get3A_207 = arith.constant 0 : index
      %get3A_208 = vector.load %arg3[%get3A_206, %get3A_207] : memref<8192x128xi32, #tpu.memory_space<vmem>>, vector<128x128xi32>
      %add3A_209 = arith.constant 128 : i32
      %add3A_210 = arith.addi %add3A_193, %add3A_209 : i32
      %get3A_211 = arith.index_cast %add3A_210 : i32 to index
      %get3A_212 = arith.constant 0 : index
      %get3A_213 = vector.load %arg3[%get3A_211, %get3A_212] : memref<8192x128xi32, #tpu.memory_space<vmem>>, vector<128x128xi32>
      %gt3A = arith.cmpf ogt, %get3A_200, %get3A_205 : vector<128x128xf32>
      %eq3A_214 = arith.cmpf oeq, %get3A_200, %get3A_205 : vector<128x128xf32>
      %gt3A_215 = arith.cmpi sgt, %get3A_208, %get3A_213 : vector<128x128xi32>
      %and3A_216 = arith.andi %eq3A_214, %gt3A_215 : vector<128x128xi1>
      %or3A = arith.ori %gt3A, %and3A_216 : vector<128x128xi1>
      %eq3A_217 = vector.broadcast %eq3A_197 : i1 to vector<128x128xi1>
      %eq3A_218 = vector.broadcast %eq3A_217 : vector<128x128xi1> to vector<128x128xi1>
      %eq3A_219 = arith.xori %or3A, %eq3A_218 : vector<128x128xi1>
      %eq3A_220 = arith.constant dense<true> : vector<128x128xi1>
      %eq3A_221 = arith.xori %eq3A_219, %eq3A_220 : vector<128x128xi1>
      %select_n3A_222 = arith.select %eq3A_221, %get3A_205, %get3A_200 : vector<128x128xi1>, vector<128x128xf32>
      %swap3A_223 = arith.index_cast %add3A_193 : i32 to index
      %swap3A_224 = arith.constant 0 : index
      %swap3A_225 = vector.load %arg2[%swap3A_223, %swap3A_224] : memref<8192x128xf32, #tpu.memory_space<vmem>>, vector<128x128xf32>
      tpu.vector_store %arg2[%swap3A_223, %swap3A_224], %select_n3A_222 {strides = array<i32>} : memref<8192x128xf32, #tpu.memory_space<vmem>>, vector<128x128xf32>,
      %select_n3A_226 = arith.select %eq3A_221, %get3A_200, %get3A_205 : vector<128x128xi1>, vector<128x128xf32>
      %add3A_227 = arith.constant 128 : i32
      %add3A_228 = arith.addi %add3A_193, %add3A_227 : i32
      %swap3A_229 = arith.index_cast %add3A_228 : i32 to index
      %swap3A_230 = arith.constant 0 : index
      %swap3A_231 = vector.load %arg2[%swap3A_229, %swap3A_230] : memref<8192x128xf32, #tpu.memory_space<vmem>>, vector<128x128xf32>
      tpu.vector_store %arg2[%swap3A_229, %swap3A_230], %select_n3A_226 {strides = array<i32>} : memref<8192x128xf32, #tpu.memory_space<vmem>>, vector<128x128xf32>,
      %select_n3A_232 = arith.select %eq3A_221, %get3A_213, %get3A_208 : vector<128x128xi1>, vector<128x128xi32>
      %swap3A_233 = arith.index_cast %add3A_193 : i32 to index
      %swap3A_234 = arith.constant 0 : index
      %swap3A_235 = vector.load %arg3[%swap3A_233, %swap3A_234] : memref<8192x128xi32, #tpu.memory_space<vmem>>, vector<128x128xi32>
      tpu.vector_store %arg3[%swap3A_233, %swap3A_234], %select_n3A_232 {strides = array<i32>} : memref<8192x128xi32, #tpu.memory_space<vmem>>, vector<128x128xi32>,
      %select_n3A_236 = arith.select %eq3A_221, %get3A_208, %get3A_213 : vector<128x128xi1>, vector<128x128xi32>
      %add3A_237 = arith.constant 128 : i32
      %add3A_238 = arith.addi %add3A_193, %add3A_237 : i32
      %swap3A_239 = arith.index_cast %add3A_238 : i32 to index
      %swap3A_240 = arith.constant 0 : index
      %swap3A_241 = vector.load %arg3[%swap3A_239, %swap3A_240] : memref<8192x128xi32, #tpu.memory_space<vmem>>, vector<128x128xi32>
      tpu.vector_store %arg3[%swap3A_239, %swap3A_240], %select_n3A_236 {strides = array<i32>} : memref<8192x128xi32, #tpu.memory_space<vmem>>, vector<128x128xi32>,
    }
    %scan3A_51 = arith.constant 32 : i32
    %scan3A_52 = arith.constant 0 : i32
    %scan3A_53 = arith.constant 64 : i32
    %scan3A_54 = arith.addi %scan3A_52, %scan3A_53 : i32
    %scan3A_55 = arith.constant 1 : i32
    scf.for %scan3A_156 = %scan3A_52 to %scan3A_54 step %scan3A_55  : i32 {
      %mul3A_157 = arith.constant 128 : i32
      %mul3A_158 = arith.muli %scan3A_156, %mul3A_157 : i32
      %get3A_159 = arith.index_cast %mul3A_158 : i32 to index
      %get3A_160 = arith.constant 0 : index
      %get3A_161 = vector.load %arg2[%get3A_159, %get3A_160] : memref<8192x128xf32, #tpu.memory_space<vmem>>, vector<128x128xf32>
      %get3A_162 = arith.index_cast %mul3A_158 : i32 to index
      %get3A_163 = arith.constant 0 : index
      %get3A_164 = vector.load %arg3[%get3A_162, %get3A_163] : memref<8192x128xi32, #tpu.memory_space<vmem>>, vector<128x128xi32>
      %add3A_165 = vector.broadcast %mul3A_158 : i32 to vector<128x1xi32>
      %add3A_166 = arith.addi %iota3A_7, %add3A_165 : vector<128x1xi32>
      %and3A = arith.constant 1024 : i32
      %and3A_167 = vector.broadcast %and3A : i32 to vector<128x1xi32>
      %and3A_168 = arith.andi %add3A_166, %and3A_167 : vector<128x1xi32>
      %eq3A = arith.constant 0 : i32
      %eq3A_169 = vector.broadcast %eq3A : i32 to vector<128x1xi32>
      %eq3A_170 = arith.cmpi eq, %and3A_168, %eq3A_169 : vector<128x1xi32>
      %and3A_171 = arith.constant 64 : i32
      %and3A_172 = vector.broadcast %and3A_171 : i32 to vector<128x1xi32>
      %and3A_173 = arith.andi %iota3A_7, %and3A_172 : vector<128x1xi32>
      %ne3A = arith.constant 0 : i32
      %ne3A_174 = vector.broadcast %ne3A : i32 to vector<128x1xi32>
      %ne3A_175 = arith.cmpi ne, %and3A_173, %ne3A_174 : vector<128x1xi32>
      %slice3A = vector.extract_strided_slice %get3A_161 {offsets = [64, 0], sizes = [64, 128], strides = [1, 1]} : vector<128x128xf32> to vector<64x128xf32>
      %slice3A_176 = vector.extract_strided_slice %get3A_161 {offsets = [0, 0], sizes = [64, 128], strides = [1, 1]} : vector<128x128xf32> to vector<64x128xf32>
      %concatenate3A = tpu.concatenate %slice3A, %slice3A_176 in 0 : vector<64x128xf32>, vector<64x128xf32> -> vector<128x128xf32>
      %slice3A_177 = vector.extract_strided_slice %get3A_161 {offsets = [64, 0], sizes = [64, 128], strides = [1, 1]} : vector<128x128xf32> to vector<64x128xf32>
      %slice3A_178 = vector.extract_strided_slice %get3A_161 {offsets = [0, 0], sizes = [64, 128], strides = [1, 1]} : vector<128x128xf32> to vector<64x128xf32>
      %concatenate3A_179 = tpu.concatenate %slice3A_177, %slice3A_178 in 0 : vector<64x128xf32>, vector<64x128xf32> -> vector<128x128xf32>
      %broadcast_in_dim3A = vector.shape_cast %ne3A_175 : vector<128x1xi1> to vector<128x1xi1>
      %broadcast_in_dim3A_180 = vector.broadcast %broadcast_in_dim3A : vector<128x1xi1> to vector<128x128xi1>
      %select_n3A = arith.select %broadcast_in_dim3A_180, %concatenate3A, %concatenate3A_179 : vector<128x128xi1>, vector<128x128xf32>
      %slice3A_181 = vector.extract_strided_slice %get3A_164 {offsets = [64, 0], sizes = [64, 128], strides = [1, 1]} : vector<128x128xi32> to vector<64x128xi32>
      %slice3A_182 = vector.extract_strided_slice %get3A_164 {offsets = [0, 0], sizes = [64, 128], strides = [1, 1]} : vector<128x128xi32> to vector<64x128xi32>
      %concatenate3A_183 = tpu.concatenate %slice3A_181, %slice3A_182 in 0 : vector<64x128xi32>, vector<64x128xi32> -> vector<128x128xi32>
      %slice3A_184 = vector.extract_strided_slice %get3A_164 {offsets = [64, 0], sizes = [64, 128], strides = [1, 1]} : vector<128x128xi32> to vector<64x128xi32>
      %slice3A_185 = vector.extract_strided_slice %get3A_164 {offsets = [0, 0], sizes = [64, 128], strides = [1, 1]} : vector<128x128xi32> to vector<64x128xi32>
      %concatenate3A_186 = tpu.concatenate %slice3A_184, %slice3A_185 in 0 : vector<64x128xi32>, vector<64x128xi32> -> vector<128x128xi32>
      %broadcast_in_dim3A_187 = vector.shape_cast %ne3A_175 : vector<128x1xi1> to vector<128x1xi1>
      %broadcast_in_dim3A_188 = vector.broadcast %broadcast_in_dim3A_187 : vector<128x1xi1> to vector<128x128xi1>
      %select_n3A_189 = arith.select %broadcast_in_dim3A_188, %concatenate3A_183, %concatenate3A_186 : vector<128x128xi1>, vector<128x128xi32>
      %gt3A = arith.cmpf ogt, %get3A_161, %select_n3A : vector<128x128xf32>
      %eq3A_190 = arith.cmpf oeq, %get3A_161, %select_n3A : vector<128x128xf32>
      %gt3A_191 = arith.cmpi sgt, %get3A_164, %select_n3A_189 : vector<128x128xi32>
      %and3A_192 = arith.andi %eq3A_190, %gt3A_191 : vector<128x128xi1>
      %or3A = arith.ori %gt3A, %and3A_192 : vector<128x128xi1>
      %eq3A_193 = arith.xori %ne3A_175, %eq3A_170 : vector<128x1xi1>
      %eq3A_194 = arith.constant dense<true> : vector<128x1xi1>
      %eq3A_195 = arith.xori %eq3A_193, %eq3A_194 : vector<128x1xi1>
      %xor3A = vector.broadcast %eq3A_195 : vector<128x1xi1> to vector<128x128xi1>
      %xor3A_196 = arith.xori %or3A, %xor3A : vector<128x128xi1>
      %select_n3A_197 = arith.select %xor3A_196, %select_n3A, %get3A_161 : vector<128x128xi1>, vector<128x128xf32>
      %select_n3A_198 = arith.select %xor3A_196, %select_n3A_189, %get3A_164 : vector<128x128xi1>, vector<128x128xi32>
      %and3A_199 = arith.constant 32 : i32
      %and3A_200 = vector.broadcast %and3A_199 : i32 to vector<128x1xi32>
      %and3A_201 = arith.andi %iota3A_7, %and3A_200 : vector<128x1xi32>
      %ne3A_202 = arith.constant 0 : i32
      %ne3A_203 = vector.broadcast %ne3A_202 : i32 to vector<128x1xi32>
      %ne3A_204 = arith.cmpi ne, %and3A_201, %ne3A_203 : vector<128x1xi32>
      %slice3A_205 = vector.extract_strided_slice %select_n3A_197 {offsets = [96, 0], sizes = [32, 128], strides = [1, 1]} : vector<128x128xf32> to vector<32x128xf32>
      %slice3A_206 = vector.extract_strided_slice %select_n3A_197 {offsets = [0, 0], sizes = [96, 128], strides = [1, 1]} : vector<128x128xf32> to vector<96x128xf32>
      %concatenate3A_207 = tpu.concatenate %slice3A_205, %slice3A_206 in 0 : vector<32x128xf32>, vector<96x128xf32> -> vector<128x128xf32>
      %slice3A_208 = vector.extract_strided_slice %select_n3A_197 {offsets = [32, 0], sizes = [96, 128], strides = [1, 1]} : vector<128x128xf32> to vector<96x128xf32>
      %slice3A_209 = vector.extract_strided_slice %select_n3A_197 {offsets = [0, 0], sizes = [32, 128], strides = [1, 1]} : vector<128x128xf32> to vector<32x128xf32>
      %concatenate3A_210 = tpu.concatenate %slice3A_208, %slice3A_209 in 0 : vector<96x128xf32>, vector<32x128xf32> -> vector<128x128xf32>
      %broadcast_in_dim3A_211 = vector.shape_cast %ne3A_204 : vector<128x1xi1> to vector<128x1xi1>
      %broadcast_in_dim3A_212 = vector.broadcast %broadcast_in_dim3A_211 : vector<128x1xi1> to vector<128x128xi1>
      %select_n3A_213 = arith.select %broadcast_in_dim3A_212, %concatenate3A_207, %concatenate3A_210 : vector<128x128xi1>, vector<128x128xf32>
      %slice3A_214 = vector.extract_strided_slice %select_n3A_198 {offsets = [96, 0], sizes = [32, 128], strides = [1, 1]} : vector<128x128xi32> to vector<32x128xi32>
      %slice3A_215 = vector.extract_strided_slice %select_n3A_198 {offsets = [0, 0], sizes = [96, 128], strides = [1, 1]} : vector<128x128xi32> to vector<96x128xi32>
      %concatenate3A_216 = tpu.concatenate %slice3A_214, %slice3A_215 in 0 : vector<32x128xi32>, vector<96x128xi32> -> vector<128x128xi32>
      %slice3A_217 = vector.extract_strided_slice %select_n3A_198 {offsets = [32, 0], sizes = [96, 128], strides = [1, 1]} : vector<128x128xi32> to vector<96x128xi32>
      %slice3A_218 = vector.extract_strided_slice %select_n3A_198 {offsets = [0, 0], sizes = [32, 128], strides = [1, 1]} : vector<128x128xi32> to vector<32x128xi32>
      %concatenate3A_219 = tpu.concatenate %slice3A_217, %slice3A_218 in 0 : vector<96x128xi32>, vector<32x128xi32> -> vector<128x128xi32>
      %broadcast_in_dim3A_220 = vector.shape_cast %ne3A_204 : vector<128x1xi1> to vector<128x1xi1>
      %broadcast_in_dim3A_221 = vector.broadcast %broadcast_in_dim3A_220 : vector<128x1xi1> to vector<128x128xi1>
      %select_n3A_222 = arith.select %broadcast_in_dim3A_221, %concatenate3A_216, %concatenate3A_219 : vector<128x128xi1>, vector<128x128xi32>
      %gt3A_223 = arith.cmpf ogt, %select_n3A_197, %select_n3A_213 : vector<128x128xf32>
      %eq3A_224 = arith.cmpf oeq, %select_n3A_197, %select_n3A_213 : vector<128x128xf32>
      %gt3A_225 = arith.cmpi sgt, %select_n3A_198, %select_n3A_222 : vector<128x128xi32>
      %and3A_226 = arith.andi %eq3A_224, %gt3A_225 : vector<128x128xi1>
      %or3A_227 = arith.ori %gt3A_223, %and3A_226 : vector<128x128xi1>
      %eq3A_228 = arith.xori %ne3A_204, %eq3A_170 : vector<128x1xi1>
      %eq3A_229 = arith.constant dense<true> : vector<128x1xi1>
      %eq3A_230 = arith.xori %eq3A_228, %eq3A_229 : vector<128x1xi1>
      %xor3A_231 = vector.broadcast %eq3A_230 : vector<128x1xi1> to vector<128x128xi1>
      %xor3A_232 = arith.xori %or3A_227, %xor3A_231 : vector<128x128xi1>
      %select_n3A_233 = arith.select %xor3A_232, %select_n3A_213, %select_n3A_197 : vector<128x128xi1>, vector<128x128xf32>
      %select_n3A_234 = arith.select %xor3A_232, %select_n3A_222, %select_n3A_198 : vector<128x128xi1>, vector<128x128xi32>
      %and3A_235 = arith.constant 16 : i32
      %and3A_236 = vector.broadcast %and3A_235 : i32 to vector<128x1xi32>
      %and3A_237 = arith.andi %iota3A_7, %and3A_236 : vector<128x1xi32>
      %ne3A_238 = arith.constant 0 : i32
      %ne3A_239 = vector.broadcast %ne3A_238 : i32 to vector<128x1xi32>
      %ne3A_240 = arith.cmpi ne, %and3A_237, %ne3A_239 : vector<128x1xi32>
      %slice3A_241 = vector.extract_strided_slice %select_n3A_233 {offsets = [112, 0], sizes = [16, 128], strides = [1, 1]} : vector<128x128xf32> to vector<16x128xf32>
      %slice3A_242 = vector.extract_strided_slice %select_n3A_233 {offsets = [0, 0], sizes = [112, 128], strides = [1, 1]} : vector<128x128xf32> to vector<112x128xf32>
      %concatenate3A_243 = tpu.concatenate %slice3A_241, %slice3A_242 in 0 : vector<16x128xf32>, vector<112x128xf32> -> vector<128x128xf32>
      %slice3A_244 = vector.extract_strided_slice %select_n3A_233 {offsets = [16, 0], sizes = [112, 128], strides = [1, 1]} : vector<128x128xf32> to vector<112x128xf32>
      %slice3A_245 = vector.extract_strided_slice %select_n3A_233 {offsets = [0, 0], sizes = [16, 128], strides = [1, 1]} : vector<128x128xf32> to vector<16x128xf32>
      %concatenate3A_246 = tpu.concatenate %slice3A_244, %slice3A_245 in 0 : vector<112x128xf32>, vector<16x128xf32> -> vector<128x128xf32>
      %broadcast_in_dim3A_247 = vector.shape_cast %ne3A_240 : vector<128x1xi1> to vector<128x1xi1>
      %broadcast_in_dim3A_248 = vector.broadcast %broadcast_in_dim3A_247 : vector<128x1xi1> to vector<128x128xi1>
      %select_n3A_249 = arith.select %broadcast_in_dim3A_248, %concatenate3A_243, %concatenate3A_246 : vector<128x128xi1>, vector<128x128xf32>
      %slice3A_250 = vector.extract_strided_slice %select_n3A_234 {offsets = [112, 0], sizes = [16, 128], strides = [1, 1]} : vector<128x128xi32> to vector<16x128xi32>
      %slice3A_251 = vector.extract_strided_slice %select_n3A_234 {offsets = [0, 0], sizes = [112, 128], strides = [1, 1]} : vector<128x128xi32> to vector<112x128xi32>
      %concatenate3A_252 = tpu.concatenate %slice3A_250, %slice3A_251 in 0 : vector<16x128xi32>, vector<112x128xi32> -> vector<128x128xi32>
      %slice3A_253 = vector.extract_strided_slice %select_n3A_234 {offsets = [16, 0], sizes = [112, 128], strides = [1, 1]} : vector<128x128xi32> to vector<112x128xi32>
      %slice3A_254 = vector.extract_strided_slice %select_n3A_234 {offsets = [0, 0], sizes = [16, 128], strides = [1, 1]} : vector<128x128xi32> to vector<16x128xi32>
      %concatenate3A_255 = tpu.concatenate %slice3A_253, %slice3A_254 in 0 : vector<112x128xi32>, vector<16x128xi32> -> vector<128x128xi32>
      %broadcast_in_dim3A_256 = vector.shape_cast %ne3A_240 : vector<128x1xi1> to vector<128x1xi1>
      %broadcast_in_dim3A_257 = vector.broadcast %broadcast_in_dim3A_256 : vector<128x1xi1> to vector<128x128xi1>
      %select_n3A_258 = arith.select %broadcast_in_dim3A_257, %concatenate3A_252, %concatenate3A_255 : vector<128x128xi1>, vector<128x128xi32>
      %gt3A_259 = arith.cmpf ogt, %select_n3A_233, %select_n3A_249 : vector<128x128xf32>
      %eq3A_260 = arith.cmpf oeq, %select_n3A_233, %select_n3A_249 : vector<128x128xf32>
      %gt3A_261 = arith.cmpi sgt, %select_n3A_234, %select_n3A_258 : vector<128x128xi32>
      %and3A_262 = arith.andi %eq3A_260, %gt3A_261 : vector<128x128xi1>
      %or3A_263 = arith.ori %gt3A_259, %and3A_262 : vector<128x128xi1>
      %eq3A_264 = arith.xori %ne3A_240, %eq3A_170 : vector<128x1xi1>
      %eq3A_265 = arith.constant dense<true> : vector<128x1xi1>
      %eq3A_266 = arith.xori %eq3A_264, %eq3A_265 : vector<128x1xi1>
      %xor3A_267 = vector.broadcast %eq3A_266 : vector<128x1xi1> to vector<128x128xi1>
      %xor3A_268 = arith.xori %or3A_263, %xor3A_267 : vector<128x128xi1>
      %select_n3A_269 = arith.select %xor3A_268, %select_n3A_249, %select_n3A_233 : vector<128x128xi1>, vector<128x128xf32>
      %select_n3A_270 = arith.select %xor3A_268, %select_n3A_258, %select_n3A_234 : vector<128x128xi1>, vector<128x128xi32>
      %and3A_271 = arith.constant 8 : i32
      %and3A_272 = vector.broadcast %and3A_271 : i32 to vector<128x1xi32>
      %and3A_273 = arith.andi %iota3A_7, %and3A_272 : vector<128x1xi32>
      %ne3A_274 = arith.constant 0 : i32
      %ne3A_275 = vector.broadcast %ne3A_274 : i32 to vector<128x1xi32>
      %ne3A_276 = arith.cmpi ne, %and3A_273, %ne3A_275 : vector<128x1xi32>
      %slice3A_277 = vector.extract_strided_slice %select_n3A_269 {offsets = [120, 0], sizes = [8, 128], strides = [1, 1]} : vector<128x128xf32> to vector<8x128xf32>
      %slice3A_278 = vector.extract_strided_slice %select_n3A_269 {offsets = [0, 0], sizes = [120, 128], strides = [1, 1]} : vector<128x128xf32> to vector<120x128xf32>
      %concatenate3A_279 = tpu.concatenate %slice3A_277, %slice3A_278 in 0 : vector<8x128xf32>, vector<120x128xf32> -> vector<128x128xf32>
      %slice3A_280 = vector.extract_strided_slice %select_n3A_269 {offsets = [8, 0], sizes = [120, 128], strides = [1, 1]} : vector<128x128xf32> to vector<120x128xf32>
      %slice3A_281 = vector.extract_strided_slice %select_n3A_269 {offsets = [0, 0], sizes = [8, 128], strides = [1, 1]} : vector<128x128xf32> to vector<8x128xf32>
      %concatenate3A_282 = tpu.concatenate %slice3A_280, %slice3A_281 in 0 : vector<120x128xf32>, vector<8x128xf32> -> vector<128x128xf32>
      %broadcast_in_dim3A_283 = vector.shape_cast %ne3A_276 : vector<128x1xi1> to vector<128x1xi1>
      %broadcast_in_dim3A_284 = vector.broadcast %broadcast_in_dim3A_283 : vector<128x1xi1> to vector<128x128xi1>
      %select_n3A_285 = arith.select %broadcast_in_dim3A_284, %concatenate3A_279, %concatenate3A_282 : vector<128x128xi1>, vector<128x128xf32>
      %slice3A_286 = vector.extract_strided_slice %select_n3A_270 {offsets = [120, 0], sizes = [8, 128], strides = [1, 1]} : vector<128x128xi32> to vector<8x128xi32>
      %slice3A_287 = vector.extract_strided_slice %select_n3A_270 {offsets = [0, 0], sizes = [120, 128], strides = [1, 1]} : vector<128x128xi32> to vector<120x128xi32>
      %concatenate3A_288 = tpu.concatenate %slice3A_286, %slice3A_287 in 0 : vector<8x128xi32>, vector<120x128xi32> -> vector<128x128xi32>
      %slice3A_289 = vector.extract_strided_slice %select_n3A_270 {offsets = [8, 0], sizes = [120, 128], strides = [1, 1]} : vector<128x128xi32> to vector<120x128xi32>
      %slice3A_290 = vector.extract_strided_slice %select_n3A_270 {offsets = [0, 0], sizes = [8, 128], strides = [1, 1]} : vector<128x128xi32> to vector<8x128xi32>
      %concatenate3A_291 = tpu.concatenate %slice3A_289, %slice3A_290 in 0 : vector<120x128xi32>, vector<8x128xi32> -> vector<128x128xi32>
      %broadcast_in_dim3A_292 = vector.shape_cast %ne3A_276 : vector<128x1xi1> to vector<128x1xi1>
      %broadcast_in_dim3A_293 = vector.broadcast %broadcast_in_dim3A_292 : vector<128x1xi1> to vector<128x128xi1>
      %select_n3A_294 = arith.select %broadcast_in_dim3A_293, %concatenate3A_288, %concatenate3A_291 : vector<128x128xi1>, vector<128x128xi32>
      %gt3A_295 = arith.cmpf ogt, %select_n3A_269, %select_n3A_285 : vector<128x128xf32>
      %eq3A_296 = arith.cmpf oeq, %select_n3A_269, %select_n3A_285 : vector<128x128xf32>
      %gt3A_297 = arith.cmpi sgt, %select_n3A_270, %select_n3A_294 : vector<128x128xi32>
      %and3A_298 = arith.andi %eq3A_296, %gt3A_297 : vector<128x128xi1>
      %or3A_299 = arith.ori %gt3A_295, %and3A_298 : vector<128x128xi1>
      %eq3A_300 = arith.xori %ne3A_276, %eq3A_170 : vector<128x1xi1>
      %eq3A_301 = arith.constant dense<true> : vector<128x1xi1>
      %eq3A_302 = arith.xori %eq3A_300, %eq3A_301 : vector<128x1xi1>
      %xor3A_303 = vector.broadcast %eq3A_302 : vector<128x1xi1> to vector<128x128xi1>
      %xor3A_304 = arith.xori %or3A_299, %xor3A_303 : vector<128x128xi1>
      %select_n3A_305 = arith.select %xor3A_304, %select_n3A_285, %select_n3A_269 : vector<128x128xi1>, vector<128x128xf32>
      %select_n3A_306 = arith.select %xor3A_304, %select_n3A_294, %select_n3A_270 : vector<128x128xi1>, vector<128x128xi32>
      %and3A_307 = arith.constant 4 : i32
      %and3A_308 = vector.broadcast %and3A_307 : i32 to vector<128x1xi32>
      %and3A_309 = arith.andi %iota3A_7, %and3A_308 : vector<128x1xi32>
      %ne3A_310 = arith.constant 0 : i32
      %ne3A_311 = vector.broadcast %ne3A_310 : i32 to vector<128x1xi32>
      %ne3A_312 = arith.cmpi ne, %and3A_309, %ne3A_311 : vector<128x1xi32>
      %slice3A_313 = vector.extract_strided_slice %select_n3A_305 {offsets = [124, 0], sizes = [4, 128], strides = [1, 1]} : vector<128x128xf32> to vector<4x128xf32>
      %slice3A_314 = vector.extract_strided_slice %select_n3A_305 {offsets = [0, 0], sizes = [124, 128], strides = [1, 1]} : vector<128x128xf32> to vector<124x128xf32>
      %concatenate3A_315 = tpu.concatenate %slice3A_313, %slice3A_314 in 0 : vector<4x128xf32>, vector<124x128xf32> -> vector<128x128xf32>
      %slice3A_316 = vector.extract_strided_slice %select_n3A_305 {offsets = [4, 0], sizes = [124, 128], strides = [1, 1]} : vector<128x128xf32> to vector<124x128xf32>
      %slice3A_317 = vector.extract_strided_slice %select_n3A_305 {offsets = [0, 0], sizes = [4, 128], strides = [1, 1]} : vector<128x128xf32> to vector<4x128xf32>
      %concatenate3A_318 = tpu.concatenate %slice3A_316, %slice3A_317 in 0 : vector<124x128xf32>, vector<4x128xf32> -> vector<128x128xf32>
      %broadcast_in_dim3A_319 = vector.shape_cast %ne3A_312 : vector<128x1xi1> to vector<128x1xi1>
      %broadcast_in_dim3A_320 = vector.broadcast %broadcast_in_dim3A_319 : vector<128x1xi1> to vector<128x128xi1>
      %select_n3A_321 = arith.select %broadcast_in_dim3A_320, %concatenate3A_315, %concatenate3A_318 : vector<128x128xi1>, vector<128x128xf32>
      %slice3A_322 = vector.extract_strided_slice %select_n3A_306 {offsets = [124, 0], sizes = [4, 128], strides = [1, 1]} : vector<128x128xi32> to vector<4x128xi32>
      %slice3A_323 = vector.extract_strided_slice %select_n3A_306 {offsets = [0, 0], sizes = [124, 128], strides = [1, 1]} : vector<128x128xi32> to vector<124x128xi32>
      %concatenate3A_324 = tpu.concatenate %slice3A_322, %slice3A_323 in 0 : vector<4x128xi32>, vector<124x128xi32> -> vector<128x128xi32>
      %slice3A_325 = vector.extract_strided_slice %select_n3A_306 {offsets = [4, 0], sizes = [124, 128], strides = [1, 1]} : vector<128x128xi32> to vector<124x128xi32>
      %slice3A_326 = vector.extract_strided_slice %select_n3A_306 {offsets = [0, 0], sizes = [4, 128], strides = [1, 1]} : vector<128x128xi32> to vector<4x128xi32>
      %concatenate3A_327 = tpu.concatenate %slice3A_325, %slice3A_326 in 0 : vector<124x128xi32>, vector<4x128xi32> -> vector<128x128xi32>
      %broadcast_in_dim3A_328 = vector.shape_cast %ne3A_312 : vector<128x1xi1> to vector<128x1xi1>
      %broadcast_in_dim3A_329 = vector.broadcast %broadcast_in_dim3A_328 : vector<128x1xi1> to vector<128x128xi1>
      %select_n3A_330 = arith.select %broadcast_in_dim3A_329, %concatenate3A_324, %concatenate3A_327 : vector<128x128xi1>, vector<128x128xi32>
      %gt3A_331 = arith.cmpf ogt, %select_n3A_305, %select_n3A_321 : vector<128x128xf32>
      %eq3A_332 = arith.cmpf oeq, %select_n3A_305, %select_n3A_321 : vector<128x128xf32>
      %gt3A_333 = arith.cmpi sgt, %select_n3A_306, %select_n3A_330 : vector<128x128xi32>
      %and3A_334 = arith.andi %eq3A_332, %gt3A_333 : vector<128x128xi1>
      %or3A_335 = arith.ori %gt3A_331, %and3A_334 : vector<128x128xi1>
      %eq3A_336 = arith.xori %ne3A_312, %eq3A_170 : vector<128x1xi1>
      %eq3A_337 = arith.constant dense<true> : vector<128x1xi1>
      %eq3A_338 = arith.xori %eq3A_336, %eq3A_337 : vector<128x1xi1>
      %xor3A_339 = vector.broadcast %eq3A_338 : vector<128x1xi1> to vector<128x128xi1>
      %xor3A_340 = arith.xori %or3A_335, %xor3A_339 : vector<128x128xi1>
      %select_n3A_341 = arith.select %xor3A_340, %select_n3A_321, %select_n3A_305 : vector<128x128xi1>, vector<128x128xf32>
      %select_n3A_342 = arith.select %xor3A_340, %select_n3A_330, %select_n3A_306 : vector<128x128xi1>, vector<128x128xi32>
      %and3A_343 = arith.constant 2 : i32
      %and3A_344 = vector.broadcast %and3A_343 : i32 to vector<128x1xi32>
      %and3A_345 = arith.andi %iota3A_7, %and3A_344 : vector<128x1xi32>
      %ne3A_346 = arith.constant 0 : i32
      %ne3A_347 = vector.broadcast %ne3A_346 : i32 to vector<128x1xi32>
      %ne3A_348 = arith.cmpi ne, %and3A_345, %ne3A_347 : vector<128x1xi32>
      %slice3A_349 = vector.extract_strided_slice %select_n3A_341 {offsets = [126, 0], sizes = [2, 128], strides = [1, 1]} : vector<128x128xf32> to vector<2x128xf32>
      %slice3A_350 = vector.extract_strided_slice %select_n3A_341 {offsets = [0, 0], sizes = [126, 128], strides = [1, 1]} : vector<128x128xf32> to vector<126x128xf32>
      %concatenate3A_351 = tpu.concatenate %slice3A_349, %slice3A_350 in 0 : vector<2x128xf32>, vector<126x128xf32> -> vector<128x128xf32>
      %slice3A_352 = vector.extract_strided_slice %select_n3A_341 {offsets = [2, 0], sizes = [126, 128], strides = [1, 1]} : vector<128x128xf32> to vector<126x128xf32>
      %slice3A_353 = vector.extract_strided_slice %select_n3A_341 {offsets = [0, 0], sizes = [2, 128], strides = [1, 1]} : vector<128x128xf32> to vector<2x128xf32>
      %concatenate3A_354 = tpu.concatenate %slice3A_352, %slice3A_353 in 0 : vector<126x128xf32>, vector<2x128xf32> -> vector<128x128xf32>
      %broadcast_in_dim3A_355 = vector.shape_cast %ne3A_348 : vector<128x1xi1> to vector<128x1xi1>
      %broadcast_in_dim3A_356 = vector.broadcast %broadcast_in_dim3A_355 : vector<128x1xi1> to vector<128x128xi1>
      %select_n3A_357 = arith.select %broadcast_in_dim3A_356, %concatenate3A_351, %concatenate3A_354 : vector<128x128xi1>, vector<128x128xf32>
      %slice3A_358 = vector.extract_strided_slice %select_n3A_342 {offsets = [126, 0], sizes = [2, 128], strides = [1, 1]} : vector<128x128xi32> to vector<2x128xi32>
      %slice3A_359 = vector.extract_strided_slice %select_n3A_342 {offsets = [0, 0], sizes = [126, 128], strides = [1, 1]} : vector<128x128xi32> to vector<126x128xi32>
      %concatenate3A_360 = tpu.concatenate %slice3A_358, %slice3A_359 in 0 : vector<2x128xi32>, vector<126x128xi32> -> vector<128x128xi32>
      %slice3A_361 = vector.extract_strided_slice %select_n3A_342 {offsets = [2, 0], sizes = [126, 128], strides = [1, 1]} : vector<128x128xi32> to vector<126x128xi32>
      %slice3A_362 = vector.extract_strided_slice %select_n3A_342 {offsets = [0, 0], sizes = [2, 128], strides = [1, 1]} : vector<128x128xi32> to vector<2x128xi32>
      %concatenate3A_363 = tpu.concatenate %slice3A_361, %slice3A_362 in 0 : vector<126x128xi32>, vector<2x128xi32> -> vector<128x128xi32>
      %broadcast_in_dim3A_364 = vector.shape_cast %ne3A_348 : vector<128x1xi1> to vector<128x1xi1>
      %broadcast_in_dim3A_365 = vector.broadcast %broadcast_in_dim3A_364 : vector<128x1xi1> to vector<128x128xi1>
      %select_n3A_366 = arith.select %broadcast_in_dim3A_365, %concatenate3A_360, %concatenate3A_363 : vector<128x128xi1>, vector<128x128xi32>
      %gt3A_367 = arith.cmpf ogt, %select_n3A_341, %select_n3A_357 : vector<128x128xf32>
      %eq3A_368 = arith.cmpf oeq, %select_n3A_341, %select_n3A_357 : vector<128x128xf32>
      %gt3A_369 = arith.cmpi sgt, %select_n3A_342, %select_n3A_366 : vector<128x128xi32>
      %and3A_370 = arith.andi %eq3A_368, %gt3A_369 : vector<128x128xi1>
      %or3A_371 = arith.ori %gt3A_367, %and3A_370 : vector<128x128xi1>
      %eq3A_372 = arith.xori %ne3A_348, %eq3A_170 : vector<128x1xi1>
      %eq3A_373 = arith.constant dense<true> : vector<128x1xi1>
      %eq3A_374 = arith.xori %eq3A_372, %eq3A_373 : vector<128x1xi1>
      %xor3A_375 = vector.broadcast %eq3A_374 : vector<128x1xi1> to vector<128x128xi1>
      %xor3A_376 = arith.xori %or3A_371, %xor3A_375 : vector<128x128xi1>
      %select_n3A_377 = arith.select %xor3A_376, %select_n3A_357, %select_n3A_341 : vector<128x128xi1>, vector<128x128xf32>
      %select_n3A_378 = arith.select %xor3A_376, %select_n3A_366, %select_n3A_342 : vector<128x128xi1>, vector<128x128xi32>
      %and3A_379 = arith.constant 1 : i32
      %and3A_380 = vector.broadcast %and3A_379 : i32 to vector<128x1xi32>
      %and3A_381 = arith.andi %iota3A_7, %and3A_380 : vector<128x1xi32>
      %ne3A_382 = arith.constant 0 : i32
      %ne3A_383 = vector.broadcast %ne3A_382 : i32 to vector<128x1xi32>
      %ne3A_384 = arith.cmpi ne, %and3A_381, %ne3A_383 : vector<128x1xi32>
      %slice3A_385 = vector.extract_strided_slice %select_n3A_377 {offsets = [127, 0], sizes = [1, 128], strides = [1, 1]} : vector<128x128xf32> to vector<1x128xf32>
      %slice3A_386 = vector.extract_strided_slice %select_n3A_377 {offsets = [0, 0], sizes = [127, 128], strides = [1, 1]} : vector<128x128xf32> to vector<127x128xf32>
      %concatenate3A_387 = tpu.concatenate %slice3A_385, %slice3A_386 in 0 : vector<1x128xf32>, vector<127x128xf32> -> vector<128x128xf32>
      %slice3A_388 = vector.extract_strided_slice %select_n3A_377 {offsets = [1, 0], sizes = [127, 128], strides = [1, 1]} : vector<128x128xf32> to vector<127x128xf32>
      %slice3A_389 = vector.extract_strided_slice %select_n3A_377 {offsets = [0, 0], sizes = [1, 128], strides = [1, 1]} : vector<128x128xf32> to vector<1x128xf32>
      %concatenate3A_390 = tpu.concatenate %slice3A_388, %slice3A_389 in 0 : vector<127x128xf32>, vector<1x128xf32> -> vector<128x128xf32>
      %broadcast_in_dim3A_391 = vector.shape_cast %ne3A_384 : vector<128x1xi1> to vector<128x1xi1>
      %broadcast_in_dim3A_392 = vector.broadcast %broadcast_in_dim3A_391 : vector<128x1xi1> to vector<128x128xi1>
      %select_n3A_393 = arith.select %broadcast_in_dim3A_392, %concatenate3A_387, %concatenate3A_390 : vector<128x128xi1>, vector<128x128xf32>
      %slice3A_394 = vector.extract_strided_slice %select_n3A_378 {offsets = [127, 0], sizes = [1, 128], strides = [1, 1]} : vector<128x128xi32> to vector<1x128xi32>
      %slice3A_395 = vector.extract_strided_slice %select_n3A_378 {offsets = [0, 0], sizes = [127, 128], strides = [1, 1]} : vector<128x128xi32> to vector<127x128xi32>
      %concatenate3A_396 = tpu.concatenate %slice3A_394, %slice3A_395 in 0 : vector<1x128xi32>, vector<127x128xi32> -> vector<128x128xi32>
      %slice3A_397 = vector.extract_strided_slice %select_n3A_378 {offsets = [1, 0], sizes = [127, 128], strides = [1, 1]} : vector<128x128xi32> to vector<127x128xi32>
      %slice3A_398 = vector.extract_strided_slice %select_n3A_378 {offsets = [0, 0], sizes = [1, 128], strides = [1, 1]} : vector<128x128xi32> to vector<1x128xi32>
      %concatenate3A_399 = tpu.concatenate %slice3A_397, %slice3A_398 in 0 : vector<127x128xi32>, vector<1x128xi32> -> vector<128x128xi32>
      %broadcast_in_dim3A_400 = vector.shape_cast %ne3A_384 : vector<128x1xi1> to vector<128x1xi1>
      %broadcast_in_dim3A_401 = vector.broadcast %broadcast_in_dim3A_400 : vector<128x1xi1> to vector<128x128xi1>
      %select_n3A_402 = arith.select %broadcast_in_dim3A_401, %concatenate3A_396, %concatenate3A_399 : vector<128x128xi1>, vector<128x128xi32>
      %gt3A_403 = arith.cmpf ogt, %select_n3A_377, %select_n3A_393 : vector<128x128xf32>
      %eq3A_404 = arith.cmpf oeq, %select_n3A_377, %select_n3A_393 : vector<128x128xf32>
      %gt3A_405 = arith.cmpi sgt, %select_n3A_378, %select_n3A_402 : vector<128x128xi32>
      %and3A_406 = arith.andi %eq3A_404, %gt3A_405 : vector<128x128xi1>
      %or3A_407 = arith.ori %gt3A_403, %and3A_406 : vector<128x128xi1>
      %eq3A_408 = arith.xori %ne3A_384, %eq3A_170 : vector<128x1xi1>
      %eq3A_409 = arith.constant dense<true> : vector<128x1xi1>
      %eq3A_410 = arith.xori %eq3A_408, %eq3A_409 : vector<128x1xi1>
      %xor3A_411 = vector.broadcast %eq3A_410 : vector<128x1xi1> to vector<128x128xi1>
      %xor3A_412 = arith.xori %or3A_407, %xor3A_411 : vector<128x128xi1>
      %select_n3A_413 = arith.select %xor3A_412, %select_n3A_393, %select_n3A_377 : vector<128x128xi1>, vector<128x128xf32>
      %select_n3A_414 = arith.select %xor3A_412, %select_n3A_402, %select_n3A_378 : vector<128x128xi1>, vector<128x128xi32>
      %swap3A_415 = arith.index_cast %mul3A_158 : i32 to index
      %swap3A_416 = arith.constant 0 : index
      %swap3A_417 = vector.load %arg2[%swap3A_415, %swap3A_416] : memref<8192x128xf32, #tpu.memory_space<vmem>>, vector<128x128xf32>
      tpu.vector_store %arg2[%swap3A_415, %swap3A_416], %select_n3A_413 {strides = array<i32>} : memref<8192x128xf32, #tpu.memory_space<vmem>>, vector<128x128xf32>,
      %swap3A_418 = arith.index_cast %mul3A_158 : i32 to index
      %swap3A_419 = arith.constant 0 : index
      %swap3A_420 = vector.load %arg3[%swap3A_418, %swap3A_419] : memref<8192x128xi32, #tpu.memory_space<vmem>>, vector<128x128xi32>
      tpu.vector_store %arg3[%swap3A_418, %swap3A_419], %select_n3A_414 {strides = array<i32>} : memref<8192x128xi32, #tpu.memory_space<vmem>>, vector<128x128xi32>,
    }
    %scan3A_56 = arith.constant 64 : i32
    %scan3A_57 = arith.constant 0 : i32
    %scan3A_58 = arith.constant 32 : i32
    %scan3A_59 = arith.addi %scan3A_57, %scan3A_58 : i32
    %scan3A_60 = arith.constant 1 : i32
    scf.for %scan3A_156 = %scan3A_57 to %scan3A_59 step %scan3A_60  : i32 {
      %jit3A = arith.constant 8 : i32
      %div3A = arith.divsi %scan3A_156, %jit3A : i32
      %sign3A = arith.constant 0 : i32
      %sign3A_157 = arith.cmpi sgt, %scan3A_156, %sign3A : i32
      %sign3A_158 = arith.extui %sign3A_157 : i1 to i32
      %sign3A_159 = arith.constant 0 : i32
      %sign3A_160 = arith.cmpi slt, %scan3A_156, %sign3A_159 : i32
      %sign3A_161 = arith.extui %sign3A_160 : i1 to i32
      %sign3A_162 = arith.subi %sign3A_158, %sign3A_161 : i32
      %sign3A_163 = arith.constant 0 : i32
      %sign3A_164 = arith.cmpi sgt, %jit3A, %sign3A_163 : i32
      %sign3A_165 = arith.extui %sign3A_164 : i1 to i32
      %sign3A_166 = arith.constant 0 : i32
      %sign3A_167 = arith.cmpi slt, %jit3A, %sign3A_166 : i32
      %sign3A_168 = arith.extui %sign3A_167 : i1 to i32
      %sign3A_169 = arith.subi %sign3A_165, %sign3A_168 : i32
      %ne3A = arith.cmpi ne, %sign3A_162, %sign3A_169 : i32
      %rem3A = arith.remsi %scan3A_156, %jit3A : i32
      %ne3A_170 = arith.constant 0 : i32
      %ne3A_171 = arith.cmpi ne, %rem3A, %ne3A_170 : i32
      %and3A = arith.andi %ne3A, %ne3A_171 : i1
      %sub3A = arith.constant 1 : i32
      %sub3A_172 = arith.subi %div3A, %sub3A : i32
      %select_n3A = arith.select %and3A, %sub3A_172, %div3A : i32
      %mul3A_173 = arith.constant 2 : i32
      %mul3A_174 = arith.muli %select_n3A, %mul3A_173 : i32
      %mul3A_175 = arith.constant 1024 : i32
      %mul3A_176 = arith.muli %mul3A_174, %mul3A_175 : i32
      %jit3A_177 = arith.constant 8 : i32
      %eq3A = arith.constant 0 : i32
      %eq3A_178 = arith.cmpi eq, %jit3A_177, %eq3A : i32
      %jit3A_179 = arith.constant 1 : i32
      %select_n3A_180 = arith.select %eq3A_178, %jit3A_179, %jit3A_177 : i32
      %rem3A_181 = arith.remsi %scan3A_156, %select_n3A_180 : i32
      %ne3A_182 = arith.constant 0 : i32
      %ne3A_183 = arith.cmpi ne, %rem3A_181, %ne3A_182 : i32
      %lt3A = arith.constant 0 : i32
      %lt3A_184 = arith.cmpi slt, %rem3A_181, %lt3A : i32
      %lt3A_185 = arith.constant 0 : i32
      %lt3A_186 = arith.cmpi slt, %select_n3A_180, %lt3A_185 : i32
      %ne3A_187 = arith.xori %lt3A_184, %lt3A_186 : i1
      %and3A_188 = arith.andi %ne3A_187, %ne3A_183 : i1
      %add3A_189 = arith.addi %rem3A_181, %select_n3A_180 : i32
      %select_n3A_190 = arith.select %and3A_188, %add3A_189, %rem3A_181 : i32
      %mul3A_191 = arith.constant 128 : i32
      %mul3A_192 = arith.muli %select_n3A_190, %mul3A_191 : i32
      %add3A_193 = arith.addi %mul3A_176, %mul3A_192 : i32
      %and3A_194 = arith.constant 2048 : i32
      %and3A_195 = arith.andi %add3A_193, %and3A_194 : i32
      %eq3A_196 = arith.constant 0 : i32
      %eq3A_197 = arith.cmpi eq, %and3A_195, %eq3A_196 : i32
      %get3A_198 = arith.index_cast %add3A_193 : i32 to index
      %get3A_199 = arith.constant 0 : index
      %get3A_200 = vector.load %arg2[%get3A_198, %get3A_199] : memref<8192x128xf32, #tpu.memory_space<vmem>>, vector<128x128xf32>
      %add3A_201 = arith.constant 1024 : i32
      %add3A_202 = arith.addi %add3A_193, %add3A_201 : i32
      %get3A_203 = arith.index_cast %add3A_202 : i32 to index
      %get3A_204 = arith.constant 0 : index
      %get3A_205 = vector.load %arg2[%get3A_203, %get3A_204] : memref<8192x128xf32, #tpu.memory_space<vmem>>, vector<128x128xf32>
      %get3A_206 = arith.index_cast %add3A_193 : i32 to index
      %get3A_207 = arith.constant 0 : index
      %get3A_208 = vector.load %arg3[%get3A_206, %get3A_207] : memref<8192x128xi32, #tpu.memory_space<vmem>>, vector<128x128xi32>
      %add3A_209 = arith.constant 1024 : i32
      %add3A_210 = arith.addi %add3A_193, %add3A_209 : i32
      %get3A_211 = arith.index_cast %add3A_210 : i32 to index
      %get3A_212 = arith.constant 0 : index
      %get3A_213 = vector.load %arg3[%get3A_211, %get3A_212] : memref<8192x128xi32, #tpu.memory_space<vmem>>, vector<128x128xi32>
      %gt3A = arith.cmpf ogt, %get3A_200, %get3A_205 : vector<128x128xf32>
      %eq3A_214 = arith.cmpf oeq, %get3A_200, %get3A_205 : vector<128x128xf32>
      %gt3A_215 = arith.cmpi sgt, %get3A_208, %get3A_213 : vector<128x128xi32>
      %and3A_216 = arith.andi %eq3A_214, %gt3A_215 : vector<128x128xi1>
      %or3A = arith.ori %gt3A, %and3A_216 : vector<128x128xi1>
      %eq3A_217 = vector.broadcast %eq3A_197 : i1 to vector<128x128xi1>
      %eq3A_218 = vector.broadcast %eq3A_217 : vector<128x128xi1> to vector<128x128xi1>
      %eq3A_219 = arith.xori %or3A, %eq3A_218 : vector<128x128xi1>
      %eq3A_220 = arith.constant dense<true> : vector<128x128xi1>
      %eq3A_221 = arith.xori %eq3A_219, %eq3A_220 : vector<128x128xi1>
      %select_n3A_222 = arith.select %eq3A_221, %get3A_205, %get3A_200 : vector<128x128xi1>, vector<128x128xf32>
      %swap3A_223 = arith.index_cast %add3A_193 : i32 to index
      %swap3A_224 = arith.constant 0 : index
      %swap3A_225 = vector.load %arg2[%swap3A_223, %swap3A_224] : memref<8192x128xf32, #tpu.memory_space<vmem>>, vector<128x128xf32>
      tpu.vector_store %arg2[%swap3A_223, %swap3A_224], %select_n3A_222 {strides = array<i32>} : memref<8192x128xf32, #tpu.memory_space<vmem>>, vector<128x128xf32>,
      %select_n3A_226 = arith.select %eq3A_221, %get3A_200, %get3A_205 : vector<128x128xi1>, vector<128x128xf32>
      %add3A_227 = arith.constant 1024 : i32
      %add3A_228 = arith.addi %add3A_193, %add3A_227 : i32
      %swap3A_229 = arith.index_cast %add3A_228 : i32 to index
      %swap3A_230 = arith.constant 0 : index
      %swap3A_231 = vector.load %arg2[%swap3A_229, %swap3A_230] : memref<8192x128xf32, #tpu.memory_space<vmem>>, vector<128x128xf32>
      tpu.vector_store %arg2[%swap3A_229, %swap3A_230], %select_n3A_226 {strides = array<i32>} : memref<8192x128xf32, #tpu.memory_space<vmem>>, vector<128x128xf32>,
      %select_n3A_232 = arith.select %eq3A_221, %get3A_213, %get3A_208 : vector<128x128xi1>, vector<128x128xi32>
      %swap3A_233 = arith.index_cast %add3A_193 : i32 to index
      %swap3A_234 = arith.constant 0 : index
      %swap3A_235 = vector.load %arg3[%swap3A_233, %swap3A_234] : memref<8192x128xi32, #tpu.memory_space<vmem>>, vector<128x128xi32>
      tpu.vector_store %arg3[%swap3A_233, %swap3A_234], %select_n3A_232 {strides = array<i32>} : memref<8192x128xi32, #tpu.memory_space<vmem>>, vector<128x128xi32>,
      %select_n3A_236 = arith.select %eq3A_221, %get3A_208, %get3A_213 : vector<128x128xi1>, vector<128x128xi32>
      %add3A_237 = arith.constant 1024 : i32
      %add3A_238 = arith.addi %add3A_193, %add3A_237 : i32
      %swap3A_239 = arith.index_cast %add3A_238 : i32 to index
      %swap3A_240 = arith.constant 0 : index
      %swap3A_241 = vector.load %arg3[%swap3A_239, %swap3A_240] : memref<8192x128xi32, #tpu.memory_space<vmem>>, vector<128x128xi32>
      tpu.vector_store %arg3[%swap3A_239, %swap3A_240], %select_n3A_236 {strides = array<i32>} : memref<8192x128xi32, #tpu.memory_space<vmem>>, vector<128x128xi32>,
    }
    %scan3A_61 = arith.constant 32 : i32
    %scan3A_62 = arith.constant 0 : i32
    %scan3A_63 = arith.constant 32 : i32
    %scan3A_64 = arith.addi %scan3A_62, %scan3A_63 : i32
    %scan3A_65 = arith.constant 1 : i32
    scf.for %scan3A_156 = %scan3A_62 to %scan3A_64 step %scan3A_65  : i32 {
      %jit3A = arith.constant 4 : i32
      %div3A = arith.divsi %scan3A_156, %jit3A : i32
      %sign3A = arith.constant 0 : i32
      %sign3A_157 = arith.cmpi sgt, %scan3A_156, %sign3A : i32
      %sign3A_158 = arith.extui %sign3A_157 : i1 to i32
      %sign3A_159 = arith.constant 0 : i32
      %sign3A_160 = arith.cmpi slt, %scan3A_156, %sign3A_159 : i32
      %sign3A_161 = arith.extui %sign3A_160 : i1 to i32
      %sign3A_162 = arith.subi %sign3A_158, %sign3A_161 : i32
      %sign3A_163 = arith.constant 0 : i32
      %sign3A_164 = arith.cmpi sgt, %jit3A, %sign3A_163 : i32
      %sign3A_165 = arith.extui %sign3A_164 : i1 to i32
      %sign3A_166 = arith.constant 0 : i32
      %sign3A_167 = arith.cmpi slt, %jit3A, %sign3A_166 : i32
      %sign3A_168 = arith.extui %sign3A_167 : i1 to i32
      %sign3A_169 = arith.subi %sign3A_165, %sign3A_168 : i32
      %ne3A = arith.cmpi ne, %sign3A_162, %sign3A_169 : i32
      %rem3A = arith.remsi %scan3A_156, %jit3A : i32
      %ne3A_170 = arith.constant 0 : i32
      %ne3A_171 = arith.cmpi ne, %rem3A, %ne3A_170 : i32
      %and3A = arith.andi %ne3A, %ne3A_171 : i1
      %sub3A = arith.constant 1 : i32
      %sub3A_172 = arith.subi %div3A, %sub3A : i32
      %select_n3A = arith.select %and3A, %sub3A_172, %div3A : i32
      %mul3A_173 = arith.constant 2 : i32
      %mul3A_174 = arith.muli %select_n3A, %mul3A_173 : i32
      %mul3A_175 = arith.constant 512 : i32
      %mul3A_176 = arith.muli %mul3A_174, %mul3A_175 : i32
      %jit3A_177 = arith.constant 4 : i32
      %eq3A = arith.constant 0 : i32
      %eq3A_178 = arith.cmpi eq, %jit3A_177, %eq3A : i32
      %jit3A_179 = arith.constant 1 : i32
      %select_n3A_180 = arith.select %eq3A_178, %jit3A_179, %jit3A_177 : i32
      %rem3A_181 = arith.remsi %scan3A_156, %select_n3A_180 : i32
      %ne3A_182 = arith.constant 0 : i32
      %ne3A_183 = arith.cmpi ne, %rem3A_181, %ne3A_182 : i32
      %lt3A = arith.constant 0 : i32
      %lt3A_184 = arith.cmpi slt, %rem3A_181, %lt3A : i32
      %lt3A_185 = arith.constant 0 : i32
      %lt3A_186 = arith.cmpi slt, %select_n3A_180, %lt3A_185 : i32
      %ne3A_187 = arith.xori %lt3A_184, %lt3A_186 : i1
      %and3A_188 = arith.andi %ne3A_187, %ne3A_183 : i1
      %add3A_189 = arith.addi %rem3A_181, %select_n3A_180 : i32
      %select_n3A_190 = arith.select %and3A_188, %add3A_189, %rem3A_181 : i32
      %mul3A_191 = arith.constant 128 : i32
      %mul3A_192 = arith.muli %select_n3A_190, %mul3A_191 : i32
      %add3A_193 = arith.addi %mul3A_176, %mul3A_192 : i32
      %and3A_194 = arith.constant 2048 : i32
      %and3A_195 = arith.andi %add3A_193, %and3A_194 : i32
      %eq3A_196 = arith.constant 0 : i32
      %eq3A_197 = arith.cmpi eq, %and3A_195, %eq3A_196 : i32
      %get3A_198 = arith.index_cast %add3A_193 : i32 to index
      %get3A_199 = arith.constant 0 : index
      %get3A_200 = vector.load %arg2[%get3A_198, %get3A_199] : memref<8192x128xf32, #tpu.memory_space<vmem>>, vector<128x128xf32>
      %add3A_201 = arith.constant 512 : i32
      %add3A_202 = arith.addi %add3A_193, %add3A_201 : i32
      %get3A_203 = arith.index_cast %add3A_202 : i32 to index
      %get3A_204 = arith.constant 0 : index
      %get3A_205 = vector.load %arg2[%get3A_203, %get3A_204] : memref<8192x128xf32, #tpu.memory_space<vmem>>, vector<128x128xf32>
      %get3A_206 = arith.index_cast %add3A_193 : i32 to index
      %get3A_207 = arith.constant 0 : index
      %get3A_208 = vector.load %arg3[%get3A_206, %get3A_207] : memref<8192x128xi32, #tpu.memory_space<vmem>>, vector<128x128xi32>
      %add3A_209 = arith.constant 512 : i32
      %add3A_210 = arith.addi %add3A_193, %add3A_209 : i32
      %get3A_211 = arith.index_cast %add3A_210 : i32 to index
      %get3A_212 = arith.constant 0 : index
      %get3A_213 = vector.load %arg3[%get3A_211, %get3A_212] : memref<8192x128xi32, #tpu.memory_space<vmem>>, vector<128x128xi32>
      %gt3A = arith.cmpf ogt, %get3A_200, %get3A_205 : vector<128x128xf32>
      %eq3A_214 = arith.cmpf oeq, %get3A_200, %get3A_205 : vector<128x128xf32>
      %gt3A_215 = arith.cmpi sgt, %get3A_208, %get3A_213 : vector<128x128xi32>
      %and3A_216 = arith.andi %eq3A_214, %gt3A_215 : vector<128x128xi1>
      %or3A = arith.ori %gt3A, %and3A_216 : vector<128x128xi1>
      %eq3A_217 = vector.broadcast %eq3A_197 : i1 to vector<128x128xi1>
      %eq3A_218 = vector.broadcast %eq3A_217 : vector<128x128xi1> to vector<128x128xi1>
      %eq3A_219 = arith.xori %or3A, %eq3A_218 : vector<128x128xi1>
      %eq3A_220 = arith.constant dense<true> : vector<128x128xi1>
      %eq3A_221 = arith.xori %eq3A_219, %eq3A_220 : vector<128x128xi1>
      %select_n3A_222 = arith.select %eq3A_221, %get3A_205, %get3A_200 : vector<128x128xi1>, vector<128x128xf32>
      %swap3A_223 = arith.index_cast %add3A_193 : i32 to index
      %swap3A_224 = arith.constant 0 : index
      %swap3A_225 = vector.load %arg2[%swap3A_223, %swap3A_224] : memref<8192x128xf32, #tpu.memory_space<vmem>>, vector<128x128xf32>
      tpu.vector_store %arg2[%swap3A_223, %swap3A_224], %select_n3A_222 {strides = array<i32>} : memref<8192x128xf32, #tpu.memory_space<vmem>>, vector<128x128xf32>,
      %select_n3A_226 = arith.select %eq3A_221, %get3A_200, %get3A_205 : vector<128x128xi1>, vector<128x128xf32>
      %add3A_227 = arith.constant 512 : i32
      %add3A_228 = arith.addi %add3A_193, %add3A_227 : i32
      %swap3A_229 = arith.index_cast %add3A_228 : i32 to index
      %swap3A_230 = arith.constant 0 : index
      %swap3A_231 = vector.load %arg2[%swap3A_229, %swap3A_230] : memref<8192x128xf32, #tpu.memory_space<vmem>>, vector<128x128xf32>
      tpu.vector_store %arg2[%swap3A_229, %swap3A_230], %select_n3A_226 {strides = array<i32>} : memref<8192x128xf32, #tpu.memory_space<vmem>>, vector<128x128xf32>,
      %select_n3A_232 = arith.select %eq3A_221, %get3A_213, %get3A_208 : vector<128x128xi1>, vector<128x128xi32>
      %swap3A_233 = arith.index_cast %add3A_193 : i32 to index
      %swap3A_234 = arith.constant 0 : index
      %swap3A_235 = vector.load %arg3[%swap3A_233, %swap3A_234] : memref<8192x128xi32, #tpu.memory_space<vmem>>, vector<128x128xi32>
      tpu.vector_store %arg3[%swap3A_233, %swap3A_234], %select_n3A_232 {strides = array<i32>} : memref<8192x128xi32, #tpu.memory_space<vmem>>, vector<128x128xi32>,
      %select_n3A_236 = arith.select %eq3A_221, %get3A_208, %get3A_213 : vector<128x128xi1>, vector<128x128xi32>
      %add3A_237 = arith.constant 512 : i32
      %add3A_238 = arith.addi %add3A_193, %add3A_237 : i32
      %swap3A_239 = arith.index_cast %add3A_238 : i32 to index
      %swap3A_240 = arith.constant 0 : index
      %swap3A_241 = vector.load %arg3[%swap3A_239, %swap3A_240] : memref<8192x128xi32, #tpu.memory_space<vmem>>, vector<128x128xi32>
      tpu.vector_store %arg3[%swap3A_239, %swap3A_240], %select_n3A_236 {strides = array<i32>} : memref<8192x128xi32, #tpu.memory_space<vmem>>, vector<128x128xi32>,
    }
    %scan3A_66 = arith.constant 32 : i32
    %scan3A_67 = arith.constant 0 : i32
    %scan3A_68 = arith.constant 32 : i32
    %scan3A_69 = arith.addi %scan3A_67, %scan3A_68 : i32
    %scan3A_70 = arith.constant 1 : i32
    scf.for %scan3A_156 = %scan3A_67 to %scan3A_69 step %scan3A_70  : i32 {
      %jit3A = arith.constant 2 : i32
      %div3A = arith.divsi %scan3A_156, %jit3A : i32
      %sign3A = arith.constant 0 : i32
      %sign3A_157 = arith.cmpi sgt, %scan3A_156, %sign3A : i32
      %sign3A_158 = arith.extui %sign3A_157 : i1 to i32
      %sign3A_159 = arith.constant 0 : i32
      %sign3A_160 = arith.cmpi slt, %scan3A_156, %sign3A_159 : i32
      %sign3A_161 = arith.extui %sign3A_160 : i1 to i32
      %sign3A_162 = arith.subi %sign3A_158, %sign3A_161 : i32
      %sign3A_163 = arith.constant 0 : i32
      %sign3A_164 = arith.cmpi sgt, %jit3A, %sign3A_163 : i32
      %sign3A_165 = arith.extui %sign3A_164 : i1 to i32
      %sign3A_166 = arith.constant 0 : i32
      %sign3A_167 = arith.cmpi slt, %jit3A, %sign3A_166 : i32
      %sign3A_168 = arith.extui %sign3A_167 : i1 to i32
      %sign3A_169 = arith.subi %sign3A_165, %sign3A_168 : i32
      %ne3A = arith.cmpi ne, %sign3A_162, %sign3A_169 : i32
      %rem3A = arith.remsi %scan3A_156, %jit3A : i32
      %ne3A_170 = arith.constant 0 : i32
      %ne3A_171 = arith.cmpi ne, %rem3A, %ne3A_170 : i32
      %and3A = arith.andi %ne3A, %ne3A_171 : i1
      %sub3A = arith.constant 1 : i32
      %sub3A_172 = arith.subi %div3A, %sub3A : i32
      %select_n3A = arith.select %and3A, %sub3A_172, %div3A : i32
      %mul3A_173 = arith.constant 2 : i32
      %mul3A_174 = arith.muli %select_n3A, %mul3A_173 : i32
      %mul3A_175 = arith.constant 256 : i32
      %mul3A_176 = arith.muli %mul3A_174, %mul3A_175 : i32
      %jit3A_177 = arith.constant 2 : i32
      %eq3A = arith.constant 0 : i32
      %eq3A_178 = arith.cmpi eq, %jit3A_177, %eq3A : i32
      %jit3A_179 = arith.constant 1 : i32
      %select_n3A_180 = arith.select %eq3A_178, %jit3A_179, %jit3A_177 : i32
      %rem3A_181 = arith.remsi %scan3A_156, %select_n3A_180 : i32
      %ne3A_182 = arith.constant 0 : i32
      %ne3A_183 = arith.cmpi ne, %rem3A_181, %ne3A_182 : i32
      %lt3A = arith.constant 0 : i32
      %lt3A_184 = arith.cmpi slt, %rem3A_181, %lt3A : i32
      %lt3A_185 = arith.constant 0 : i32
      %lt3A_186 = arith.cmpi slt, %select_n3A_180, %lt3A_185 : i32
      %ne3A_187 = arith.xori %lt3A_184, %lt3A_186 : i1
      %and3A_188 = arith.andi %ne3A_187, %ne3A_183 : i1
      %add3A_189 = arith.addi %rem3A_181, %select_n3A_180 : i32
      %select_n3A_190 = arith.select %and3A_188, %add3A_189, %rem3A_181 : i32
      %mul3A_191 = arith.constant 128 : i32
      %mul3A_192 = arith.muli %select_n3A_190, %mul3A_191 : i32
      %add3A_193 = arith.addi %mul3A_176, %mul3A_192 : i32
      %and3A_194 = arith.constant 2048 : i32
      %and3A_195 = arith.andi %add3A_193, %and3A_194 : i32
      %eq3A_196 = arith.constant 0 : i32
      %eq3A_197 = arith.cmpi eq, %and3A_195, %eq3A_196 : i32
      %get3A_198 = arith.index_cast %add3A_193 : i32 to index
      %get3A_199 = arith.constant 0 : index
      %get3A_200 = vector.load %arg2[%get3A_198, %get3A_199] : memref<8192x128xf32, #tpu.memory_space<vmem>>, vector<128x128xf32>
      %add3A_201 = arith.constant 256 : i32
      %add3A_202 = arith.addi %add3A_193, %add3A_201 : i32
      %get3A_203 = arith.index_cast %add3A_202 : i32 to index
      %get3A_204 = arith.constant 0 : index
      %get3A_205 = vector.load %arg2[%get3A_203, %get3A_204] : memref<8192x128xf32, #tpu.memory_space<vmem>>, vector<128x128xf32>
      %get3A_206 = arith.index_cast %add3A_193 : i32 to index
      %get3A_207 = arith.constant 0 : index
      %get3A_208 = vector.load %arg3[%get3A_206, %get3A_207] : memref<8192x128xi32, #tpu.memory_space<vmem>>, vector<128x128xi32>
      %add3A_209 = arith.constant 256 : i32
      %add3A_210 = arith.addi %add3A_193, %add3A_209 : i32
      %get3A_211 = arith.index_cast %add3A_210 : i32 to index
      %get3A_212 = arith.constant 0 : index
      %get3A_213 = vector.load %arg3[%get3A_211, %get3A_212] : memref<8192x128xi32, #tpu.memory_space<vmem>>, vector<128x128xi32>
      %gt3A = arith.cmpf ogt, %get3A_200, %get3A_205 : vector<128x128xf32>
      %eq3A_214 = arith.cmpf oeq, %get3A_200, %get3A_205 : vector<128x128xf32>
      %gt3A_215 = arith.cmpi sgt, %get3A_208, %get3A_213 : vector<128x128xi32>
      %and3A_216 = arith.andi %eq3A_214, %gt3A_215 : vector<128x128xi1>
      %or3A = arith.ori %gt3A, %and3A_216 : vector<128x128xi1>
      %eq3A_217 = vector.broadcast %eq3A_197 : i1 to vector<128x128xi1>
      %eq3A_218 = vector.broadcast %eq3A_217 : vector<128x128xi1> to vector<128x128xi1>
      %eq3A_219 = arith.xori %or3A, %eq3A_218 : vector<128x128xi1>
      %eq3A_220 = arith.constant dense<true> : vector<128x128xi1>
      %eq3A_221 = arith.xori %eq3A_219, %eq3A_220 : vector<128x128xi1>
      %select_n3A_222 = arith.select %eq3A_221, %get3A_205, %get3A_200 : vector<128x128xi1>, vector<128x128xf32>
      %swap3A_223 = arith.index_cast %add3A_193 : i32 to index
      %swap3A_224 = arith.constant 0 : index
      %swap3A_225 = vector.load %arg2[%swap3A_223, %swap3A_224] : memref<8192x128xf32, #tpu.memory_space<vmem>>, vector<128x128xf32>
      tpu.vector_store %arg2[%swap3A_223, %swap3A_224], %select_n3A_222 {strides = array<i32>} : memref<8192x128xf32, #tpu.memory_space<vmem>>, vector<128x128xf32>,
      %select_n3A_226 = arith.select %eq3A_221, %get3A_200, %get3A_205 : vector<128x128xi1>, vector<128x128xf32>
      %add3A_227 = arith.constant 256 : i32
      %add3A_228 = arith.addi %add3A_193, %add3A_227 : i32
      %swap3A_229 = arith.index_cast %add3A_228 : i32 to index
      %swap3A_230 = arith.constant 0 : index
      %swap3A_231 = vector.load %arg2[%swap3A_229, %swap3A_230] : memref<8192x128xf32, #tpu.memory_space<vmem>>, vector<128x128xf32>
      tpu.vector_store %arg2[%swap3A_229, %swap3A_230], %select_n3A_226 {strides = array<i32>} : memref<8192x128xf32, #tpu.memory_space<vmem>>, vector<128x128xf32>,
      %select_n3A_232 = arith.select %eq3A_221, %get3A_213, %get3A_208 : vector<128x128xi1>, vector<128x128xi32>
      %swap3A_233 = arith.index_cast %add3A_193 : i32 to index
      %swap3A_234 = arith.constant 0 : index
      %swap3A_235 = vector.load %arg3[%swap3A_233, %swap3A_234] : memref<8192x128xi32, #tpu.memory_space<vmem>>, vector<128x128xi32>
      tpu.vector_store %arg3[%swap3A_233, %swap3A_234], %select_n3A_232 {strides = array<i32>} : memref<8192x128xi32, #tpu.memory_space<vmem>>, vector<128x128xi32>,
      %select_n3A_236 = arith.select %eq3A_221, %get3A_208, %get3A_213 : vector<128x128xi1>, vector<128x128xi32>
      %add3A_237 = arith.constant 256 : i32
      %add3A_238 = arith.addi %add3A_193, %add3A_237 : i32
      %swap3A_239 = arith.index_cast %add3A_238 : i32 to index
      %swap3A_240 = arith.constant 0 : index
      %swap3A_241 = vector.load %arg3[%swap3A_239, %swap3A_240] : memref<8192x128xi32, #tpu.memory_space<vmem>>, vector<128x128xi32>
      tpu.vector_store %arg3[%swap3A_239, %swap3A_240], %select_n3A_236 {strides = array<i32>} : memref<8192x128xi32, #tpu.memory_space<vmem>>, vector<128x128xi32>,
    }
    %scan3A_71 = arith.constant 32 : i32
    %scan3A_72 = arith.constant 0 : i32
    %scan3A_73 = arith.constant 32 : i32
    %scan3A_74 = arith.addi %scan3A_72, %scan3A_73 : i32
    %scan3A_75 = arith.constant 1 : i32
    scf.for %scan3A_156 = %scan3A_72 to %scan3A_74 step %scan3A_75  : i32 {
      %jit3A = arith.constant 1 : i32
      %div3A = arith.divsi %scan3A_156, %jit3A : i32
      %sign3A = arith.constant 0 : i32
      %sign3A_157 = arith.cmpi sgt, %scan3A_156, %sign3A : i32
      %sign3A_158 = arith.extui %sign3A_157 : i1 to i32
      %sign3A_159 = arith.constant 0 : i32
      %sign3A_160 = arith.cmpi slt, %scan3A_156, %sign3A_159 : i32
      %sign3A_161 = arith.extui %sign3A_160 : i1 to i32
      %sign3A_162 = arith.subi %sign3A_158, %sign3A_161 : i32
      %sign3A_163 = arith.constant 0 : i32
      %sign3A_164 = arith.cmpi sgt, %jit3A, %sign3A_163 : i32
      %sign3A_165 = arith.extui %sign3A_164 : i1 to i32
      %sign3A_166 = arith.constant 0 : i32
      %sign3A_167 = arith.cmpi slt, %jit3A, %sign3A_166 : i32
      %sign3A_168 = arith.extui %sign3A_167 : i1 to i32
      %sign3A_169 = arith.subi %sign3A_165, %sign3A_168 : i32
      %ne3A = arith.cmpi ne, %sign3A_162, %sign3A_169 : i32
      %rem3A = arith.remsi %scan3A_156, %jit3A : i32
      %ne3A_170 = arith.constant 0 : i32
      %ne3A_171 = arith.cmpi ne, %rem3A, %ne3A_170 : i32
      %and3A = arith.andi %ne3A, %ne3A_171 : i1
      %sub3A = arith.constant 1 : i32
      %sub3A_172 = arith.subi %div3A, %sub3A : i32
      %select_n3A = arith.select %and3A, %sub3A_172, %div3A : i32
      %mul3A_173 = arith.constant 2 : i32
      %mul3A_174 = arith.muli %select_n3A, %mul3A_173 : i32
      %mul3A_175 = arith.constant 128 : i32
      %mul3A_176 = arith.muli %mul3A_174, %mul3A_175 : i32
      %jit3A_177 = arith.constant 1 : i32
      %eq3A = arith.constant 0 : i32
      %eq3A_178 = arith.cmpi eq, %jit3A_177, %eq3A : i32
      %jit3A_179 = arith.constant 1 : i32
      %select_n3A_180 = arith.select %eq3A_178, %jit3A_179, %jit3A_177 : i32
      %rem3A_181 = arith.remsi %scan3A_156, %select_n3A_180 : i32
      %ne3A_182 = arith.constant 0 : i32
      %ne3A_183 = arith.cmpi ne, %rem3A_181, %ne3A_182 : i32
      %lt3A = arith.constant 0 : i32
      %lt3A_184 = arith.cmpi slt, %rem3A_181, %lt3A : i32
      %lt3A_185 = arith.constant 0 : i32
      %lt3A_186 = arith.cmpi slt, %select_n3A_180, %lt3A_185 : i32
      %ne3A_187 = arith.xori %lt3A_184, %lt3A_186 : i1
      %and3A_188 = arith.andi %ne3A_187, %ne3A_183 : i1
      %add3A_189 = arith.addi %rem3A_181, %select_n3A_180 : i32
      %select_n3A_190 = arith.select %and3A_188, %add3A_189, %rem3A_181 : i32
      %mul3A_191 = arith.constant 128 : i32
      %mul3A_192 = arith.muli %select_n3A_190, %mul3A_191 : i32
      %add3A_193 = arith.addi %mul3A_176, %mul3A_192 : i32
      %and3A_194 = arith.constant 2048 : i32
      %and3A_195 = arith.andi %add3A_193, %and3A_194 : i32
      %eq3A_196 = arith.constant 0 : i32
      %eq3A_197 = arith.cmpi eq, %and3A_195, %eq3A_196 : i32
      %get3A_198 = arith.index_cast %add3A_193 : i32 to index
      %get3A_199 = arith.constant 0 : index
      %get3A_200 = vector.load %arg2[%get3A_198, %get3A_199] : memref<8192x128xf32, #tpu.memory_space<vmem>>, vector<128x128xf32>
      %add3A_201 = arith.constant 128 : i32
      %add3A_202 = arith.addi %add3A_193, %add3A_201 : i32
      %get3A_203 = arith.index_cast %add3A_202 : i32 to index
      %get3A_204 = arith.constant 0 : index
      %get3A_205 = vector.load %arg2[%get3A_203, %get3A_204] : memref<8192x128xf32, #tpu.memory_space<vmem>>, vector<128x128xf32>
      %get3A_206 = arith.index_cast %add3A_193 : i32 to index
      %get3A_207 = arith.constant 0 : index
      %get3A_208 = vector.load %arg3[%get3A_206, %get3A_207] : memref<8192x128xi32, #tpu.memory_space<vmem>>, vector<128x128xi32>
      %add3A_209 = arith.constant 128 : i32
      %add3A_210 = arith.addi %add3A_193, %add3A_209 : i32
      %get3A_211 = arith.index_cast %add3A_210 : i32 to index
      %get3A_212 = arith.constant 0 : index
      %get3A_213 = vector.load %arg3[%get3A_211, %get3A_212] : memref<8192x128xi32, #tpu.memory_space<vmem>>, vector<128x128xi32>
      %gt3A = arith.cmpf ogt, %get3A_200, %get3A_205 : vector<128x128xf32>
      %eq3A_214 = arith.cmpf oeq, %get3A_200, %get3A_205 : vector<128x128xf32>
      %gt3A_215 = arith.cmpi sgt, %get3A_208, %get3A_213 : vector<128x128xi32>
      %and3A_216 = arith.andi %eq3A_214, %gt3A_215 : vector<128x128xi1>
      %or3A = arith.ori %gt3A, %and3A_216 : vector<128x128xi1>
      %eq3A_217 = vector.broadcast %eq3A_197 : i1 to vector<128x128xi1>
      %eq3A_218 = vector.broadcast %eq3A_217 : vector<128x128xi1> to vector<128x128xi1>
      %eq3A_219 = arith.xori %or3A, %eq3A_218 : vector<128x128xi1>
      %eq3A_220 = arith.constant dense<true> : vector<128x128xi1>
      %eq3A_221 = arith.xori %eq3A_219, %eq3A_220 : vector<128x128xi1>
      %select_n3A_222 = arith.select %eq3A_221, %get3A_205, %get3A_200 : vector<128x128xi1>, vector<128x128xf32>
      %swap3A_223 = arith.index_cast %add3A_193 : i32 to index
      %swap3A_224 = arith.constant 0 : index
      %swap3A_225 = vector.load %arg2[%swap3A_223, %swap3A_224] : memref<8192x128xf32, #tpu.memory_space<vmem>>, vector<128x128xf32>
      tpu.vector_store %arg2[%swap3A_223, %swap3A_224], %select_n3A_222 {strides = array<i32>} : memref<8192x128xf32, #tpu.memory_space<vmem>>, vector<128x128xf32>,
      %select_n3A_226 = arith.select %eq3A_221, %get3A_200, %get3A_205 : vector<128x128xi1>, vector<128x128xf32>
      %add3A_227 = arith.constant 128 : i32
      %add3A_228 = arith.addi %add3A_193, %add3A_227 : i32
      %swap3A_229 = arith.index_cast %add3A_228 : i32 to index
      %swap3A_230 = arith.constant 0 : index
      %swap3A_231 = vector.load %arg2[%swap3A_229, %swap3A_230] : memref<8192x128xf32, #tpu.memory_space<vmem>>, vector<128x128xf32>
      tpu.vector_store %arg2[%swap3A_229, %swap3A_230], %select_n3A_226 {strides = array<i32>} : memref<8192x128xf32, #tpu.memory_space<vmem>>, vector<128x128xf32>,
      %select_n3A_232 = arith.select %eq3A_221, %get3A_213, %get3A_208 : vector<128x128xi1>, vector<128x128xi32>
      %swap3A_233 = arith.index_cast %add3A_193 : i32 to index
      %swap3A_234 = arith.constant 0 : index
      %swap3A_235 = vector.load %arg3[%swap3A_233, %swap3A_234] : memref<8192x128xi32, #tpu.memory_space<vmem>>, vector<128x128xi32>
      tpu.vector_store %arg3[%swap3A_233, %swap3A_234], %select_n3A_232 {strides = array<i32>} : memref<8192x128xi32, #tpu.memory_space<vmem>>, vector<128x128xi32>,
      %select_n3A_236 = arith.select %eq3A_221, %get3A_208, %get3A_213 : vector<128x128xi1>, vector<128x128xi32>
      %add3A_237 = arith.constant 128 : i32
      %add3A_238 = arith.addi %add3A_193, %add3A_237 : i32
      %swap3A_239 = arith.index_cast %add3A_238 : i32 to index
      %swap3A_240 = arith.constant 0 : index
      %swap3A_241 = vector.load %arg3[%swap3A_239, %swap3A_240] : memref<8192x128xi32, #tpu.memory_space<vmem>>, vector<128x128xi32>
      tpu.vector_store %arg3[%swap3A_239, %swap3A_240], %select_n3A_236 {strides = array<i32>} : memref<8192x128xi32, #tpu.memory_space<vmem>>, vector<128x128xi32>,
    }
    %scan3A_76 = arith.constant 32 : i32
    %scan3A_77 = arith.constant 0 : i32
    %scan3A_78 = arith.constant 64 : i32
    %scan3A_79 = arith.addi %scan3A_77, %scan3A_78 : i32
    %scan3A_80 = arith.constant 1 : i32
    scf.for %scan3A_156 = %scan3A_77 to %scan3A_79 step %scan3A_80  : i32 {
      %mul3A_157 = arith.constant 128 : i32
      %mul3A_158 = arith.muli %scan3A_156, %mul3A_157 : i32
      %get3A_159 = arith.index_cast %mul3A_158 : i32 to index
      %get3A_160 = arith.constant 0 : index
      %get3A_161 = vector.load %arg2[%get3A_159, %get3A_160] : memref<8192x128xf32, #tpu.memory_space<vmem>>, vector<128x128xf32>
      %get3A_162 = arith.index_cast %mul3A_158 : i32 to index
      %get3A_163 = arith.constant 0 : index
      %get3A_164 = vector.load %arg3[%get3A_162, %get3A_163] : memref<8192x128xi32, #tpu.memory_space<vmem>>, vector<128x128xi32>
      %add3A_165 = vector.broadcast %mul3A_158 : i32 to vector<128x1xi32>
      %add3A_166 = arith.addi %iota3A_7, %add3A_165 : vector<128x1xi32>
      %and3A = arith.constant 2048 : i32
      %and3A_167 = vector.broadcast %and3A : i32 to vector<128x1xi32>
      %and3A_168 = arith.andi %add3A_166, %and3A_167 : vector<128x1xi32>
      %eq3A = arith.constant 0 : i32
      %eq3A_169 = vector.broadcast %eq3A : i32 to vector<128x1xi32>
      %eq3A_170 = arith.cmpi eq, %and3A_168, %eq3A_169 : vector<128x1xi32>
      %and3A_171 = arith.constant 64 : i32
      %and3A_172 = vector.broadcast %and3A_171 : i32 to vector<128x1xi32>
      %and3A_173 = arith.andi %iota3A_7, %and3A_172 : vector<128x1xi32>
      %ne3A = arith.constant 0 : i32
      %ne3A_174 = vector.broadcast %ne3A : i32 to vector<128x1xi32>
      %ne3A_175 = arith.cmpi ne, %and3A_173, %ne3A_174 : vector<128x1xi32>
      %slice3A = vector.extract_strided_slice %get3A_161 {offsets = [64, 0], sizes = [64, 128], strides = [1, 1]} : vector<128x128xf32> to vector<64x128xf32>
      %slice3A_176 = vector.extract_strided_slice %get3A_161 {offsets = [0, 0], sizes = [64, 128], strides = [1, 1]} : vector<128x128xf32> to vector<64x128xf32>
      %concatenate3A = tpu.concatenate %slice3A, %slice3A_176 in 0 : vector<64x128xf32>, vector<64x128xf32> -> vector<128x128xf32>
      %slice3A_177 = vector.extract_strided_slice %get3A_161 {offsets = [64, 0], sizes = [64, 128], strides = [1, 1]} : vector<128x128xf32> to vector<64x128xf32>
      %slice3A_178 = vector.extract_strided_slice %get3A_161 {offsets = [0, 0], sizes = [64, 128], strides = [1, 1]} : vector<128x128xf32> to vector<64x128xf32>
      %concatenate3A_179 = tpu.concatenate %slice3A_177, %slice3A_178 in 0 : vector<64x128xf32>, vector<64x128xf32> -> vector<128x128xf32>
      %broadcast_in_dim3A = vector.shape_cast %ne3A_175 : vector<128x1xi1> to vector<128x1xi1>
      %broadcast_in_dim3A_180 = vector.broadcast %broadcast_in_dim3A : vector<128x1xi1> to vector<128x128xi1>
      %select_n3A = arith.select %broadcast_in_dim3A_180, %concatenate3A, %concatenate3A_179 : vector<128x128xi1>, vector<128x128xf32>
      %slice3A_181 = vector.extract_strided_slice %get3A_164 {offsets = [64, 0], sizes = [64, 128], strides = [1, 1]} : vector<128x128xi32> to vector<64x128xi32>
      %slice3A_182 = vector.extract_strided_slice %get3A_164 {offsets = [0, 0], sizes = [64, 128], strides = [1, 1]} : vector<128x128xi32> to vector<64x128xi32>
      %concatenate3A_183 = tpu.concatenate %slice3A_181, %slice3A_182 in 0 : vector<64x128xi32>, vector<64x128xi32> -> vector<128x128xi32>
      %slice3A_184 = vector.extract_strided_slice %get3A_164 {offsets = [64, 0], sizes = [64, 128], strides = [1, 1]} : vector<128x128xi32> to vector<64x128xi32>
      %slice3A_185 = vector.extract_strided_slice %get3A_164 {offsets = [0, 0], sizes = [64, 128], strides = [1, 1]} : vector<128x128xi32> to vector<64x128xi32>
      %concatenate3A_186 = tpu.concatenate %slice3A_184, %slice3A_185 in 0 : vector<64x128xi32>, vector<64x128xi32> -> vector<128x128xi32>
      %broadcast_in_dim3A_187 = vector.shape_cast %ne3A_175 : vector<128x1xi1> to vector<128x1xi1>
      %broadcast_in_dim3A_188 = vector.broadcast %broadcast_in_dim3A_187 : vector<128x1xi1> to vector<128x128xi1>
      %select_n3A_189 = arith.select %broadcast_in_dim3A_188, %concatenate3A_183, %concatenate3A_186 : vector<128x128xi1>, vector<128x128xi32>
      %gt3A = arith.cmpf ogt, %get3A_161, %select_n3A : vector<128x128xf32>
      %eq3A_190 = arith.cmpf oeq, %get3A_161, %select_n3A : vector<128x128xf32>
      %gt3A_191 = arith.cmpi sgt, %get3A_164, %select_n3A_189 : vector<128x128xi32>
      %and3A_192 = arith.andi %eq3A_190, %gt3A_191 : vector<128x128xi1>
      %or3A = arith.ori %gt3A, %and3A_192 : vector<128x128xi1>
      %eq3A_193 = arith.xori %ne3A_175, %eq3A_170 : vector<128x1xi1>
      %eq3A_194 = arith.constant dense<true> : vector<128x1xi1>
      %eq3A_195 = arith.xori %eq3A_193, %eq3A_194 : vector<128x1xi1>
      %xor3A = vector.broadcast %eq3A_195 : vector<128x1xi1> to vector<128x128xi1>
      %xor3A_196 = arith.xori %or3A, %xor3A : vector<128x128xi1>
      %select_n3A_197 = arith.select %xor3A_196, %select_n3A, %get3A_161 : vector<128x128xi1>, vector<128x128xf32>
      %select_n3A_198 = arith.select %xor3A_196, %select_n3A_189, %get3A_164 : vector<128x128xi1>, vector<128x128xi32>
      %and3A_199 = arith.constant 32 : i32
      %and3A_200 = vector.broadcast %and3A_199 : i32 to vector<128x1xi32>
      %and3A_201 = arith.andi %iota3A_7, %and3A_200 : vector<128x1xi32>
      %ne3A_202 = arith.constant 0 : i32
      %ne3A_203 = vector.broadcast %ne3A_202 : i32 to vector<128x1xi32>
      %ne3A_204 = arith.cmpi ne, %and3A_201, %ne3A_203 : vector<128x1xi32>
      %slice3A_205 = vector.extract_strided_slice %select_n3A_197 {offsets = [96, 0], sizes = [32, 128], strides = [1, 1]} : vector<128x128xf32> to vector<32x128xf32>
      %slice3A_206 = vector.extract_strided_slice %select_n3A_197 {offsets = [0, 0], sizes = [96, 128], strides = [1, 1]} : vector<128x128xf32> to vector<96x128xf32>
      %concatenate3A_207 = tpu.concatenate %slice3A_205, %slice3A_206 in 0 : vector<32x128xf32>, vector<96x128xf32> -> vector<128x128xf32>
      %slice3A_208 = vector.extract_strided_slice %select_n3A_197 {offsets = [32, 0], sizes = [96, 128], strides = [1, 1]} : vector<128x128xf32> to vector<96x128xf32>
      %slice3A_209 = vector.extract_strided_slice %select_n3A_197 {offsets = [0, 0], sizes = [32, 128], strides = [1, 1]} : vector<128x128xf32> to vector<32x128xf32>
      %concatenate3A_210 = tpu.concatenate %slice3A_208, %slice3A_209 in 0 : vector<96x128xf32>, vector<32x128xf32> -> vector<128x128xf32>
      %broadcast_in_dim3A_211 = vector.shape_cast %ne3A_204 : vector<128x1xi1> to vector<128x1xi1>
      %broadcast_in_dim3A_212 = vector.broadcast %broadcast_in_dim3A_211 : vector<128x1xi1> to vector<128x128xi1>
      %select_n3A_213 = arith.select %broadcast_in_dim3A_212, %concatenate3A_207, %concatenate3A_210 : vector<128x128xi1>, vector<128x128xf32>
      %slice3A_214 = vector.extract_strided_slice %select_n3A_198 {offsets = [96, 0], sizes = [32, 128], strides = [1, 1]} : vector<128x128xi32> to vector<32x128xi32>
      %slice3A_215 = vector.extract_strided_slice %select_n3A_198 {offsets = [0, 0], sizes = [96, 128], strides = [1, 1]} : vector<128x128xi32> to vector<96x128xi32>
      %concatenate3A_216 = tpu.concatenate %slice3A_214, %slice3A_215 in 0 : vector<32x128xi32>, vector<96x128xi32> -> vector<128x128xi32>
      %slice3A_217 = vector.extract_strided_slice %select_n3A_198 {offsets = [32, 0], sizes = [96, 128], strides = [1, 1]} : vector<128x128xi32> to vector<96x128xi32>
      %slice3A_218 = vector.extract_strided_slice %select_n3A_198 {offsets = [0, 0], sizes = [32, 128], strides = [1, 1]} : vector<128x128xi32> to vector<32x128xi32>
      %concatenate3A_219 = tpu.concatenate %slice3A_217, %slice3A_218 in 0 : vector<96x128xi32>, vector<32x128xi32> -> vector<128x128xi32>
      %broadcast_in_dim3A_220 = vector.shape_cast %ne3A_204 : vector<128x1xi1> to vector<128x1xi1>
      %broadcast_in_dim3A_221 = vector.broadcast %broadcast_in_dim3A_220 : vector<128x1xi1> to vector<128x128xi1>
      %select_n3A_222 = arith.select %broadcast_in_dim3A_221, %concatenate3A_216, %concatenate3A_219 : vector<128x128xi1>, vector<128x128xi32>
      %gt3A_223 = arith.cmpf ogt, %select_n3A_197, %select_n3A_213 : vector<128x128xf32>
      %eq3A_224 = arith.cmpf oeq, %select_n3A_197, %select_n3A_213 : vector<128x128xf32>
      %gt3A_225 = arith.cmpi sgt, %select_n3A_198, %select_n3A_222 : vector<128x128xi32>
      %and3A_226 = arith.andi %eq3A_224, %gt3A_225 : vector<128x128xi1>
      %or3A_227 = arith.ori %gt3A_223, %and3A_226 : vector<128x128xi1>
      %eq3A_228 = arith.xori %ne3A_204, %eq3A_170 : vector<128x1xi1>
      %eq3A_229 = arith.constant dense<true> : vector<128x1xi1>
      %eq3A_230 = arith.xori %eq3A_228, %eq3A_229 : vector<128x1xi1>
      %xor3A_231 = vector.broadcast %eq3A_230 : vector<128x1xi1> to vector<128x128xi1>
      %xor3A_232 = arith.xori %or3A_227, %xor3A_231 : vector<128x128xi1>
      %select_n3A_233 = arith.select %xor3A_232, %select_n3A_213, %select_n3A_197 : vector<128x128xi1>, vector<128x128xf32>
      %select_n3A_234 = arith.select %xor3A_232, %select_n3A_222, %select_n3A_198 : vector<128x128xi1>, vector<128x128xi32>
      %and3A_235 = arith.constant 16 : i32
      %and3A_236 = vector.broadcast %and3A_235 : i32 to vector<128x1xi32>
      %and3A_237 = arith.andi %iota3A_7, %and3A_236 : vector<128x1xi32>
      %ne3A_238 = arith.constant 0 : i32
      %ne3A_239 = vector.broadcast %ne3A_238 : i32 to vector<128x1xi32>
      %ne3A_240 = arith.cmpi ne, %and3A_237, %ne3A_239 : vector<128x1xi32>
      %slice3A_241 = vector.extract_strided_slice %select_n3A_233 {offsets = [112, 0], sizes = [16, 128], strides = [1, 1]} : vector<128x128xf32> to vector<16x128xf32>
      %slice3A_242 = vector.extract_strided_slice %select_n3A_233 {offsets = [0, 0], sizes = [112, 128], strides = [1, 1]} : vector<128x128xf32> to vector<112x128xf32>
      %concatenate3A_243 = tpu.concatenate %slice3A_241, %slice3A_242 in 0 : vector<16x128xf32>, vector<112x128xf32> -> vector<128x128xf32>
      %slice3A_244 = vector.extract_strided_slice %select_n3A_233 {offsets = [16, 0], sizes = [112, 128], strides = [1, 1]} : vector<128x128xf32> to vector<112x128xf32>
      %slice3A_245 = vector.extract_strided_slice %select_n3A_233 {offsets = [0, 0], sizes = [16, 128], strides = [1, 1]} : vector<128x128xf32> to vector<16x128xf32>
      %concatenate3A_246 = tpu.concatenate %slice3A_244, %slice3A_245 in 0 : vector<112x128xf32>, vector<16x128xf32> -> vector<128x128xf32>
      %broadcast_in_dim3A_247 = vector.shape_cast %ne3A_240 : vector<128x1xi1> to vector<128x1xi1>
      %broadcast_in_dim3A_248 = vector.broadcast %broadcast_in_dim3A_247 : vector<128x1xi1> to vector<128x128xi1>
      %select_n3A_249 = arith.select %broadcast_in_dim3A_248, %concatenate3A_243, %concatenate3A_246 : vector<128x128xi1>, vector<128x128xf32>
      %slice3A_250 = vector.extract_strided_slice %select_n3A_234 {offsets = [112, 0], sizes = [16, 128], strides = [1, 1]} : vector<128x128xi32> to vector<16x128xi32>
      %slice3A_251 = vector.extract_strided_slice %select_n3A_234 {offsets = [0, 0], sizes = [112, 128], strides = [1, 1]} : vector<128x128xi32> to vector<112x128xi32>
      %concatenate3A_252 = tpu.concatenate %slice3A_250, %slice3A_251 in 0 : vector<16x128xi32>, vector<112x128xi32> -> vector<128x128xi32>
      %slice3A_253 = vector.extract_strided_slice %select_n3A_234 {offsets = [16, 0], sizes = [112, 128], strides = [1, 1]} : vector<128x128xi32> to vector<112x128xi32>
      %slice3A_254 = vector.extract_strided_slice %select_n3A_234 {offsets = [0, 0], sizes = [16, 128], strides = [1, 1]} : vector<128x128xi32> to vector<16x128xi32>
      %concatenate3A_255 = tpu.concatenate %slice3A_253, %slice3A_254 in 0 : vector<112x128xi32>, vector<16x128xi32> -> vector<128x128xi32>
      %broadcast_in_dim3A_256 = vector.shape_cast %ne3A_240 : vector<128x1xi1> to vector<128x1xi1>
      %broadcast_in_dim3A_257 = vector.broadcast %broadcast_in_dim3A_256 : vector<128x1xi1> to vector<128x128xi1>
      %select_n3A_258 = arith.select %broadcast_in_dim3A_257, %concatenate3A_252, %concatenate3A_255 : vector<128x128xi1>, vector<128x128xi32>
      %gt3A_259 = arith.cmpf ogt, %select_n3A_233, %select_n3A_249 : vector<128x128xf32>
      %eq3A_260 = arith.cmpf oeq, %select_n3A_233, %select_n3A_249 : vector<128x128xf32>
      %gt3A_261 = arith.cmpi sgt, %select_n3A_234, %select_n3A_258 : vector<128x128xi32>
      %and3A_262 = arith.andi %eq3A_260, %gt3A_261 : vector<128x128xi1>
      %or3A_263 = arith.ori %gt3A_259, %and3A_262 : vector<128x128xi1>
      %eq3A_264 = arith.xori %ne3A_240, %eq3A_170 : vector<128x1xi1>
      %eq3A_265 = arith.constant dense<true> : vector<128x1xi1>
      %eq3A_266 = arith.xori %eq3A_264, %eq3A_265 : vector<128x1xi1>
      %xor3A_267 = vector.broadcast %eq3A_266 : vector<128x1xi1> to vector<128x128xi1>
      %xor3A_268 = arith.xori %or3A_263, %xor3A_267 : vector<128x128xi1>
      %select_n3A_269 = arith.select %xor3A_268, %select_n3A_249, %select_n3A_233 : vector<128x128xi1>, vector<128x128xf32>
      %select_n3A_270 = arith.select %xor3A_268, %select_n3A_258, %select_n3A_234 : vector<128x128xi1>, vector<128x128xi32>
      %and3A_271 = arith.constant 8 : i32
      %and3A_272 = vector.broadcast %and3A_271 : i32 to vector<128x1xi32>
      %and3A_273 = arith.andi %iota3A_7, %and3A_272 : vector<128x1xi32>
      %ne3A_274 = arith.constant 0 : i32
      %ne3A_275 = vector.broadcast %ne3A_274 : i32 to vector<128x1xi32>
      %ne3A_276 = arith.cmpi ne, %and3A_273, %ne3A_275 : vector<128x1xi32>
      %slice3A_277 = vector.extract_strided_slice %select_n3A_269 {offsets = [120, 0], sizes = [8, 128], strides = [1, 1]} : vector<128x128xf32> to vector<8x128xf32>
      %slice3A_278 = vector.extract_strided_slice %select_n3A_269 {offsets = [0, 0], sizes = [120, 128], strides = [1, 1]} : vector<128x128xf32> to vector<120x128xf32>
      %concatenate3A_279 = tpu.concatenate %slice3A_277, %slice3A_278 in 0 : vector<8x128xf32>, vector<120x128xf32> -> vector<128x128xf32>
      %slice3A_280 = vector.extract_strided_slice %select_n3A_269 {offsets = [8, 0], sizes = [120, 128], strides = [1, 1]} : vector<128x128xf32> to vector<120x128xf32>
      %slice3A_281 = vector.extract_strided_slice %select_n3A_269 {offsets = [0, 0], sizes = [8, 128], strides = [1, 1]} : vector<128x128xf32> to vector<8x128xf32>
      %concatenate3A_282 = tpu.concatenate %slice3A_280, %slice3A_281 in 0 : vector<120x128xf32>, vector<8x128xf32> -> vector<128x128xf32>
      %broadcast_in_dim3A_283 = vector.shape_cast %ne3A_276 : vector<128x1xi1> to vector<128x1xi1>
      %broadcast_in_dim3A_284 = vector.broadcast %broadcast_in_dim3A_283 : vector<128x1xi1> to vector<128x128xi1>
      %select_n3A_285 = arith.select %broadcast_in_dim3A_284, %concatenate3A_279, %concatenate3A_282 : vector<128x128xi1>, vector<128x128xf32>
      %slice3A_286 = vector.extract_strided_slice %select_n3A_270 {offsets = [120, 0], sizes = [8, 128], strides = [1, 1]} : vector<128x128xi32> to vector<8x128xi32>
      %slice3A_287 = vector.extract_strided_slice %select_n3A_270 {offsets = [0, 0], sizes = [120, 128], strides = [1, 1]} : vector<128x128xi32> to vector<120x128xi32>
      %concatenate3A_288 = tpu.concatenate %slice3A_286, %slice3A_287 in 0 : vector<8x128xi32>, vector<120x128xi32> -> vector<128x128xi32>
      %slice3A_289 = vector.extract_strided_slice %select_n3A_270 {offsets = [8, 0], sizes = [120, 128], strides = [1, 1]} : vector<128x128xi32> to vector<120x128xi32>
      %slice3A_290 = vector.extract_strided_slice %select_n3A_270 {offsets = [0, 0], sizes = [8, 128], strides = [1, 1]} : vector<128x128xi32> to vector<8x128xi32>
      %concatenate3A_291 = tpu.concatenate %slice3A_289, %slice3A_290 in 0 : vector<120x128xi32>, vector<8x128xi32> -> vector<128x128xi32>
      %broadcast_in_dim3A_292 = vector.shape_cast %ne3A_276 : vector<128x1xi1> to vector<128x1xi1>
      %broadcast_in_dim3A_293 = vector.broadcast %broadcast_in_dim3A_292 : vector<128x1xi1> to vector<128x128xi1>
      %select_n3A_294 = arith.select %broadcast_in_dim3A_293, %concatenate3A_288, %concatenate3A_291 : vector<128x128xi1>, vector<128x128xi32>
      %gt3A_295 = arith.cmpf ogt, %select_n3A_269, %select_n3A_285 : vector<128x128xf32>
      %eq3A_296 = arith.cmpf oeq, %select_n3A_269, %select_n3A_285 : vector<128x128xf32>
      %gt3A_297 = arith.cmpi sgt, %select_n3A_270, %select_n3A_294 : vector<128x128xi32>
      %and3A_298 = arith.andi %eq3A_296, %gt3A_297 : vector<128x128xi1>
      %or3A_299 = arith.ori %gt3A_295, %and3A_298 : vector<128x128xi1>
      %eq3A_300 = arith.xori %ne3A_276, %eq3A_170 : vector<128x1xi1>
      %eq3A_301 = arith.constant dense<true> : vector<128x1xi1>
      %eq3A_302 = arith.xori %eq3A_300, %eq3A_301 : vector<128x1xi1>
      %xor3A_303 = vector.broadcast %eq3A_302 : vector<128x1xi1> to vector<128x128xi1>
      %xor3A_304 = arith.xori %or3A_299, %xor3A_303 : vector<128x128xi1>
      %select_n3A_305 = arith.select %xor3A_304, %select_n3A_285, %select_n3A_269 : vector<128x128xi1>, vector<128x128xf32>
      %select_n3A_306 = arith.select %xor3A_304, %select_n3A_294, %select_n3A_270 : vector<128x128xi1>, vector<128x128xi32>
      %and3A_307 = arith.constant 4 : i32
      %and3A_308 = vector.broadcast %and3A_307 : i32 to vector<128x1xi32>
      %and3A_309 = arith.andi %iota3A_7, %and3A_308 : vector<128x1xi32>
      %ne3A_310 = arith.constant 0 : i32
      %ne3A_311 = vector.broadcast %ne3A_310 : i32 to vector<128x1xi32>
      %ne3A_312 = arith.cmpi ne, %and3A_309, %ne3A_311 : vector<128x1xi32>
      %slice3A_313 = vector.extract_strided_slice %select_n3A_305 {offsets = [124, 0], sizes = [4, 128], strides = [1, 1]} : vector<128x128xf32> to vector<4x128xf32>
      %slice3A_314 = vector.extract_strided_slice %select_n3A_305 {offsets = [0, 0], sizes = [124, 128], strides = [1, 1]} : vector<128x128xf32> to vector<124x128xf32>
      %concatenate3A_315 = tpu.concatenate %slice3A_313, %slice3A_314 in 0 : vector<4x128xf32>, vector<124x128xf32> -> vector<128x128xf32>
      %slice3A_316 = vector.extract_strided_slice %select_n3A_305 {offsets = [4, 0], sizes = [124, 128], strides = [1, 1]} : vector<128x128xf32> to vector<124x128xf32>
      %slice3A_317 = vector.extract_strided_slice %select_n3A_305 {offsets = [0, 0], sizes = [4, 128], strides = [1, 1]} : vector<128x128xf32> to vector<4x128xf32>
      %concatenate3A_318 = tpu.concatenate %slice3A_316, %slice3A_317 in 0 : vector<124x128xf32>, vector<4x128xf32> -> vector<128x128xf32>
      %broadcast_in_dim3A_319 = vector.shape_cast %ne3A_312 : vector<128x1xi1> to vector<128x1xi1>
      %broadcast_in_dim3A_320 = vector.broadcast %broadcast_in_dim3A_319 : vector<128x1xi1> to vector<128x128xi1>
      %select_n3A_321 = arith.select %broadcast_in_dim3A_320, %concatenate3A_315, %concatenate3A_318 : vector<128x128xi1>, vector<128x128xf32>
      %slice3A_322 = vector.extract_strided_slice %select_n3A_306 {offsets = [124, 0], sizes = [4, 128], strides = [1, 1]} : vector<128x128xi32> to vector<4x128xi32>
      %slice3A_323 = vector.extract_strided_slice %select_n3A_306 {offsets = [0, 0], sizes = [124, 128], strides = [1, 1]} : vector<128x128xi32> to vector<124x128xi32>
      %concatenate3A_324 = tpu.concatenate %slice3A_322, %slice3A_323 in 0 : vector<4x128xi32>, vector<124x128xi32> -> vector<128x128xi32>
      %slice3A_325 = vector.extract_strided_slice %select_n3A_306 {offsets = [4, 0], sizes = [124, 128], strides = [1, 1]} : vector<128x128xi32> to vector<124x128xi32>
      %slice3A_326 = vector.extract_strided_slice %select_n3A_306 {offsets = [0, 0], sizes = [4, 128], strides = [1, 1]} : vector<128x128xi32> to vector<4x128xi32>
      %concatenate3A_327 = tpu.concatenate %slice3A_325, %slice3A_326 in 0 : vector<124x128xi32>, vector<4x128xi32> -> vector<128x128xi32>
      %broadcast_in_dim3A_328 = vector.shape_cast %ne3A_312 : vector<128x1xi1> to vector<128x1xi1>
      %broadcast_in_dim3A_329 = vector.broadcast %broadcast_in_dim3A_328 : vector<128x1xi1> to vector<128x128xi1>
      %select_n3A_330 = arith.select %broadcast_in_dim3A_329, %concatenate3A_324, %concatenate3A_327 : vector<128x128xi1>, vector<128x128xi32>
      %gt3A_331 = arith.cmpf ogt, %select_n3A_305, %select_n3A_321 : vector<128x128xf32>
      %eq3A_332 = arith.cmpf oeq, %select_n3A_305, %select_n3A_321 : vector<128x128xf32>
      %gt3A_333 = arith.cmpi sgt, %select_n3A_306, %select_n3A_330 : vector<128x128xi32>
      %and3A_334 = arith.andi %eq3A_332, %gt3A_333 : vector<128x128xi1>
      %or3A_335 = arith.ori %gt3A_331, %and3A_334 : vector<128x128xi1>
      %eq3A_336 = arith.xori %ne3A_312, %eq3A_170 : vector<128x1xi1>
      %eq3A_337 = arith.constant dense<true> : vector<128x1xi1>
      %eq3A_338 = arith.xori %eq3A_336, %eq3A_337 : vector<128x1xi1>
      %xor3A_339 = vector.broadcast %eq3A_338 : vector<128x1xi1> to vector<128x128xi1>
      %xor3A_340 = arith.xori %or3A_335, %xor3A_339 : vector<128x128xi1>
      %select_n3A_341 = arith.select %xor3A_340, %select_n3A_321, %select_n3A_305 : vector<128x128xi1>, vector<128x128xf32>
      %select_n3A_342 = arith.select %xor3A_340, %select_n3A_330, %select_n3A_306 : vector<128x128xi1>, vector<128x128xi32>
      %and3A_343 = arith.constant 2 : i32
      %and3A_344 = vector.broadcast %and3A_343 : i32 to vector<128x1xi32>
      %and3A_345 = arith.andi %iota3A_7, %and3A_344 : vector<128x1xi32>
      %ne3A_346 = arith.constant 0 : i32
      %ne3A_347 = vector.broadcast %ne3A_346 : i32 to vector<128x1xi32>
      %ne3A_348 = arith.cmpi ne, %and3A_345, %ne3A_347 : vector<128x1xi32>
      %slice3A_349 = vector.extract_strided_slice %select_n3A_341 {offsets = [126, 0], sizes = [2, 128], strides = [1, 1]} : vector<128x128xf32> to vector<2x128xf32>
      %slice3A_350 = vector.extract_strided_slice %select_n3A_341 {offsets = [0, 0], sizes = [126, 128], strides = [1, 1]} : vector<128x128xf32> to vector<126x128xf32>
      %concatenate3A_351 = tpu.concatenate %slice3A_349, %slice3A_350 in 0 : vector<2x128xf32>, vector<126x128xf32> -> vector<128x128xf32>
      %slice3A_352 = vector.extract_strided_slice %select_n3A_341 {offsets = [2, 0], sizes = [126, 128], strides = [1, 1]} : vector<128x128xf32> to vector<126x128xf32>
      %slice3A_353 = vector.extract_strided_slice %select_n3A_341 {offsets = [0, 0], sizes = [2, 128], strides = [1, 1]} : vector<128x128xf32> to vector<2x128xf32>
      %concatenate3A_354 = tpu.concatenate %slice3A_352, %slice3A_353 in 0 : vector<126x128xf32>, vector<2x128xf32> -> vector<128x128xf32>
      %broadcast_in_dim3A_355 = vector.shape_cast %ne3A_348 : vector<128x1xi1> to vector<128x1xi1>
      %broadcast_in_dim3A_356 = vector.broadcast %broadcast_in_dim3A_355 : vector<128x1xi1> to vector<128x128xi1>
      %select_n3A_357 = arith.select %broadcast_in_dim3A_356, %concatenate3A_351, %concatenate3A_354 : vector<128x128xi1>, vector<128x128xf32>
      %slice3A_358 = vector.extract_strided_slice %select_n3A_342 {offsets = [126, 0], sizes = [2, 128], strides = [1, 1]} : vector<128x128xi32> to vector<2x128xi32>
      %slice3A_359 = vector.extract_strided_slice %select_n3A_342 {offsets = [0, 0], sizes = [126, 128], strides = [1, 1]} : vector<128x128xi32> to vector<126x128xi32>
      %concatenate3A_360 = tpu.concatenate %slice3A_358, %slice3A_359 in 0 : vector<2x128xi32>, vector<126x128xi32> -> vector<128x128xi32>
      %slice3A_361 = vector.extract_strided_slice %select_n3A_342 {offsets = [2, 0], sizes = [126, 128], strides = [1, 1]} : vector<128x128xi32> to vector<126x128xi32>
      %slice3A_362 = vector.extract_strided_slice %select_n3A_342 {offsets = [0, 0], sizes = [2, 128], strides = [1, 1]} : vector<128x128xi32> to vector<2x128xi32>
      %concatenate3A_363 = tpu.concatenate %slice3A_361, %slice3A_362 in 0 : vector<126x128xi32>, vector<2x128xi32> -> vector<128x128xi32>
      %broadcast_in_dim3A_364 = vector.shape_cast %ne3A_348 : vector<128x1xi1> to vector<128x1xi1>
      %broadcast_in_dim3A_365 = vector.broadcast %broadcast_in_dim3A_364 : vector<128x1xi1> to vector<128x128xi1>
      %select_n3A_366 = arith.select %broadcast_in_dim3A_365, %concatenate3A_360, %concatenate3A_363 : vector<128x128xi1>, vector<128x128xi32>
      %gt3A_367 = arith.cmpf ogt, %select_n3A_341, %select_n3A_357 : vector<128x128xf32>
      %eq3A_368 = arith.cmpf oeq, %select_n3A_341, %select_n3A_357 : vector<128x128xf32>
      %gt3A_369 = arith.cmpi sgt, %select_n3A_342, %select_n3A_366 : vector<128x128xi32>
      %and3A_370 = arith.andi %eq3A_368, %gt3A_369 : vector<128x128xi1>
      %or3A_371 = arith.ori %gt3A_367, %and3A_370 : vector<128x128xi1>
      %eq3A_372 = arith.xori %ne3A_348, %eq3A_170 : vector<128x1xi1>
      %eq3A_373 = arith.constant dense<true> : vector<128x1xi1>
      %eq3A_374 = arith.xori %eq3A_372, %eq3A_373 : vector<128x1xi1>
      %xor3A_375 = vector.broadcast %eq3A_374 : vector<128x1xi1> to vector<128x128xi1>
      %xor3A_376 = arith.xori %or3A_371, %xor3A_375 : vector<128x128xi1>
      %select_n3A_377 = arith.select %xor3A_376, %select_n3A_357, %select_n3A_341 : vector<128x128xi1>, vector<128x128xf32>
      %select_n3A_378 = arith.select %xor3A_376, %select_n3A_366, %select_n3A_342 : vector<128x128xi1>, vector<128x128xi32>
      %and3A_379 = arith.constant 1 : i32
      %and3A_380 = vector.broadcast %and3A_379 : i32 to vector<128x1xi32>
      %and3A_381 = arith.andi %iota3A_7, %and3A_380 : vector<128x1xi32>
      %ne3A_382 = arith.constant 0 : i32
      %ne3A_383 = vector.broadcast %ne3A_382 : i32 to vector<128x1xi32>
      %ne3A_384 = arith.cmpi ne, %and3A_381, %ne3A_383 : vector<128x1xi32>
      %slice3A_385 = vector.extract_strided_slice %select_n3A_377 {offsets = [127, 0], sizes = [1, 128], strides = [1, 1]} : vector<128x128xf32> to vector<1x128xf32>
      %slice3A_386 = vector.extract_strided_slice %select_n3A_377 {offsets = [0, 0], sizes = [127, 128], strides = [1, 1]} : vector<128x128xf32> to vector<127x128xf32>
      %concatenate3A_387 = tpu.concatenate %slice3A_385, %slice3A_386 in 0 : vector<1x128xf32>, vector<127x128xf32> -> vector<128x128xf32>
      %slice3A_388 = vector.extract_strided_slice %select_n3A_377 {offsets = [1, 0], sizes = [127, 128], strides = [1, 1]} : vector<128x128xf32> to vector<127x128xf32>
      %slice3A_389 = vector.extract_strided_slice %select_n3A_377 {offsets = [0, 0], sizes = [1, 128], strides = [1, 1]} : vector<128x128xf32> to vector<1x128xf32>
      %concatenate3A_390 = tpu.concatenate %slice3A_388, %slice3A_389 in 0 : vector<127x128xf32>, vector<1x128xf32> -> vector<128x128xf32>
      %broadcast_in_dim3A_391 = vector.shape_cast %ne3A_384 : vector<128x1xi1> to vector<128x1xi1>
      %broadcast_in_dim3A_392 = vector.broadcast %broadcast_in_dim3A_391 : vector<128x1xi1> to vector<128x128xi1>
      %select_n3A_393 = arith.select %broadcast_in_dim3A_392, %concatenate3A_387, %concatenate3A_390 : vector<128x128xi1>, vector<128x128xf32>
      %slice3A_394 = vector.extract_strided_slice %select_n3A_378 {offsets = [127, 0], sizes = [1, 128], strides = [1, 1]} : vector<128x128xi32> to vector<1x128xi32>
      %slice3A_395 = vector.extract_strided_slice %select_n3A_378 {offsets = [0, 0], sizes = [127, 128], strides = [1, 1]} : vector<128x128xi32> to vector<127x128xi32>
      %concatenate3A_396 = tpu.concatenate %slice3A_394, %slice3A_395 in 0 : vector<1x128xi32>, vector<127x128xi32> -> vector<128x128xi32>
      %slice3A_397 = vector.extract_strided_slice %select_n3A_378 {offsets = [1, 0], sizes = [127, 128], strides = [1, 1]} : vector<128x128xi32> to vector<127x128xi32>
      %slice3A_398 = vector.extract_strided_slice %select_n3A_378 {offsets = [0, 0], sizes = [1, 128], strides = [1, 1]} : vector<128x128xi32> to vector<1x128xi32>
      %concatenate3A_399 = tpu.concatenate %slice3A_397, %slice3A_398 in 0 : vector<127x128xi32>, vector<1x128xi32> -> vector<128x128xi32>
      %broadcast_in_dim3A_400 = vector.shape_cast %ne3A_384 : vector<128x1xi1> to vector<128x1xi1>
      %broadcast_in_dim3A_401 = vector.broadcast %broadcast_in_dim3A_400 : vector<128x1xi1> to vector<128x128xi1>
      %select_n3A_402 = arith.select %broadcast_in_dim3A_401, %concatenate3A_396, %concatenate3A_399 : vector<128x128xi1>, vector<128x128xi32>
      %gt3A_403 = arith.cmpf ogt, %select_n3A_377, %select_n3A_393 : vector<128x128xf32>
      %eq3A_404 = arith.cmpf oeq, %select_n3A_377, %select_n3A_393 : vector<128x128xf32>
      %gt3A_405 = arith.cmpi sgt, %select_n3A_378, %select_n3A_402 : vector<128x128xi32>
      %and3A_406 = arith.andi %eq3A_404, %gt3A_405 : vector<128x128xi1>
      %or3A_407 = arith.ori %gt3A_403, %and3A_406 : vector<128x128xi1>
      %eq3A_408 = arith.xori %ne3A_384, %eq3A_170 : vector<128x1xi1>
      %eq3A_409 = arith.constant dense<true> : vector<128x1xi1>
      %eq3A_410 = arith.xori %eq3A_408, %eq3A_409 : vector<128x1xi1>
      %xor3A_411 = vector.broadcast %eq3A_410 : vector<128x1xi1> to vector<128x128xi1>
      %xor3A_412 = arith.xori %or3A_407, %xor3A_411 : vector<128x128xi1>
      %select_n3A_413 = arith.select %xor3A_412, %select_n3A_393, %select_n3A_377 : vector<128x128xi1>, vector<128x128xf32>
      %select_n3A_414 = arith.select %xor3A_412, %select_n3A_402, %select_n3A_378 : vector<128x128xi1>, vector<128x128xi32>
      %swap3A_415 = arith.index_cast %mul3A_158 : i32 to index
      %swap3A_416 = arith.constant 0 : index
      %swap3A_417 = vector.load %arg2[%swap3A_415, %swap3A_416] : memref<8192x128xf32, #tpu.memory_space<vmem>>, vector<128x128xf32>
      tpu.vector_store %arg2[%swap3A_415, %swap3A_416], %select_n3A_413 {strides = array<i32>} : memref<8192x128xf32, #tpu.memory_space<vmem>>, vector<128x128xf32>,
      %swap3A_418 = arith.index_cast %mul3A_158 : i32 to index
      %swap3A_419 = arith.constant 0 : index
      %swap3A_420 = vector.load %arg3[%swap3A_418, %swap3A_419] : memref<8192x128xi32, #tpu.memory_space<vmem>>, vector<128x128xi32>
      tpu.vector_store %arg3[%swap3A_418, %swap3A_419], %select_n3A_414 {strides = array<i32>} : memref<8192x128xi32, #tpu.memory_space<vmem>>, vector<128x128xi32>,
    }
    %scan3A_81 = arith.constant 64 : i32
    %scan3A_82 = arith.constant 0 : i32
    %scan3A_83 = arith.constant 32 : i32
    %scan3A_84 = arith.addi %scan3A_82, %scan3A_83 : i32
    %scan3A_85 = arith.constant 1 : i32
    scf.for %scan3A_156 = %scan3A_82 to %scan3A_84 step %scan3A_85  : i32 {
      %jit3A = arith.constant 16 : i32
      %div3A = arith.divsi %scan3A_156, %jit3A : i32
      %sign3A = arith.constant 0 : i32
      %sign3A_157 = arith.cmpi sgt, %scan3A_156, %sign3A : i32
      %sign3A_158 = arith.extui %sign3A_157 : i1 to i32
      %sign3A_159 = arith.constant 0 : i32
      %sign3A_160 = arith.cmpi slt, %scan3A_156, %sign3A_159 : i32
      %sign3A_161 = arith.extui %sign3A_160 : i1 to i32
      %sign3A_162 = arith.subi %sign3A_158, %sign3A_161 : i32
      %sign3A_163 = arith.constant 0 : i32
      %sign3A_164 = arith.cmpi sgt, %jit3A, %sign3A_163 : i32
      %sign3A_165 = arith.extui %sign3A_164 : i1 to i32
      %sign3A_166 = arith.constant 0 : i32
      %sign3A_167 = arith.cmpi slt, %jit3A, %sign3A_166 : i32
      %sign3A_168 = arith.extui %sign3A_167 : i1 to i32
      %sign3A_169 = arith.subi %sign3A_165, %sign3A_168 : i32
      %ne3A = arith.cmpi ne, %sign3A_162, %sign3A_169 : i32
      %rem3A = arith.remsi %scan3A_156, %jit3A : i32
      %ne3A_170 = arith.constant 0 : i32
      %ne3A_171 = arith.cmpi ne, %rem3A, %ne3A_170 : i32
      %and3A = arith.andi %ne3A, %ne3A_171 : i1
      %sub3A = arith.constant 1 : i32
      %sub3A_172 = arith.subi %div3A, %sub3A : i32
      %select_n3A = arith.select %and3A, %sub3A_172, %div3A : i32
      %mul3A_173 = arith.constant 2 : i32
      %mul3A_174 = arith.muli %select_n3A, %mul3A_173 : i32
      %mul3A_175 = arith.constant 2048 : i32
      %mul3A_176 = arith.muli %mul3A_174, %mul3A_175 : i32
      %jit3A_177 = arith.constant 16 : i32
      %eq3A = arith.constant 0 : i32
      %eq3A_178 = arith.cmpi eq, %jit3A_177, %eq3A : i32
      %jit3A_179 = arith.constant 1 : i32
      %select_n3A_180 = arith.select %eq3A_178, %jit3A_179, %jit3A_177 : i32
      %rem3A_181 = arith.remsi %scan3A_156, %select_n3A_180 : i32
      %ne3A_182 = arith.constant 0 : i32
      %ne3A_183 = arith.cmpi ne, %rem3A_181, %ne3A_182 : i32
      %lt3A = arith.constant 0 : i32
      %lt3A_184 = arith.cmpi slt, %rem3A_181, %lt3A : i32
      %lt3A_185 = arith.constant 0 : i32
      %lt3A_186 = arith.cmpi slt, %select_n3A_180, %lt3A_185 : i32
      %ne3A_187 = arith.xori %lt3A_184, %lt3A_186 : i1
      %and3A_188 = arith.andi %ne3A_187, %ne3A_183 : i1
      %add3A_189 = arith.addi %rem3A_181, %select_n3A_180 : i32
      %select_n3A_190 = arith.select %and3A_188, %add3A_189, %rem3A_181 : i32
      %mul3A_191 = arith.constant 128 : i32
      %mul3A_192 = arith.muli %select_n3A_190, %mul3A_191 : i32
      %add3A_193 = arith.addi %mul3A_176, %mul3A_192 : i32
      %and3A_194 = arith.constant 4096 : i32
      %and3A_195 = arith.andi %add3A_193, %and3A_194 : i32
      %eq3A_196 = arith.constant 0 : i32
      %eq3A_197 = arith.cmpi eq, %and3A_195, %eq3A_196 : i32
      %get3A_198 = arith.index_cast %add3A_193 : i32 to index
      %get3A_199 = arith.constant 0 : index
      %get3A_200 = vector.load %arg2[%get3A_198, %get3A_199] : memref<8192x128xf32, #tpu.memory_space<vmem>>, vector<128x128xf32>
      %add3A_201 = arith.constant 2048 : i32
      %add3A_202 = arith.addi %add3A_193, %add3A_201 : i32
      %get3A_203 = arith.index_cast %add3A_202 : i32 to index
      %get3A_204 = arith.constant 0 : index
      %get3A_205 = vector.load %arg2[%get3A_203, %get3A_204] : memref<8192x128xf32, #tpu.memory_space<vmem>>, vector<128x128xf32>
      %get3A_206 = arith.index_cast %add3A_193 : i32 to index
      %get3A_207 = arith.constant 0 : index
      %get3A_208 = vector.load %arg3[%get3A_206, %get3A_207] : memref<8192x128xi32, #tpu.memory_space<vmem>>, vector<128x128xi32>
      %add3A_209 = arith.constant 2048 : i32
      %add3A_210 = arith.addi %add3A_193, %add3A_209 : i32
      %get3A_211 = arith.index_cast %add3A_210 : i32 to index
      %get3A_212 = arith.constant 0 : index
      %get3A_213 = vector.load %arg3[%get3A_211, %get3A_212] : memref<8192x128xi32, #tpu.memory_space<vmem>>, vector<128x128xi32>
      %gt3A = arith.cmpf ogt, %get3A_200, %get3A_205 : vector<128x128xf32>
      %eq3A_214 = arith.cmpf oeq, %get3A_200, %get3A_205 : vector<128x128xf32>
      %gt3A_215 = arith.cmpi sgt, %get3A_208, %get3A_213 : vector<128x128xi32>
      %and3A_216 = arith.andi %eq3A_214, %gt3A_215 : vector<128x128xi1>
      %or3A = arith.ori %gt3A, %and3A_216 : vector<128x128xi1>
      %eq3A_217 = vector.broadcast %eq3A_197 : i1 to vector<128x128xi1>
      %eq3A_218 = vector.broadcast %eq3A_217 : vector<128x128xi1> to vector<128x128xi1>
      %eq3A_219 = arith.xori %or3A, %eq3A_218 : vector<128x128xi1>
      %eq3A_220 = arith.constant dense<true> : vector<128x128xi1>
      %eq3A_221 = arith.xori %eq3A_219, %eq3A_220 : vector<128x128xi1>
      %select_n3A_222 = arith.select %eq3A_221, %get3A_205, %get3A_200 : vector<128x128xi1>, vector<128x128xf32>
      %swap3A_223 = arith.index_cast %add3A_193 : i32 to index
      %swap3A_224 = arith.constant 0 : index
      %swap3A_225 = vector.load %arg2[%swap3A_223, %swap3A_224] : memref<8192x128xf32, #tpu.memory_space<vmem>>, vector<128x128xf32>
      tpu.vector_store %arg2[%swap3A_223, %swap3A_224], %select_n3A_222 {strides = array<i32>} : memref<8192x128xf32, #tpu.memory_space<vmem>>, vector<128x128xf32>,
      %select_n3A_226 = arith.select %eq3A_221, %get3A_200, %get3A_205 : vector<128x128xi1>, vector<128x128xf32>
      %add3A_227 = arith.constant 2048 : i32
      %add3A_228 = arith.addi %add3A_193, %add3A_227 : i32
      %swap3A_229 = arith.index_cast %add3A_228 : i32 to index
      %swap3A_230 = arith.constant 0 : index
      %swap3A_231 = vector.load %arg2[%swap3A_229, %swap3A_230] : memref<8192x128xf32, #tpu.memory_space<vmem>>, vector<128x128xf32>
      tpu.vector_store %arg2[%swap3A_229, %swap3A_230], %select_n3A_226 {strides = array<i32>} : memref<8192x128xf32, #tpu.memory_space<vmem>>, vector<128x128xf32>,
      %select_n3A_232 = arith.select %eq3A_221, %get3A_213, %get3A_208 : vector<128x128xi1>, vector<128x128xi32>
      %swap3A_233 = arith.index_cast %add3A_193 : i32 to index
      %swap3A_234 = arith.constant 0 : index
      %swap3A_235 = vector.load %arg3[%swap3A_233, %swap3A_234] : memref<8192x128xi32, #tpu.memory_space<vmem>>, vector<128x128xi32>
      tpu.vector_store %arg3[%swap3A_233, %swap3A_234], %select_n3A_232 {strides = array<i32>} : memref<8192x128xi32, #tpu.memory_space<vmem>>, vector<128x128xi32>,
      %select_n3A_236 = arith.select %eq3A_221, %get3A_208, %get3A_213 : vector<128x128xi1>, vector<128x128xi32>
      %add3A_237 = arith.constant 2048 : i32
      %add3A_238 = arith.addi %add3A_193, %add3A_237 : i32
      %swap3A_239 = arith.index_cast %add3A_238 : i32 to index
      %swap3A_240 = arith.constant 0 : index
      %swap3A_241 = vector.load %arg3[%swap3A_239, %swap3A_240] : memref<8192x128xi32, #tpu.memory_space<vmem>>, vector<128x128xi32>
      tpu.vector_store %arg3[%swap3A_239, %swap3A_240], %select_n3A_236 {strides = array<i32>} : memref<8192x128xi32, #tpu.memory_space<vmem>>, vector<128x128xi32>,
    }
    %scan3A_86 = arith.constant 32 : i32
    %scan3A_87 = arith.constant 0 : i32
    %scan3A_88 = arith.constant 32 : i32
    %scan3A_89 = arith.addi %scan3A_87, %scan3A_88 : i32
    %scan3A_90 = arith.constant 1 : i32
    scf.for %scan3A_156 = %scan3A_87 to %scan3A_89 step %scan3A_90  : i32 {
      %jit3A = arith.constant 8 : i32
      %div3A = arith.divsi %scan3A_156, %jit3A : i32
      %sign3A = arith.constant 0 : i32
      %sign3A_157 = arith.cmpi sgt, %scan3A_156, %sign3A : i32
      %sign3A_158 = arith.extui %sign3A_157 : i1 to i32
      %sign3A_159 = arith.constant 0 : i32
      %sign3A_160 = arith.cmpi slt, %scan3A_156, %sign3A_159 : i32
      %sign3A_161 = arith.extui %sign3A_160 : i1 to i32
      %sign3A_162 = arith.subi %sign3A_158, %sign3A_161 : i32
      %sign3A_163 = arith.constant 0 : i32
      %sign3A_164 = arith.cmpi sgt, %jit3A, %sign3A_163 : i32
      %sign3A_165 = arith.extui %sign3A_164 : i1 to i32
      %sign3A_166 = arith.constant 0 : i32
      %sign3A_167 = arith.cmpi slt, %jit3A, %sign3A_166 : i32
      %sign3A_168 = arith.extui %sign3A_167 : i1 to i32
      %sign3A_169 = arith.subi %sign3A_165, %sign3A_168 : i32
      %ne3A = arith.cmpi ne, %sign3A_162, %sign3A_169 : i32
      %rem3A = arith.remsi %scan3A_156, %jit3A : i32
      %ne3A_170 = arith.constant 0 : i32
      %ne3A_171 = arith.cmpi ne, %rem3A, %ne3A_170 : i32
      %and3A = arith.andi %ne3A, %ne3A_171 : i1
      %sub3A = arith.constant 1 : i32
      %sub3A_172 = arith.subi %div3A, %sub3A : i32
      %select_n3A = arith.select %and3A, %sub3A_172, %div3A : i32
      %mul3A_173 = arith.constant 2 : i32
      %mul3A_174 = arith.muli %select_n3A, %mul3A_173 : i32
      %mul3A_175 = arith.constant 1024 : i32
      %mul3A_176 = arith.muli %mul3A_174, %mul3A_175 : i32
      %jit3A_177 = arith.constant 8 : i32
      %eq3A = arith.constant 0 : i32
      %eq3A_178 = arith.cmpi eq, %jit3A_177, %eq3A : i32
      %jit3A_179 = arith.constant 1 : i32
      %select_n3A_180 = arith.select %eq3A_178, %jit3A_179, %jit3A_177 : i32
      %rem3A_181 = arith.remsi %scan3A_156, %select_n3A_180 : i32
      %ne3A_182 = arith.constant 0 : i32
      %ne3A_183 = arith.cmpi ne, %rem3A_181, %ne3A_182 : i32
      %lt3A = arith.constant 0 : i32
      %lt3A_184 = arith.cmpi slt, %rem3A_181, %lt3A : i32
      %lt3A_185 = arith.constant 0 : i32
      %lt3A_186 = arith.cmpi slt, %select_n3A_180, %lt3A_185 : i32
      %ne3A_187 = arith.xori %lt3A_184, %lt3A_186 : i1
      %and3A_188 = arith.andi %ne3A_187, %ne3A_183 : i1
      %add3A_189 = arith.addi %rem3A_181, %select_n3A_180 : i32
      %select_n3A_190 = arith.select %and3A_188, %add3A_189, %rem3A_181 : i32
      %mul3A_191 = arith.constant 128 : i32
      %mul3A_192 = arith.muli %select_n3A_190, %mul3A_191 : i32
      %add3A_193 = arith.addi %mul3A_176, %mul3A_192 : i32
      %and3A_194 = arith.constant 4096 : i32
      %and3A_195 = arith.andi %add3A_193, %and3A_194 : i32
      %eq3A_196 = arith.constant 0 : i32
      %eq3A_197 = arith.cmpi eq, %and3A_195, %eq3A_196 : i32
      %get3A_198 = arith.index_cast %add3A_193 : i32 to index
      %get3A_199 = arith.constant 0 : index
      %get3A_200 = vector.load %arg2[%get3A_198, %get3A_199] : memref<8192x128xf32, #tpu.memory_space<vmem>>, vector<128x128xf32>
      %add3A_201 = arith.constant 1024 : i32
      %add3A_202 = arith.addi %add3A_193, %add3A_201 : i32
      %get3A_203 = arith.index_cast %add3A_202 : i32 to index
      %get3A_204 = arith.constant 0 : index
      %get3A_205 = vector.load %arg2[%get3A_203, %get3A_204] : memref<8192x128xf32, #tpu.memory_space<vmem>>, vector<128x128xf32>
      %get3A_206 = arith.index_cast %add3A_193 : i32 to index
      %get3A_207 = arith.constant 0 : index
      %get3A_208 = vector.load %arg3[%get3A_206, %get3A_207] : memref<8192x128xi32, #tpu.memory_space<vmem>>, vector<128x128xi32>
      %add3A_209 = arith.constant 1024 : i32
      %add3A_210 = arith.addi %add3A_193, %add3A_209 : i32
      %get3A_211 = arith.index_cast %add3A_210 : i32 to index
      %get3A_212 = arith.constant 0 : index
      %get3A_213 = vector.load %arg3[%get3A_211, %get3A_212] : memref<8192x128xi32, #tpu.memory_space<vmem>>, vector<128x128xi32>
      %gt3A = arith.cmpf ogt, %get3A_200, %get3A_205 : vector<128x128xf32>
      %eq3A_214 = arith.cmpf oeq, %get3A_200, %get3A_205 : vector<128x128xf32>
      %gt3A_215 = arith.cmpi sgt, %get3A_208, %get3A_213 : vector<128x128xi32>
      %and3A_216 = arith.andi %eq3A_214, %gt3A_215 : vector<128x128xi1>
      %or3A = arith.ori %gt3A, %and3A_216 : vector<128x128xi1>
      %eq3A_217 = vector.broadcast %eq3A_197 : i1 to vector<128x128xi1>
      %eq3A_218 = vector.broadcast %eq3A_217 : vector<128x128xi1> to vector<128x128xi1>
      %eq3A_219 = arith.xori %or3A, %eq3A_218 : vector<128x128xi1>
      %eq3A_220 = arith.constant dense<true> : vector<128x128xi1>
      %eq3A_221 = arith.xori %eq3A_219, %eq3A_220 : vector<128x128xi1>
      %select_n3A_222 = arith.select %eq3A_221, %get3A_205, %get3A_200 : vector<128x128xi1>, vector<128x128xf32>
      %swap3A_223 = arith.index_cast %add3A_193 : i32 to index
      %swap3A_224 = arith.constant 0 : index
      %swap3A_225 = vector.load %arg2[%swap3A_223, %swap3A_224] : memref<8192x128xf32, #tpu.memory_space<vmem>>, vector<128x128xf32>
      tpu.vector_store %arg2[%swap3A_223, %swap3A_224], %select_n3A_222 {strides = array<i32>} : memref<8192x128xf32, #tpu.memory_space<vmem>>, vector<128x128xf32>,
      %select_n3A_226 = arith.select %eq3A_221, %get3A_200, %get3A_205 : vector<128x128xi1>, vector<128x128xf32>
      %add3A_227 = arith.constant 1024 : i32
      %add3A_228 = arith.addi %add3A_193, %add3A_227 : i32
      %swap3A_229 = arith.index_cast %add3A_228 : i32 to index
      %swap3A_230 = arith.constant 0 : index
      %swap3A_231 = vector.load %arg2[%swap3A_229, %swap3A_230] : memref<8192x128xf32, #tpu.memory_space<vmem>>, vector<128x128xf32>
      tpu.vector_store %arg2[%swap3A_229, %swap3A_230], %select_n3A_226 {strides = array<i32>} : memref<8192x128xf32, #tpu.memory_space<vmem>>, vector<128x128xf32>,
      %select_n3A_232 = arith.select %eq3A_221, %get3A_213, %get3A_208 : vector<128x128xi1>, vector<128x128xi32>
      %swap3A_233 = arith.index_cast %add3A_193 : i32 to index
      %swap3A_234 = arith.constant 0 : index
      %swap3A_235 = vector.load %arg3[%swap3A_233, %swap3A_234] : memref<8192x128xi32, #tpu.memory_space<vmem>>, vector<128x128xi32>
      tpu.vector_store %arg3[%swap3A_233, %swap3A_234], %select_n3A_232 {strides = array<i32>} : memref<8192x128xi32, #tpu.memory_space<vmem>>, vector<128x128xi32>,
      %select_n3A_236 = arith.select %eq3A_221, %get3A_208, %get3A_213 : vector<128x128xi1>, vector<128x128xi32>
      %add3A_237 = arith.constant 1024 : i32
      %add3A_238 = arith.addi %add3A_193, %add3A_237 : i32
      %swap3A_239 = arith.index_cast %add3A_238 : i32 to index
      %swap3A_240 = arith.constant 0 : index
      %swap3A_241 = vector.load %arg3[%swap3A_239, %swap3A_240] : memref<8192x128xi32, #tpu.memory_space<vmem>>, vector<128x128xi32>
      tpu.vector_store %arg3[%swap3A_239, %swap3A_240], %select_n3A_236 {strides = array<i32>} : memref<8192x128xi32, #tpu.memory_space<vmem>>, vector<128x128xi32>,
    }
    %scan3A_91 = arith.constant 32 : i32
    %scan3A_92 = arith.constant 0 : i32
    %scan3A_93 = arith.constant 32 : i32
    %scan3A_94 = arith.addi %scan3A_92, %scan3A_93 : i32
    %scan3A_95 = arith.constant 1 : i32
    scf.for %scan3A_156 = %scan3A_92 to %scan3A_94 step %scan3A_95  : i32 {
      %jit3A = arith.constant 4 : i32
      %div3A = arith.divsi %scan3A_156, %jit3A : i32
      %sign3A = arith.constant 0 : i32
      %sign3A_157 = arith.cmpi sgt, %scan3A_156, %sign3A : i32
      %sign3A_158 = arith.extui %sign3A_157 : i1 to i32
      %sign3A_159 = arith.constant 0 : i32
      %sign3A_160 = arith.cmpi slt, %scan3A_156, %sign3A_159 : i32
      %sign3A_161 = arith.extui %sign3A_160 : i1 to i32
      %sign3A_162 = arith.subi %sign3A_158, %sign3A_161 : i32
      %sign3A_163 = arith.constant 0 : i32
      %sign3A_164 = arith.cmpi sgt, %jit3A, %sign3A_163 : i32
      %sign3A_165 = arith.extui %sign3A_164 : i1 to i32
      %sign3A_166 = arith.constant 0 : i32
      %sign3A_167 = arith.cmpi slt, %jit3A, %sign3A_166 : i32
      %sign3A_168 = arith.extui %sign3A_167 : i1 to i32
      %sign3A_169 = arith.subi %sign3A_165, %sign3A_168 : i32
      %ne3A = arith.cmpi ne, %sign3A_162, %sign3A_169 : i32
      %rem3A = arith.remsi %scan3A_156, %jit3A : i32
      %ne3A_170 = arith.constant 0 : i32
      %ne3A_171 = arith.cmpi ne, %rem3A, %ne3A_170 : i32
      %and3A = arith.andi %ne3A, %ne3A_171 : i1
      %sub3A = arith.constant 1 : i32
      %sub3A_172 = arith.subi %div3A, %sub3A : i32
      %select_n3A = arith.select %and3A, %sub3A_172, %div3A : i32
      %mul3A_173 = arith.constant 2 : i32
      %mul3A_174 = arith.muli %select_n3A, %mul3A_173 : i32
      %mul3A_175 = arith.constant 512 : i32
      %mul3A_176 = arith.muli %mul3A_174, %mul3A_175 : i32
      %jit3A_177 = arith.constant 4 : i32
      %eq3A = arith.constant 0 : i32
      %eq3A_178 = arith.cmpi eq, %jit3A_177, %eq3A : i32
      %jit3A_179 = arith.constant 1 : i32
      %select_n3A_180 = arith.select %eq3A_178, %jit3A_179, %jit3A_177 : i32
      %rem3A_181 = arith.remsi %scan3A_156, %select_n3A_180 : i32
      %ne3A_182 = arith.constant 0 : i32
      %ne3A_183 = arith.cmpi ne, %rem3A_181, %ne3A_182 : i32
      %lt3A = arith.constant 0 : i32
      %lt3A_184 = arith.cmpi slt, %rem3A_181, %lt3A : i32
      %lt3A_185 = arith.constant 0 : i32
      %lt3A_186 = arith.cmpi slt, %select_n3A_180, %lt3A_185 : i32
      %ne3A_187 = arith.xori %lt3A_184, %lt3A_186 : i1
      %and3A_188 = arith.andi %ne3A_187, %ne3A_183 : i1
      %add3A_189 = arith.addi %rem3A_181, %select_n3A_180 : i32
      %select_n3A_190 = arith.select %and3A_188, %add3A_189, %rem3A_181 : i32
      %mul3A_191 = arith.constant 128 : i32
      %mul3A_192 = arith.muli %select_n3A_190, %mul3A_191 : i32
      %add3A_193 = arith.addi %mul3A_176, %mul3A_192 : i32
      %and3A_194 = arith.constant 4096 : i32
      %and3A_195 = arith.andi %add3A_193, %and3A_194 : i32
      %eq3A_196 = arith.constant 0 : i32
      %eq3A_197 = arith.cmpi eq, %and3A_195, %eq3A_196 : i32
      %get3A_198 = arith.index_cast %add3A_193 : i32 to index
      %get3A_199 = arith.constant 0 : index
      %get3A_200 = vector.load %arg2[%get3A_198, %get3A_199] : memref<8192x128xf32, #tpu.memory_space<vmem>>, vector<128x128xf32>
      %add3A_201 = arith.constant 512 : i32
      %add3A_202 = arith.addi %add3A_193, %add3A_201 : i32
      %get3A_203 = arith.index_cast %add3A_202 : i32 to index
      %get3A_204 = arith.constant 0 : index
      %get3A_205 = vector.load %arg2[%get3A_203, %get3A_204] : memref<8192x128xf32, #tpu.memory_space<vmem>>, vector<128x128xf32>
      %get3A_206 = arith.index_cast %add3A_193 : i32 to index
      %get3A_207 = arith.constant 0 : index
      %get3A_208 = vector.load %arg3[%get3A_206, %get3A_207] : memref<8192x128xi32, #tpu.memory_space<vmem>>, vector<128x128xi32>
      %add3A_209 = arith.constant 512 : i32
      %add3A_210 = arith.addi %add3A_193, %add3A_209 : i32
      %get3A_211 = arith.index_cast %add3A_210 : i32 to index
      %get3A_212 = arith.constant 0 : index
      %get3A_213 = vector.load %arg3[%get3A_211, %get3A_212] : memref<8192x128xi32, #tpu.memory_space<vmem>>, vector<128x128xi32>
      %gt3A = arith.cmpf ogt, %get3A_200, %get3A_205 : vector<128x128xf32>
      %eq3A_214 = arith.cmpf oeq, %get3A_200, %get3A_205 : vector<128x128xf32>
      %gt3A_215 = arith.cmpi sgt, %get3A_208, %get3A_213 : vector<128x128xi32>
      %and3A_216 = arith.andi %eq3A_214, %gt3A_215 : vector<128x128xi1>
      %or3A = arith.ori %gt3A, %and3A_216 : vector<128x128xi1>
      %eq3A_217 = vector.broadcast %eq3A_197 : i1 to vector<128x128xi1>
      %eq3A_218 = vector.broadcast %eq3A_217 : vector<128x128xi1> to vector<128x128xi1>
      %eq3A_219 = arith.xori %or3A, %eq3A_218 : vector<128x128xi1>
      %eq3A_220 = arith.constant dense<true> : vector<128x128xi1>
      %eq3A_221 = arith.xori %eq3A_219, %eq3A_220 : vector<128x128xi1>
      %select_n3A_222 = arith.select %eq3A_221, %get3A_205, %get3A_200 : vector<128x128xi1>, vector<128x128xf32>
      %swap3A_223 = arith.index_cast %add3A_193 : i32 to index
      %swap3A_224 = arith.constant 0 : index
      %swap3A_225 = vector.load %arg2[%swap3A_223, %swap3A_224] : memref<8192x128xf32, #tpu.memory_space<vmem>>, vector<128x128xf32>
      tpu.vector_store %arg2[%swap3A_223, %swap3A_224], %select_n3A_222 {strides = array<i32>} : memref<8192x128xf32, #tpu.memory_space<vmem>>, vector<128x128xf32>,
      %select_n3A_226 = arith.select %eq3A_221, %get3A_200, %get3A_205 : vector<128x128xi1>, vector<128x128xf32>
      %add3A_227 = arith.constant 512 : i32
      %add3A_228 = arith.addi %add3A_193, %add3A_227 : i32
      %swap3A_229 = arith.index_cast %add3A_228 : i32 to index
      %swap3A_230 = arith.constant 0 : index
      %swap3A_231 = vector.load %arg2[%swap3A_229, %swap3A_230] : memref<8192x128xf32, #tpu.memory_space<vmem>>, vector<128x128xf32>
      tpu.vector_store %arg2[%swap3A_229, %swap3A_230], %select_n3A_226 {strides = array<i32>} : memref<8192x128xf32, #tpu.memory_space<vmem>>, vector<128x128xf32>,
      %select_n3A_232 = arith.select %eq3A_221, %get3A_213, %get3A_208 : vector<128x128xi1>, vector<128x128xi32>
      %swap3A_233 = arith.index_cast %add3A_193 : i32 to index
      %swap3A_234 = arith.constant 0 : index
      %swap3A_235 = vector.load %arg3[%swap3A_233, %swap3A_234] : memref<8192x128xi32, #tpu.memory_space<vmem>>, vector<128x128xi32>
      tpu.vector_store %arg3[%swap3A_233, %swap3A_234], %select_n3A_232 {strides = array<i32>} : memref<8192x128xi32, #tpu.memory_space<vmem>>, vector<128x128xi32>,
      %select_n3A_236 = arith.select %eq3A_221, %get3A_208, %get3A_213 : vector<128x128xi1>, vector<128x128xi32>
      %add3A_237 = arith.constant 512 : i32
      %add3A_238 = arith.addi %add3A_193, %add3A_237 : i32
      %swap3A_239 = arith.index_cast %add3A_238 : i32 to index
      %swap3A_240 = arith.constant 0 : index
      %swap3A_241 = vector.load %arg3[%swap3A_239, %swap3A_240] : memref<8192x128xi32, #tpu.memory_space<vmem>>, vector<128x128xi32>
      tpu.vector_store %arg3[%swap3A_239, %swap3A_240], %select_n3A_236 {strides = array<i32>} : memref<8192x128xi32, #tpu.memory_space<vmem>>, vector<128x128xi32>,
    }
    %scan3A_96 = arith.constant 32 : i32
    %scan3A_97 = arith.constant 0 : i32
    %scan3A_98 = arith.constant 32 : i32
    %scan3A_99 = arith.addi %scan3A_97, %scan3A_98 : i32
    %scan3A_100 = arith.constant 1 : i32
    scf.for %scan3A_156 = %scan3A_97 to %scan3A_99 step %scan3A_100  : i32 {
      %jit3A = arith.constant 2 : i32
      %div3A = arith.divsi %scan3A_156, %jit3A : i32
      %sign3A = arith.constant 0 : i32
      %sign3A_157 = arith.cmpi sgt, %scan3A_156, %sign3A : i32
      %sign3A_158 = arith.extui %sign3A_157 : i1 to i32
      %sign3A_159 = arith.constant 0 : i32
      %sign3A_160 = arith.cmpi slt, %scan3A_156, %sign3A_159 : i32
      %sign3A_161 = arith.extui %sign3A_160 : i1 to i32
      %sign3A_162 = arith.subi %sign3A_158, %sign3A_161 : i32
      %sign3A_163 = arith.constant 0 : i32
      %sign3A_164 = arith.cmpi sgt, %jit3A, %sign3A_163 : i32
      %sign3A_165 = arith.extui %sign3A_164 : i1 to i32
      %sign3A_166 = arith.constant 0 : i32
      %sign3A_167 = arith.cmpi slt, %jit3A, %sign3A_166 : i32
      %sign3A_168 = arith.extui %sign3A_167 : i1 to i32
      %sign3A_169 = arith.subi %sign3A_165, %sign3A_168 : i32
      %ne3A = arith.cmpi ne, %sign3A_162, %sign3A_169 : i32
      %rem3A = arith.remsi %scan3A_156, %jit3A : i32
      %ne3A_170 = arith.constant 0 : i32
      %ne3A_171 = arith.cmpi ne, %rem3A, %ne3A_170 : i32
      %and3A = arith.andi %ne3A, %ne3A_171 : i1
      %sub3A = arith.constant 1 : i32
      %sub3A_172 = arith.subi %div3A, %sub3A : i32
      %select_n3A = arith.select %and3A, %sub3A_172, %div3A : i32
      %mul3A_173 = arith.constant 2 : i32
      %mul3A_174 = arith.muli %select_n3A, %mul3A_173 : i32
      %mul3A_175 = arith.constant 256 : i32
      %mul3A_176 = arith.muli %mul3A_174, %mul3A_175 : i32
      %jit3A_177 = arith.constant 2 : i32
      %eq3A = arith.constant 0 : i32
      %eq3A_178 = arith.cmpi eq, %jit3A_177, %eq3A : i32
      %jit3A_179 = arith.constant 1 : i32
      %select_n3A_180 = arith.select %eq3A_178, %jit3A_179, %jit3A_177 : i32
      %rem3A_181 = arith.remsi %scan3A_156, %select_n3A_180 : i32
      %ne3A_182 = arith.constant 0 : i32
      %ne3A_183 = arith.cmpi ne, %rem3A_181, %ne3A_182 : i32
      %lt3A = arith.constant 0 : i32
      %lt3A_184 = arith.cmpi slt, %rem3A_181, %lt3A : i32
      %lt3A_185 = arith.constant 0 : i32
      %lt3A_186 = arith.cmpi slt, %select_n3A_180, %lt3A_185 : i32
      %ne3A_187 = arith.xori %lt3A_184, %lt3A_186 : i1
      %and3A_188 = arith.andi %ne3A_187, %ne3A_183 : i1
      %add3A_189 = arith.addi %rem3A_181, %select_n3A_180 : i32
      %select_n3A_190 = arith.select %and3A_188, %add3A_189, %rem3A_181 : i32
      %mul3A_191 = arith.constant 128 : i32
      %mul3A_192 = arith.muli %select_n3A_190, %mul3A_191 : i32
      %add3A_193 = arith.addi %mul3A_176, %mul3A_192 : i32
      %and3A_194 = arith.constant 4096 : i32
      %and3A_195 = arith.andi %add3A_193, %and3A_194 : i32
      %eq3A_196 = arith.constant 0 : i32
      %eq3A_197 = arith.cmpi eq, %and3A_195, %eq3A_196 : i32
      %get3A_198 = arith.index_cast %add3A_193 : i32 to index
      %get3A_199 = arith.constant 0 : index
      %get3A_200 = vector.load %arg2[%get3A_198, %get3A_199] : memref<8192x128xf32, #tpu.memory_space<vmem>>, vector<128x128xf32>
      %add3A_201 = arith.constant 256 : i32
      %add3A_202 = arith.addi %add3A_193, %add3A_201 : i32
      %get3A_203 = arith.index_cast %add3A_202 : i32 to index
      %get3A_204 = arith.constant 0 : index
      %get3A_205 = vector.load %arg2[%get3A_203, %get3A_204] : memref<8192x128xf32, #tpu.memory_space<vmem>>, vector<128x128xf32>
      %get3A_206 = arith.index_cast %add3A_193 : i32 to index
      %get3A_207 = arith.constant 0 : index
      %get3A_208 = vector.load %arg3[%get3A_206, %get3A_207] : memref<8192x128xi32, #tpu.memory_space<vmem>>, vector<128x128xi32>
      %add3A_209 = arith.constant 256 : i32
      %add3A_210 = arith.addi %add3A_193, %add3A_209 : i32
      %get3A_211 = arith.index_cast %add3A_210 : i32 to index
      %get3A_212 = arith.constant 0 : index
      %get3A_213 = vector.load %arg3[%get3A_211, %get3A_212] : memref<8192x128xi32, #tpu.memory_space<vmem>>, vector<128x128xi32>
      %gt3A = arith.cmpf ogt, %get3A_200, %get3A_205 : vector<128x128xf32>
      %eq3A_214 = arith.cmpf oeq, %get3A_200, %get3A_205 : vector<128x128xf32>
      %gt3A_215 = arith.cmpi sgt, %get3A_208, %get3A_213 : vector<128x128xi32>
      %and3A_216 = arith.andi %eq3A_214, %gt3A_215 : vector<128x128xi1>
      %or3A = arith.ori %gt3A, %and3A_216 : vector<128x128xi1>
      %eq3A_217 = vector.broadcast %eq3A_197 : i1 to vector<128x128xi1>
      %eq3A_218 = vector.broadcast %eq3A_217 : vector<128x128xi1> to vector<128x128xi1>
      %eq3A_219 = arith.xori %or3A, %eq3A_218 : vector<128x128xi1>
      %eq3A_220 = arith.constant dense<true> : vector<128x128xi1>
      %eq3A_221 = arith.xori %eq3A_219, %eq3A_220 : vector<128x128xi1>
      %select_n3A_222 = arith.select %eq3A_221, %get3A_205, %get3A_200 : vector<128x128xi1>, vector<128x128xf32>
      %swap3A_223 = arith.index_cast %add3A_193 : i32 to index
      %swap3A_224 = arith.constant 0 : index
      %swap3A_225 = vector.load %arg2[%swap3A_223, %swap3A_224] : memref<8192x128xf32, #tpu.memory_space<vmem>>, vector<128x128xf32>
      tpu.vector_store %arg2[%swap3A_223, %swap3A_224], %select_n3A_222 {strides = array<i32>} : memref<8192x128xf32, #tpu.memory_space<vmem>>, vector<128x128xf32>,
      %select_n3A_226 = arith.select %eq3A_221, %get3A_200, %get3A_205 : vector<128x128xi1>, vector<128x128xf32>
      %add3A_227 = arith.constant 256 : i32
      %add3A_228 = arith.addi %add3A_193, %add3A_227 : i32
      %swap3A_229 = arith.index_cast %add3A_228 : i32 to index
      %swap3A_230 = arith.constant 0 : index
      %swap3A_231 = vector.load %arg2[%swap3A_229, %swap3A_230] : memref<8192x128xf32, #tpu.memory_space<vmem>>, vector<128x128xf32>
      tpu.vector_store %arg2[%swap3A_229, %swap3A_230], %select_n3A_226 {strides = array<i32>} : memref<8192x128xf32, #tpu.memory_space<vmem>>, vector<128x128xf32>,
      %select_n3A_232 = arith.select %eq3A_221, %get3A_213, %get3A_208 : vector<128x128xi1>, vector<128x128xi32>
      %swap3A_233 = arith.index_cast %add3A_193 : i32 to index
      %swap3A_234 = arith.constant 0 : index
      %swap3A_235 = vector.load %arg3[%swap3A_233, %swap3A_234] : memref<8192x128xi32, #tpu.memory_space<vmem>>, vector<128x128xi32>
      tpu.vector_store %arg3[%swap3A_233, %swap3A_234], %select_n3A_232 {strides = array<i32>} : memref<8192x128xi32, #tpu.memory_space<vmem>>, vector<128x128xi32>,
      %select_n3A_236 = arith.select %eq3A_221, %get3A_208, %get3A_213 : vector<128x128xi1>, vector<128x128xi32>
      %add3A_237 = arith.constant 256 : i32
      %add3A_238 = arith.addi %add3A_193, %add3A_237 : i32
      %swap3A_239 = arith.index_cast %add3A_238 : i32 to index
      %swap3A_240 = arith.constant 0 : index
      %swap3A_241 = vector.load %arg3[%swap3A_239, %swap3A_240] : memref<8192x128xi32, #tpu.memory_space<vmem>>, vector<128x128xi32>
      tpu.vector_store %arg3[%swap3A_239, %swap3A_240], %select_n3A_236 {strides = array<i32>} : memref<8192x128xi32, #tpu.memory_space<vmem>>, vector<128x128xi32>,
    }
    %scan3A_101 = arith.constant 32 : i32
    %scan3A_102 = arith.constant 0 : i32
    %scan3A_103 = arith.constant 32 : i32
    %scan3A_104 = arith.addi %scan3A_102, %scan3A_103 : i32
    %scan3A_105 = arith.constant 1 : i32
    scf.for %scan3A_156 = %scan3A_102 to %scan3A_104 step %scan3A_105  : i32 {
      %jit3A = arith.constant 1 : i32
      %div3A = arith.divsi %scan3A_156, %jit3A : i32
      %sign3A = arith.constant 0 : i32
      %sign3A_157 = arith.cmpi sgt, %scan3A_156, %sign3A : i32
      %sign3A_158 = arith.extui %sign3A_157 : i1 to i32
      %sign3A_159 = arith.constant 0 : i32
      %sign3A_160 = arith.cmpi slt, %scan3A_156, %sign3A_159 : i32
      %sign3A_161 = arith.extui %sign3A_160 : i1 to i32
      %sign3A_162 = arith.subi %sign3A_158, %sign3A_161 : i32
      %sign3A_163 = arith.constant 0 : i32
      %sign3A_164 = arith.cmpi sgt, %jit3A, %sign3A_163 : i32
      %sign3A_165 = arith.extui %sign3A_164 : i1 to i32
      %sign3A_166 = arith.constant 0 : i32
      %sign3A_167 = arith.cmpi slt, %jit3A, %sign3A_166 : i32
      %sign3A_168 = arith.extui %sign3A_167 : i1 to i32
      %sign3A_169 = arith.subi %sign3A_165, %sign3A_168 : i32
      %ne3A = arith.cmpi ne, %sign3A_162, %sign3A_169 : i32
      %rem3A = arith.remsi %scan3A_156, %jit3A : i32
      %ne3A_170 = arith.constant 0 : i32
      %ne3A_171 = arith.cmpi ne, %rem3A, %ne3A_170 : i32
      %and3A = arith.andi %ne3A, %ne3A_171 : i1
      %sub3A = arith.constant 1 : i32
      %sub3A_172 = arith.subi %div3A, %sub3A : i32
      %select_n3A = arith.select %and3A, %sub3A_172, %div3A : i32
      %mul3A_173 = arith.constant 2 : i32
      %mul3A_174 = arith.muli %select_n3A, %mul3A_173 : i32
      %mul3A_175 = arith.constant 128 : i32
      %mul3A_176 = arith.muli %mul3A_174, %mul3A_175 : i32
      %jit3A_177 = arith.constant 1 : i32
      %eq3A = arith.constant 0 : i32
      %eq3A_178 = arith.cmpi eq, %jit3A_177, %eq3A : i32
      %jit3A_179 = arith.constant 1 : i32
      %select_n3A_180 = arith.select %eq3A_178, %jit3A_179, %jit3A_177 : i32
      %rem3A_181 = arith.remsi %scan3A_156, %select_n3A_180 : i32
      %ne3A_182 = arith.constant 0 : i32
      %ne3A_183 = arith.cmpi ne, %rem3A_181, %ne3A_182 : i32
      %lt3A = arith.constant 0 : i32
      %lt3A_184 = arith.cmpi slt, %rem3A_181, %lt3A : i32
      %lt3A_185 = arith.constant 0 : i32
      %lt3A_186 = arith.cmpi slt, %select_n3A_180, %lt3A_185 : i32
      %ne3A_187 = arith.xori %lt3A_184, %lt3A_186 : i1
      %and3A_188 = arith.andi %ne3A_187, %ne3A_183 : i1
      %add3A_189 = arith.addi %rem3A_181, %select_n3A_180 : i32
      %select_n3A_190 = arith.select %and3A_188, %add3A_189, %rem3A_181 : i32
      %mul3A_191 = arith.constant 128 : i32
      %mul3A_192 = arith.muli %select_n3A_190, %mul3A_191 : i32
      %add3A_193 = arith.addi %mul3A_176, %mul3A_192 : i32
      %and3A_194 = arith.constant 4096 : i32
      %and3A_195 = arith.andi %add3A_193, %and3A_194 : i32
      %eq3A_196 = arith.constant 0 : i32
      %eq3A_197 = arith.cmpi eq, %and3A_195, %eq3A_196 : i32
      %get3A_198 = arith.index_cast %add3A_193 : i32 to index
      %get3A_199 = arith.constant 0 : index
      %get3A_200 = vector.load %arg2[%get3A_198, %get3A_199] : memref<8192x128xf32, #tpu.memory_space<vmem>>, vector<128x128xf32>
      %add3A_201 = arith.constant 128 : i32
      %add3A_202 = arith.addi %add3A_193, %add3A_201 : i32
      %get3A_203 = arith.index_cast %add3A_202 : i32 to index
      %get3A_204 = arith.constant 0 : index
      %get3A_205 = vector.load %arg2[%get3A_203, %get3A_204] : memref<8192x128xf32, #tpu.memory_space<vmem>>, vector<128x128xf32>
      %get3A_206 = arith.index_cast %add3A_193 : i32 to index
      %get3A_207 = arith.constant 0 : index
      %get3A_208 = vector.load %arg3[%get3A_206, %get3A_207] : memref<8192x128xi32, #tpu.memory_space<vmem>>, vector<128x128xi32>
      %add3A_209 = arith.constant 128 : i32
      %add3A_210 = arith.addi %add3A_193, %add3A_209 : i32
      %get3A_211 = arith.index_cast %add3A_210 : i32 to index
      %get3A_212 = arith.constant 0 : index
      %get3A_213 = vector.load %arg3[%get3A_211, %get3A_212] : memref<8192x128xi32, #tpu.memory_space<vmem>>, vector<128x128xi32>
      %gt3A = arith.cmpf ogt, %get3A_200, %get3A_205 : vector<128x128xf32>
      %eq3A_214 = arith.cmpf oeq, %get3A_200, %get3A_205 : vector<128x128xf32>
      %gt3A_215 = arith.cmpi sgt, %get3A_208, %get3A_213 : vector<128x128xi32>
      %and3A_216 = arith.andi %eq3A_214, %gt3A_215 : vector<128x128xi1>
      %or3A = arith.ori %gt3A, %and3A_216 : vector<128x128xi1>
      %eq3A_217 = vector.broadcast %eq3A_197 : i1 to vector<128x128xi1>
      %eq3A_218 = vector.broadcast %eq3A_217 : vector<128x128xi1> to vector<128x128xi1>
      %eq3A_219 = arith.xori %or3A, %eq3A_218 : vector<128x128xi1>
      %eq3A_220 = arith.constant dense<true> : vector<128x128xi1>
      %eq3A_221 = arith.xori %eq3A_219, %eq3A_220 : vector<128x128xi1>
      %select_n3A_222 = arith.select %eq3A_221, %get3A_205, %get3A_200 : vector<128x128xi1>, vector<128x128xf32>
      %swap3A_223 = arith.index_cast %add3A_193 : i32 to index
      %swap3A_224 = arith.constant 0 : index
      %swap3A_225 = vector.load %arg2[%swap3A_223, %swap3A_224] : memref<8192x128xf32, #tpu.memory_space<vmem>>, vector<128x128xf32>
      tpu.vector_store %arg2[%swap3A_223, %swap3A_224], %select_n3A_222 {strides = array<i32>} : memref<8192x128xf32, #tpu.memory_space<vmem>>, vector<128x128xf32>,
      %select_n3A_226 = arith.select %eq3A_221, %get3A_200, %get3A_205 : vector<128x128xi1>, vector<128x128xf32>
      %add3A_227 = arith.constant 128 : i32
      %add3A_228 = arith.addi %add3A_193, %add3A_227 : i32
      %swap3A_229 = arith.index_cast %add3A_228 : i32 to index
      %swap3A_230 = arith.constant 0 : index
      %swap3A_231 = vector.load %arg2[%swap3A_229, %swap3A_230] : memref<8192x128xf32, #tpu.memory_space<vmem>>, vector<128x128xf32>
      tpu.vector_store %arg2[%swap3A_229, %swap3A_230], %select_n3A_226 {strides = array<i32>} : memref<8192x128xf32, #tpu.memory_space<vmem>>, vector<128x128xf32>,
      %select_n3A_232 = arith.select %eq3A_221, %get3A_213, %get3A_208 : vector<128x128xi1>, vector<128x128xi32>
      %swap3A_233 = arith.index_cast %add3A_193 : i32 to index
      %swap3A_234 = arith.constant 0 : index
      %swap3A_235 = vector.load %arg3[%swap3A_233, %swap3A_234] : memref<8192x128xi32, #tpu.memory_space<vmem>>, vector<128x128xi32>
      tpu.vector_store %arg3[%swap3A_233, %swap3A_234], %select_n3A_232 {strides = array<i32>} : memref<8192x128xi32, #tpu.memory_space<vmem>>, vector<128x128xi32>,
      %select_n3A_236 = arith.select %eq3A_221, %get3A_208, %get3A_213 : vector<128x128xi1>, vector<128x128xi32>
      %add3A_237 = arith.constant 128 : i32
      %add3A_238 = arith.addi %add3A_193, %add3A_237 : i32
      %swap3A_239 = arith.index_cast %add3A_238 : i32 to index
      %swap3A_240 = arith.constant 0 : index
      %swap3A_241 = vector.load %arg3[%swap3A_239, %swap3A_240] : memref<8192x128xi32, #tpu.memory_space<vmem>>, vector<128x128xi32>
      tpu.vector_store %arg3[%swap3A_239, %swap3A_240], %select_n3A_236 {strides = array<i32>} : memref<8192x128xi32, #tpu.memory_space<vmem>>, vector<128x128xi32>,
    }
    %scan3A_106 = arith.constant 32 : i32
    %scan3A_107 = arith.constant 0 : i32
    %scan3A_108 = arith.constant 64 : i32
    %scan3A_109 = arith.addi %scan3A_107, %scan3A_108 : i32
    %scan3A_110 = arith.constant 1 : i32
    scf.for %scan3A_156 = %scan3A_107 to %scan3A_109 step %scan3A_110  : i32 {
      %mul3A_157 = arith.constant 128 : i32
      %mul3A_158 = arith.muli %scan3A_156, %mul3A_157 : i32
      %get3A_159 = arith.index_cast %mul3A_158 : i32 to index
      %get3A_160 = arith.constant 0 : index
      %get3A_161 = vector.load %arg2[%get3A_159, %get3A_160] : memref<8192x128xf32, #tpu.memory_space<vmem>>, vector<128x128xf32>
      %get3A_162 = arith.index_cast %mul3A_158 : i32 to index
      %get3A_163 = arith.constant 0 : index
      %get3A_164 = vector.load %arg3[%get3A_162, %get3A_163] : memref<8192x128xi32, #tpu.memory_space<vmem>>, vector<128x128xi32>
      %add3A_165 = vector.broadcast %mul3A_158 : i32 to vector<128x1xi32>
      %add3A_166 = arith.addi %iota3A_7, %add3A_165 : vector<128x1xi32>
      %and3A = arith.constant 4096 : i32
      %and3A_167 = vector.broadcast %and3A : i32 to vector<128x1xi32>
      %and3A_168 = arith.andi %add3A_166, %and3A_167 : vector<128x1xi32>
      %eq3A = arith.constant 0 : i32
      %eq3A_169 = vector.broadcast %eq3A : i32 to vector<128x1xi32>
      %eq3A_170 = arith.cmpi eq, %and3A_168, %eq3A_169 : vector<128x1xi32>
      %and3A_171 = arith.constant 64 : i32
      %and3A_172 = vector.broadcast %and3A_171 : i32 to vector<128x1xi32>
      %and3A_173 = arith.andi %iota3A_7, %and3A_172 : vector<128x1xi32>
      %ne3A = arith.constant 0 : i32
      %ne3A_174 = vector.broadcast %ne3A : i32 to vector<128x1xi32>
      %ne3A_175 = arith.cmpi ne, %and3A_173, %ne3A_174 : vector<128x1xi32>
      %slice3A = vector.extract_strided_slice %get3A_161 {offsets = [64, 0], sizes = [64, 128], strides = [1, 1]} : vector<128x128xf32> to vector<64x128xf32>
      %slice3A_176 = vector.extract_strided_slice %get3A_161 {offsets = [0, 0], sizes = [64, 128], strides = [1, 1]} : vector<128x128xf32> to vector<64x128xf32>
      %concatenate3A = tpu.concatenate %slice3A, %slice3A_176 in 0 : vector<64x128xf32>, vector<64x128xf32> -> vector<128x128xf32>
      %slice3A_177 = vector.extract_strided_slice %get3A_161 {offsets = [64, 0], sizes = [64, 128], strides = [1, 1]} : vector<128x128xf32> to vector<64x128xf32>
      %slice3A_178 = vector.extract_strided_slice %get3A_161 {offsets = [0, 0], sizes = [64, 128], strides = [1, 1]} : vector<128x128xf32> to vector<64x128xf32>
      %concatenate3A_179 = tpu.concatenate %slice3A_177, %slice3A_178 in 0 : vector<64x128xf32>, vector<64x128xf32> -> vector<128x128xf32>
      %broadcast_in_dim3A = vector.shape_cast %ne3A_175 : vector<128x1xi1> to vector<128x1xi1>
      %broadcast_in_dim3A_180 = vector.broadcast %broadcast_in_dim3A : vector<128x1xi1> to vector<128x128xi1>
      %select_n3A = arith.select %broadcast_in_dim3A_180, %concatenate3A, %concatenate3A_179 : vector<128x128xi1>, vector<128x128xf32>
      %slice3A_181 = vector.extract_strided_slice %get3A_164 {offsets = [64, 0], sizes = [64, 128], strides = [1, 1]} : vector<128x128xi32> to vector<64x128xi32>
      %slice3A_182 = vector.extract_strided_slice %get3A_164 {offsets = [0, 0], sizes = [64, 128], strides = [1, 1]} : vector<128x128xi32> to vector<64x128xi32>
      %concatenate3A_183 = tpu.concatenate %slice3A_181, %slice3A_182 in 0 : vector<64x128xi32>, vector<64x128xi32> -> vector<128x128xi32>
      %slice3A_184 = vector.extract_strided_slice %get3A_164 {offsets = [64, 0], sizes = [64, 128], strides = [1, 1]} : vector<128x128xi32> to vector<64x128xi32>
      %slice3A_185 = vector.extract_strided_slice %get3A_164 {offsets = [0, 0], sizes = [64, 128], strides = [1, 1]} : vector<128x128xi32> to vector<64x128xi32>
      %concatenate3A_186 = tpu.concatenate %slice3A_184, %slice3A_185 in 0 : vector<64x128xi32>, vector<64x128xi32> -> vector<128x128xi32>
      %broadcast_in_dim3A_187 = vector.shape_cast %ne3A_175 : vector<128x1xi1> to vector<128x1xi1>
      %broadcast_in_dim3A_188 = vector.broadcast %broadcast_in_dim3A_187 : vector<128x1xi1> to vector<128x128xi1>
      %select_n3A_189 = arith.select %broadcast_in_dim3A_188, %concatenate3A_183, %concatenate3A_186 : vector<128x128xi1>, vector<128x128xi32>
      %gt3A = arith.cmpf ogt, %get3A_161, %select_n3A : vector<128x128xf32>
      %eq3A_190 = arith.cmpf oeq, %get3A_161, %select_n3A : vector<128x128xf32>
      %gt3A_191 = arith.cmpi sgt, %get3A_164, %select_n3A_189 : vector<128x128xi32>
      %and3A_192 = arith.andi %eq3A_190, %gt3A_191 : vector<128x128xi1>
      %or3A = arith.ori %gt3A, %and3A_192 : vector<128x128xi1>
      %eq3A_193 = arith.xori %ne3A_175, %eq3A_170 : vector<128x1xi1>
      %eq3A_194 = arith.constant dense<true> : vector<128x1xi1>
      %eq3A_195 = arith.xori %eq3A_193, %eq3A_194 : vector<128x1xi1>
      %xor3A = vector.broadcast %eq3A_195 : vector<128x1xi1> to vector<128x128xi1>
      %xor3A_196 = arith.xori %or3A, %xor3A : vector<128x128xi1>
      %select_n3A_197 = arith.select %xor3A_196, %select_n3A, %get3A_161 : vector<128x128xi1>, vector<128x128xf32>
      %select_n3A_198 = arith.select %xor3A_196, %select_n3A_189, %get3A_164 : vector<128x128xi1>, vector<128x128xi32>
      %and3A_199 = arith.constant 32 : i32
      %and3A_200 = vector.broadcast %and3A_199 : i32 to vector<128x1xi32>
      %and3A_201 = arith.andi %iota3A_7, %and3A_200 : vector<128x1xi32>
      %ne3A_202 = arith.constant 0 : i32
      %ne3A_203 = vector.broadcast %ne3A_202 : i32 to vector<128x1xi32>
      %ne3A_204 = arith.cmpi ne, %and3A_201, %ne3A_203 : vector<128x1xi32>
      %slice3A_205 = vector.extract_strided_slice %select_n3A_197 {offsets = [96, 0], sizes = [32, 128], strides = [1, 1]} : vector<128x128xf32> to vector<32x128xf32>
      %slice3A_206 = vector.extract_strided_slice %select_n3A_197 {offsets = [0, 0], sizes = [96, 128], strides = [1, 1]} : vector<128x128xf32> to vector<96x128xf32>
      %concatenate3A_207 = tpu.concatenate %slice3A_205, %slice3A_206 in 0 : vector<32x128xf32>, vector<96x128xf32> -> vector<128x128xf32>
      %slice3A_208 = vector.extract_strided_slice %select_n3A_197 {offsets = [32, 0], sizes = [96, 128], strides = [1, 1]} : vector<128x128xf32> to vector<96x128xf32>
      %slice3A_209 = vector.extract_strided_slice %select_n3A_197 {offsets = [0, 0], sizes = [32, 128], strides = [1, 1]} : vector<128x128xf32> to vector<32x128xf32>
      %concatenate3A_210 = tpu.concatenate %slice3A_208, %slice3A_209 in 0 : vector<96x128xf32>, vector<32x128xf32> -> vector<128x128xf32>
      %broadcast_in_dim3A_211 = vector.shape_cast %ne3A_204 : vector<128x1xi1> to vector<128x1xi1>
      %broadcast_in_dim3A_212 = vector.broadcast %broadcast_in_dim3A_211 : vector<128x1xi1> to vector<128x128xi1>
      %select_n3A_213 = arith.select %broadcast_in_dim3A_212, %concatenate3A_207, %concatenate3A_210 : vector<128x128xi1>, vector<128x128xf32>
      %slice3A_214 = vector.extract_strided_slice %select_n3A_198 {offsets = [96, 0], sizes = [32, 128], strides = [1, 1]} : vector<128x128xi32> to vector<32x128xi32>
      %slice3A_215 = vector.extract_strided_slice %select_n3A_198 {offsets = [0, 0], sizes = [96, 128], strides = [1, 1]} : vector<128x128xi32> to vector<96x128xi32>
      %concatenate3A_216 = tpu.concatenate %slice3A_214, %slice3A_215 in 0 : vector<32x128xi32>, vector<96x128xi32> -> vector<128x128xi32>
      %slice3A_217 = vector.extract_strided_slice %select_n3A_198 {offsets = [32, 0], sizes = [96, 128], strides = [1, 1]} : vector<128x128xi32> to vector<96x128xi32>
      %slice3A_218 = vector.extract_strided_slice %select_n3A_198 {offsets = [0, 0], sizes = [32, 128], strides = [1, 1]} : vector<128x128xi32> to vector<32x128xi32>
      %concatenate3A_219 = tpu.concatenate %slice3A_217, %slice3A_218 in 0 : vector<96x128xi32>, vector<32x128xi32> -> vector<128x128xi32>
      %broadcast_in_dim3A_220 = vector.shape_cast %ne3A_204 : vector<128x1xi1> to vector<128x1xi1>
      %broadcast_in_dim3A_221 = vector.broadcast %broadcast_in_dim3A_220 : vector<128x1xi1> to vector<128x128xi1>
      %select_n3A_222 = arith.select %broadcast_in_dim3A_221, %concatenate3A_216, %concatenate3A_219 : vector<128x128xi1>, vector<128x128xi32>
      %gt3A_223 = arith.cmpf ogt, %select_n3A_197, %select_n3A_213 : vector<128x128xf32>
      %eq3A_224 = arith.cmpf oeq, %select_n3A_197, %select_n3A_213 : vector<128x128xf32>
      %gt3A_225 = arith.cmpi sgt, %select_n3A_198, %select_n3A_222 : vector<128x128xi32>
      %and3A_226 = arith.andi %eq3A_224, %gt3A_225 : vector<128x128xi1>
      %or3A_227 = arith.ori %gt3A_223, %and3A_226 : vector<128x128xi1>
      %eq3A_228 = arith.xori %ne3A_204, %eq3A_170 : vector<128x1xi1>
      %eq3A_229 = arith.constant dense<true> : vector<128x1xi1>
      %eq3A_230 = arith.xori %eq3A_228, %eq3A_229 : vector<128x1xi1>
      %xor3A_231 = vector.broadcast %eq3A_230 : vector<128x1xi1> to vector<128x128xi1>
      %xor3A_232 = arith.xori %or3A_227, %xor3A_231 : vector<128x128xi1>
      %select_n3A_233 = arith.select %xor3A_232, %select_n3A_213, %select_n3A_197 : vector<128x128xi1>, vector<128x128xf32>
      %select_n3A_234 = arith.select %xor3A_232, %select_n3A_222, %select_n3A_198 : vector<128x128xi1>, vector<128x128xi32>
      %and3A_235 = arith.constant 16 : i32
      %and3A_236 = vector.broadcast %and3A_235 : i32 to vector<128x1xi32>
      %and3A_237 = arith.andi %iota3A_7, %and3A_236 : vector<128x1xi32>
      %ne3A_238 = arith.constant 0 : i32
      %ne3A_239 = vector.broadcast %ne3A_238 : i32 to vector<128x1xi32>
      %ne3A_240 = arith.cmpi ne, %and3A_237, %ne3A_239 : vector<128x1xi32>
      %slice3A_241 = vector.extract_strided_slice %select_n3A_233 {offsets = [112, 0], sizes = [16, 128], strides = [1, 1]} : vector<128x128xf32> to vector<16x128xf32>
      %slice3A_242 = vector.extract_strided_slice %select_n3A_233 {offsets = [0, 0], sizes = [112, 128], strides = [1, 1]} : vector<128x128xf32> to vector<112x128xf32>
      %concatenate3A_243 = tpu.concatenate %slice3A_241, %slice3A_242 in 0 : vector<16x128xf32>, vector<112x128xf32> -> vector<128x128xf32>
      %slice3A_244 = vector.extract_strided_slice %select_n3A_233 {offsets = [16, 0], sizes = [112, 128], strides = [1, 1]} : vector<128x128xf32> to vector<112x128xf32>
      %slice3A_245 = vector.extract_strided_slice %select_n3A_233 {offsets = [0, 0], sizes = [16, 128], strides = [1, 1]} : vector<128x128xf32> to vector<16x128xf32>
      %concatenate3A_246 = tpu.concatenate %slice3A_244, %slice3A_245 in 0 : vector<112x128xf32>, vector<16x128xf32> -> vector<128x128xf32>
      %broadcast_in_dim3A_247 = vector.shape_cast %ne3A_240 : vector<128x1xi1> to vector<128x1xi1>
      %broadcast_in_dim3A_248 = vector.broadcast %broadcast_in_dim3A_247 : vector<128x1xi1> to vector<128x128xi1>
      %select_n3A_249 = arith.select %broadcast_in_dim3A_248, %concatenate3A_243, %concatenate3A_246 : vector<128x128xi1>, vector<128x128xf32>
      %slice3A_250 = vector.extract_strided_slice %select_n3A_234 {offsets = [112, 0], sizes = [16, 128], strides = [1, 1]} : vector<128x128xi32> to vector<16x128xi32>
      %slice3A_251 = vector.extract_strided_slice %select_n3A_234 {offsets = [0, 0], sizes = [112, 128], strides = [1, 1]} : vector<128x128xi32> to vector<112x128xi32>
      %concatenate3A_252 = tpu.concatenate %slice3A_250, %slice3A_251 in 0 : vector<16x128xi32>, vector<112x128xi32> -> vector<128x128xi32>
      %slice3A_253 = vector.extract_strided_slice %select_n3A_234 {offsets = [16, 0], sizes = [112, 128], strides = [1, 1]} : vector<128x128xi32> to vector<112x128xi32>
      %slice3A_254 = vector.extract_strided_slice %select_n3A_234 {offsets = [0, 0], sizes = [16, 128], strides = [1, 1]} : vector<128x128xi32> to vector<16x128xi32>
      %concatenate3A_255 = tpu.concatenate %slice3A_253, %slice3A_254 in 0 : vector<112x128xi32>, vector<16x128xi32> -> vector<128x128xi32>
      %broadcast_in_dim3A_256 = vector.shape_cast %ne3A_240 : vector<128x1xi1> to vector<128x1xi1>
      %broadcast_in_dim3A_257 = vector.broadcast %broadcast_in_dim3A_256 : vector<128x1xi1> to vector<128x128xi1>
      %select_n3A_258 = arith.select %broadcast_in_dim3A_257, %concatenate3A_252, %concatenate3A_255 : vector<128x128xi1>, vector<128x128xi32>
      %gt3A_259 = arith.cmpf ogt, %select_n3A_233, %select_n3A_249 : vector<128x128xf32>
      %eq3A_260 = arith.cmpf oeq, %select_n3A_233, %select_n3A_249 : vector<128x128xf32>
      %gt3A_261 = arith.cmpi sgt, %select_n3A_234, %select_n3A_258 : vector<128x128xi32>
      %and3A_262 = arith.andi %eq3A_260, %gt3A_261 : vector<128x128xi1>
      %or3A_263 = arith.ori %gt3A_259, %and3A_262 : vector<128x128xi1>
      %eq3A_264 = arith.xori %ne3A_240, %eq3A_170 : vector<128x1xi1>
      %eq3A_265 = arith.constant dense<true> : vector<128x1xi1>
      %eq3A_266 = arith.xori %eq3A_264, %eq3A_265 : vector<128x1xi1>
      %xor3A_267 = vector.broadcast %eq3A_266 : vector<128x1xi1> to vector<128x128xi1>
      %xor3A_268 = arith.xori %or3A_263, %xor3A_267 : vector<128x128xi1>
      %select_n3A_269 = arith.select %xor3A_268, %select_n3A_249, %select_n3A_233 : vector<128x128xi1>, vector<128x128xf32>
      %select_n3A_270 = arith.select %xor3A_268, %select_n3A_258, %select_n3A_234 : vector<128x128xi1>, vector<128x128xi32>
      %and3A_271 = arith.constant 8 : i32
      %and3A_272 = vector.broadcast %and3A_271 : i32 to vector<128x1xi32>
      %and3A_273 = arith.andi %iota3A_7, %and3A_272 : vector<128x1xi32>
      %ne3A_274 = arith.constant 0 : i32
      %ne3A_275 = vector.broadcast %ne3A_274 : i32 to vector<128x1xi32>
      %ne3A_276 = arith.cmpi ne, %and3A_273, %ne3A_275 : vector<128x1xi32>
      %slice3A_277 = vector.extract_strided_slice %select_n3A_269 {offsets = [120, 0], sizes = [8, 128], strides = [1, 1]} : vector<128x128xf32> to vector<8x128xf32>
      %slice3A_278 = vector.extract_strided_slice %select_n3A_269 {offsets = [0, 0], sizes = [120, 128], strides = [1, 1]} : vector<128x128xf32> to vector<120x128xf32>
      %concatenate3A_279 = tpu.concatenate %slice3A_277, %slice3A_278 in 0 : vector<8x128xf32>, vector<120x128xf32> -> vector<128x128xf32>
      %slice3A_280 = vector.extract_strided_slice %select_n3A_269 {offsets = [8, 0], sizes = [120, 128], strides = [1, 1]} : vector<128x128xf32> to vector<120x128xf32>
      %slice3A_281 = vector.extract_strided_slice %select_n3A_269 {offsets = [0, 0], sizes = [8, 128], strides = [1, 1]} : vector<128x128xf32> to vector<8x128xf32>
      %concatenate3A_282 = tpu.concatenate %slice3A_280, %slice3A_281 in 0 : vector<120x128xf32>, vector<8x128xf32> -> vector<128x128xf32>
      %broadcast_in_dim3A_283 = vector.shape_cast %ne3A_276 : vector<128x1xi1> to vector<128x1xi1>
      %broadcast_in_dim3A_284 = vector.broadcast %broadcast_in_dim3A_283 : vector<128x1xi1> to vector<128x128xi1>
      %select_n3A_285 = arith.select %broadcast_in_dim3A_284, %concatenate3A_279, %concatenate3A_282 : vector<128x128xi1>, vector<128x128xf32>
      %slice3A_286 = vector.extract_strided_slice %select_n3A_270 {offsets = [120, 0], sizes = [8, 128], strides = [1, 1]} : vector<128x128xi32> to vector<8x128xi32>
      %slice3A_287 = vector.extract_strided_slice %select_n3A_270 {offsets = [0, 0], sizes = [120, 128], strides = [1, 1]} : vector<128x128xi32> to vector<120x128xi32>
      %concatenate3A_288 = tpu.concatenate %slice3A_286, %slice3A_287 in 0 : vector<8x128xi32>, vector<120x128xi32> -> vector<128x128xi32>
      %slice3A_289 = vector.extract_strided_slice %select_n3A_270 {offsets = [8, 0], sizes = [120, 128], strides = [1, 1]} : vector<128x128xi32> to vector<120x128xi32>
      %slice3A_290 = vector.extract_strided_slice %select_n3A_270 {offsets = [0, 0], sizes = [8, 128], strides = [1, 1]} : vector<128x128xi32> to vector<8x128xi32>
      %concatenate3A_291 = tpu.concatenate %slice3A_289, %slice3A_290 in 0 : vector<120x128xi32>, vector<8x128xi32> -> vector<128x128xi32>
      %broadcast_in_dim3A_292 = vector.shape_cast %ne3A_276 : vector<128x1xi1> to vector<128x1xi1>
      %broadcast_in_dim3A_293 = vector.broadcast %broadcast_in_dim3A_292 : vector<128x1xi1> to vector<128x128xi1>
      %select_n3A_294 = arith.select %broadcast_in_dim3A_293, %concatenate3A_288, %concatenate3A_291 : vector<128x128xi1>, vector<128x128xi32>
      %gt3A_295 = arith.cmpf ogt, %select_n3A_269, %select_n3A_285 : vector<128x128xf32>
      %eq3A_296 = arith.cmpf oeq, %select_n3A_269, %select_n3A_285 : vector<128x128xf32>
      %gt3A_297 = arith.cmpi sgt, %select_n3A_270, %select_n3A_294 : vector<128x128xi32>
      %and3A_298 = arith.andi %eq3A_296, %gt3A_297 : vector<128x128xi1>
      %or3A_299 = arith.ori %gt3A_295, %and3A_298 : vector<128x128xi1>
      %eq3A_300 = arith.xori %ne3A_276, %eq3A_170 : vector<128x1xi1>
      %eq3A_301 = arith.constant dense<true> : vector<128x1xi1>
      %eq3A_302 = arith.xori %eq3A_300, %eq3A_301 : vector<128x1xi1>
      %xor3A_303 = vector.broadcast %eq3A_302 : vector<128x1xi1> to vector<128x128xi1>
      %xor3A_304 = arith.xori %or3A_299, %xor3A_303 : vector<128x128xi1>
      %select_n3A_305 = arith.select %xor3A_304, %select_n3A_285, %select_n3A_269 : vector<128x128xi1>, vector<128x128xf32>
      %select_n3A_306 = arith.select %xor3A_304, %select_n3A_294, %select_n3A_270 : vector<128x128xi1>, vector<128x128xi32>
      %and3A_307 = arith.constant 4 : i32
      %and3A_308 = vector.broadcast %and3A_307 : i32 to vector<128x1xi32>
      %and3A_309 = arith.andi %iota3A_7, %and3A_308 : vector<128x1xi32>
      %ne3A_310 = arith.constant 0 : i32
      %ne3A_311 = vector.broadcast %ne3A_310 : i32 to vector<128x1xi32>
      %ne3A_312 = arith.cmpi ne, %and3A_309, %ne3A_311 : vector<128x1xi32>
      %slice3A_313 = vector.extract_strided_slice %select_n3A_305 {offsets = [124, 0], sizes = [4, 128], strides = [1, 1]} : vector<128x128xf32> to vector<4x128xf32>
      %slice3A_314 = vector.extract_strided_slice %select_n3A_305 {offsets = [0, 0], sizes = [124, 128], strides = [1, 1]} : vector<128x128xf32> to vector<124x128xf32>
      %concatenate3A_315 = tpu.concatenate %slice3A_313, %slice3A_314 in 0 : vector<4x128xf32>, vector<124x128xf32> -> vector<128x128xf32>
      %slice3A_316 = vector.extract_strided_slice %select_n3A_305 {offsets = [4, 0], sizes = [124, 128], strides = [1, 1]} : vector<128x128xf32> to vector<124x128xf32>
      %slice3A_317 = vector.extract_strided_slice %select_n3A_305 {offsets = [0, 0], sizes = [4, 128], strides = [1, 1]} : vector<128x128xf32> to vector<4x128xf32>
      %concatenate3A_318 = tpu.concatenate %slice3A_316, %slice3A_317 in 0 : vector<124x128xf32>, vector<4x128xf32> -> vector<128x128xf32>
      %broadcast_in_dim3A_319 = vector.shape_cast %ne3A_312 : vector<128x1xi1> to vector<128x1xi1>
      %broadcast_in_dim3A_320 = vector.broadcast %broadcast_in_dim3A_319 : vector<128x1xi1> to vector<128x128xi1>
      %select_n3A_321 = arith.select %broadcast_in_dim3A_320, %concatenate3A_315, %concatenate3A_318 : vector<128x128xi1>, vector<128x128xf32>
      %slice3A_322 = vector.extract_strided_slice %select_n3A_306 {offsets = [124, 0], sizes = [4, 128], strides = [1, 1]} : vector<128x128xi32> to vector<4x128xi32>
      %slice3A_323 = vector.extract_strided_slice %select_n3A_306 {offsets = [0, 0], sizes = [124, 128], strides = [1, 1]} : vector<128x128xi32> to vector<124x128xi32>
      %concatenate3A_324 = tpu.concatenate %slice3A_322, %slice3A_323 in 0 : vector<4x128xi32>, vector<124x128xi32> -> vector<128x128xi32>
      %slice3A_325 = vector.extract_strided_slice %select_n3A_306 {offsets = [4, 0], sizes = [124, 128], strides = [1, 1]} : vector<128x128xi32> to vector<124x128xi32>
      %slice3A_326 = vector.extract_strided_slice %select_n3A_306 {offsets = [0, 0], sizes = [4, 128], strides = [1, 1]} : vector<128x128xi32> to vector<4x128xi32>
      %concatenate3A_327 = tpu.concatenate %slice3A_325, %slice3A_326 in 0 : vector<124x128xi32>, vector<4x128xi32> -> vector<128x128xi32>
      %broadcast_in_dim3A_328 = vector.shape_cast %ne3A_312 : vector<128x1xi1> to vector<128x1xi1>
      %broadcast_in_dim3A_329 = vector.broadcast %broadcast_in_dim3A_328 : vector<128x1xi1> to vector<128x128xi1>
      %select_n3A_330 = arith.select %broadcast_in_dim3A_329, %concatenate3A_324, %concatenate3A_327 : vector<128x128xi1>, vector<128x128xi32>
      %gt3A_331 = arith.cmpf ogt, %select_n3A_305, %select_n3A_321 : vector<128x128xf32>
      %eq3A_332 = arith.cmpf oeq, %select_n3A_305, %select_n3A_321 : vector<128x128xf32>
      %gt3A_333 = arith.cmpi sgt, %select_n3A_306, %select_n3A_330 : vector<128x128xi32>
      %and3A_334 = arith.andi %eq3A_332, %gt3A_333 : vector<128x128xi1>
      %or3A_335 = arith.ori %gt3A_331, %and3A_334 : vector<128x128xi1>
      %eq3A_336 = arith.xori %ne3A_312, %eq3A_170 : vector<128x1xi1>
      %eq3A_337 = arith.constant dense<true> : vector<128x1xi1>
      %eq3A_338 = arith.xori %eq3A_336, %eq3A_337 : vector<128x1xi1>
      %xor3A_339 = vector.broadcast %eq3A_338 : vector<128x1xi1> to vector<128x128xi1>
      %xor3A_340 = arith.xori %or3A_335, %xor3A_339 : vector<128x128xi1>
      %select_n3A_341 = arith.select %xor3A_340, %select_n3A_321, %select_n3A_305 : vector<128x128xi1>, vector<128x128xf32>
      %select_n3A_342 = arith.select %xor3A_340, %select_n3A_330, %select_n3A_306 : vector<128x128xi1>, vector<128x128xi32>
      %and3A_343 = arith.constant 2 : i32
      %and3A_344 = vector.broadcast %and3A_343 : i32 to vector<128x1xi32>
      %and3A_345 = arith.andi %iota3A_7, %and3A_344 : vector<128x1xi32>
      %ne3A_346 = arith.constant 0 : i32
      %ne3A_347 = vector.broadcast %ne3A_346 : i32 to vector<128x1xi32>
      %ne3A_348 = arith.cmpi ne, %and3A_345, %ne3A_347 : vector<128x1xi32>
      %slice3A_349 = vector.extract_strided_slice %select_n3A_341 {offsets = [126, 0], sizes = [2, 128], strides = [1, 1]} : vector<128x128xf32> to vector<2x128xf32>
      %slice3A_350 = vector.extract_strided_slice %select_n3A_341 {offsets = [0, 0], sizes = [126, 128], strides = [1, 1]} : vector<128x128xf32> to vector<126x128xf32>
      %concatenate3A_351 = tpu.concatenate %slice3A_349, %slice3A_350 in 0 : vector<2x128xf32>, vector<126x128xf32> -> vector<128x128xf32>
      %slice3A_352 = vector.extract_strided_slice %select_n3A_341 {offsets = [2, 0], sizes = [126, 128], strides = [1, 1]} : vector<128x128xf32> to vector<126x128xf32>
      %slice3A_353 = vector.extract_strided_slice %select_n3A_341 {offsets = [0, 0], sizes = [2, 128], strides = [1, 1]} : vector<128x128xf32> to vector<2x128xf32>
      %concatenate3A_354 = tpu.concatenate %slice3A_352, %slice3A_353 in 0 : vector<126x128xf32>, vector<2x128xf32> -> vector<128x128xf32>
      %broadcast_in_dim3A_355 = vector.shape_cast %ne3A_348 : vector<128x1xi1> to vector<128x1xi1>
      %broadcast_in_dim3A_356 = vector.broadcast %broadcast_in_dim3A_355 : vector<128x1xi1> to vector<128x128xi1>
      %select_n3A_357 = arith.select %broadcast_in_dim3A_356, %concatenate3A_351, %concatenate3A_354 : vector<128x128xi1>, vector<128x128xf32>
      %slice3A_358 = vector.extract_strided_slice %select_n3A_342 {offsets = [126, 0], sizes = [2, 128], strides = [1, 1]} : vector<128x128xi32> to vector<2x128xi32>
      %slice3A_359 = vector.extract_strided_slice %select_n3A_342 {offsets = [0, 0], sizes = [126, 128], strides = [1, 1]} : vector<128x128xi32> to vector<126x128xi32>
      %concatenate3A_360 = tpu.concatenate %slice3A_358, %slice3A_359 in 0 : vector<2x128xi32>, vector<126x128xi32> -> vector<128x128xi32>
      %slice3A_361 = vector.extract_strided_slice %select_n3A_342 {offsets = [2, 0], sizes = [126, 128], strides = [1, 1]} : vector<128x128xi32> to vector<126x128xi32>
      %slice3A_362 = vector.extract_strided_slice %select_n3A_342 {offsets = [0, 0], sizes = [2, 128], strides = [1, 1]} : vector<128x128xi32> to vector<2x128xi32>
      %concatenate3A_363 = tpu.concatenate %slice3A_361, %slice3A_362 in 0 : vector<126x128xi32>, vector<2x128xi32> -> vector<128x128xi32>
      %broadcast_in_dim3A_364 = vector.shape_cast %ne3A_348 : vector<128x1xi1> to vector<128x1xi1>
      %broadcast_in_dim3A_365 = vector.broadcast %broadcast_in_dim3A_364 : vector<128x1xi1> to vector<128x128xi1>
      %select_n3A_366 = arith.select %broadcast_in_dim3A_365, %concatenate3A_360, %concatenate3A_363 : vector<128x128xi1>, vector<128x128xi32>
      %gt3A_367 = arith.cmpf ogt, %select_n3A_341, %select_n3A_357 : vector<128x128xf32>
      %eq3A_368 = arith.cmpf oeq, %select_n3A_341, %select_n3A_357 : vector<128x128xf32>
      %gt3A_369 = arith.cmpi sgt, %select_n3A_342, %select_n3A_366 : vector<128x128xi32>
      %and3A_370 = arith.andi %eq3A_368, %gt3A_369 : vector<128x128xi1>
      %or3A_371 = arith.ori %gt3A_367, %and3A_370 : vector<128x128xi1>
      %eq3A_372 = arith.xori %ne3A_348, %eq3A_170 : vector<128x1xi1>
      %eq3A_373 = arith.constant dense<true> : vector<128x1xi1>
      %eq3A_374 = arith.xori %eq3A_372, %eq3A_373 : vector<128x1xi1>
      %xor3A_375 = vector.broadcast %eq3A_374 : vector<128x1xi1> to vector<128x128xi1>
      %xor3A_376 = arith.xori %or3A_371, %xor3A_375 : vector<128x128xi1>
      %select_n3A_377 = arith.select %xor3A_376, %select_n3A_357, %select_n3A_341 : vector<128x128xi1>, vector<128x128xf32>
      %select_n3A_378 = arith.select %xor3A_376, %select_n3A_366, %select_n3A_342 : vector<128x128xi1>, vector<128x128xi32>
      %and3A_379 = arith.constant 1 : i32
      %and3A_380 = vector.broadcast %and3A_379 : i32 to vector<128x1xi32>
      %and3A_381 = arith.andi %iota3A_7, %and3A_380 : vector<128x1xi32>
      %ne3A_382 = arith.constant 0 : i32
      %ne3A_383 = vector.broadcast %ne3A_382 : i32 to vector<128x1xi32>
      %ne3A_384 = arith.cmpi ne, %and3A_381, %ne3A_383 : vector<128x1xi32>
      %slice3A_385 = vector.extract_strided_slice %select_n3A_377 {offsets = [127, 0], sizes = [1, 128], strides = [1, 1]} : vector<128x128xf32> to vector<1x128xf32>
      %slice3A_386 = vector.extract_strided_slice %select_n3A_377 {offsets = [0, 0], sizes = [127, 128], strides = [1, 1]} : vector<128x128xf32> to vector<127x128xf32>
      %concatenate3A_387 = tpu.concatenate %slice3A_385, %slice3A_386 in 0 : vector<1x128xf32>, vector<127x128xf32> -> vector<128x128xf32>
      %slice3A_388 = vector.extract_strided_slice %select_n3A_377 {offsets = [1, 0], sizes = [127, 128], strides = [1, 1]} : vector<128x128xf32> to vector<127x128xf32>
      %slice3A_389 = vector.extract_strided_slice %select_n3A_377 {offsets = [0, 0], sizes = [1, 128], strides = [1, 1]} : vector<128x128xf32> to vector<1x128xf32>
      %concatenate3A_390 = tpu.concatenate %slice3A_388, %slice3A_389 in 0 : vector<127x128xf32>, vector<1x128xf32> -> vector<128x128xf32>
      %broadcast_in_dim3A_391 = vector.shape_cast %ne3A_384 : vector<128x1xi1> to vector<128x1xi1>
      %broadcast_in_dim3A_392 = vector.broadcast %broadcast_in_dim3A_391 : vector<128x1xi1> to vector<128x128xi1>
      %select_n3A_393 = arith.select %broadcast_in_dim3A_392, %concatenate3A_387, %concatenate3A_390 : vector<128x128xi1>, vector<128x128xf32>
      %slice3A_394 = vector.extract_strided_slice %select_n3A_378 {offsets = [127, 0], sizes = [1, 128], strides = [1, 1]} : vector<128x128xi32> to vector<1x128xi32>
      %slice3A_395 = vector.extract_strided_slice %select_n3A_378 {offsets = [0, 0], sizes = [127, 128], strides = [1, 1]} : vector<128x128xi32> to vector<127x128xi32>
      %concatenate3A_396 = tpu.concatenate %slice3A_394, %slice3A_395 in 0 : vector<1x128xi32>, vector<127x128xi32> -> vector<128x128xi32>
      %slice3A_397 = vector.extract_strided_slice %select_n3A_378 {offsets = [1, 0], sizes = [127, 128], strides = [1, 1]} : vector<128x128xi32> to vector<127x128xi32>
      %slice3A_398 = vector.extract_strided_slice %select_n3A_378 {offsets = [0, 0], sizes = [1, 128], strides = [1, 1]} : vector<128x128xi32> to vector<1x128xi32>
      %concatenate3A_399 = tpu.concatenate %slice3A_397, %slice3A_398 in 0 : vector<127x128xi32>, vector<1x128xi32> -> vector<128x128xi32>
      %broadcast_in_dim3A_400 = vector.shape_cast %ne3A_384 : vector<128x1xi1> to vector<128x1xi1>
      %broadcast_in_dim3A_401 = vector.broadcast %broadcast_in_dim3A_400 : vector<128x1xi1> to vector<128x128xi1>
      %select_n3A_402 = arith.select %broadcast_in_dim3A_401, %concatenate3A_396, %concatenate3A_399 : vector<128x128xi1>, vector<128x128xi32>
      %gt3A_403 = arith.cmpf ogt, %select_n3A_377, %select_n3A_393 : vector<128x128xf32>
      %eq3A_404 = arith.cmpf oeq, %select_n3A_377, %select_n3A_393 : vector<128x128xf32>
      %gt3A_405 = arith.cmpi sgt, %select_n3A_378, %select_n3A_402 : vector<128x128xi32>
      %and3A_406 = arith.andi %eq3A_404, %gt3A_405 : vector<128x128xi1>
      %or3A_407 = arith.ori %gt3A_403, %and3A_406 : vector<128x128xi1>
      %eq3A_408 = arith.xori %ne3A_384, %eq3A_170 : vector<128x1xi1>
      %eq3A_409 = arith.constant dense<true> : vector<128x1xi1>
      %eq3A_410 = arith.xori %eq3A_408, %eq3A_409 : vector<128x1xi1>
      %xor3A_411 = vector.broadcast %eq3A_410 : vector<128x1xi1> to vector<128x128xi1>
      %xor3A_412 = arith.xori %or3A_407, %xor3A_411 : vector<128x128xi1>
      %select_n3A_413 = arith.select %xor3A_412, %select_n3A_393, %select_n3A_377 : vector<128x128xi1>, vector<128x128xf32>
      %select_n3A_414 = arith.select %xor3A_412, %select_n3A_402, %select_n3A_378 : vector<128x128xi1>, vector<128x128xi32>
      %swap3A_415 = arith.index_cast %mul3A_158 : i32 to index
      %swap3A_416 = arith.constant 0 : index
      %swap3A_417 = vector.load %arg2[%swap3A_415, %swap3A_416] : memref<8192x128xf32, #tpu.memory_space<vmem>>, vector<128x128xf32>
      tpu.vector_store %arg2[%swap3A_415, %swap3A_416], %select_n3A_413 {strides = array<i32>} : memref<8192x128xf32, #tpu.memory_space<vmem>>, vector<128x128xf32>,
      %swap3A_418 = arith.index_cast %mul3A_158 : i32 to index
      %swap3A_419 = arith.constant 0 : index
      %swap3A_420 = vector.load %arg3[%swap3A_418, %swap3A_419] : memref<8192x128xi32, #tpu.memory_space<vmem>>, vector<128x128xi32>
      tpu.vector_store %arg3[%swap3A_418, %swap3A_419], %select_n3A_414 {strides = array<i32>} : memref<8192x128xi32, #tpu.memory_space<vmem>>, vector<128x128xi32>,
    }
    %scan3A_111 = arith.constant 64 : i32
    %scan3A_112 = arith.constant 0 : i32
    %scan3A_113 = arith.constant 32 : i32
    %scan3A_114 = arith.addi %scan3A_112, %scan3A_113 : i32
    %scan3A_115 = arith.constant 1 : i32
    scf.for %scan3A_156 = %scan3A_112 to %scan3A_114 step %scan3A_115  : i32 {
      %jit3A = arith.constant 32 : i32
      %div3A = arith.divsi %scan3A_156, %jit3A : i32
      %sign3A = arith.constant 0 : i32
      %sign3A_157 = arith.cmpi sgt, %scan3A_156, %sign3A : i32
      %sign3A_158 = arith.extui %sign3A_157 : i1 to i32
      %sign3A_159 = arith.constant 0 : i32
      %sign3A_160 = arith.cmpi slt, %scan3A_156, %sign3A_159 : i32
      %sign3A_161 = arith.extui %sign3A_160 : i1 to i32
      %sign3A_162 = arith.subi %sign3A_158, %sign3A_161 : i32
      %sign3A_163 = arith.constant 0 : i32
      %sign3A_164 = arith.cmpi sgt, %jit3A, %sign3A_163 : i32
      %sign3A_165 = arith.extui %sign3A_164 : i1 to i32
      %sign3A_166 = arith.constant 0 : i32
      %sign3A_167 = arith.cmpi slt, %jit3A, %sign3A_166 : i32
      %sign3A_168 = arith.extui %sign3A_167 : i1 to i32
      %sign3A_169 = arith.subi %sign3A_165, %sign3A_168 : i32
      %ne3A = arith.cmpi ne, %sign3A_162, %sign3A_169 : i32
      %rem3A = arith.remsi %scan3A_156, %jit3A : i32
      %ne3A_170 = arith.constant 0 : i32
      %ne3A_171 = arith.cmpi ne, %rem3A, %ne3A_170 : i32
      %and3A = arith.andi %ne3A, %ne3A_171 : i1
      %sub3A = arith.constant 1 : i32
      %sub3A_172 = arith.subi %div3A, %sub3A : i32
      %select_n3A = arith.select %and3A, %sub3A_172, %div3A : i32
      %mul3A_173 = arith.constant 2 : i32
      %mul3A_174 = arith.muli %select_n3A, %mul3A_173 : i32
      %mul3A_175 = arith.constant 4096 : i32
      %mul3A_176 = arith.muli %mul3A_174, %mul3A_175 : i32
      %jit3A_177 = arith.constant 32 : i32
      %eq3A = arith.constant 0 : i32
      %eq3A_178 = arith.cmpi eq, %jit3A_177, %eq3A : i32
      %jit3A_179 = arith.constant 1 : i32
      %select_n3A_180 = arith.select %eq3A_178, %jit3A_179, %jit3A_177 : i32
      %rem3A_181 = arith.remsi %scan3A_156, %select_n3A_180 : i32
      %ne3A_182 = arith.constant 0 : i32
      %ne3A_183 = arith.cmpi ne, %rem3A_181, %ne3A_182 : i32
      %lt3A = arith.constant 0 : i32
      %lt3A_184 = arith.cmpi slt, %rem3A_181, %lt3A : i32
      %lt3A_185 = arith.constant 0 : i32
      %lt3A_186 = arith.cmpi slt, %select_n3A_180, %lt3A_185 : i32
      %ne3A_187 = arith.xori %lt3A_184, %lt3A_186 : i1
      %and3A_188 = arith.andi %ne3A_187, %ne3A_183 : i1
      %add3A_189 = arith.addi %rem3A_181, %select_n3A_180 : i32
      %select_n3A_190 = arith.select %and3A_188, %add3A_189, %rem3A_181 : i32
      %mul3A_191 = arith.constant 128 : i32
      %mul3A_192 = arith.muli %select_n3A_190, %mul3A_191 : i32
      %add3A_193 = arith.addi %mul3A_176, %mul3A_192 : i32
      %and3A_194 = arith.constant 8192 : i32
      %and3A_195 = arith.andi %add3A_193, %and3A_194 : i32
      %eq3A_196 = arith.constant 0 : i32
      %eq3A_197 = arith.cmpi eq, %and3A_195, %eq3A_196 : i32
      %get3A_198 = arith.index_cast %add3A_193 : i32 to index
      %get3A_199 = arith.constant 0 : index
      %get3A_200 = vector.load %arg2[%get3A_198, %get3A_199] : memref<8192x128xf32, #tpu.memory_space<vmem>>, vector<128x128xf32>
      %add3A_201 = arith.constant 4096 : i32
      %add3A_202 = arith.addi %add3A_193, %add3A_201 : i32
      %get3A_203 = arith.index_cast %add3A_202 : i32 to index
      %get3A_204 = arith.constant 0 : index
      %get3A_205 = vector.load %arg2[%get3A_203, %get3A_204] : memref<8192x128xf32, #tpu.memory_space<vmem>>, vector<128x128xf32>
      %get3A_206 = arith.index_cast %add3A_193 : i32 to index
      %get3A_207 = arith.constant 0 : index
      %get3A_208 = vector.load %arg3[%get3A_206, %get3A_207] : memref<8192x128xi32, #tpu.memory_space<vmem>>, vector<128x128xi32>
      %add3A_209 = arith.constant 4096 : i32
      %add3A_210 = arith.addi %add3A_193, %add3A_209 : i32
      %get3A_211 = arith.index_cast %add3A_210 : i32 to index
      %get3A_212 = arith.constant 0 : index
      %get3A_213 = vector.load %arg3[%get3A_211, %get3A_212] : memref<8192x128xi32, #tpu.memory_space<vmem>>, vector<128x128xi32>
      %gt3A = arith.cmpf ogt, %get3A_200, %get3A_205 : vector<128x128xf32>
      %eq3A_214 = arith.cmpf oeq, %get3A_200, %get3A_205 : vector<128x128xf32>
      %gt3A_215 = arith.cmpi sgt, %get3A_208, %get3A_213 : vector<128x128xi32>
      %and3A_216 = arith.andi %eq3A_214, %gt3A_215 : vector<128x128xi1>
      %or3A = arith.ori %gt3A, %and3A_216 : vector<128x128xi1>
      %eq3A_217 = vector.broadcast %eq3A_197 : i1 to vector<128x128xi1>
      %eq3A_218 = vector.broadcast %eq3A_217 : vector<128x128xi1> to vector<128x128xi1>
      %eq3A_219 = arith.xori %or3A, %eq3A_218 : vector<128x128xi1>
      %eq3A_220 = arith.constant dense<true> : vector<128x128xi1>
      %eq3A_221 = arith.xori %eq3A_219, %eq3A_220 : vector<128x128xi1>
      %select_n3A_222 = arith.select %eq3A_221, %get3A_205, %get3A_200 : vector<128x128xi1>, vector<128x128xf32>
      %swap3A_223 = arith.index_cast %add3A_193 : i32 to index
      %swap3A_224 = arith.constant 0 : index
      %swap3A_225 = vector.load %arg2[%swap3A_223, %swap3A_224] : memref<8192x128xf32, #tpu.memory_space<vmem>>, vector<128x128xf32>
      tpu.vector_store %arg2[%swap3A_223, %swap3A_224], %select_n3A_222 {strides = array<i32>} : memref<8192x128xf32, #tpu.memory_space<vmem>>, vector<128x128xf32>,
      %select_n3A_226 = arith.select %eq3A_221, %get3A_200, %get3A_205 : vector<128x128xi1>, vector<128x128xf32>
      %add3A_227 = arith.constant 4096 : i32
      %add3A_228 = arith.addi %add3A_193, %add3A_227 : i32
      %swap3A_229 = arith.index_cast %add3A_228 : i32 to index
      %swap3A_230 = arith.constant 0 : index
      %swap3A_231 = vector.load %arg2[%swap3A_229, %swap3A_230] : memref<8192x128xf32, #tpu.memory_space<vmem>>, vector<128x128xf32>
      tpu.vector_store %arg2[%swap3A_229, %swap3A_230], %select_n3A_226 {strides = array<i32>} : memref<8192x128xf32, #tpu.memory_space<vmem>>, vector<128x128xf32>,
      %select_n3A_232 = arith.select %eq3A_221, %get3A_213, %get3A_208 : vector<128x128xi1>, vector<128x128xi32>
      %swap3A_233 = arith.index_cast %add3A_193 : i32 to index
      %swap3A_234 = arith.constant 0 : index
      %swap3A_235 = vector.load %arg3[%swap3A_233, %swap3A_234] : memref<8192x128xi32, #tpu.memory_space<vmem>>, vector<128x128xi32>
      tpu.vector_store %arg3[%swap3A_233, %swap3A_234], %select_n3A_232 {strides = array<i32>} : memref<8192x128xi32, #tpu.memory_space<vmem>>, vector<128x128xi32>,
      %select_n3A_236 = arith.select %eq3A_221, %get3A_208, %get3A_213 : vector<128x128xi1>, vector<128x128xi32>
      %add3A_237 = arith.constant 4096 : i32
      %add3A_238 = arith.addi %add3A_193, %add3A_237 : i32
      %swap3A_239 = arith.index_cast %add3A_238 : i32 to index
      %swap3A_240 = arith.constant 0 : index
      %swap3A_241 = vector.load %arg3[%swap3A_239, %swap3A_240] : memref<8192x128xi32, #tpu.memory_space<vmem>>, vector<128x128xi32>
      tpu.vector_store %arg3[%swap3A_239, %swap3A_240], %select_n3A_236 {strides = array<i32>} : memref<8192x128xi32, #tpu.memory_space<vmem>>, vector<128x128xi32>,
    }
    %scan3A_116 = arith.constant 32 : i32
    %scan3A_117 = arith.constant 0 : i32
    %scan3A_118 = arith.constant 32 : i32
    %scan3A_119 = arith.addi %scan3A_117, %scan3A_118 : i32
    %scan3A_120 = arith.constant 1 : i32
    scf.for %scan3A_156 = %scan3A_117 to %scan3A_119 step %scan3A_120  : i32 {
      %jit3A = arith.constant 16 : i32
      %div3A = arith.divsi %scan3A_156, %jit3A : i32
      %sign3A = arith.constant 0 : i32
      %sign3A_157 = arith.cmpi sgt, %scan3A_156, %sign3A : i32
      %sign3A_158 = arith.extui %sign3A_157 : i1 to i32
      %sign3A_159 = arith.constant 0 : i32
      %sign3A_160 = arith.cmpi slt, %scan3A_156, %sign3A_159 : i32
      %sign3A_161 = arith.extui %sign3A_160 : i1 to i32
      %sign3A_162 = arith.subi %sign3A_158, %sign3A_161 : i32
      %sign3A_163 = arith.constant 0 : i32
      %sign3A_164 = arith.cmpi sgt, %jit3A, %sign3A_163 : i32
      %sign3A_165 = arith.extui %sign3A_164 : i1 to i32
      %sign3A_166 = arith.constant 0 : i32
      %sign3A_167 = arith.cmpi slt, %jit3A, %sign3A_166 : i32
      %sign3A_168 = arith.extui %sign3A_167 : i1 to i32
      %sign3A_169 = arith.subi %sign3A_165, %sign3A_168 : i32
      %ne3A = arith.cmpi ne, %sign3A_162, %sign3A_169 : i32
      %rem3A = arith.remsi %scan3A_156, %jit3A : i32
      %ne3A_170 = arith.constant 0 : i32
      %ne3A_171 = arith.cmpi ne, %rem3A, %ne3A_170 : i32
      %and3A = arith.andi %ne3A, %ne3A_171 : i1
      %sub3A = arith.constant 1 : i32
      %sub3A_172 = arith.subi %div3A, %sub3A : i32
      %select_n3A = arith.select %and3A, %sub3A_172, %div3A : i32
      %mul3A_173 = arith.constant 2 : i32
      %mul3A_174 = arith.muli %select_n3A, %mul3A_173 : i32
      %mul3A_175 = arith.constant 2048 : i32
      %mul3A_176 = arith.muli %mul3A_174, %mul3A_175 : i32
      %jit3A_177 = arith.constant 16 : i32
      %eq3A = arith.constant 0 : i32
      %eq3A_178 = arith.cmpi eq, %jit3A_177, %eq3A : i32
      %jit3A_179 = arith.constant 1 : i32
      %select_n3A_180 = arith.select %eq3A_178, %jit3A_179, %jit3A_177 : i32
      %rem3A_181 = arith.remsi %scan3A_156, %select_n3A_180 : i32
      %ne3A_182 = arith.constant 0 : i32
      %ne3A_183 = arith.cmpi ne, %rem3A_181, %ne3A_182 : i32
      %lt3A = arith.constant 0 : i32
      %lt3A_184 = arith.cmpi slt, %rem3A_181, %lt3A : i32
      %lt3A_185 = arith.constant 0 : i32
      %lt3A_186 = arith.cmpi slt, %select_n3A_180, %lt3A_185 : i32
      %ne3A_187 = arith.xori %lt3A_184, %lt3A_186 : i1
      %and3A_188 = arith.andi %ne3A_187, %ne3A_183 : i1
      %add3A_189 = arith.addi %rem3A_181, %select_n3A_180 : i32
      %select_n3A_190 = arith.select %and3A_188, %add3A_189, %rem3A_181 : i32
      %mul3A_191 = arith.constant 128 : i32
      %mul3A_192 = arith.muli %select_n3A_190, %mul3A_191 : i32
      %add3A_193 = arith.addi %mul3A_176, %mul3A_192 : i32
      %and3A_194 = arith.constant 8192 : i32
      %and3A_195 = arith.andi %add3A_193, %and3A_194 : i32
      %eq3A_196 = arith.constant 0 : i32
      %eq3A_197 = arith.cmpi eq, %and3A_195, %eq3A_196 : i32
      %get3A_198 = arith.index_cast %add3A_193 : i32 to index
      %get3A_199 = arith.constant 0 : index
      %get3A_200 = vector.load %arg2[%get3A_198, %get3A_199] : memref<8192x128xf32, #tpu.memory_space<vmem>>, vector<128x128xf32>
      %add3A_201 = arith.constant 2048 : i32
      %add3A_202 = arith.addi %add3A_193, %add3A_201 : i32
      %get3A_203 = arith.index_cast %add3A_202 : i32 to index
      %get3A_204 = arith.constant 0 : index
      %get3A_205 = vector.load %arg2[%get3A_203, %get3A_204] : memref<8192x128xf32, #tpu.memory_space<vmem>>, vector<128x128xf32>
      %get3A_206 = arith.index_cast %add3A_193 : i32 to index
      %get3A_207 = arith.constant 0 : index
      %get3A_208 = vector.load %arg3[%get3A_206, %get3A_207] : memref<8192x128xi32, #tpu.memory_space<vmem>>, vector<128x128xi32>
      %add3A_209 = arith.constant 2048 : i32
      %add3A_210 = arith.addi %add3A_193, %add3A_209 : i32
      %get3A_211 = arith.index_cast %add3A_210 : i32 to index
      %get3A_212 = arith.constant 0 : index
      %get3A_213 = vector.load %arg3[%get3A_211, %get3A_212] : memref<8192x128xi32, #tpu.memory_space<vmem>>, vector<128x128xi32>
      %gt3A = arith.cmpf ogt, %get3A_200, %get3A_205 : vector<128x128xf32>
      %eq3A_214 = arith.cmpf oeq, %get3A_200, %get3A_205 : vector<128x128xf32>
      %gt3A_215 = arith.cmpi sgt, %get3A_208, %get3A_213 : vector<128x128xi32>
      %and3A_216 = arith.andi %eq3A_214, %gt3A_215 : vector<128x128xi1>
      %or3A = arith.ori %gt3A, %and3A_216 : vector<128x128xi1>
      %eq3A_217 = vector.broadcast %eq3A_197 : i1 to vector<128x128xi1>
      %eq3A_218 = vector.broadcast %eq3A_217 : vector<128x128xi1> to vector<128x128xi1>
      %eq3A_219 = arith.xori %or3A, %eq3A_218 : vector<128x128xi1>
      %eq3A_220 = arith.constant dense<true> : vector<128x128xi1>
      %eq3A_221 = arith.xori %eq3A_219, %eq3A_220 : vector<128x128xi1>
      %select_n3A_222 = arith.select %eq3A_221, %get3A_205, %get3A_200 : vector<128x128xi1>, vector<128x128xf32>
      %swap3A_223 = arith.index_cast %add3A_193 : i32 to index
      %swap3A_224 = arith.constant 0 : index
      %swap3A_225 = vector.load %arg2[%swap3A_223, %swap3A_224] : memref<8192x128xf32, #tpu.memory_space<vmem>>, vector<128x128xf32>
      tpu.vector_store %arg2[%swap3A_223, %swap3A_224], %select_n3A_222 {strides = array<i32>} : memref<8192x128xf32, #tpu.memory_space<vmem>>, vector<128x128xf32>,
      %select_n3A_226 = arith.select %eq3A_221, %get3A_200, %get3A_205 : vector<128x128xi1>, vector<128x128xf32>
      %add3A_227 = arith.constant 2048 : i32
      %add3A_228 = arith.addi %add3A_193, %add3A_227 : i32
      %swap3A_229 = arith.index_cast %add3A_228 : i32 to index
      %swap3A_230 = arith.constant 0 : index
      %swap3A_231 = vector.load %arg2[%swap3A_229, %swap3A_230] : memref<8192x128xf32, #tpu.memory_space<vmem>>, vector<128x128xf32>
      tpu.vector_store %arg2[%swap3A_229, %swap3A_230], %select_n3A_226 {strides = array<i32>} : memref<8192x128xf32, #tpu.memory_space<vmem>>, vector<128x128xf32>,
      %select_n3A_232 = arith.select %eq3A_221, %get3A_213, %get3A_208 : vector<128x128xi1>, vector<128x128xi32>
      %swap3A_233 = arith.index_cast %add3A_193 : i32 to index
      %swap3A_234 = arith.constant 0 : index
      %swap3A_235 = vector.load %arg3[%swap3A_233, %swap3A_234] : memref<8192x128xi32, #tpu.memory_space<vmem>>, vector<128x128xi32>
      tpu.vector_store %arg3[%swap3A_233, %swap3A_234], %select_n3A_232 {strides = array<i32>} : memref<8192x128xi32, #tpu.memory_space<vmem>>, vector<128x128xi32>,
      %select_n3A_236 = arith.select %eq3A_221, %get3A_208, %get3A_213 : vector<128x128xi1>, vector<128x128xi32>
      %add3A_237 = arith.constant 2048 : i32
      %add3A_238 = arith.addi %add3A_193, %add3A_237 : i32
      %swap3A_239 = arith.index_cast %add3A_238 : i32 to index
      %swap3A_240 = arith.constant 0 : index
      %swap3A_241 = vector.load %arg3[%swap3A_239, %swap3A_240] : memref<8192x128xi32, #tpu.memory_space<vmem>>, vector<128x128xi32>
      tpu.vector_store %arg3[%swap3A_239, %swap3A_240], %select_n3A_236 {strides = array<i32>} : memref<8192x128xi32, #tpu.memory_space<vmem>>, vector<128x128xi32>,
    }
    %scan3A_121 = arith.constant 32 : i32
    %scan3A_122 = arith.constant 0 : i32
    %scan3A_123 = arith.constant 32 : i32
    %scan3A_124 = arith.addi %scan3A_122, %scan3A_123 : i32
    %scan3A_125 = arith.constant 1 : i32
    scf.for %scan3A_156 = %scan3A_122 to %scan3A_124 step %scan3A_125  : i32 {
      %jit3A = arith.constant 8 : i32
      %div3A = arith.divsi %scan3A_156, %jit3A : i32
      %sign3A = arith.constant 0 : i32
      %sign3A_157 = arith.cmpi sgt, %scan3A_156, %sign3A : i32
      %sign3A_158 = arith.extui %sign3A_157 : i1 to i32
      %sign3A_159 = arith.constant 0 : i32
      %sign3A_160 = arith.cmpi slt, %scan3A_156, %sign3A_159 : i32
      %sign3A_161 = arith.extui %sign3A_160 : i1 to i32
      %sign3A_162 = arith.subi %sign3A_158, %sign3A_161 : i32
      %sign3A_163 = arith.constant 0 : i32
      %sign3A_164 = arith.cmpi sgt, %jit3A, %sign3A_163 : i32
      %sign3A_165 = arith.extui %sign3A_164 : i1 to i32
      %sign3A_166 = arith.constant 0 : i32
      %sign3A_167 = arith.cmpi slt, %jit3A, %sign3A_166 : i32
      %sign3A_168 = arith.extui %sign3A_167 : i1 to i32
      %sign3A_169 = arith.subi %sign3A_165, %sign3A_168 : i32
      %ne3A = arith.cmpi ne, %sign3A_162, %sign3A_169 : i32
      %rem3A = arith.remsi %scan3A_156, %jit3A : i32
      %ne3A_170 = arith.constant 0 : i32
      %ne3A_171 = arith.cmpi ne, %rem3A, %ne3A_170 : i32
      %and3A = arith.andi %ne3A, %ne3A_171 : i1
      %sub3A = arith.constant 1 : i32
      %sub3A_172 = arith.subi %div3A, %sub3A : i32
      %select_n3A = arith.select %and3A, %sub3A_172, %div3A : i32
      %mul3A_173 = arith.constant 2 : i32
      %mul3A_174 = arith.muli %select_n3A, %mul3A_173 : i32
      %mul3A_175 = arith.constant 1024 : i32
      %mul3A_176 = arith.muli %mul3A_174, %mul3A_175 : i32
      %jit3A_177 = arith.constant 8 : i32
      %eq3A = arith.constant 0 : i32
      %eq3A_178 = arith.cmpi eq, %jit3A_177, %eq3A : i32
      %jit3A_179 = arith.constant 1 : i32
      %select_n3A_180 = arith.select %eq3A_178, %jit3A_179, %jit3A_177 : i32
      %rem3A_181 = arith.remsi %scan3A_156, %select_n3A_180 : i32
      %ne3A_182 = arith.constant 0 : i32
      %ne3A_183 = arith.cmpi ne, %rem3A_181, %ne3A_182 : i32
      %lt3A = arith.constant 0 : i32
      %lt3A_184 = arith.cmpi slt, %rem3A_181, %lt3A : i32
      %lt3A_185 = arith.constant 0 : i32
      %lt3A_186 = arith.cmpi slt, %select_n3A_180, %lt3A_185 : i32
      %ne3A_187 = arith.xori %lt3A_184, %lt3A_186 : i1
      %and3A_188 = arith.andi %ne3A_187, %ne3A_183 : i1
      %add3A_189 = arith.addi %rem3A_181, %select_n3A_180 : i32
      %select_n3A_190 = arith.select %and3A_188, %add3A_189, %rem3A_181 : i32
      %mul3A_191 = arith.constant 128 : i32
      %mul3A_192 = arith.muli %select_n3A_190, %mul3A_191 : i32
      %add3A_193 = arith.addi %mul3A_176, %mul3A_192 : i32
      %and3A_194 = arith.constant 8192 : i32
      %and3A_195 = arith.andi %add3A_193, %and3A_194 : i32
      %eq3A_196 = arith.constant 0 : i32
      %eq3A_197 = arith.cmpi eq, %and3A_195, %eq3A_196 : i32
      %get3A_198 = arith.index_cast %add3A_193 : i32 to index
      %get3A_199 = arith.constant 0 : index
      %get3A_200 = vector.load %arg2[%get3A_198, %get3A_199] : memref<8192x128xf32, #tpu.memory_space<vmem>>, vector<128x128xf32>
      %add3A_201 = arith.constant 1024 : i32
      %add3A_202 = arith.addi %add3A_193, %add3A_201 : i32
      %get3A_203 = arith.index_cast %add3A_202 : i32 to index
      %get3A_204 = arith.constant 0 : index
      %get3A_205 = vector.load %arg2[%get3A_203, %get3A_204] : memref<8192x128xf32, #tpu.memory_space<vmem>>, vector<128x128xf32>
      %get3A_206 = arith.index_cast %add3A_193 : i32 to index
      %get3A_207 = arith.constant 0 : index
      %get3A_208 = vector.load %arg3[%get3A_206, %get3A_207] : memref<8192x128xi32, #tpu.memory_space<vmem>>, vector<128x128xi32>
      %add3A_209 = arith.constant 1024 : i32
      %add3A_210 = arith.addi %add3A_193, %add3A_209 : i32
      %get3A_211 = arith.index_cast %add3A_210 : i32 to index
      %get3A_212 = arith.constant 0 : index
      %get3A_213 = vector.load %arg3[%get3A_211, %get3A_212] : memref<8192x128xi32, #tpu.memory_space<vmem>>, vector<128x128xi32>
      %gt3A = arith.cmpf ogt, %get3A_200, %get3A_205 : vector<128x128xf32>
      %eq3A_214 = arith.cmpf oeq, %get3A_200, %get3A_205 : vector<128x128xf32>
      %gt3A_215 = arith.cmpi sgt, %get3A_208, %get3A_213 : vector<128x128xi32>
      %and3A_216 = arith.andi %eq3A_214, %gt3A_215 : vector<128x128xi1>
      %or3A = arith.ori %gt3A, %and3A_216 : vector<128x128xi1>
      %eq3A_217 = vector.broadcast %eq3A_197 : i1 to vector<128x128xi1>
      %eq3A_218 = vector.broadcast %eq3A_217 : vector<128x128xi1> to vector<128x128xi1>
      %eq3A_219 = arith.xori %or3A, %eq3A_218 : vector<128x128xi1>
      %eq3A_220 = arith.constant dense<true> : vector<128x128xi1>
      %eq3A_221 = arith.xori %eq3A_219, %eq3A_220 : vector<128x128xi1>
      %select_n3A_222 = arith.select %eq3A_221, %get3A_205, %get3A_200 : vector<128x128xi1>, vector<128x128xf32>
      %swap3A_223 = arith.index_cast %add3A_193 : i32 to index
      %swap3A_224 = arith.constant 0 : index
      %swap3A_225 = vector.load %arg2[%swap3A_223, %swap3A_224] : memref<8192x128xf32, #tpu.memory_space<vmem>>, vector<128x128xf32>
      tpu.vector_store %arg2[%swap3A_223, %swap3A_224], %select_n3A_222 {strides = array<i32>} : memref<8192x128xf32, #tpu.memory_space<vmem>>, vector<128x128xf32>,
      %select_n3A_226 = arith.select %eq3A_221, %get3A_200, %get3A_205 : vector<128x128xi1>, vector<128x128xf32>
      %add3A_227 = arith.constant 1024 : i32
      %add3A_228 = arith.addi %add3A_193, %add3A_227 : i32
      %swap3A_229 = arith.index_cast %add3A_228 : i32 to index
      %swap3A_230 = arith.constant 0 : index
      %swap3A_231 = vector.load %arg2[%swap3A_229, %swap3A_230] : memref<8192x128xf32, #tpu.memory_space<vmem>>, vector<128x128xf32>
      tpu.vector_store %arg2[%swap3A_229, %swap3A_230], %select_n3A_226 {strides = array<i32>} : memref<8192x128xf32, #tpu.memory_space<vmem>>, vector<128x128xf32>,
      %select_n3A_232 = arith.select %eq3A_221, %get3A_213, %get3A_208 : vector<128x128xi1>, vector<128x128xi32>
      %swap3A_233 = arith.index_cast %add3A_193 : i32 to index
      %swap3A_234 = arith.constant 0 : index
      %swap3A_235 = vector.load %arg3[%swap3A_233, %swap3A_234] : memref<8192x128xi32, #tpu.memory_space<vmem>>, vector<128x128xi32>
      tpu.vector_store %arg3[%swap3A_233, %swap3A_234], %select_n3A_232 {strides = array<i32>} : memref<8192x128xi32, #tpu.memory_space<vmem>>, vector<128x128xi32>,
      %select_n3A_236 = arith.select %eq3A_221, %get3A_208, %get3A_213 : vector<128x128xi1>, vector<128x128xi32>
      %add3A_237 = arith.constant 1024 : i32
      %add3A_238 = arith.addi %add3A_193, %add3A_237 : i32
      %swap3A_239 = arith.index_cast %add3A_238 : i32 to index
      %swap3A_240 = arith.constant 0 : index
      %swap3A_241 = vector.load %arg3[%swap3A_239, %swap3A_240] : memref<8192x128xi32, #tpu.memory_space<vmem>>, vector<128x128xi32>
      tpu.vector_store %arg3[%swap3A_239, %swap3A_240], %select_n3A_236 {strides = array<i32>} : memref<8192x128xi32, #tpu.memory_space<vmem>>, vector<128x128xi32>,
    }
    %scan3A_126 = arith.constant 32 : i32
    %scan3A_127 = arith.constant 0 : i32
    %scan3A_128 = arith.constant 32 : i32
    %scan3A_129 = arith.addi %scan3A_127, %scan3A_128 : i32
    %scan3A_130 = arith.constant 1 : i32
    scf.for %scan3A_156 = %scan3A_127 to %scan3A_129 step %scan3A_130  : i32 {
      %jit3A = arith.constant 4 : i32
      %div3A = arith.divsi %scan3A_156, %jit3A : i32
      %sign3A = arith.constant 0 : i32
      %sign3A_157 = arith.cmpi sgt, %scan3A_156, %sign3A : i32
      %sign3A_158 = arith.extui %sign3A_157 : i1 to i32
      %sign3A_159 = arith.constant 0 : i32
      %sign3A_160 = arith.cmpi slt, %scan3A_156, %sign3A_159 : i32
      %sign3A_161 = arith.extui %sign3A_160 : i1 to i32
      %sign3A_162 = arith.subi %sign3A_158, %sign3A_161 : i32
      %sign3A_163 = arith.constant 0 : i32
      %sign3A_164 = arith.cmpi sgt, %jit3A, %sign3A_163 : i32
      %sign3A_165 = arith.extui %sign3A_164 : i1 to i32
      %sign3A_166 = arith.constant 0 : i32
      %sign3A_167 = arith.cmpi slt, %jit3A, %sign3A_166 : i32
      %sign3A_168 = arith.extui %sign3A_167 : i1 to i32
      %sign3A_169 = arith.subi %sign3A_165, %sign3A_168 : i32
      %ne3A = arith.cmpi ne, %sign3A_162, %sign3A_169 : i32
      %rem3A = arith.remsi %scan3A_156, %jit3A : i32
      %ne3A_170 = arith.constant 0 : i32
      %ne3A_171 = arith.cmpi ne, %rem3A, %ne3A_170 : i32
      %and3A = arith.andi %ne3A, %ne3A_171 : i1
      %sub3A = arith.constant 1 : i32
      %sub3A_172 = arith.subi %div3A, %sub3A : i32
      %select_n3A = arith.select %and3A, %sub3A_172, %div3A : i32
      %mul3A_173 = arith.constant 2 : i32
      %mul3A_174 = arith.muli %select_n3A, %mul3A_173 : i32
      %mul3A_175 = arith.constant 512 : i32
      %mul3A_176 = arith.muli %mul3A_174, %mul3A_175 : i32
      %jit3A_177 = arith.constant 4 : i32
      %eq3A = arith.constant 0 : i32
      %eq3A_178 = arith.cmpi eq, %jit3A_177, %eq3A : i32
      %jit3A_179 = arith.constant 1 : i32
      %select_n3A_180 = arith.select %eq3A_178, %jit3A_179, %jit3A_177 : i32
      %rem3A_181 = arith.remsi %scan3A_156, %select_n3A_180 : i32
      %ne3A_182 = arith.constant 0 : i32
      %ne3A_183 = arith.cmpi ne, %rem3A_181, %ne3A_182 : i32
      %lt3A = arith.constant 0 : i32
      %lt3A_184 = arith.cmpi slt, %rem3A_181, %lt3A : i32
      %lt3A_185 = arith.constant 0 : i32
      %lt3A_186 = arith.cmpi slt, %select_n3A_180, %lt3A_185 : i32
      %ne3A_187 = arith.xori %lt3A_184, %lt3A_186 : i1
      %and3A_188 = arith.andi %ne3A_187, %ne3A_183 : i1
      %add3A_189 = arith.addi %rem3A_181, %select_n3A_180 : i32
      %select_n3A_190 = arith.select %and3A_188, %add3A_189, %rem3A_181 : i32
      %mul3A_191 = arith.constant 128 : i32
      %mul3A_192 = arith.muli %select_n3A_190, %mul3A_191 : i32
      %add3A_193 = arith.addi %mul3A_176, %mul3A_192 : i32
      %and3A_194 = arith.constant 8192 : i32
      %and3A_195 = arith.andi %add3A_193, %and3A_194 : i32
      %eq3A_196 = arith.constant 0 : i32
      %eq3A_197 = arith.cmpi eq, %and3A_195, %eq3A_196 : i32
      %get3A_198 = arith.index_cast %add3A_193 : i32 to index
      %get3A_199 = arith.constant 0 : index
      %get3A_200 = vector.load %arg2[%get3A_198, %get3A_199] : memref<8192x128xf32, #tpu.memory_space<vmem>>, vector<128x128xf32>
      %add3A_201 = arith.constant 512 : i32
      %add3A_202 = arith.addi %add3A_193, %add3A_201 : i32
      %get3A_203 = arith.index_cast %add3A_202 : i32 to index
      %get3A_204 = arith.constant 0 : index
      %get3A_205 = vector.load %arg2[%get3A_203, %get3A_204] : memref<8192x128xf32, #tpu.memory_space<vmem>>, vector<128x128xf32>
      %get3A_206 = arith.index_cast %add3A_193 : i32 to index
      %get3A_207 = arith.constant 0 : index
      %get3A_208 = vector.load %arg3[%get3A_206, %get3A_207] : memref<8192x128xi32, #tpu.memory_space<vmem>>, vector<128x128xi32>
      %add3A_209 = arith.constant 512 : i32
      %add3A_210 = arith.addi %add3A_193, %add3A_209 : i32
      %get3A_211 = arith.index_cast %add3A_210 : i32 to index
      %get3A_212 = arith.constant 0 : index
      %get3A_213 = vector.load %arg3[%get3A_211, %get3A_212] : memref<8192x128xi32, #tpu.memory_space<vmem>>, vector<128x128xi32>
      %gt3A = arith.cmpf ogt, %get3A_200, %get3A_205 : vector<128x128xf32>
      %eq3A_214 = arith.cmpf oeq, %get3A_200, %get3A_205 : vector<128x128xf32>
      %gt3A_215 = arith.cmpi sgt, %get3A_208, %get3A_213 : vector<128x128xi32>
      %and3A_216 = arith.andi %eq3A_214, %gt3A_215 : vector<128x128xi1>
      %or3A = arith.ori %gt3A, %and3A_216 : vector<128x128xi1>
      %eq3A_217 = vector.broadcast %eq3A_197 : i1 to vector<128x128xi1>
      %eq3A_218 = vector.broadcast %eq3A_217 : vector<128x128xi1> to vector<128x128xi1>
      %eq3A_219 = arith.xori %or3A, %eq3A_218 : vector<128x128xi1>
      %eq3A_220 = arith.constant dense<true> : vector<128x128xi1>
      %eq3A_221 = arith.xori %eq3A_219, %eq3A_220 : vector<128x128xi1>
      %select_n3A_222 = arith.select %eq3A_221, %get3A_205, %get3A_200 : vector<128x128xi1>, vector<128x128xf32>
      %swap3A_223 = arith.index_cast %add3A_193 : i32 to index
      %swap3A_224 = arith.constant 0 : index
      %swap3A_225 = vector.load %arg2[%swap3A_223, %swap3A_224] : memref<8192x128xf32, #tpu.memory_space<vmem>>, vector<128x128xf32>
      tpu.vector_store %arg2[%swap3A_223, %swap3A_224], %select_n3A_222 {strides = array<i32>} : memref<8192x128xf32, #tpu.memory_space<vmem>>, vector<128x128xf32>,
      %select_n3A_226 = arith.select %eq3A_221, %get3A_200, %get3A_205 : vector<128x128xi1>, vector<128x128xf32>
      %add3A_227 = arith.constant 512 : i32
      %add3A_228 = arith.addi %add3A_193, %add3A_227 : i32
      %swap3A_229 = arith.index_cast %add3A_228 : i32 to index
      %swap3A_230 = arith.constant 0 : index
      %swap3A_231 = vector.load %arg2[%swap3A_229, %swap3A_230] : memref<8192x128xf32, #tpu.memory_space<vmem>>, vector<128x128xf32>
      tpu.vector_store %arg2[%swap3A_229, %swap3A_230], %select_n3A_226 {strides = array<i32>} : memref<8192x128xf32, #tpu.memory_space<vmem>>, vector<128x128xf32>,
      %select_n3A_232 = arith.select %eq3A_221, %get3A_213, %get3A_208 : vector<128x128xi1>, vector<128x128xi32>
      %swap3A_233 = arith.index_cast %add3A_193 : i32 to index
      %swap3A_234 = arith.constant 0 : index
      %swap3A_235 = vector.load %arg3[%swap3A_233, %swap3A_234] : memref<8192x128xi32, #tpu.memory_space<vmem>>, vector<128x128xi32>
      tpu.vector_store %arg3[%swap3A_233, %swap3A_234], %select_n3A_232 {strides = array<i32>} : memref<8192x128xi32, #tpu.memory_space<vmem>>, vector<128x128xi32>,
      %select_n3A_236 = arith.select %eq3A_221, %get3A_208, %get3A_213 : vector<128x128xi1>, vector<128x128xi32>
      %add3A_237 = arith.constant 512 : i32
      %add3A_238 = arith.addi %add3A_193, %add3A_237 : i32
      %swap3A_239 = arith.index_cast %add3A_238 : i32 to index
      %swap3A_240 = arith.constant 0 : index
      %swap3A_241 = vector.load %arg3[%swap3A_239, %swap3A_240] : memref<8192x128xi32, #tpu.memory_space<vmem>>, vector<128x128xi32>
      tpu.vector_store %arg3[%swap3A_239, %swap3A_240], %select_n3A_236 {strides = array<i32>} : memref<8192x128xi32, #tpu.memory_space<vmem>>, vector<128x128xi32>,
    }
    %scan3A_131 = arith.constant 32 : i32
    %scan3A_132 = arith.constant 0 : i32
    %scan3A_133 = arith.constant 32 : i32
    %scan3A_134 = arith.addi %scan3A_132, %scan3A_133 : i32
    %scan3A_135 = arith.constant 1 : i32
    scf.for %scan3A_156 = %scan3A_132 to %scan3A_134 step %scan3A_135  : i32 {
      %jit3A = arith.constant 2 : i32
      %div3A = arith.divsi %scan3A_156, %jit3A : i32
      %sign3A = arith.constant 0 : i32
      %sign3A_157 = arith.cmpi sgt, %scan3A_156, %sign3A : i32
      %sign3A_158 = arith.extui %sign3A_157 : i1 to i32
      %sign3A_159 = arith.constant 0 : i32
      %sign3A_160 = arith.cmpi slt, %scan3A_156, %sign3A_159 : i32
      %sign3A_161 = arith.extui %sign3A_160 : i1 to i32
      %sign3A_162 = arith.subi %sign3A_158, %sign3A_161 : i32
      %sign3A_163 = arith.constant 0 : i32
      %sign3A_164 = arith.cmpi sgt, %jit3A, %sign3A_163 : i32
      %sign3A_165 = arith.extui %sign3A_164 : i1 to i32
      %sign3A_166 = arith.constant 0 : i32
      %sign3A_167 = arith.cmpi slt, %jit3A, %sign3A_166 : i32
      %sign3A_168 = arith.extui %sign3A_167 : i1 to i32
      %sign3A_169 = arith.subi %sign3A_165, %sign3A_168 : i32
      %ne3A = arith.cmpi ne, %sign3A_162, %sign3A_169 : i32
      %rem3A = arith.remsi %scan3A_156, %jit3A : i32
      %ne3A_170 = arith.constant 0 : i32
      %ne3A_171 = arith.cmpi ne, %rem3A, %ne3A_170 : i32
      %and3A = arith.andi %ne3A, %ne3A_171 : i1
      %sub3A = arith.constant 1 : i32
      %sub3A_172 = arith.subi %div3A, %sub3A : i32
      %select_n3A = arith.select %and3A, %sub3A_172, %div3A : i32
      %mul3A_173 = arith.constant 2 : i32
      %mul3A_174 = arith.muli %select_n3A, %mul3A_173 : i32
      %mul3A_175 = arith.constant 256 : i32
      %mul3A_176 = arith.muli %mul3A_174, %mul3A_175 : i32
      %jit3A_177 = arith.constant 2 : i32
      %eq3A = arith.constant 0 : i32
      %eq3A_178 = arith.cmpi eq, %jit3A_177, %eq3A : i32
      %jit3A_179 = arith.constant 1 : i32
      %select_n3A_180 = arith.select %eq3A_178, %jit3A_179, %jit3A_177 : i32
      %rem3A_181 = arith.remsi %scan3A_156, %select_n3A_180 : i32
      %ne3A_182 = arith.constant 0 : i32
      %ne3A_183 = arith.cmpi ne, %rem3A_181, %ne3A_182 : i32
      %lt3A = arith.constant 0 : i32
      %lt3A_184 = arith.cmpi slt, %rem3A_181, %lt3A : i32
      %lt3A_185 = arith.constant 0 : i32
      %lt3A_186 = arith.cmpi slt, %select_n3A_180, %lt3A_185 : i32
      %ne3A_187 = arith.xori %lt3A_184, %lt3A_186 : i1
      %and3A_188 = arith.andi %ne3A_187, %ne3A_183 : i1
      %add3A_189 = arith.addi %rem3A_181, %select_n3A_180 : i32
      %select_n3A_190 = arith.select %and3A_188, %add3A_189, %rem3A_181 : i32
      %mul3A_191 = arith.constant 128 : i32
      %mul3A_192 = arith.muli %select_n3A_190, %mul3A_191 : i32
      %add3A_193 = arith.addi %mul3A_176, %mul3A_192 : i32
      %and3A_194 = arith.constant 8192 : i32
      %and3A_195 = arith.andi %add3A_193, %and3A_194 : i32
      %eq3A_196 = arith.constant 0 : i32
      %eq3A_197 = arith.cmpi eq, %and3A_195, %eq3A_196 : i32
      %get3A_198 = arith.index_cast %add3A_193 : i32 to index
      %get3A_199 = arith.constant 0 : index
      %get3A_200 = vector.load %arg2[%get3A_198, %get3A_199] : memref<8192x128xf32, #tpu.memory_space<vmem>>, vector<128x128xf32>
      %add3A_201 = arith.constant 256 : i32
      %add3A_202 = arith.addi %add3A_193, %add3A_201 : i32
      %get3A_203 = arith.index_cast %add3A_202 : i32 to index
      %get3A_204 = arith.constant 0 : index
      %get3A_205 = vector.load %arg2[%get3A_203, %get3A_204] : memref<8192x128xf32, #tpu.memory_space<vmem>>, vector<128x128xf32>
      %get3A_206 = arith.index_cast %add3A_193 : i32 to index
      %get3A_207 = arith.constant 0 : index
      %get3A_208 = vector.load %arg3[%get3A_206, %get3A_207] : memref<8192x128xi32, #tpu.memory_space<vmem>>, vector<128x128xi32>
      %add3A_209 = arith.constant 256 : i32
      %add3A_210 = arith.addi %add3A_193, %add3A_209 : i32
      %get3A_211 = arith.index_cast %add3A_210 : i32 to index
      %get3A_212 = arith.constant 0 : index
      %get3A_213 = vector.load %arg3[%get3A_211, %get3A_212] : memref<8192x128xi32, #tpu.memory_space<vmem>>, vector<128x128xi32>
      %gt3A = arith.cmpf ogt, %get3A_200, %get3A_205 : vector<128x128xf32>
      %eq3A_214 = arith.cmpf oeq, %get3A_200, %get3A_205 : vector<128x128xf32>
      %gt3A_215 = arith.cmpi sgt, %get3A_208, %get3A_213 : vector<128x128xi32>
      %and3A_216 = arith.andi %eq3A_214, %gt3A_215 : vector<128x128xi1>
      %or3A = arith.ori %gt3A, %and3A_216 : vector<128x128xi1>
      %eq3A_217 = vector.broadcast %eq3A_197 : i1 to vector<128x128xi1>
      %eq3A_218 = vector.broadcast %eq3A_217 : vector<128x128xi1> to vector<128x128xi1>
      %eq3A_219 = arith.xori %or3A, %eq3A_218 : vector<128x128xi1>
      %eq3A_220 = arith.constant dense<true> : vector<128x128xi1>
      %eq3A_221 = arith.xori %eq3A_219, %eq3A_220 : vector<128x128xi1>
      %select_n3A_222 = arith.select %eq3A_221, %get3A_205, %get3A_200 : vector<128x128xi1>, vector<128x128xf32>
      %swap3A_223 = arith.index_cast %add3A_193 : i32 to index
      %swap3A_224 = arith.constant 0 : index
      %swap3A_225 = vector.load %arg2[%swap3A_223, %swap3A_224] : memref<8192x128xf32, #tpu.memory_space<vmem>>, vector<128x128xf32>
      tpu.vector_store %arg2[%swap3A_223, %swap3A_224], %select_n3A_222 {strides = array<i32>} : memref<8192x128xf32, #tpu.memory_space<vmem>>, vector<128x128xf32>,
      %select_n3A_226 = arith.select %eq3A_221, %get3A_200, %get3A_205 : vector<128x128xi1>, vector<128x128xf32>
      %add3A_227 = arith.constant 256 : i32
      %add3A_228 = arith.addi %add3A_193, %add3A_227 : i32
      %swap3A_229 = arith.index_cast %add3A_228 : i32 to index
      %swap3A_230 = arith.constant 0 : index
      %swap3A_231 = vector.load %arg2[%swap3A_229, %swap3A_230] : memref<8192x128xf32, #tpu.memory_space<vmem>>, vector<128x128xf32>
      tpu.vector_store %arg2[%swap3A_229, %swap3A_230], %select_n3A_226 {strides = array<i32>} : memref<8192x128xf32, #tpu.memory_space<vmem>>, vector<128x128xf32>,
      %select_n3A_232 = arith.select %eq3A_221, %get3A_213, %get3A_208 : vector<128x128xi1>, vector<128x128xi32>
      %swap3A_233 = arith.index_cast %add3A_193 : i32 to index
      %swap3A_234 = arith.constant 0 : index
      %swap3A_235 = vector.load %arg3[%swap3A_233, %swap3A_234] : memref<8192x128xi32, #tpu.memory_space<vmem>>, vector<128x128xi32>
      tpu.vector_store %arg3[%swap3A_233, %swap3A_234], %select_n3A_232 {strides = array<i32>} : memref<8192x128xi32, #tpu.memory_space<vmem>>, vector<128x128xi32>,
      %select_n3A_236 = arith.select %eq3A_221, %get3A_208, %get3A_213 : vector<128x128xi1>, vector<128x128xi32>
      %add3A_237 = arith.constant 256 : i32
      %add3A_238 = arith.addi %add3A_193, %add3A_237 : i32
      %swap3A_239 = arith.index_cast %add3A_238 : i32 to index
      %swap3A_240 = arith.constant 0 : index
      %swap3A_241 = vector.load %arg3[%swap3A_239, %swap3A_240] : memref<8192x128xi32, #tpu.memory_space<vmem>>, vector<128x128xi32>
      tpu.vector_store %arg3[%swap3A_239, %swap3A_240], %select_n3A_236 {strides = array<i32>} : memref<8192x128xi32, #tpu.memory_space<vmem>>, vector<128x128xi32>,
    }
    %scan3A_136 = arith.constant 32 : i32
    %scan3A_137 = arith.constant 0 : i32
    %scan3A_138 = arith.constant 32 : i32
    %scan3A_139 = arith.addi %scan3A_137, %scan3A_138 : i32
    %scan3A_140 = arith.constant 1 : i32
    scf.for %scan3A_156 = %scan3A_137 to %scan3A_139 step %scan3A_140  : i32 {
      %jit3A = arith.constant 1 : i32
      %div3A = arith.divsi %scan3A_156, %jit3A : i32
      %sign3A = arith.constant 0 : i32
      %sign3A_157 = arith.cmpi sgt, %scan3A_156, %sign3A : i32
      %sign3A_158 = arith.extui %sign3A_157 : i1 to i32
      %sign3A_159 = arith.constant 0 : i32
      %sign3A_160 = arith.cmpi slt, %scan3A_156, %sign3A_159 : i32
      %sign3A_161 = arith.extui %sign3A_160 : i1 to i32
      %sign3A_162 = arith.subi %sign3A_158, %sign3A_161 : i32
      %sign3A_163 = arith.constant 0 : i32
      %sign3A_164 = arith.cmpi sgt, %jit3A, %sign3A_163 : i32
      %sign3A_165 = arith.extui %sign3A_164 : i1 to i32
      %sign3A_166 = arith.constant 0 : i32
      %sign3A_167 = arith.cmpi slt, %jit3A, %sign3A_166 : i32
      %sign3A_168 = arith.extui %sign3A_167 : i1 to i32
      %sign3A_169 = arith.subi %sign3A_165, %sign3A_168 : i32
      %ne3A = arith.cmpi ne, %sign3A_162, %sign3A_169 : i32
      %rem3A = arith.remsi %scan3A_156, %jit3A : i32
      %ne3A_170 = arith.constant 0 : i32
      %ne3A_171 = arith.cmpi ne, %rem3A, %ne3A_170 : i32
      %and3A = arith.andi %ne3A, %ne3A_171 : i1
      %sub3A = arith.constant 1 : i32
      %sub3A_172 = arith.subi %div3A, %sub3A : i32
      %select_n3A = arith.select %and3A, %sub3A_172, %div3A : i32
      %mul3A_173 = arith.constant 2 : i32
      %mul3A_174 = arith.muli %select_n3A, %mul3A_173 : i32
      %mul3A_175 = arith.constant 128 : i32
      %mul3A_176 = arith.muli %mul3A_174, %mul3A_175 : i32
      %jit3A_177 = arith.constant 1 : i32
      %eq3A = arith.constant 0 : i32
      %eq3A_178 = arith.cmpi eq, %jit3A_177, %eq3A : i32
      %jit3A_179 = arith.constant 1 : i32
      %select_n3A_180 = arith.select %eq3A_178, %jit3A_179, %jit3A_177 : i32
      %rem3A_181 = arith.remsi %scan3A_156, %select_n3A_180 : i32
      %ne3A_182 = arith.constant 0 : i32
      %ne3A_183 = arith.cmpi ne, %rem3A_181, %ne3A_182 : i32
      %lt3A = arith.constant 0 : i32
      %lt3A_184 = arith.cmpi slt, %rem3A_181, %lt3A : i32
      %lt3A_185 = arith.constant 0 : i32
      %lt3A_186 = arith.cmpi slt, %select_n3A_180, %lt3A_185 : i32
      %ne3A_187 = arith.xori %lt3A_184, %lt3A_186 : i1
      %and3A_188 = arith.andi %ne3A_187, %ne3A_183 : i1
      %add3A_189 = arith.addi %rem3A_181, %select_n3A_180 : i32
      %select_n3A_190 = arith.select %and3A_188, %add3A_189, %rem3A_181 : i32
      %mul3A_191 = arith.constant 128 : i32
      %mul3A_192 = arith.muli %select_n3A_190, %mul3A_191 : i32
      %add3A_193 = arith.addi %mul3A_176, %mul3A_192 : i32
      %and3A_194 = arith.constant 8192 : i32
      %and3A_195 = arith.andi %add3A_193, %and3A_194 : i32
      %eq3A_196 = arith.constant 0 : i32
      %eq3A_197 = arith.cmpi eq, %and3A_195, %eq3A_196 : i32
      %get3A_198 = arith.index_cast %add3A_193 : i32 to index
      %get3A_199 = arith.constant 0 : index
      %get3A_200 = vector.load %arg2[%get3A_198, %get3A_199] : memref<8192x128xf32, #tpu.memory_space<vmem>>, vector<128x128xf32>
      %add3A_201 = arith.constant 128 : i32
      %add3A_202 = arith.addi %add3A_193, %add3A_201 : i32
      %get3A_203 = arith.index_cast %add3A_202 : i32 to index
      %get3A_204 = arith.constant 0 : index
      %get3A_205 = vector.load %arg2[%get3A_203, %get3A_204] : memref<8192x128xf32, #tpu.memory_space<vmem>>, vector<128x128xf32>
      %get3A_206 = arith.index_cast %add3A_193 : i32 to index
      %get3A_207 = arith.constant 0 : index
      %get3A_208 = vector.load %arg3[%get3A_206, %get3A_207] : memref<8192x128xi32, #tpu.memory_space<vmem>>, vector<128x128xi32>
      %add3A_209 = arith.constant 128 : i32
      %add3A_210 = arith.addi %add3A_193, %add3A_209 : i32
      %get3A_211 = arith.index_cast %add3A_210 : i32 to index
      %get3A_212 = arith.constant 0 : index
      %get3A_213 = vector.load %arg3[%get3A_211, %get3A_212] : memref<8192x128xi32, #tpu.memory_space<vmem>>, vector<128x128xi32>
      %gt3A = arith.cmpf ogt, %get3A_200, %get3A_205 : vector<128x128xf32>
      %eq3A_214 = arith.cmpf oeq, %get3A_200, %get3A_205 : vector<128x128xf32>
      %gt3A_215 = arith.cmpi sgt, %get3A_208, %get3A_213 : vector<128x128xi32>
      %and3A_216 = arith.andi %eq3A_214, %gt3A_215 : vector<128x128xi1>
      %or3A = arith.ori %gt3A, %and3A_216 : vector<128x128xi1>
      %eq3A_217 = vector.broadcast %eq3A_197 : i1 to vector<128x128xi1>
      %eq3A_218 = vector.broadcast %eq3A_217 : vector<128x128xi1> to vector<128x128xi1>
      %eq3A_219 = arith.xori %or3A, %eq3A_218 : vector<128x128xi1>
      %eq3A_220 = arith.constant dense<true> : vector<128x128xi1>
      %eq3A_221 = arith.xori %eq3A_219, %eq3A_220 : vector<128x128xi1>
      %select_n3A_222 = arith.select %eq3A_221, %get3A_205, %get3A_200 : vector<128x128xi1>, vector<128x128xf32>
      %swap3A_223 = arith.index_cast %add3A_193 : i32 to index
      %swap3A_224 = arith.constant 0 : index
      %swap3A_225 = vector.load %arg2[%swap3A_223, %swap3A_224] : memref<8192x128xf32, #tpu.memory_space<vmem>>, vector<128x128xf32>
      tpu.vector_store %arg2[%swap3A_223, %swap3A_224], %select_n3A_222 {strides = array<i32>} : memref<8192x128xf32, #tpu.memory_space<vmem>>, vector<128x128xf32>,
      %select_n3A_226 = arith.select %eq3A_221, %get3A_200, %get3A_205 : vector<128x128xi1>, vector<128x128xf32>
      %add3A_227 = arith.constant 128 : i32
      %add3A_228 = arith.addi %add3A_193, %add3A_227 : i32
      %swap3A_229 = arith.index_cast %add3A_228 : i32 to index
      %swap3A_230 = arith.constant 0 : index
      %swap3A_231 = vector.load %arg2[%swap3A_229, %swap3A_230] : memref<8192x128xf32, #tpu.memory_space<vmem>>, vector<128x128xf32>
      tpu.vector_store %arg2[%swap3A_229, %swap3A_230], %select_n3A_226 {strides = array<i32>} : memref<8192x128xf32, #tpu.memory_space<vmem>>, vector<128x128xf32>,
      %select_n3A_232 = arith.select %eq3A_221, %get3A_213, %get3A_208 : vector<128x128xi1>, vector<128x128xi32>
      %swap3A_233 = arith.index_cast %add3A_193 : i32 to index
      %swap3A_234 = arith.constant 0 : index
      %swap3A_235 = vector.load %arg3[%swap3A_233, %swap3A_234] : memref<8192x128xi32, #tpu.memory_space<vmem>>, vector<128x128xi32>
      tpu.vector_store %arg3[%swap3A_233, %swap3A_234], %select_n3A_232 {strides = array<i32>} : memref<8192x128xi32, #tpu.memory_space<vmem>>, vector<128x128xi32>,
      %select_n3A_236 = arith.select %eq3A_221, %get3A_208, %get3A_213 : vector<128x128xi1>, vector<128x128xi32>
      %add3A_237 = arith.constant 128 : i32
      %add3A_238 = arith.addi %add3A_193, %add3A_237 : i32
      %swap3A_239 = arith.index_cast %add3A_238 : i32 to index
      %swap3A_240 = arith.constant 0 : index
      %swap3A_241 = vector.load %arg3[%swap3A_239, %swap3A_240] : memref<8192x128xi32, #tpu.memory_space<vmem>>, vector<128x128xi32>
      tpu.vector_store %arg3[%swap3A_239, %swap3A_240], %select_n3A_236 {strides = array<i32>} : memref<8192x128xi32, #tpu.memory_space<vmem>>, vector<128x128xi32>,
    }
    %scan3A_141 = arith.constant 32 : i32
    %scan3A_142 = arith.constant 0 : i32
    %scan3A_143 = arith.constant 64 : i32
    %scan3A_144 = arith.addi %scan3A_142, %scan3A_143 : i32
    %scan3A_145 = arith.constant 1 : i32
    scf.for %scan3A_156 = %scan3A_142 to %scan3A_144 step %scan3A_145  : i32 {
      %mul3A_157 = arith.constant 128 : i32
      %mul3A_158 = arith.muli %scan3A_156, %mul3A_157 : i32
      %get3A_159 = arith.index_cast %mul3A_158 : i32 to index
      %get3A_160 = arith.constant 0 : index
      %get3A_161 = vector.load %arg2[%get3A_159, %get3A_160] : memref<8192x128xf32, #tpu.memory_space<vmem>>, vector<128x128xf32>
      %get3A_162 = arith.index_cast %mul3A_158 : i32 to index
      %get3A_163 = arith.constant 0 : index
      %get3A_164 = vector.load %arg3[%get3A_162, %get3A_163] : memref<8192x128xi32, #tpu.memory_space<vmem>>, vector<128x128xi32>
      %add3A_165 = vector.broadcast %mul3A_158 : i32 to vector<128x1xi32>
      %add3A_166 = arith.addi %iota3A_7, %add3A_165 : vector<128x1xi32>
      %and3A = arith.constant 8192 : i32
      %and3A_167 = vector.broadcast %and3A : i32 to vector<128x1xi32>
      %and3A_168 = arith.andi %add3A_166, %and3A_167 : vector<128x1xi32>
      %eq3A = arith.constant 0 : i32
      %eq3A_169 = vector.broadcast %eq3A : i32 to vector<128x1xi32>
      %eq3A_170 = arith.cmpi eq, %and3A_168, %eq3A_169 : vector<128x1xi32>
      %and3A_171 = arith.constant 64 : i32
      %and3A_172 = vector.broadcast %and3A_171 : i32 to vector<128x1xi32>
      %and3A_173 = arith.andi %iota3A_7, %and3A_172 : vector<128x1xi32>
      %ne3A = arith.constant 0 : i32
      %ne3A_174 = vector.broadcast %ne3A : i32 to vector<128x1xi32>
      %ne3A_175 = arith.cmpi ne, %and3A_173, %ne3A_174 : vector<128x1xi32>
      %slice3A = vector.extract_strided_slice %get3A_161 {offsets = [64, 0], sizes = [64, 128], strides = [1, 1]} : vector<128x128xf32> to vector<64x128xf32>
      %slice3A_176 = vector.extract_strided_slice %get3A_161 {offsets = [0, 0], sizes = [64, 128], strides = [1, 1]} : vector<128x128xf32> to vector<64x128xf32>
      %concatenate3A = tpu.concatenate %slice3A, %slice3A_176 in 0 : vector<64x128xf32>, vector<64x128xf32> -> vector<128x128xf32>
      %slice3A_177 = vector.extract_strided_slice %get3A_161 {offsets = [64, 0], sizes = [64, 128], strides = [1, 1]} : vector<128x128xf32> to vector<64x128xf32>
      %slice3A_178 = vector.extract_strided_slice %get3A_161 {offsets = [0, 0], sizes = [64, 128], strides = [1, 1]} : vector<128x128xf32> to vector<64x128xf32>
      %concatenate3A_179 = tpu.concatenate %slice3A_177, %slice3A_178 in 0 : vector<64x128xf32>, vector<64x128xf32> -> vector<128x128xf32>
      %broadcast_in_dim3A = vector.shape_cast %ne3A_175 : vector<128x1xi1> to vector<128x1xi1>
      %broadcast_in_dim3A_180 = vector.broadcast %broadcast_in_dim3A : vector<128x1xi1> to vector<128x128xi1>
      %select_n3A = arith.select %broadcast_in_dim3A_180, %concatenate3A, %concatenate3A_179 : vector<128x128xi1>, vector<128x128xf32>
      %slice3A_181 = vector.extract_strided_slice %get3A_164 {offsets = [64, 0], sizes = [64, 128], strides = [1, 1]} : vector<128x128xi32> to vector<64x128xi32>
      %slice3A_182 = vector.extract_strided_slice %get3A_164 {offsets = [0, 0], sizes = [64, 128], strides = [1, 1]} : vector<128x128xi32> to vector<64x128xi32>
      %concatenate3A_183 = tpu.concatenate %slice3A_181, %slice3A_182 in 0 : vector<64x128xi32>, vector<64x128xi32> -> vector<128x128xi32>
      %slice3A_184 = vector.extract_strided_slice %get3A_164 {offsets = [64, 0], sizes = [64, 128], strides = [1, 1]} : vector<128x128xi32> to vector<64x128xi32>
      %slice3A_185 = vector.extract_strided_slice %get3A_164 {offsets = [0, 0], sizes = [64, 128], strides = [1, 1]} : vector<128x128xi32> to vector<64x128xi32>
      %concatenate3A_186 = tpu.concatenate %slice3A_184, %slice3A_185 in 0 : vector<64x128xi32>, vector<64x128xi32> -> vector<128x128xi32>
      %broadcast_in_dim3A_187 = vector.shape_cast %ne3A_175 : vector<128x1xi1> to vector<128x1xi1>
      %broadcast_in_dim3A_188 = vector.broadcast %broadcast_in_dim3A_187 : vector<128x1xi1> to vector<128x128xi1>
      %select_n3A_189 = arith.select %broadcast_in_dim3A_188, %concatenate3A_183, %concatenate3A_186 : vector<128x128xi1>, vector<128x128xi32>
      %gt3A = arith.cmpf ogt, %get3A_161, %select_n3A : vector<128x128xf32>
      %eq3A_190 = arith.cmpf oeq, %get3A_161, %select_n3A : vector<128x128xf32>
      %gt3A_191 = arith.cmpi sgt, %get3A_164, %select_n3A_189 : vector<128x128xi32>
      %and3A_192 = arith.andi %eq3A_190, %gt3A_191 : vector<128x128xi1>
      %or3A = arith.ori %gt3A, %and3A_192 : vector<128x128xi1>
      %eq3A_193 = arith.xori %ne3A_175, %eq3A_170 : vector<128x1xi1>
      %eq3A_194 = arith.constant dense<true> : vector<128x1xi1>
      %eq3A_195 = arith.xori %eq3A_193, %eq3A_194 : vector<128x1xi1>
      %xor3A = vector.broadcast %eq3A_195 : vector<128x1xi1> to vector<128x128xi1>
      %xor3A_196 = arith.xori %or3A, %xor3A : vector<128x128xi1>
      %select_n3A_197 = arith.select %xor3A_196, %select_n3A, %get3A_161 : vector<128x128xi1>, vector<128x128xf32>
      %select_n3A_198 = arith.select %xor3A_196, %select_n3A_189, %get3A_164 : vector<128x128xi1>, vector<128x128xi32>
      %and3A_199 = arith.constant 32 : i32
      %and3A_200 = vector.broadcast %and3A_199 : i32 to vector<128x1xi32>
      %and3A_201 = arith.andi %iota3A_7, %and3A_200 : vector<128x1xi32>
      %ne3A_202 = arith.constant 0 : i32
      %ne3A_203 = vector.broadcast %ne3A_202 : i32 to vector<128x1xi32>
      %ne3A_204 = arith.cmpi ne, %and3A_201, %ne3A_203 : vector<128x1xi32>
      %slice3A_205 = vector.extract_strided_slice %select_n3A_197 {offsets = [96, 0], sizes = [32, 128], strides = [1, 1]} : vector<128x128xf32> to vector<32x128xf32>
      %slice3A_206 = vector.extract_strided_slice %select_n3A_197 {offsets = [0, 0], sizes = [96, 128], strides = [1, 1]} : vector<128x128xf32> to vector<96x128xf32>
      %concatenate3A_207 = tpu.concatenate %slice3A_205, %slice3A_206 in 0 : vector<32x128xf32>, vector<96x128xf32> -> vector<128x128xf32>
      %slice3A_208 = vector.extract_strided_slice %select_n3A_197 {offsets = [32, 0], sizes = [96, 128], strides = [1, 1]} : vector<128x128xf32> to vector<96x128xf32>
      %slice3A_209 = vector.extract_strided_slice %select_n3A_197 {offsets = [0, 0], sizes = [32, 128], strides = [1, 1]} : vector<128x128xf32> to vector<32x128xf32>
      %concatenate3A_210 = tpu.concatenate %slice3A_208, %slice3A_209 in 0 : vector<96x128xf32>, vector<32x128xf32> -> vector<128x128xf32>
      %broadcast_in_dim3A_211 = vector.shape_cast %ne3A_204 : vector<128x1xi1> to vector<128x1xi1>
      %broadcast_in_dim3A_212 = vector.broadcast %broadcast_in_dim3A_211 : vector<128x1xi1> to vector<128x128xi1>
      %select_n3A_213 = arith.select %broadcast_in_dim3A_212, %concatenate3A_207, %concatenate3A_210 : vector<128x128xi1>, vector<128x128xf32>
      %slice3A_214 = vector.extract_strided_slice %select_n3A_198 {offsets = [96, 0], sizes = [32, 128], strides = [1, 1]} : vector<128x128xi32> to vector<32x128xi32>
      %slice3A_215 = vector.extract_strided_slice %select_n3A_198 {offsets = [0, 0], sizes = [96, 128], strides = [1, 1]} : vector<128x128xi32> to vector<96x128xi32>
      %concatenate3A_216 = tpu.concatenate %slice3A_214, %slice3A_215 in 0 : vector<32x128xi32>, vector<96x128xi32> -> vector<128x128xi32>
      %slice3A_217 = vector.extract_strided_slice %select_n3A_198 {offsets = [32, 0], sizes = [96, 128], strides = [1, 1]} : vector<128x128xi32> to vector<96x128xi32>
      %slice3A_218 = vector.extract_strided_slice %select_n3A_198 {offsets = [0, 0], sizes = [32, 128], strides = [1, 1]} : vector<128x128xi32> to vector<32x128xi32>
      %concatenate3A_219 = tpu.concatenate %slice3A_217, %slice3A_218 in 0 : vector<96x128xi32>, vector<32x128xi32> -> vector<128x128xi32>
      %broadcast_in_dim3A_220 = vector.shape_cast %ne3A_204 : vector<128x1xi1> to vector<128x1xi1>
      %broadcast_in_dim3A_221 = vector.broadcast %broadcast_in_dim3A_220 : vector<128x1xi1> to vector<128x128xi1>
      %select_n3A_222 = arith.select %broadcast_in_dim3A_221, %concatenate3A_216, %concatenate3A_219 : vector<128x128xi1>, vector<128x128xi32>
      %gt3A_223 = arith.cmpf ogt, %select_n3A_197, %select_n3A_213 : vector<128x128xf32>
      %eq3A_224 = arith.cmpf oeq, %select_n3A_197, %select_n3A_213 : vector<128x128xf32>
      %gt3A_225 = arith.cmpi sgt, %select_n3A_198, %select_n3A_222 : vector<128x128xi32>
      %and3A_226 = arith.andi %eq3A_224, %gt3A_225 : vector<128x128xi1>
      %or3A_227 = arith.ori %gt3A_223, %and3A_226 : vector<128x128xi1>
      %eq3A_228 = arith.xori %ne3A_204, %eq3A_170 : vector<128x1xi1>
      %eq3A_229 = arith.constant dense<true> : vector<128x1xi1>
      %eq3A_230 = arith.xori %eq3A_228, %eq3A_229 : vector<128x1xi1>
      %xor3A_231 = vector.broadcast %eq3A_230 : vector<128x1xi1> to vector<128x128xi1>
      %xor3A_232 = arith.xori %or3A_227, %xor3A_231 : vector<128x128xi1>
      %select_n3A_233 = arith.select %xor3A_232, %select_n3A_213, %select_n3A_197 : vector<128x128xi1>, vector<128x128xf32>
      %select_n3A_234 = arith.select %xor3A_232, %select_n3A_222, %select_n3A_198 : vector<128x128xi1>, vector<128x128xi32>
      %and3A_235 = arith.constant 16 : i32
      %and3A_236 = vector.broadcast %and3A_235 : i32 to vector<128x1xi32>
      %and3A_237 = arith.andi %iota3A_7, %and3A_236 : vector<128x1xi32>
      %ne3A_238 = arith.constant 0 : i32
      %ne3A_239 = vector.broadcast %ne3A_238 : i32 to vector<128x1xi32>
      %ne3A_240 = arith.cmpi ne, %and3A_237, %ne3A_239 : vector<128x1xi32>
      %slice3A_241 = vector.extract_strided_slice %select_n3A_233 {offsets = [112, 0], sizes = [16, 128], strides = [1, 1]} : vector<128x128xf32> to vector<16x128xf32>
      %slice3A_242 = vector.extract_strided_slice %select_n3A_233 {offsets = [0, 0], sizes = [112, 128], strides = [1, 1]} : vector<128x128xf32> to vector<112x128xf32>
      %concatenate3A_243 = tpu.concatenate %slice3A_241, %slice3A_242 in 0 : vector<16x128xf32>, vector<112x128xf32> -> vector<128x128xf32>
      %slice3A_244 = vector.extract_strided_slice %select_n3A_233 {offsets = [16, 0], sizes = [112, 128], strides = [1, 1]} : vector<128x128xf32> to vector<112x128xf32>
      %slice3A_245 = vector.extract_strided_slice %select_n3A_233 {offsets = [0, 0], sizes = [16, 128], strides = [1, 1]} : vector<128x128xf32> to vector<16x128xf32>
      %concatenate3A_246 = tpu.concatenate %slice3A_244, %slice3A_245 in 0 : vector<112x128xf32>, vector<16x128xf32> -> vector<128x128xf32>
      %broadcast_in_dim3A_247 = vector.shape_cast %ne3A_240 : vector<128x1xi1> to vector<128x1xi1>
      %broadcast_in_dim3A_248 = vector.broadcast %broadcast_in_dim3A_247 : vector<128x1xi1> to vector<128x128xi1>
      %select_n3A_249 = arith.select %broadcast_in_dim3A_248, %concatenate3A_243, %concatenate3A_246 : vector<128x128xi1>, vector<128x128xf32>
      %slice3A_250 = vector.extract_strided_slice %select_n3A_234 {offsets = [112, 0], sizes = [16, 128], strides = [1, 1]} : vector<128x128xi32> to vector<16x128xi32>
      %slice3A_251 = vector.extract_strided_slice %select_n3A_234 {offsets = [0, 0], sizes = [112, 128], strides = [1, 1]} : vector<128x128xi32> to vector<112x128xi32>
      %concatenate3A_252 = tpu.concatenate %slice3A_250, %slice3A_251 in 0 : vector<16x128xi32>, vector<112x128xi32> -> vector<128x128xi32>
      %slice3A_253 = vector.extract_strided_slice %select_n3A_234 {offsets = [16, 0], sizes = [112, 128], strides = [1, 1]} : vector<128x128xi32> to vector<112x128xi32>
      %slice3A_254 = vector.extract_strided_slice %select_n3A_234 {offsets = [0, 0], sizes = [16, 128], strides = [1, 1]} : vector<128x128xi32> to vector<16x128xi32>
      %concatenate3A_255 = tpu.concatenate %slice3A_253, %slice3A_254 in 0 : vector<112x128xi32>, vector<16x128xi32> -> vector<128x128xi32>
      %broadcast_in_dim3A_256 = vector.shape_cast %ne3A_240 : vector<128x1xi1> to vector<128x1xi1>
      %broadcast_in_dim3A_257 = vector.broadcast %broadcast_in_dim3A_256 : vector<128x1xi1> to vector<128x128xi1>
      %select_n3A_258 = arith.select %broadcast_in_dim3A_257, %concatenate3A_252, %concatenate3A_255 : vector<128x128xi1>, vector<128x128xi32>
      %gt3A_259 = arith.cmpf ogt, %select_n3A_233, %select_n3A_249 : vector<128x128xf32>
      %eq3A_260 = arith.cmpf oeq, %select_n3A_233, %select_n3A_249 : vector<128x128xf32>
      %gt3A_261 = arith.cmpi sgt, %select_n3A_234, %select_n3A_258 : vector<128x128xi32>
      %and3A_262 = arith.andi %eq3A_260, %gt3A_261 : vector<128x128xi1>
      %or3A_263 = arith.ori %gt3A_259, %and3A_262 : vector<128x128xi1>
      %eq3A_264 = arith.xori %ne3A_240, %eq3A_170 : vector<128x1xi1>
      %eq3A_265 = arith.constant dense<true> : vector<128x1xi1>
      %eq3A_266 = arith.xori %eq3A_264, %eq3A_265 : vector<128x1xi1>
      %xor3A_267 = vector.broadcast %eq3A_266 : vector<128x1xi1> to vector<128x128xi1>
      %xor3A_268 = arith.xori %or3A_263, %xor3A_267 : vector<128x128xi1>
      %select_n3A_269 = arith.select %xor3A_268, %select_n3A_249, %select_n3A_233 : vector<128x128xi1>, vector<128x128xf32>
      %select_n3A_270 = arith.select %xor3A_268, %select_n3A_258, %select_n3A_234 : vector<128x128xi1>, vector<128x128xi32>
      %and3A_271 = arith.constant 8 : i32
      %and3A_272 = vector.broadcast %and3A_271 : i32 to vector<128x1xi32>
      %and3A_273 = arith.andi %iota3A_7, %and3A_272 : vector<128x1xi32>
      %ne3A_274 = arith.constant 0 : i32
      %ne3A_275 = vector.broadcast %ne3A_274 : i32 to vector<128x1xi32>
      %ne3A_276 = arith.cmpi ne, %and3A_273, %ne3A_275 : vector<128x1xi32>
      %slice3A_277 = vector.extract_strided_slice %select_n3A_269 {offsets = [120, 0], sizes = [8, 128], strides = [1, 1]} : vector<128x128xf32> to vector<8x128xf32>
      %slice3A_278 = vector.extract_strided_slice %select_n3A_269 {offsets = [0, 0], sizes = [120, 128], strides = [1, 1]} : vector<128x128xf32> to vector<120x128xf32>
      %concatenate3A_279 = tpu.concatenate %slice3A_277, %slice3A_278 in 0 : vector<8x128xf32>, vector<120x128xf32> -> vector<128x128xf32>
      %slice3A_280 = vector.extract_strided_slice %select_n3A_269 {offsets = [8, 0], sizes = [120, 128], strides = [1, 1]} : vector<128x128xf32> to vector<120x128xf32>
      %slice3A_281 = vector.extract_strided_slice %select_n3A_269 {offsets = [0, 0], sizes = [8, 128], strides = [1, 1]} : vector<128x128xf32> to vector<8x128xf32>
      %concatenate3A_282 = tpu.concatenate %slice3A_280, %slice3A_281 in 0 : vector<120x128xf32>, vector<8x128xf32> -> vector<128x128xf32>
      %broadcast_in_dim3A_283 = vector.shape_cast %ne3A_276 : vector<128x1xi1> to vector<128x1xi1>
      %broadcast_in_dim3A_284 = vector.broadcast %broadcast_in_dim3A_283 : vector<128x1xi1> to vector<128x128xi1>
      %select_n3A_285 = arith.select %broadcast_in_dim3A_284, %concatenate3A_279, %concatenate3A_282 : vector<128x128xi1>, vector<128x128xf32>
      %slice3A_286 = vector.extract_strided_slice %select_n3A_270 {offsets = [120, 0], sizes = [8, 128], strides = [1, 1]} : vector<128x128xi32> to vector<8x128xi32>
      %slice3A_287 = vector.extract_strided_slice %select_n3A_270 {offsets = [0, 0], sizes = [120, 128], strides = [1, 1]} : vector<128x128xi32> to vector<120x128xi32>
      %concatenate3A_288 = tpu.concatenate %slice3A_286, %slice3A_287 in 0 : vector<8x128xi32>, vector<120x128xi32> -> vector<128x128xi32>
      %slice3A_289 = vector.extract_strided_slice %select_n3A_270 {offsets = [8, 0], sizes = [120, 128], strides = [1, 1]} : vector<128x128xi32> to vector<120x128xi32>
      %slice3A_290 = vector.extract_strided_slice %select_n3A_270 {offsets = [0, 0], sizes = [8, 128], strides = [1, 1]} : vector<128x128xi32> to vector<8x128xi32>
      %concatenate3A_291 = tpu.concatenate %slice3A_289, %slice3A_290 in 0 : vector<120x128xi32>, vector<8x128xi32> -> vector<128x128xi32>
      %broadcast_in_dim3A_292 = vector.shape_cast %ne3A_276 : vector<128x1xi1> to vector<128x1xi1>
      %broadcast_in_dim3A_293 = vector.broadcast %broadcast_in_dim3A_292 : vector<128x1xi1> to vector<128x128xi1>
      %select_n3A_294 = arith.select %broadcast_in_dim3A_293, %concatenate3A_288, %concatenate3A_291 : vector<128x128xi1>, vector<128x128xi32>
      %gt3A_295 = arith.cmpf ogt, %select_n3A_269, %select_n3A_285 : vector<128x128xf32>
      %eq3A_296 = arith.cmpf oeq, %select_n3A_269, %select_n3A_285 : vector<128x128xf32>
      %gt3A_297 = arith.cmpi sgt, %select_n3A_270, %select_n3A_294 : vector<128x128xi32>
      %and3A_298 = arith.andi %eq3A_296, %gt3A_297 : vector<128x128xi1>
      %or3A_299 = arith.ori %gt3A_295, %and3A_298 : vector<128x128xi1>
      %eq3A_300 = arith.xori %ne3A_276, %eq3A_170 : vector<128x1xi1>
      %eq3A_301 = arith.constant dense<true> : vector<128x1xi1>
      %eq3A_302 = arith.xori %eq3A_300, %eq3A_301 : vector<128x1xi1>
      %xor3A_303 = vector.broadcast %eq3A_302 : vector<128x1xi1> to vector<128x128xi1>
      %xor3A_304 = arith.xori %or3A_299, %xor3A_303 : vector<128x128xi1>
      %select_n3A_305 = arith.select %xor3A_304, %select_n3A_285, %select_n3A_269 : vector<128x128xi1>, vector<128x128xf32>
      %select_n3A_306 = arith.select %xor3A_304, %select_n3A_294, %select_n3A_270 : vector<128x128xi1>, vector<128x128xi32>
      %and3A_307 = arith.constant 4 : i32
      %and3A_308 = vector.broadcast %and3A_307 : i32 to vector<128x1xi32>
      %and3A_309 = arith.andi %iota3A_7, %and3A_308 : vector<128x1xi32>
      %ne3A_310 = arith.constant 0 : i32
      %ne3A_311 = vector.broadcast %ne3A_310 : i32 to vector<128x1xi32>
      %ne3A_312 = arith.cmpi ne, %and3A_309, %ne3A_311 : vector<128x1xi32>
      %slice3A_313 = vector.extract_strided_slice %select_n3A_305 {offsets = [124, 0], sizes = [4, 128], strides = [1, 1]} : vector<128x128xf32> to vector<4x128xf32>
      %slice3A_314 = vector.extract_strided_slice %select_n3A_305 {offsets = [0, 0], sizes = [124, 128], strides = [1, 1]} : vector<128x128xf32> to vector<124x128xf32>
      %concatenate3A_315 = tpu.concatenate %slice3A_313, %slice3A_314 in 0 : vector<4x128xf32>, vector<124x128xf32> -> vector<128x128xf32>
      %slice3A_316 = vector.extract_strided_slice %select_n3A_305 {offsets = [4, 0], sizes = [124, 128], strides = [1, 1]} : vector<128x128xf32> to vector<124x128xf32>
      %slice3A_317 = vector.extract_strided_slice %select_n3A_305 {offsets = [0, 0], sizes = [4, 128], strides = [1, 1]} : vector<128x128xf32> to vector<4x128xf32>
      %concatenate3A_318 = tpu.concatenate %slice3A_316, %slice3A_317 in 0 : vector<124x128xf32>, vector<4x128xf32> -> vector<128x128xf32>
      %broadcast_in_dim3A_319 = vector.shape_cast %ne3A_312 : vector<128x1xi1> to vector<128x1xi1>
      %broadcast_in_dim3A_320 = vector.broadcast %broadcast_in_dim3A_319 : vector<128x1xi1> to vector<128x128xi1>
      %select_n3A_321 = arith.select %broadcast_in_dim3A_320, %concatenate3A_315, %concatenate3A_318 : vector<128x128xi1>, vector<128x128xf32>
      %slice3A_322 = vector.extract_strided_slice %select_n3A_306 {offsets = [124, 0], sizes = [4, 128], strides = [1, 1]} : vector<128x128xi32> to vector<4x128xi32>
      %slice3A_323 = vector.extract_strided_slice %select_n3A_306 {offsets = [0, 0], sizes = [124, 128], strides = [1, 1]} : vector<128x128xi32> to vector<124x128xi32>
      %concatenate3A_324 = tpu.concatenate %slice3A_322, %slice3A_323 in 0 : vector<4x128xi32>, vector<124x128xi32> -> vector<128x128xi32>
      %slice3A_325 = vector.extract_strided_slice %select_n3A_306 {offsets = [4, 0], sizes = [124, 128], strides = [1, 1]} : vector<128x128xi32> to vector<124x128xi32>
      %slice3A_326 = vector.extract_strided_slice %select_n3A_306 {offsets = [0, 0], sizes = [4, 128], strides = [1, 1]} : vector<128x128xi32> to vector<4x128xi32>
      %concatenate3A_327 = tpu.concatenate %slice3A_325, %slice3A_326 in 0 : vector<124x128xi32>, vector<4x128xi32> -> vector<128x128xi32>
      %broadcast_in_dim3A_328 = vector.shape_cast %ne3A_312 : vector<128x1xi1> to vector<128x1xi1>
      %broadcast_in_dim3A_329 = vector.broadcast %broadcast_in_dim3A_328 : vector<128x1xi1> to vector<128x128xi1>
      %select_n3A_330 = arith.select %broadcast_in_dim3A_329, %concatenate3A_324, %concatenate3A_327 : vector<128x128xi1>, vector<128x128xi32>
      %gt3A_331 = arith.cmpf ogt, %select_n3A_305, %select_n3A_321 : vector<128x128xf32>
      %eq3A_332 = arith.cmpf oeq, %select_n3A_305, %select_n3A_321 : vector<128x128xf32>
      %gt3A_333 = arith.cmpi sgt, %select_n3A_306, %select_n3A_330 : vector<128x128xi32>
      %and3A_334 = arith.andi %eq3A_332, %gt3A_333 : vector<128x128xi1>
      %or3A_335 = arith.ori %gt3A_331, %and3A_334 : vector<128x128xi1>
      %eq3A_336 = arith.xori %ne3A_312, %eq3A_170 : vector<128x1xi1>
      %eq3A_337 = arith.constant dense<true> : vector<128x1xi1>
      %eq3A_338 = arith.xori %eq3A_336, %eq3A_337 : vector<128x1xi1>
      %xor3A_339 = vector.broadcast %eq3A_338 : vector<128x1xi1> to vector<128x128xi1>
      %xor3A_340 = arith.xori %or3A_335, %xor3A_339 : vector<128x128xi1>
      %select_n3A_341 = arith.select %xor3A_340, %select_n3A_321, %select_n3A_305 : vector<128x128xi1>, vector<128x128xf32>
      %select_n3A_342 = arith.select %xor3A_340, %select_n3A_330, %select_n3A_306 : vector<128x128xi1>, vector<128x128xi32>
      %and3A_343 = arith.constant 2 : i32
      %and3A_344 = vector.broadcast %and3A_343 : i32 to vector<128x1xi32>
      %and3A_345 = arith.andi %iota3A_7, %and3A_344 : vector<128x1xi32>
      %ne3A_346 = arith.constant 0 : i32
      %ne3A_347 = vector.broadcast %ne3A_346 : i32 to vector<128x1xi32>
      %ne3A_348 = arith.cmpi ne, %and3A_345, %ne3A_347 : vector<128x1xi32>
      %slice3A_349 = vector.extract_strided_slice %select_n3A_341 {offsets = [126, 0], sizes = [2, 128], strides = [1, 1]} : vector<128x128xf32> to vector<2x128xf32>
      %slice3A_350 = vector.extract_strided_slice %select_n3A_341 {offsets = [0, 0], sizes = [126, 128], strides = [1, 1]} : vector<128x128xf32> to vector<126x128xf32>
      %concatenate3A_351 = tpu.concatenate %slice3A_349, %slice3A_350 in 0 : vector<2x128xf32>, vector<126x128xf32> -> vector<128x128xf32>
      %slice3A_352 = vector.extract_strided_slice %select_n3A_341 {offsets = [2, 0], sizes = [126, 128], strides = [1, 1]} : vector<128x128xf32> to vector<126x128xf32>
      %slice3A_353 = vector.extract_strided_slice %select_n3A_341 {offsets = [0, 0], sizes = [2, 128], strides = [1, 1]} : vector<128x128xf32> to vector<2x128xf32>
      %concatenate3A_354 = tpu.concatenate %slice3A_352, %slice3A_353 in 0 : vector<126x128xf32>, vector<2x128xf32> -> vector<128x128xf32>
      %broadcast_in_dim3A_355 = vector.shape_cast %ne3A_348 : vector<128x1xi1> to vector<128x1xi1>
      %broadcast_in_dim3A_356 = vector.broadcast %broadcast_in_dim3A_355 : vector<128x1xi1> to vector<128x128xi1>
      %select_n3A_357 = arith.select %broadcast_in_dim3A_356, %concatenate3A_351, %concatenate3A_354 : vector<128x128xi1>, vector<128x128xf32>
      %slice3A_358 = vector.extract_strided_slice %select_n3A_342 {offsets = [126, 0], sizes = [2, 128], strides = [1, 1]} : vector<128x128xi32> to vector<2x128xi32>
      %slice3A_359 = vector.extract_strided_slice %select_n3A_342 {offsets = [0, 0], sizes = [126, 128], strides = [1, 1]} : vector<128x128xi32> to vector<126x128xi32>
      %concatenate3A_360 = tpu.concatenate %slice3A_358, %slice3A_359 in 0 : vector<2x128xi32>, vector<126x128xi32> -> vector<128x128xi32>
      %slice3A_361 = vector.extract_strided_slice %select_n3A_342 {offsets = [2, 0], sizes = [126, 128], strides = [1, 1]} : vector<128x128xi32> to vector<126x128xi32>
      %slice3A_362 = vector.extract_strided_slice %select_n3A_342 {offsets = [0, 0], sizes = [2, 128], strides = [1, 1]} : vector<128x128xi32> to vector<2x128xi32>
      %concatenate3A_363 = tpu.concatenate %slice3A_361, %slice3A_362 in 0 : vector<126x128xi32>, vector<2x128xi32> -> vector<128x128xi32>
      %broadcast_in_dim3A_364 = vector.shape_cast %ne3A_348 : vector<128x1xi1> to vector<128x1xi1>
      %broadcast_in_dim3A_365 = vector.broadcast %broadcast_in_dim3A_364 : vector<128x1xi1> to vector<128x128xi1>
      %select_n3A_366 = arith.select %broadcast_in_dim3A_365, %concatenate3A_360, %concatenate3A_363 : vector<128x128xi1>, vector<128x128xi32>
      %gt3A_367 = arith.cmpf ogt, %select_n3A_341, %select_n3A_357 : vector<128x128xf32>
      %eq3A_368 = arith.cmpf oeq, %select_n3A_341, %select_n3A_357 : vector<128x128xf32>
      %gt3A_369 = arith.cmpi sgt, %select_n3A_342, %select_n3A_366 : vector<128x128xi32>
      %and3A_370 = arith.andi %eq3A_368, %gt3A_369 : vector<128x128xi1>
      %or3A_371 = arith.ori %gt3A_367, %and3A_370 : vector<128x128xi1>
      %eq3A_372 = arith.xori %ne3A_348, %eq3A_170 : vector<128x1xi1>
      %eq3A_373 = arith.constant dense<true> : vector<128x1xi1>
      %eq3A_374 = arith.xori %eq3A_372, %eq3A_373 : vector<128x1xi1>
      %xor3A_375 = vector.broadcast %eq3A_374 : vector<128x1xi1> to vector<128x128xi1>
      %xor3A_376 = arith.xori %or3A_371, %xor3A_375 : vector<128x128xi1>
      %select_n3A_377 = arith.select %xor3A_376, %select_n3A_357, %select_n3A_341 : vector<128x128xi1>, vector<128x128xf32>
      %select_n3A_378 = arith.select %xor3A_376, %select_n3A_366, %select_n3A_342 : vector<128x128xi1>, vector<128x128xi32>
      %and3A_379 = arith.constant 1 : i32
      %and3A_380 = vector.broadcast %and3A_379 : i32 to vector<128x1xi32>
      %and3A_381 = arith.andi %iota3A_7, %and3A_380 : vector<128x1xi32>
      %ne3A_382 = arith.constant 0 : i32
      %ne3A_383 = vector.broadcast %ne3A_382 : i32 to vector<128x1xi32>
      %ne3A_384 = arith.cmpi ne, %and3A_381, %ne3A_383 : vector<128x1xi32>
      %slice3A_385 = vector.extract_strided_slice %select_n3A_377 {offsets = [127, 0], sizes = [1, 128], strides = [1, 1]} : vector<128x128xf32> to vector<1x128xf32>
      %slice3A_386 = vector.extract_strided_slice %select_n3A_377 {offsets = [0, 0], sizes = [127, 128], strides = [1, 1]} : vector<128x128xf32> to vector<127x128xf32>
      %concatenate3A_387 = tpu.concatenate %slice3A_385, %slice3A_386 in 0 : vector<1x128xf32>, vector<127x128xf32> -> vector<128x128xf32>
      %slice3A_388 = vector.extract_strided_slice %select_n3A_377 {offsets = [1, 0], sizes = [127, 128], strides = [1, 1]} : vector<128x128xf32> to vector<127x128xf32>
      %slice3A_389 = vector.extract_strided_slice %select_n3A_377 {offsets = [0, 0], sizes = [1, 128], strides = [1, 1]} : vector<128x128xf32> to vector<1x128xf32>
      %concatenate3A_390 = tpu.concatenate %slice3A_388, %slice3A_389 in 0 : vector<127x128xf32>, vector<1x128xf32> -> vector<128x128xf32>
      %broadcast_in_dim3A_391 = vector.shape_cast %ne3A_384 : vector<128x1xi1> to vector<128x1xi1>
      %broadcast_in_dim3A_392 = vector.broadcast %broadcast_in_dim3A_391 : vector<128x1xi1> to vector<128x128xi1>
      %select_n3A_393 = arith.select %broadcast_in_dim3A_392, %concatenate3A_387, %concatenate3A_390 : vector<128x128xi1>, vector<128x128xf32>
      %slice3A_394 = vector.extract_strided_slice %select_n3A_378 {offsets = [127, 0], sizes = [1, 128], strides = [1, 1]} : vector<128x128xi32> to vector<1x128xi32>
      %slice3A_395 = vector.extract_strided_slice %select_n3A_378 {offsets = [0, 0], sizes = [127, 128], strides = [1, 1]} : vector<128x128xi32> to vector<127x128xi32>
      %concatenate3A_396 = tpu.concatenate %slice3A_394, %slice3A_395 in 0 : vector<1x128xi32>, vector<127x128xi32> -> vector<128x128xi32>
      %slice3A_397 = vector.extract_strided_slice %select_n3A_378 {offsets = [1, 0], sizes = [127, 128], strides = [1, 1]} : vector<128x128xi32> to vector<127x128xi32>
      %slice3A_398 = vector.extract_strided_slice %select_n3A_378 {offsets = [0, 0], sizes = [1, 128], strides = [1, 1]} : vector<128x128xi32> to vector<1x128xi32>
      %concatenate3A_399 = tpu.concatenate %slice3A_397, %slice3A_398 in 0 : vector<127x128xi32>, vector<1x128xi32> -> vector<128x128xi32>
      %broadcast_in_dim3A_400 = vector.shape_cast %ne3A_384 : vector<128x1xi1> to vector<128x1xi1>
      %broadcast_in_dim3A_401 = vector.broadcast %broadcast_in_dim3A_400 : vector<128x1xi1> to vector<128x128xi1>
      %select_n3A_402 = arith.select %broadcast_in_dim3A_401, %concatenate3A_396, %concatenate3A_399 : vector<128x128xi1>, vector<128x128xi32>
      %gt3A_403 = arith.cmpf ogt, %select_n3A_377, %select_n3A_393 : vector<128x128xf32>
      %eq3A_404 = arith.cmpf oeq, %select_n3A_377, %select_n3A_393 : vector<128x128xf32>
      %gt3A_405 = arith.cmpi sgt, %select_n3A_378, %select_n3A_402 : vector<128x128xi32>
      %and3A_406 = arith.andi %eq3A_404, %gt3A_405 : vector<128x128xi1>
      %or3A_407 = arith.ori %gt3A_403, %and3A_406 : vector<128x128xi1>
      %eq3A_408 = arith.xori %ne3A_384, %eq3A_170 : vector<128x1xi1>
      %eq3A_409 = arith.constant dense<true> : vector<128x1xi1>
      %eq3A_410 = arith.xori %eq3A_408, %eq3A_409 : vector<128x1xi1>
      %xor3A_411 = vector.broadcast %eq3A_410 : vector<128x1xi1> to vector<128x128xi1>
      %xor3A_412 = arith.xori %or3A_407, %xor3A_411 : vector<128x128xi1>
      %select_n3A_413 = arith.select %xor3A_412, %select_n3A_393, %select_n3A_377 : vector<128x128xi1>, vector<128x128xf32>
      %select_n3A_414 = arith.select %xor3A_412, %select_n3A_402, %select_n3A_378 : vector<128x128xi1>, vector<128x128xi32>
      %swap3A_415 = arith.index_cast %mul3A_158 : i32 to index
      %swap3A_416 = arith.constant 0 : index
      %swap3A_417 = vector.load %arg2[%swap3A_415, %swap3A_416] : memref<8192x128xf32, #tpu.memory_space<vmem>>, vector<128x128xf32>
      tpu.vector_store %arg2[%swap3A_415, %swap3A_416], %select_n3A_413 {strides = array<i32>} : memref<8192x128xf32, #tpu.memory_space<vmem>>, vector<128x128xf32>,
      %swap3A_418 = arith.index_cast %mul3A_158 : i32 to index
      %swap3A_419 = arith.constant 0 : index
      %swap3A_420 = vector.load %arg3[%swap3A_418, %swap3A_419] : memref<8192x128xi32, #tpu.memory_space<vmem>>, vector<128x128xi32>
      tpu.vector_store %arg3[%swap3A_418, %swap3A_419], %select_n3A_414 {strides = array<i32>} : memref<8192x128xi32, #tpu.memory_space<vmem>>, vector<128x128xi32>,
    }
    %scan3A_146 = arith.constant 64 : i32
    %get3A_147 = arith.constant 0 : index
    %get3A_148 = arith.constant 0 : index
    %get3A_149 = vector.load %arg3[%get3A_147, %get3A_148] : memref<8192x128xi32, #tpu.memory_space<vmem>>, vector<8192x128xi32>
    %transpose3A = tpu.transpose %get3A_149, [1, 0] : vector<8192x128xi32> -> vector<128x8192xi32>
    %iota3A_150 = tpu.iota {dimensions = array<i32: 0>} : vector<128x8192xi32>
    %mul3A = arith.constant 8192 : i32
    %mul3A_151 = vector.broadcast %mul3A : i32 to vector<128x8192xi32>
    %mul3A_152 = arith.muli %iota3A_150, %mul3A_151 : vector<128x8192xi32>
    %add3A = arith.addi %transpose3A, %mul3A_152 : vector<128x8192xi32>
    %reshape3A = vector.shape_cast %add3A : vector<128x8192xi32> to vector<8192x128xi32>
    %swap3A_153 = arith.constant 0 : index
    %swap3A_154 = arith.constant 0 : index
    %swap3A_155 = vector.load %arg1[%swap3A_153, %swap3A_154] : memref<8192x128xi32, #tpu.memory_space<vmem>>, vector<8192x128xi32>
    tpu.vector_store %arg1[%swap3A_153, %swap3A_154], %reshape3A {strides = array<i32>} : memref<8192x128xi32, #tpu.memory_space<vmem>>, vector<8192x128xi32>,
    return
  }
}

module attributes {stable_mosaic.version = 14 : i64} {
  func.func @_mm_body(%arg0: i32, %arg1: memref<2048x128xf32, #tpu.memory_space<vmem>>, %arg2: memref<128x128xf32, #tpu.memory_space<vmem>>, %arg3: memref<1x128xf32, #tpu.memory_space<vmem>>, %arg4: memref<2048x128xf32, #tpu.memory_space<vmem>>) attributes {dimension_semantics = [#tpu.dimension_semantics<arbitrary>], iteration_bounds = array<i64: 128>, scalar_prefetch = 0 : i64, scratch_operands = 0 : i64, tpu.core_type = #tpu.core_type<tc>, window_params = [{transform_indices = @transform_0, window_bounds = array<i64: 2048, 128>}, {pipeline_mode = #tpu.pipeline_mode<synchronous>, transform_indices = @transform_1, window_bounds = array<i64: 128, 128>}, {pipeline_mode = #tpu.pipeline_mode<synchronous>, transform_indices = @transform_2, window_bounds = array<i64: 1, 128>}, {transform_indices = @transform_3, window_bounds = array<i64: 2048, 128>}]} {
    %get3A = arith.constant 0 : index
    %get3A_0 = arith.constant 0 : index
    %get3A_1 = vector.load %arg1[%get3A, %get3A_0] : memref<2048x128xf32, #tpu.memory_space<vmem>>, vector<2048x128xf32>
    %get3A_2 = arith.constant 0 : index
    %get3A_3 = arith.constant 0 : index
    %get3A_4 = vector.load %arg2[%get3A_2, %get3A_3] : memref<128x128xf32, #tpu.memory_space<vmem>>, vector<128x128xf32>
    %dot_general3A = arith.constant dense<0.000000e+00> : vector<2048x128xf32>
    %dot_general3A_5 = tpu.matmul %get3A_1, %get3A_4, %dot_general3A {dimension_numbers = #tpu.dot_dimension_numbers<[1], [0], [0], [1], [0, 0, 1, 1], [], []>, transpose_lhs_hint = false} : vector<2048x128xf32>, vector<128x128xf32>, vector<2048x128xf32> -> vector<2048x128xf32>
    %get3A_6 = arith.constant 0 : index
    %get3A_7 = arith.constant 0 : index
    %get3A_8 = vector.load %arg3[%get3A_6, %get3A_7] : memref<1x128xf32, #tpu.memory_space<vmem>>, vector<1x128xf32>
    %add3A = vector.broadcast %get3A_8 : vector<1x128xf32> to vector<2048x128xf32>
    %add3A_9 = arith.addf %dot_general3A_5, %add3A : vector<2048x128xf32>
    %swap3A = arith.constant 0 : index
    %swap3A_10 = arith.constant 0 : index
    %swap3A_11 = vector.load %arg4[%swap3A, %swap3A_10] : memref<2048x128xf32, #tpu.memory_space<vmem>>, vector<2048x128xf32>
    tpu.vector_store %arg4[%swap3A, %swap3A_10], %add3A_9 {strides = array<i32>} : memref<2048x128xf32, #tpu.memory_space<vmem>>, vector<2048x128xf32>,
    return
  }
  func.func @transform_0(%arg0: i32) -> (i32, i32) {
    %c0_i32 = arith.constant 0 : i32
    %c0_i32_0 = arith.constant 0 : i32
    return %arg0, %c0_i32 : i32, i32
  }
  func.func @transform_1(%arg0: i32) -> (i32, i32) {
    %c0_i32 = arith.constant 0 : i32
    %c0_i32_0 = arith.constant 0 : i32
    %c0_i32_1 = arith.constant 0 : i32
    return %c0_i32, %c0_i32_0 : i32, i32
  }
  func.func @transform_2(%arg0: i32) -> (i32, i32) {
    %c0_i32 = arith.constant 0 : i32
    %c0_i32_0 = arith.constant 0 : i32
    %c0_i32_1 = arith.constant 0 : i32
    return %c0_i32, %c0_i32_0 : i32, i32
  }
  func.func @transform_3(%arg0: i32) -> (i32, i32) {
    %c0_i32 = arith.constant 0 : i32
    %c0_i32_0 = arith.constant 0 : i32
    return %arg0, %c0_i32 : i32, i32
  }
}

</mosaic_0001>

<sc_bundles>
// kernel: kernel.5.cloned.1.call-start
scs
__scs_entry_jumppad:
0x0: {  	(pc) =	sbr.rel $0x88, $3  }
0x1: {  	(tag) =	ssettag $0x0;
	lr =	simm.s32 $0x1  }
0x2: {  	[smem:$0x3F9E] =	sst lr;
	_ =	strace $0xD0000000  }
0x3: {  	_ = 	snop  }
0x4: {  	_ = 	snop  }
0x5: {  	_ = 	snop  }
0x6: {  	_ = 	snop  }
0x7: {  	_ = 	snop  }
__scs_overlays_trampoline_lowered:
0x8: {  	[smem:$0x3FAD] =	sst s0  }
0x9: {  	[smem:$0x3FAE] =	sst s1  }
0xa: {  	[smem:$0x3FAF] =	sst s2  }
0xb: {  	[smem:$0x3FB0] =	sst s3  }
0xc: {  	[smem:$0x3FB1] =	sst s4  }
0xd: {  	[smem:$0x3FB2] =	sst s5  }
0xe: {  	[smem:$0x3FB3] =	sst s6  }
0xf: {  	[smem:$0x3FB4] =	sst s7  }
0x10: {  	[smem:$0x3FB5] =	sst s8  }
0x11: {  	[smem:$0x3FB6] =	sst s9;
	s0 =	simm.s32 @!p0 $0x0  }
0x12: {  	s1 =	sld [smem:$0x3F9C];
	s0 =	simm.s32 @p0 $0x1  }
0x13: {  	[smem:$0x3FB7] =	sst s0;
	s0 =	simm.s32 @!p1 $0x0  }
0x14: {  	s2 =	sld [smem:$0x3F9B];
	s0 =	simm.s32 @p1 $0x1  }
0x15: {  	[smem:$0x3FB8] =	sst s0;
	s0 =	simm.s32 @!p2 $0x0  }
0x16: {  	s3 =	sld [smem:$0x3FDB];
	s0 =	simm.s32 @p2 $0x1  }
0x17: {  	s4 =	simm.s32 $0x1BF5;
	[smem:$0x3FBA] =	sst s0  }
0x18: {  	s0 =	sld [smem:$0x3F9D];
	_ =	swait.ge [sflag:s4], $0x0  }
0x19: {  	s7 =	sld [smem:$0x3F9E]  }
0x1a: {  	s8 =	sadd.s32 $0xFFFFE003, lr  }
0x1b: {  	s9 =	sadd.s32 $0xFFFFFEF7, lr;
	s5 =	simm.s32 $0xFFFFFFFF;
	p2 =	slt.u32 s8, $0xFFFFF086  }
0x1c: {  	p1 =	slt.u32 s9, $0xF7A;
	s5 =	simm.s32 @!p2 $0x0  }
0x1d: {  	s5 =	simm.s32 @p1 $0x1;
	p0 =	seq.s32 s7, s2  }
0x1e: {  	s7 =	smul.u32 @!p0 $0xF7A, s2;
	p2 =	seq.s32 @!p0 s5, $0x0  }
0x1f: {  	s9 =	smul.u32 $0xF7A, s1;
	s8 =	simm.s32 @!p0 $0x1BF5;
	p2 =	por !p2, p0  }
0x20: {  	[sflag:s8] =	ssyncset.s32 @!p0 $0xFFFFF086;
	s6 =	sadd.s32 @!p0 s3, s7;
	s7 =	simm.s32 @!p0 $0x108  }
0x21: {  	s3 =	sadd.s32 s3, s9;
	s6 =	sadd.s32 @!p0 $0x88, s6;
	s7 =	simm.s32 @p2 $0x1082  }
0x22: {  	[simem:s7], [sflag:s8] =	dma.local @!p0 [hbm:s6], $0xF7A  }
0x23: {  	s9 =	sor.u32 $0xD0000000, s2;
	s6 =	simm.s32 $0x108;
	_ =	swait.ge @!p0 [sflag:s8], $0x0  }
0x24: {  	s3 =	sadd.s32 $0x88, s3;
	s6 =	simm.s32 @!p1 $0x1082;
	[sflag:s4] =	ssyncset.s32 $0xFFFFF086  }
0x25: {  	[simem:s6], [sflag:s4] =	dma.local [hbm:s3], $0xF7A  }
0x26: {  	[smem:$0x3F9E] =	sst s1;
	(tag) =	ssettag s2;
	_ =	strace s9  }
0x27: {  	s1 =	sld [smem:$0x3FAE]  }
0x28: {  	s2 =	sld [smem:$0x3FAF]  }
0x29: {  	s4 =	sld [smem:$0x3FB1]  }
0x2a: {  	p0 =	seq.s32 s5, $0x0;
	s5 =	sld [smem:$0x3FB2]  }
0x2b: {  	s6 =	sld [smem:$0x3FB3]  }
0x2c: {  	s7 =	sld [smem:$0x3FB4]  }
0x2d: {  	s3 =	simm.s32 $0x108;
	s8 =	sld [smem:$0x3FB5]  }
0x2e: {  	s3 =	simm.s32 @!p0 $0x1082;
	s9 =	sld [smem:$0x3FB6]  }
0x2f: {  	lr =	sadd.s32 s0, s3;
	s0 =	sld [smem:$0x3FAD]  }
0x30: {  	s3 =	sld [smem:$0x3FB0]  }
0x31: {  	[smem:$0x3FB9] =	sst s10  }
0x32: {  	s10 =	sld [smem:$0x3FB7];
	_ =	sdelay $0x3  }
0x33: {  	p0 =	seq.s32 s10, $0x1;
	s10 =	sld [smem:$0x3FB9];
	_ =	sdelay $0x3  }
0x34: {  	[smem:$0x3FB9] =	sst s10  }
0x35: {  	s10 =	sld [smem:$0x3FB8];
	_ =	sdelay $0x3  }
0x36: {  	p1 =	seq.s32 s10, $0x1;
	s10 =	sld [smem:$0x3FB9];
	_ =	sdelay $0x3  }
0x37: {  	[smem:$0x3FB9] =	sst s10  }
0x38: {  	s10 =	sld [smem:$0x3FBA]  }
0x39: {  	_ = 	snop;
	(pc) =	sbr.ind lr, $3  }
0x3a: {  	_ = 	snop  }
0x3b: {  	_ = 	snop  }
0x3c: {  	p2 =	seq.s32 s10, $0x1;
	s10 =	sld [smem:$0x3FB9]  }
0x3d: {  	_ =	shalt  }
0x3e: {  	_ =	shalt  }
0x3f: {  	_ =	shalt  }
0x40: {  	_ =	shalt  }
0x41: {  	_ =	shalt  }
0x42: {  	_ =	shalt  }
0x43: {  	_ =	shalt  }
0x44: {  	_ =	shalt  }
0x45: {  	_ =	shalt  }
0x46: {  	_ =	shalt  }
0x47: {  	_ =	shalt  }
0x48: {  	_ =	shalt  }
0x49: {  	_ =	shalt  }
0x4a: {  	_ =	shalt  }
0x4b: {  	_ =	shalt  }
0x4c: {  	_ =	shalt  }
0x4d: {  	_ =	shalt  }
0x4e: {  	_ =	shalt  }
0x4f: {  	_ =	shalt  }
0x50: {  	_ =	shalt  }
0x51: {  	_ =	shalt  }
0x52: {  	_ =	shalt  }
0x53: {  	_ =	shalt  }
0x54: {  	_ =	shalt  }
0x55: {  	_ =	shalt  }
0x56: {  	_ =	shalt  }
0x57: {  	_ =	shalt  }
0x58: {  	_ =	shalt  }
0x59: {  	_ =	shalt  }
0x5a: {  	_ =	shalt  }
0x5b: {  	_ =	shalt  }
0x5c: {  	_ =	shalt  }
0x5d: {  	_ =	shalt  }
0x5e: {  	_ =	shalt  }
0x5f: {  	_ =	shalt  }
0x60: {  	_ =	shalt  }
0x61: {  	_ =	shalt  }
0x62: {  	_ =	shalt  }
0x63: {  	_ =	shalt  }
0x64: {  	_ =	shalt  }
0x65: {  	_ =	shalt  }
0x66: {  	_ =	shalt  }
0x67: {  	_ =	shalt  }
0x68: {  	_ =	shalt  }
0x69: {  	_ =	shalt  }
0x6a: {  	_ =	shalt  }
0x6b: {  	_ =	shalt  }
0x6c: {  	_ =	shalt  }
0x6d: {  	_ =	shalt  }
0x6e: {  	_ =	shalt  }
0x6f: {  	_ =	shalt  }
0x70: {  	_ =	shalt  }
0x71: {  	_ =	shalt  }
0x72: {  	_ =	shalt  }
0x73: {  	_ =	shalt  }
0x74: {  	_ =	shalt  }
0x75: {  	_ =	shalt  }
0x76: {  	_ =	shalt  }
0x77: {  	_ =	shalt  }
0x78: {  	_ =	shalt  }
0x79: {  	_ =	shalt  }
0x7a: {  	_ =	shalt  }
0x7b: {  	_ =	shalt  }
0x7c: {  	_ =	shalt  }
0x7d: {  	_ =	shalt  }
0x7e: {  	_ =	shalt  }
0x7f: {  	_ =	shalt  }
0x80: {  	_ =	shalt  }
0x81: {  	_ =	shalt  }
0x82: {  	_ =	shalt  }
0x83: {  	_ =	shalt  }
0x84: {  	_ =	shalt  }
0x85: {  	_ =	shalt  }
0x86: {  	_ =	shalt  }
0x87: {  	_ =	shalt  }
.Lfunc_end0:
.L_simem_size_0:
called_computation.1_lowered:
.L_overlay_start_0:
0x88: {  	s2 =	sld [smem:$0x3FD9]  }
0x89: {  	s3 =	sld [smem:$0x3FFE];
	_ =	sdelay $0x1  }
0x8a: {  	s1 =	srdreg.scid  }
0x8b: {  	s0 =	sand.u32 $0x1, s1  }
0x8c: {  	s17 =	sshll.u32 s0, $0xA;
	s2 =	sadd.s32 s3, s2  }
0x8d: {  	s2 =	sadd.s32 s2, s17  }
0x8e: {  	[smem:$0x3FC5] =	sst s2  }
0x8f: {  	_ = 	snop  }
0x90: {  	s2 =	sld [smem:$0x3FD0];
	(tm) =	ssettm $0x1  }
0x91: {  	s18 =	sld [smem:$0x3FFB];
	_ =	sdelay $0x3  }
0x92: {  	_ =	strace s18  }
0x93: {  	s3 =	sld [smem:$0x3FFC];
	_ =	sdelay $0x3  }
0x94: {  	_ =	strace s3  }
0x95: {  	s3 =	sld [smem:$0x3FFD];
	_ =	sdelay $0x3  }
0x96: {  	_ =	strace s3  }
0x97: {  	_ =	strace $0x8FFFFFFF  }
0x98: {  	s19 =	sld [smem:$0x3FDB];
	_ =	sdelay $0x1  }
0x99: {  	s4 =	simm.s32 $_scs_section_size  }
0x9a: {  	s5 =	simm.s32 $_size__tile_overlayer_lowered;
	s6 =	simm.s32 $_tile_overlayer_lowered  }
0x9b: {  	s22 =	simm.s32 $0x1BFF;
	s21 =	sshll.u32 s6, $0x1;
	s3 =	sadd.s32 s4, s19  }
0x9c: {  	s7 =	simm.s32 $0x0;
	s20 =	sshll.u32 s5, $0x1;
	s5 =	sadd.s32 s21, s3  }
0x9d: {  	[timem:s7], [sflag:s22] =	dma.local [hbm:s5], s20  }
0x9e: {  	_ =	swait.ge [sflag:s22], s20  }
0x9f: {  	s4 =	ssub.s32 $0x0, s20;
	[sflag:s22] =	ssyncset.done $0x0  }
0xa0: {  	[sflag:s22] =	ssyncadd.s32 s4;
	_ =	sdelay $0x1  }
0xa1: {  	s23 =	simm.s32 $0x1B8B  }
0xa2: {  	_ =	swait.ge [sflag:s23], $0x1  }
0xa3: {  	[sflag:s23] =	ssyncset.done $0x0  }
0xa4: {  	s25 =	simm.s32 $0x1B8E;
	s24 =	sld [smem:$0x3FFE];
	[sflag:s23] =	ssyncadd.s32 $0xFFFFFFFF  }
0xa5: {  	s26 =	simm.s32 $execute0_lowered;
	[smem:$0x3FD2] =	sst s25  }
0xa6: {  	s5 =	sshll.u32 s26, $0x1;
	_ =	strace $0x80000046;
	[dreg:$0x1] =	wrdreg $0xFFFFFFFF  }
0xa7: {  	s28 =	simm.s32 $_size_execute0_lowered;
	s3 =	sadd.s32 s3, s5;
	[dreg:$0x0] =	wrdreg $0x0  }
0xa8: {  	s5 =	sshll.u32 s28, $0x1;
	[dreg:$0x2] =	wrdreg s3  }
0xa9: {  	[dreg:$0x3] =	wrdreg s5  }
0xaa: {  	[dreg:$0x4] =	wrdreg $0xC0  }
0xab: {  	_ =	task [dreg:s7], $0x5FFFF  }
0xac: {  	[dreg:$0x1] =	wrdreg $0xFFFFFFFF  }
0xad: {  	[dreg:$0x0] =	wrdreg $0x60  }
0xae: {  	[dreg:$0x2] =	wrdreg s24  }
0xaf: {  	[dreg:$0x3] =	wrdreg s2  }
0xb0: {  	[dreg:$0x4] =	wrdreg $0x9  }
0xb1: {  	_ =	task.clear_ibuf [dreg:s7], $0x5FFFF;
	_ =	strace $0x90000046  }
0xb2: {  	s29 =	simm.s32 $0x9;
	_ =	strace $0x80000048  }
0xb3: {  	_ =	swait.ge [sflag:s29], $0x1  }
0xb4: {  	[sflag:s29] =	ssyncadd.s32 $0xFFFFFFFF  }
0xb5: {  	_ =	strace $0x90000048  }
0xb6: {  	_ =	sfence  }
0xb7: {  	s30 =	sld [smem:$0x0];
	_ =	sdelay $0x2  }
0xb8: {  	s31 =	sshll.u32 s1, $0xD;
	s1 =	sshrl.u32 s1, $0x2  }
0xb9: {  	s3 =	sand.u32 $0x4000, s31;
	s1 =	sadd.s32 s1, s30  }
0xba: {  	s0 =	sor.u32 s3, s0;
	s1 =	sshll.u32 s1, $0x11  }
0xbb: {  	s0 =	sor.u32 s1, s0  }
0xbc: {  	s0 =	sadd.s32 $0x8F2B, s0  }
0xbd: {  	[sflag:s0] =	ssyncadd.remote.s32 $0x1  }
0xbe: {  	_ =	sfence.sel $0xFFFF  }
0xbf: {  	[dreg:$0x0] =	wrdreg $0xFFFFFFFF;
	(pc) =	sbr.abs _section_cstart, $3  }
0xc0: {  	[dreg:$0x1] =	wrdreg $0xFFFFFFFF  }
0xc1: {  	_ =	task.clear_ibuf [dreg:s7], $0x2FFFF;
	_ =	strace $0x9FFFFFFF  }
0xc2: {  	(tm) =	ssettm $0x7FFFFFFF  }
0xc3: {  	_ =	shalt  }
tec
execute0_lowered:
.L_overlay_start_1:
0x0: {  	(tag) =	ssettag $0x1  }
0x1: {  	s4 =	rddreg [dreg:$0x0]  }
0x2: {  	s10 =	rddreg [dreg:$0x1]  }
0x3: {  	s0 =	rddreg [dreg:$0x2];
	s3 =	srdreg.scid  }
0x4: {  	s2 =	simm.s32 $0x0;
	s1 =	stileid.u32;
	s13 =	simm.s32 $0x8000  }
0x5: {  	s14 =	simm.s32 $0x9000;
	s15 =	simm.s32 $0x1;
	s16 =	simm.s32 $0x3  }
0x6: {  	s17 =	simm.s32 $0x100;
	s18 =	simm.s32 $0x2;
	s19 =	simm.s32 $0x4  }
0x7: {  	s20 =	simm.s32 $0x7F80;
	s21 =	simm.s32 $0x0;
	s11 =	sand.u32 $0x1, s3  }
0x8: {  	[smem:$0x7FF] =	sst s2;
	s31 =	sshll.u32 s1, $0x10;
	s3 =	sadd.s32 $0x41E00, s4  }
0x9: {  	s12 =	sshll.u32 s1, $0x12;
	s5 =	sshll.u32 s11, $0xF;
	_ =	strace $0x80000047  }
0xa: {  	s6 =	ssub.s32 $0x2, s11;
	s11 =	sshll.u32 s11, $0x11;
	s5 =	sor.u32 s5, s31  }
0xb: {  	s8 =	sshrl.u32 s6, $0x1;
	s7 =	sshrl.u32 s5, $0x3;
	s5 =	sshll.u32 s5, $0x2  }
0xc: {  	s6 =	ssub.s32 s6, s8;
	s4 =	sadd.s32 s7, s4;
	s5 =	sadd.s32 s10, s5  }
0xd: {  	s6 =	smax.u32 s6, $0x1;
	s10 =	sadd.s32 s12, s10;
	s12 =	simm.s32 $0x80  }
0xe: {  	s4 =	sadd.s32 $0x21E00, s4;
	s7 =	sadd.s32 $0x200, s5;
	s8 =	sadd.s32 $0x1FC00, s5  }
0xf: {  	s9 =	sadd.s32 $0x1FE00, s5;
	s10 =	sadd.s32 s11, s10;
	s11 =	simm.s32 $0x5  }
.LBB2_1:
0x10: {  	[tilespmem:s2], [sflag:$0x5] =	stream.linear.gather [hbm4b:s4+s2], $0x8000, $0x38;
	[tilespmem:$0xA000] =	vst v63  }
0x11: {  	_ =	swait.ge [sflag:s11], $0x8000  }
0x12: {  	[sflag:s11] =	ssyncset.done $0x0  }
0x13: {  	[sflag:s11] =	ssyncadd.s32 $0xFFFF8000  }
0x14: {  	[tilespmem:s13], [sflag:$0x1] =	stream.indirect.gather [hbm4b:s3+s12], $0x20, s2, s12, $0xb8;
	[tilespmem:$0xA000] =	vst v63  }
0x15: {  	_ = 	snop  }
0x16: {  	[tilespmem:s14], [sflag:$0x2] =	stream.indirect.gather [hbm4b:s3+s12], $0x20, s12, s12, $0xb8;
	[tilespmem:$0xA000] =	vst v63  }
0x17: {  	_ =	swait.ge [sflag:s15], $0x1000  }
0x18: {  	[sflag:s15] =	ssyncset.done $0x0  }
0x19: {  	[sflag:s15] =	ssyncadd.s32 $0xFFFFF000  }
0x1a: {  	[hbm4b:s5+s2] =	stream.linear.scatter [tilespmem:s13], [sflag:$0x3], $0x1000, $0x38;
	[tilespmem:$0xA000] =	vst v63  }
0x1b: {  	_ =	swait.ge [sflag:s16], $0x1000  }
0x1c: {  	[sflag:s16] =	ssyncset.done $0x0  }
0x1d: {  	[sflag:s16] =	ssyncadd.s32 $0xFFFFF000  }
0x1e: {  	[tilespmem:s13], [sflag:$0x1] =	stream.indirect.gather [hbm4b:s3+s12], $0x20, s17, s12, $0xb8;
	[tilespmem:$0xA000] =	vst v63  }
0x1f: {  	_ =	swait.ge [sflag:s18], $0x1000  }
0x20: {  	[sflag:s18] =	ssyncset.done $0x0  }
0x21: {  	[sflag:s18] =	ssyncadd.s32 $0xFFFFF000  }
0x22: {  	[hbm4b:s7+s2] =	stream.linear.scatter [tilespmem:s14], [sflag:$0x4], $0x1000, $0x38;
	[tilespmem:$0xA000] =	vst v63  }
0x23: {  	_ =	swait.ge [sflag:s19], $0x1000  }
0x24: {  	[sflag:s19] =	ssyncset.done $0x0  }
0x25: {  	s22 =	simm.s32 $0x180;
	[sflag:s19] =	ssyncadd.s32 $0xFFFFF000  }
0x26: {  	[tilespmem:s14], [sflag:$0x2] =	stream.indirect.gather [hbm4b:s3+s12], $0x20, s22, s12, $0xb8;
	[tilespmem:$0xA000] =	vst v63  }
0x27: {  	_ =	swait.ge [sflag:s15], $0x1000  }
0x28: {  	s23 =	sadd.s32 $0xFFFE0800, s10;
	[sflag:s15] =	ssyncset.done $0x0  }
0x29: {  	s30 =	sadd.s32 $0x1FC00, s23;
	[sflag:s15] =	ssyncadd.s32 $0xFFFFF000  }
0x2a: {  	[hbm4b:s30+s2] =	stream.linear.scatter [tilespmem:s13], [sflag:$0x3], $0x1000, $0x38;
	[tilespmem:$0xA000] =	vst v63  }
0x2b: {  	_ =	swait.ge [sflag:s16], $0x1000  }
0x2c: {  	[sflag:s16] =	ssyncset.done $0x0  }
0x2d: {  	s31 =	simm.s32 $0x200;
	[sflag:s16] =	ssyncadd.s32 $0xFFFFF000  }
0x2e: {  	[tilespmem:s13], [sflag:$0x1] =	stream.indirect.gather [hbm4b:s3+s12], $0x20, s31, s12, $0xb8;
	[tilespmem:$0xA000] =	vst v63  }
0x2f: {  	_ =	swait.ge [sflag:s18], $0x1000  }
0x30: {  	[sflag:s18] =	ssyncset.done $0x0  }
0x31: {  	s23 =	sadd.s32 $0x1FE00, s23;
	s22 =	simm.s32 $0xFFFE0C00;
	[sflag:s18] =	ssyncadd.s32 $0xFFFFF000  }
.LBB2_2:
0x32: {  	[hbm4b:s23+s2] =	stream.linear.scatter [tilespmem:s14], [sflag:$0x4], $0x1000, $0x38;
	[tilespmem:$0xA000] =	vst v63  }
0x33: {  	s23 =	smov.u32 s22  }
0x34: {  	p0 =	sne.s32 s22, $0xFFFFFC00;
	s22 =	sadd.s32 $0x400, s22;
	_ =	swait.ge [sflag:s19], $0x1000  }
0x35: {  	s24 =	sshra.s32 s23, $0x2;
	[sflag:s19] =	ssyncset.done $0x0  }
0x36: {  	s25 =	sadd.s32 $0x7F80, s24;
	[sflag:s19] =	ssyncadd.s32 $0xFFFFF000  }
0x37: {  	[tilespmem:s14], [sflag:$0x2] =	stream.indirect.gather [hbm4b:s3+s12], $0x20, s25, s12, $0xb8;
	[tilespmem:$0xA000] =	vst v63  }
0x38: {  	_ =	swait.ge [sflag:s15], $0x1000  }
0x39: {  	s23 =	sadd.s32 s23, s10;
	[sflag:s15] =	ssyncset.done $0x0  }
0x3a: {  	s25 =	sadd.s32 $0x1FC00, s23;
	[sflag:s15] =	ssyncadd.s32 $0xFFFFF000  }
0x3b: {  	[hbm4b:s25+s2] =	stream.linear.scatter [tilespmem:s13], [sflag:$0x3], $0x1000, $0x38;
	[tilespmem:$0xA000] =	vst v63  }
0x3c: {  	_ =	swait.ge [sflag:s16], $0x1000  }
0x3d: {  	[sflag:s16] =	ssyncset.done $0x0  }
.Ltmp0:
0x3e: {  	s24 =	sadd.s32 $0x8000, s24;
	[sflag:s16] =	ssyncadd.s32 $0xFFFFF000;
	(pc) =	sbr.rel @p0 .LBB2_2-.Ltmp0, $4  }
0x3f: {  	[tilespmem:s13], [sflag:$0x1] =	stream.indirect.gather [hbm4b:s3+s12], $0x20, s24, s12, $0xb8;
	[tilespmem:$0xA000] =	vst v63  }
0x40: {  	_ =	swait.ge [sflag:s18], $0x1000  }
0x41: {  	[sflag:s18] =	ssyncset.done $0x0  }
0x42: {  	s23 =	sadd.s32 $0x1FE00, s23;
	[sflag:s18] =	ssyncadd.s32 $0xFFFFF000  }
0x43: {  	[hbm4b:s23+s2] =	stream.linear.scatter [tilespmem:s14], [sflag:$0x4], $0x1000, $0x38;
	[tilespmem:$0xA000] =	vst v63  }
0x44: {  	_ =	swait.ge [sflag:s19], $0x1000  }
0x45: {  	[sflag:s19] =	ssyncset.done $0x0  }
0x46: {  	[sflag:s19] =	ssyncadd.s32 $0xFFFFF000  }
0x47: {  	[tilespmem:s14], [sflag:$0x2] =	stream.indirect.gather [hbm4b:s3+s12], $0x20, s20, s12, $0xb8;
	[tilespmem:$0xA000] =	vst v63  }
0x48: {  	_ =	swait.ge [sflag:s15], $0x1000  }
0x49: {  	[sflag:s15] =	ssyncset.done $0x0  }
0x4a: {  	[sflag:s15] =	ssyncadd.s32 $0xFFFFF000  }
0x4b: {  	[hbm4b:s8+s2] =	stream.linear.scatter [tilespmem:s13], [sflag:$0x3], $0x1000, $0x38;
	[tilespmem:$0xA000] =	vst v63  }
0x4c: {  	_ =	swait.ge [sflag:s18], $0x1000  }
0x4d: {  	[sflag:s18] =	ssyncset.done $0x0  }
0x4e: {  	s21 =	sadd.s32 $0x1, s21;
	[sflag:s18] =	ssyncadd.s32 $0xFFFFF000  }
0x4f: {  	[hbm4b:s9+s2] =	stream.linear.scatter [tilespmem:s14], [sflag:$0x4], $0x1000, $0x38;
	[tilespmem:$0xA000] =	vst v63  }
0x50: {  	p0 =	sne.s32 s21, s6;
	_ =	swait.ge [sflag:s16], $0x1000  }
.Ltmp1:
0x51: {  	[sflag:s16] =	ssyncset.done $0x0;
	(pc) =	sbr.rel @p0 .LBB2_1-.Ltmp1, $4  }
0x52: {  	[sflag:s16] =	ssyncadd.s32 $0xFFFFF000  }
0x53: {  	_ =	swait.ge [sflag:s19], $0x1000  }
0x54: {  	[sflag:s19] =	ssyncset.done $0x0  }
0x55: {  	[sflag:s19] =	ssyncadd.s32 $0xFFFFF000  }
0x56: {  	_ =	sfence.sel $0x180000  }
0x57: {  	[bflag:$0x0] =	sbarrier.arrive $0xFFFF  }
0x58: {  	p0 =	sne.s32 s1, $0x0;
	_ =	strace $0x90000047  }
0x59: {  	s0 =	sadd.s32 @!p0 $0x100000, s0;
	[bflag:$0x2] =	sbarrier.arrive $0xFFFF  }
0x5a: {  	[sflag:s0] =	ssyncadd.tile.s32 @!p0 $0x1;
	_ =	shalt  }
.Lfunc_end2:
_tile_overlayer_lowered:
.L_overlay_start_2:
0x5b: {  	(tag) =	ssettag $0x2  }
0x5c: {  	s0 =	rddreg [dreg:$0x0];
	s2 =	stileid.u32  }
0x5d: {  	s1 =	rddreg [dreg:$0x1];
	p0 =	sne.s32 s2, $0x0  }
0x5e: {  	s3 =	rddreg [dreg:$0x2];
	[bflag:$0x3] =	sbarrier.arrive $0xFFFF;
	s2 =	simm.s32 @!p0 $0x1C05  }
0x5f: {  	[timem:s3], [sflag:s2] =	dma.local @!p0 [hbm:s0], s1  }
0x60: {  	s0 =	simm.s32 @!p0 $0x5  }
0x61: {  	_ =	swait.ge @!p0 [sflag:s0], s1  }
0x62: {  	s1 =	ssub.s32 @!p0 $0x0, s1;
	[sflag:s0] =	ssyncset.done @!p0 $0x0  }
0x63: {  	[sflag:s0] =	ssyncadd.s32 @!p0 s1  }
0x64: {  	[bflag:$0x3] =	sbarrier.arrive $0xFFFF  }
0x65: {  	_ =	shalt  }

// kernel: sparse-core-data-format-call.cloned.1.call-start
scs
called_computation_lowered:
.L_overlay_start_0:
0x0: {  	s2 =	sld [smem:$0x3FD9]  }
0x1: {  	s3 =	sld [smem:$0x3FFE];
	_ =	sdelay $0x1  }
0x2: {  	s1 =	srdreg.scid  }
0x3: {  	s0 =	sand.u32 $0x1, s1  }
0x4: {  	s18 =	sshll.u32 s0, $0xA;
	s2 =	sadd.s32 s3, s2  }
0x5: {  	s2 =	sadd.s32 s2, s18  }
0x6: {  	[smem:$0x3FC5] =	sst s2  }
0x7: {  	_ = 	snop  }
0x8: {  	s2 =	sld [smem:$0x3FD0];
	(tm) =	ssettm $0x1  }
0x9: {  	s19 =	sld [smem:$0x3FFB];
	_ =	sdelay $0x3  }
0xa: {  	_ =	strace s19  }
0xb: {  	s3 =	sld [smem:$0x3FFC];
	_ =	sdelay $0x3  }
0xc: {  	_ =	strace s3  }
0xd: {  	s3 =	sld [smem:$0x3FFD];
	_ =	sdelay $0x3  }
0xe: {  	_ =	strace s3  }
0xf: {  	_ =	strace $0x8FFFFFFF  }
0x10: {  	s20 =	sld [smem:$0x3FDB];
	_ =	sdelay $0x1  }
0x11: {  	s4 =	simm.s32 $_scs_section_size  }
0x12: {  	s5 =	simm.s32 $_size__tile_overlayer_lowered;
	s6 =	simm.s32 $_tile_overlayer_lowered  }
0x13: {  	s23 =	simm.s32 $0x1BFF;
	s22 =	sshll.u32 s6, $0x1;
	s3 =	sadd.s32 s4, s20  }
0x14: {  	s7 =	simm.s32 $0x0;
	s21 =	sshll.u32 s5, $0x1;
	s5 =	sadd.s32 s22, s3  }
0x15: {  	[timem:s7], [sflag:s23] =	dma.local [hbm:s5], s21  }
0x16: {  	_ =	swait.ge [sflag:s23], s21  }
0x17: {  	s4 =	ssub.s32 $0x0, s21;
	[sflag:s23] =	ssyncset.done $0x0  }
0x18: {  	[sflag:s23] =	ssyncadd.s32 s4;
	_ =	sdelay $0x1  }
0x19: {  	s24 =	simm.s32 $0x1B8B  }
0x1a: {  	_ =	swait.ge [sflag:s24], $0x1  }
0x1b: {  	[sflag:s24] =	ssyncset.done $0x0  }
0x1c: {  	s26 =	simm.s32 $0x1B8E;
	s25 =	sld [smem:$0x3FFE];
	[sflag:s24] =	ssyncadd.s32 $0xFFFFFFFF  }
0x1d: {  	s27 =	simm.s32 $execute0_lowered;
	[smem:$0x3FD2] =	sst s26  }
0x1e: {  	s5 =	sshll.u32 s27, $0x1;
	_ =	strace $0x80000049;
	[dreg:$0x1] =	wrdreg $0xFFFFFFFF  }
0x1f: {  	s28 =	simm.s32 $_size_execute0_lowered;
	s3 =	sadd.s32 s3, s5;
	[dreg:$0x0] =	wrdreg $0x0  }
0x20: {  	s5 =	sshll.u32 s28, $0x1;
	[dreg:$0x2] =	wrdreg s3  }
0x21: {  	[dreg:$0x3] =	wrdreg s5  }
0x22: {  	[dreg:$0x4] =	wrdreg $0xC0  }
0x23: {  	_ =	task [dreg:s7], $0x5FFFF  }
0x24: {  	[dreg:$0x1] =	wrdreg $0xFFFFFFFF  }
0x25: {  	[dreg:$0x0] =	wrdreg $0x60  }
0x26: {  	[dreg:$0x2] =	wrdreg s25  }
0x27: {  	[dreg:$0x3] =	wrdreg s2  }
0x28: {  	[dreg:$0x4] =	wrdreg $0x9  }
0x29: {  	_ =	task.clear_ibuf [dreg:s7], $0x5FFFF;
	_ =	strace $0x90000049  }
0x2a: {  	s29 =	simm.s32 $0x9;
	_ =	strace $0x8000004B  }
0x2b: {  	_ =	swait.ge [sflag:s29], $0x1  }
0x2c: {  	[sflag:s29] =	ssyncadd.s32 $0xFFFFFFFF  }
0x2d: {  	_ =	strace $0x9000004B  }
0x2e: {  	_ =	sfence  }
0x2f: {  	s30 =	sld [smem:$0x0];
	_ =	sdelay $0x2  }
0x30: {  	s31 =	sshll.u32 s1, $0xD;
	s1 =	sshrl.u32 s1, $0x2  }
0x31: {  	s3 =	sand.u32 $0x4000, s31;
	s1 =	sadd.s32 s1, s30  }
0x32: {  	s0 =	sor.u32 s3, s0;
	s1 =	sshll.u32 s1, $0x11  }
0x33: {  	s0 =	sor.u32 s1, s0  }
0x34: {  	s0 =	sadd.s32 $0x8F2B, s0  }
0x35: {  	[sflag:s0] =	ssyncadd.remote.s32 $0x1  }
0x36: {  	_ =	sfence.sel $0xFFFF  }
0x37: {  	[dreg:$0x0] =	wrdreg $0xFFFFFFFF;
	(pc) =	sbr.abs _section_cstart, $3  }
0x38: {  	[dreg:$0x1] =	wrdreg $0xFFFFFFFF  }
0x39: {  	_ =	task.clear_ibuf [dreg:s7], $0x2FFFF;
	_ =	strace $0x9FFFFFFF  }
0x3a: {  	(tm) =	ssettm $0x7FFFFFFF  }
0x3b: {  	_ =	shalt  }
tec
execute0_lowered:
.L_overlay_start_1:
0x0: {  	(tag) =	ssettag $0x1  }
0x1: {  	s0 =	srdreg.scid;
	s9 =	rddreg [dreg:$0x0]  }
0x2: {  	s2 =	rddreg [dreg:$0x1];
	s7 =	simm.s32 $0x1;
	s1 =	sshll.u32 s0, $0x4  }
0x3: {  	s8 =	simm.s32 $0x2;
	s0 =	stileid.u32;
	s1 =	sand.u32 $0x10, s1  }
0x4: {  	s15 =	simm.s32 $0x0;
	s11 =	simm.s32 $0x10000;
	s1 =	sor.u32 s0, s1  }
0x5: {  	s16 =	simm.s32 $0x0;
	s12 =	simm.s32 $0x0;
	s3 =	sshll.u32 s1, $0x2  }
0x6: {  	s14 =	simm.s32 $0x0;
	s4 =	sadd.s32 $0x1400, s9;
	s6 =	ssub.s32 $0x80, s3  }
0x7: {  	s1 =	rddreg [dreg:$0x2];
	_ =	strace $0x8000004A;
	s5 =	sand.u32 $0x7C, s6  }
.Ltmp0:
0x8: {  	s13 =	smov.u32 s3;
	p0 =	sne.s32 s5, $0x0;
	(pc) =	sbr.rel .LBB1_1-.Ltmp0, $4  }
0x9: {  	s6 =	sshrl.u32 s6, $0x7;
	s5 =	simm.s32 $0x1;
	s7 =	simm.s32 @!p0 $0x0  }
0xa: {  	[sflag:s5] =	ssyncpa.u1 $0x0;
	p0 =	por $0x0, $0x0;
	s6 =	sadd.s32 s7, s6  }
0xb: {  	[sflag:s8] =	ssyncpa.u1 $0x0;
	s7 =	sadd.s32 $0x21400, s9;
	s6 =	sshll.u32 s6, $0x6  }
0xc: {  	s8 =	sadd.s32 $0x41400, s9;
	s9 =	sadd.s32 $0x61400, s9;
	s10 =	sor.u32 $0x1, s6  }
.LBB1_7:
0xd: {  	s17 =	sadd.s32 $0x80, s12  }
0xe: {  	s15 =	sadd.s32 $0x80, s13;
	s19 =	smov.u32 s13;
	p2 =	sgt.s32 s17, $0x1FFF  }
0xf: {  	s19 =	smov.u32 @p2 s15  }
0x10: {  	s17 =	simm.s32 @p2 $0x0;
	p2 =	sgt.s32 s19, $0x7F  }
0x11: {  	s19 =	smov.u32 @p2 s3;
	p2 =	sne.s32 s14, s10  }
.Ltmp1:
0x12: {  	p1 =	slt.u32 s14, $0x2;
	(pc) =	sbr.rel @!p2 .LBB1_8-.Ltmp1, $4  }
0x13: {  	s18 =	simm.s32 @!p1 $0x2  }
0x14: {  	s16 =	smov.u32 s13;
	p0 =	por !p0, !p0;
	_ =	swait.ge @!p1 [sflag:s18], $0x4000  }
0x15: {  	s15 =	smov.u32 s12;
	[sflag:s18] =	ssyncset.done @!p1 $0x0;
	s12 =	smov.u32 s17  }
0x16: {  	s14 =	sadd.s32 $0x1, s14;
	[sflag:s18] =	ssyncadd.s32 @!p1 $0xFFFFC000;
	s13 =	smov.u32 s19  }
.LBB1_1:
0x17: {  	p1 =	sge.u32 s14, s6  }
0x18: {  	s17 =	sxor.u32 @!p1 $0xFFFFFFFF, s14  }
0x19: {  	s18 =	sshll.u32 @!p1 s13, $0x11;
	s19 =	sshll.u32 @!p1 s12, $0x4;
	s21 =	simm.s32 @!p1 $0x20  }
0x1a: {  	s17 =	sshll.u32 @!p1 s17, $0xE;
	s19 =	sand.u32 @!p1 $0x1FFF0, s19;
	s20 =	sadd.s32 @!p1 s4, s18  }
0x1b: {  	s22 =	simm.s32 @!p1 $0x80;
	s17 =	sand.u32 @!p1 $0x4000, s17;
	s20 =	sadd.s32 @!p1 s19, s20  }
0x1c: {  	[tilespmem:s17], [sflag:$0x1] =	stream.strided.gather @!p1 [hbm4b:s20+s21], $0x1000, s22, s21, $0x38;
	[tilespmem:$0x10100] =	vst v63  }
0x1d: {  	s20 =	sadd.s32 @!p1 s18, s7  }
0x1e: {  	s23 =	sor.u32 @!p1 $0x1000, s17;
	s20 =	sadd.s32 @!p1 s19, s20  }
0x1f: {  	[tilespmem:s23], [sflag:$0x1] =	stream.strided.gather @!p1 [hbm4b:s20+s21], $0x1000, s22, s21, $0x38;
	[tilespmem:$0x10100] =	vst v63  }
0x20: {  	s20 =	sadd.s32 @!p1 s18, s8  }
0x21: {  	s23 =	sor.u32 @!p1 $0x2000, s17;
	s18 =	sadd.s32 @!p1 s18, s9;
	s20 =	sadd.s32 @!p1 s19, s20  }
0x22: {  	[tilespmem:s23], [sflag:$0x1] =	stream.strided.gather @!p1 [hbm4b:s20+s21], $0x1000, s22, s21, $0x38;
	[tilespmem:$0x10100] =	vst v63  }
0x23: {  	s31 =	sadd.s32 $0xFFFFFFFF, s14;
	s17 =	sor.u32 @!p1 $0x3000, s17;
	s18 =	sadd.s32 @!p1 s19, s18  }
0x24: {  	[tilespmem:s17], [sflag:$0x1] =	stream.strided.gather @!p1 [hbm4b:s18+s21], $0x1000, s22, s21, $0x38;
	[tilespmem:$0x10100] =	vst v63  }
0x25: {  	p1 =	sge.u32 s31, s6  }
.Ltmp2:
0x26: {  	_ = 	snop;
	(pc) =	sbr.rel @p1 .LBB1_7-.Ltmp2, $1  }
0x27: {  	_ =	sdelay $0x3  }
0x28: {  	s17 =	simm.s32 $0x1;
	s19 =	sand.u32 $0x1, s14  }
0x29: {  	_ =	swait.ge [sflag:s5], $0x4000;
	s17 =	simm.s32 @!p0 $0x0;
	s20 =	smul.u32 $0x10200, s19  }
0x2a: {  	[sflag:s5] =	ssyncset.done $0x0;
	s18 =	smul.u32 $0x10200, s17  }
0x2b: {  	s17 =	sshll.u32 s17, $0xE;
	[sflag:s5] =	ssyncadd.s32 $0xFFFFC000  }
0x2c: {  	s19 =	sor.u32 $0x10, s17;
	s31 =	sshrl.u32 s20, $0x2;
	s18 =	sshrl.u32 s18, $0x2  }
0x2d: {  	s20 =	simm.s32 $0x0;
	s17 =	sor.u32 $0x8000, s31;
	s18 =	sor.u32 $0x8000, s18  }
.LBB1_3:
0x2e: {  	v1 =	vld [tilespmem:s19+$0x0]  }
0x2f: {  	v0 =	vld [tilespmem:s19+$0xFFFFFFF0];
	_ =	sdelay $0x2  }
0x30: {  	s23 =	sadd.s32 $0x0, s18  }
0x31: {  	s21 =	simm.s32 $0x4;
	s22 =	sadd.s32 $0x20, s19;
	[tilespmem:s23+$0x810 ss:$0x81] =	vst.msk $0xffff, v1  }
.LBB1_4:
0x32: {  	v1 =	vld [tilespmem:s22+$0x0];
	p1 =	sne.s32 s21, $0x1FC;
	[tilespmem:s23+$0x0 ss:$0x81] =	vst.msk $0xffff, v0;
	s23 =	smov.u32 s21;
	s21 =	sadd.s32 $0x4, s21  }
.Ltmp3:
0x33: {  	v0 =	vld [tilespmem:s22+$0xFFFFFFF0];
	(pc) =	sbr.rel @p1 .LBB1_4-.Ltmp3, $4  }
0x34: {  	_ = 	snop  }
0x35: {  	s23 =	sshra.s32 s23, $0x2  }
0x36: {  	s23 =	sadd.s32 s23, s18  }
0x37: {  	s22 =	sadd.s32 $0x20, s22;
	[tilespmem:s23+$0x810 ss:$0x81] =	vst.msk $0xffff, v1  }
0x38: {  	s20 =	sadd.s32 $0x1, s20  }
0x39: {  	p1 =	sne.s32 s20, $0x4  }
.Ltmp4:
0x3a: {  	_ = 	snop;
	(pc) =	sbr.rel @p1 .LBB1_3-.Ltmp4, $2  }
0x3b: {  	_ =	sdelay $0x2  }
0x3c: {  	[tilespmem:s23+$0x0 ss:$0x81] =	vst.msk $0xffff, v0;
	s18 =	sadd.s32 $0x1020, s18;
	s19 =	sadd.s32 $0x1000, s19  }
0x3d: {  	s18 =	sshll.u32 s15, $0x3;
	s19 =	sand.u32 $0x78, s15;
	s16 =	sshll.u32 s16, $0xF  }
.Ltmp5:
0x3e: {  	s30 =	sand.u32 $0x7C00, s15;
	s18 =	sand.u32 $0x1C00, s18;
	(pc) =	sbr.rel .LBB1_7-.Ltmp5, $4  }
0x3f: {  	s31 =	sand.u32 $0x7, s15;
	s16 =	sadd.s32 s2, s16;
	s18 =	sor.u32 s19, s18  }
0x40: {  	s15 =	sshll.u32 s31, $0x12;
	s16 =	sadd.s32 s30, s16;
	s18 =	sshrl.u32 s18, $0x3  }
0x41: {  	s15 =	sor.u32 $0x400, s15;
	s16 =	sadd.s32 s18, s16  }
0x42: {  	[hbm4b:s16+s15] =	stream.strided.scatter [tilespmem:s17], [sflag:$0x2], $0x4000, s11, s15, $0x20;
	[tilespmem:$0x10100] =	vst v63  }
.LBB1_8:
0x43: {  	_ =	sfence.sel $0x180000  }
0x44: {  	s2 =	simm.s32 $0x1;
	[bflag:$0x0] =	sbarrier.arrive $0xFFFF  }
0x45: {  	s31 =	simm.s32 $0x2;
	[sflag:s2] =	ssyncpa.u1 $0x1  }
0x46: {  	[sflag:s31] =	ssyncpa.u1 $0x1  }
0x47: {  	p0 =	sne.s32 s0, $0x0;
	_ =	strace $0x9000004A  }
0x48: {  	s0 =	sadd.s32 @!p0 $0x100000, s1;
	[bflag:$0x2] =	sbarrier.arrive $0xFFFF  }
0x49: {  	[sflag:s0] =	ssyncadd.tile.s32 @!p0 $0x1;
	_ =	shalt  }
.Lfunc_end1:
_tile_overlayer_lowered:
.L_overlay_start_2:
0x4a: {  	(tag) =	ssettag $0x2  }
0x4b: {  	s0 =	rddreg [dreg:$0x0];
	s2 =	stileid.u32  }
0x4c: {  	s1 =	rddreg [dreg:$0x1];
	p0 =	sne.s32 s2, $0x0  }
0x4d: {  	s3 =	rddreg [dreg:$0x2];
	[bflag:$0x3] =	sbarrier.arrive $0xFFFF;
	s2 =	simm.s32 @!p0 $0x1C01  }
0x4e: {  	[timem:s3], [sflag:s2] =	dma.local @!p0 [hbm:s0], s1  }
0x4f: {  	s0 =	simm.s32 @!p0 $0x1  }
0x50: {  	_ =	swait.ge @!p0 [sflag:s0], s1  }
0x51: {  	s1 =	ssub.s32 @!p0 $0x0, s1;
	[sflag:s0] =	ssyncset.done @!p0 $0x0  }
0x52: {  	[sflag:s0] =	ssyncadd.s32 @!p0 s1  }
0x53: {  	[bflag:$0x3] =	sbarrier.arrive $0xFFFF  }
0x54: {  	_ =	shalt  }

</sc_bundles>
